<compile_context>
chip_gen: v7x
topology: tpu7x:2x2x1
jax: 0.10.2.dev20260603
libtpu: 0.0.44.dev20260713+nightly
codegen_flags: <defaults>
</compile_context>

<pallas_src>
import functools

import jax
import jax.numpy as jnp
from jax import lax
from jax.experimental import pallas as pl
from jax.experimental.pallas import tpu as pltpu
from jax.experimental.pallas import tpu_sc as plsc

N_NODES = 50000
N_EDGES = 1600000
IN_CH = 128
HID = 32
NUM_GRAPHS = 512
BN_EPS = 1e-5

NC = 2
NS = 16
NW = NC * NS
CH = 128
NBUF = 6
G = 24
NGRP = 33
STEPS_T = NGRP * G
E_PAD = STEPS_T * CH * NS
STEPS = E_PAD // NW // CH
EI_ROWS = N_EDGES // CH

NT = 1664
NPAD = NT * NW
GP = 520
DUMMY = N_NODES
WB = NPAD // NS


def _sc_deg_body(dst_hbm, out_hbm, dst_v, ones_v, zrow_v, deg_sh, dsem):
    c = lax.axis_index("c")
    s = lax.axis_index("s")
    w = c * NS + s
    pltpu.sync_copy(dst_hbm.at[w], dst_v)
    for i in range(CH // 16):
        ones_v[pl.ds(i * 16, 16)] = jnp.ones((16,), jnp.float32)

    def zbody(i, carry):
        zrow_v[pl.ds(i * 16, 16)] = jnp.zeros((16,), jnp.float32)
        return carry

    lax.fori_loop(0, WB // 16, zbody, 0)
    pltpu.sync_copy(zrow_v, deg_sh.at[pl.ds(s * WB, WB)])
    plsc.subcore_barrier()

    def body(q, carry):
        ds_ = [pltpu.async_copy(ones_v, deg_sh.at[dst_v.at[q * 8 + b]],
                                dsem, add=True) for b in range(8)]
        for d in ds_:
            d.wait()
        return carry

    lax.fori_loop(0, STEPS // 8, body, 0)
    tail = [pltpu.async_copy(ones_v, deg_sh.at[dst_v.at[(STEPS // 8) * 8 + b]],
                             dsem, add=True) for b in range(STEPS % 8)]
    for d in tail:
        d.wait()
    plsc.subcore_barrier()
    pltpu.sync_copy(deg_sh.at[pl.ds(s * WB, WB)],
                    out_hbm.at[pl.ds(c * NPAD + s * WB, WB)])


_deg_call = pl.kernel(
    _sc_deg_body,
    out_type=jax.ShapeDtypeStruct((NC * NPAD,), jnp.float32),
    mesh=plsc.VectorSubcoreMesh(core_axis_name="c", subcore_axis_name="s"),
    scratch_types=[
        pltpu.VMEM((STEPS, CH), jnp.int32),
        pltpu.VMEM((CH,), jnp.float32),
        pltpu.VMEM((WB,), jnp.float32),
        pltpu.VMEM_SHARED((NPAD,), jnp.float32),
        pltpu.SemaphoreType.DMA,
    ],
    compiler_params=pltpu.CompilerParams(use_tc_tiling_on_sc=False),
)


HH = HID // 2


def _sc_main_body(src_hbm, dst_hbm, g_hbm, out_hbm, src_v, dst_v, rows_v,
                  agg_sh, g_sh, gsem, ssem):
    c = lax.axis_index("c")
    s = lax.axis_index("s")
    pltpu.sync_copy(g_hbm.at[c, pl.ds(s * WB, WB)], g_sh.at[pl.ds(s * WB, WB)])
    z16 = jnp.zeros((16,), jnp.float32)
    zbuf = rows_v.at[0]
    for r in range(CH):
        zbuf[r, 0:16] = z16
    base = s * WB
    for k in range(WB // CH):
        pltpu.sync_copy(zbuf, agg_sh.at[pl.ds(base + k * CH, CH)])
    plsc.subcore_barrier()

    def grp(gi, carry):
        pltpu.sync_copy(src_hbm.at[s, pl.ds(gi * G, G)], src_v)
        pltpu.sync_copy(dst_hbm.at[s, pl.ds(gi * G, G)], dst_v)

        def octet(q, carry2):
            t0 = q * NBUF
            gd, sd = [], []
            for b in range(NBUF):
                gd.append(pltpu.async_copy(
                    g_sh.at[src_v.at[t0 + b]], rows_v.at[b], gsem))
            for d in gd:
                d.wait()
            for b in range(NBUF):
                sd.append(pltpu.async_copy(
                    rows_v.at[b], agg_sh.at[dst_v.at[t0 + b]], ssem, add=True))
            for d in sd:
                d.wait()
            return carry2

        lax.fori_loop(0, G // NBUF, octet, 0)
        return carry

    lax.fori_loop(0, NGRP, grp, 0)
    plsc.subcore_barrier()
    pltpu.sync_copy(agg_sh.at[pl.ds(s * WB, WB)], out_hbm.at[c, pl.ds(s * WB, WB)])


_main_call = pl.kernel(
    _sc_main_body,
    out_type=jax.ShapeDtypeStruct((NC, NPAD, HH), jnp.float32),
    mesh=plsc.VectorSubcoreMesh(core_axis_name="c", subcore_axis_name="s"),
    scratch_types=[
        pltpu.VMEM((G, CH), jnp.int32),
        pltpu.VMEM((G, CH), jnp.int32),
        pltpu.VMEM((NBUF, CH, HH), jnp.float32),
        pltpu.VMEM_SHARED((NPAD, HH), jnp.float32),
        pltpu.VMEM_SHARED((NPAD, HH), jnp.float32),
        pltpu.SemaphoreType.DMA,
        pltpu.SemaphoreType.DMA,
    ],
    compiler_params=pltpu.CompilerParams(use_tc_tiling_on_sc=False),
)


def _sc_pool_body(h2_hbm, batch_hbm, ninf_hbm, out_hbm, h2_v, b_v, pool_v):
    c = lax.axis_index("c")
    s = lax.axis_index("s")
    w = c * NS + s
    base = w * NT
    pltpu.sync_copy(h2_hbm.at[pl.ds(base, NT)], h2_v)
    pltpu.sync_copy(batch_hbm.at[pl.ds(base, NT)], b_v)
    pltpu.sync_copy(ninf_hbm, pool_v)
    iota = lax.iota(jnp.int32, 16)

    def body(n, carry):
        nspl = jnp.full((16,), n, jnp.int32)
        b = plsc.load_gather(b_v, [nspl])
        for half in (0, 16):
            col = iota + half
            rowv = plsc.load_gather(h2_v, [nspl, col])
            cur = plsc.load_gather(pool_v, [b, col])
            plsc.store_scatter(pool_v, [b, col], jnp.maximum(cur, rowv))
        return carry

    lax.fori_loop(0, NT, body, 0)
    pltpu.sync_copy(pool_v, out_hbm.at[w])


_pool_call = pl.kernel(
    _sc_pool_body,
    out_type=jax.ShapeDtypeStruct((NW, GP, HID), jnp.float32),
    mesh=plsc.VectorSubcoreMesh(core_axis_name="c", subcore_axis_name="s"),
    scratch_types=[
        pltpu.VMEM((NT, HID), jnp.float32),
        pltpu.VMEM((NT,), jnp.int32),
        pltpu.VMEM((GP, HID), jnp.float32),
    ],
    compiler_params=pltpu.CompilerParams(use_tc_tiling_on_sc=False,
                                         needs_layout_passes=False),
)


BLK = 1664
BLK_E = 1000


def _tc_edge_body(ei_ref, src_ref, dst_ref):
    s = pl.program_id(0)
    rows = jax.lax.broadcasted_iota(jnp.int32, (STEPS_T, CH), 0) + s * STEPS_T
    mask = rows < EI_ROWS
    src_ref[0] = jnp.where(mask, ei_ref[0], DUMMY)
    dst_ref[0] = jnp.where(mask, ei_ref[1], DUMMY)


def _edge_call(ei3):
    shp = jax.ShapeDtypeStruct((NS, STEPS_T, CH), jnp.int32)
    return pl.pallas_call(
        _tc_edge_body,
        grid=(NS,),
        in_specs=[pl.BlockSpec((2, STEPS_T, CH), lambda s: (0, s, 0))],
        out_specs=[pl.BlockSpec((1, STEPS_T, CH), lambda s: (s, 0, 0)),
                   pl.BlockSpec((1, STEPS_T, CH), lambda s: (s, 0, 0))],
        out_shape=[shp, shp],
    )(ei3)


def _tc_embed_body(x_ref, w1, b1, w2, b2, w3, b3, h_ref):
    h = jnp.maximum(jnp.dot(x_ref[...], w1[...],
                            preferred_element_type=jnp.float32) + b1[...], 0.0)
    h = jnp.maximum(jnp.dot(h, w2[...],
                            preferred_element_type=jnp.float32) + b2[...], 0.0)
    h = jnp.dot(h, w3[...], preferred_element_type=jnp.float32) + b3[...]
    h_ref[0] = h[:, :HH]
    h_ref[1] = h[:, HH:]


def _embed_call(x, W1, b1, W2, b2, W3, b3):
    full = lambda shape: pl.BlockSpec(shape, lambda i: (0,) * len(shape))
    return pl.pallas_call(
        _tc_embed_body,
        grid=(N_NODES // BLK_E,),
        in_specs=[
            pl.BlockSpec((BLK_E, IN_CH), lambda i: (i, 0)),
            full((IN_CH, HID)), full((1, HID)),
            full((HID, HID)), full((1, HID)),
            full((HID, HID)), full((1, HID)),
        ],
        out_specs=pl.BlockSpec((NC, BLK_E, HH), lambda i: (0, i, 0)),
        out_shape=jax.ShapeDtypeStruct((NC, NPAD, HH), jnp.float32),
    )(x, W1, b1.reshape(1, HID), W2, b2.reshape(1, HID),
      W3, b3.reshape(1, HID))


def _dinv_of(degp_ref):
    deg = degp_ref[0] + degp_ref[1]
    return lax.rsqrt(jnp.maximum(deg, 1.0))[:, None]


def _tc_scale_body(h_ref, degp_ref, g_ref):
    dinv = _dinv_of(degp_ref)
    g_ref[0] = h_ref[0] * dinv
    g_ref[1] = h_ref[1] * dinv


def _scale_call(h, degp):
    return pl.pallas_call(
        _tc_scale_body,
        grid=(NPAD // BLK,),
        in_specs=[
            pl.BlockSpec((NC, BLK, HH), lambda i: (0, i, 0)),
            pl.BlockSpec((NC, BLK), lambda i: (0, i)),
        ],
        out_specs=pl.BlockSpec((NC, BLK, HH), lambda i: (0, i, 0)),
        out_shape=jax.ShapeDtypeStruct((NC, NPAD, HH), jnp.float32),
    )(h, degp)


def _leaky(x):
    return jnp.where(x >= 0.0, x, 0.01 * x)


def _tc_gcn_body(aggp_ref, degp_ref, w1, b1, w2, b2, h2_ref):
    dinv = _dinv_of(degp_ref)
    a = jnp.concatenate([aggp_ref[0], aggp_ref[1]], axis=1) * dinv
    t = _leaky(jnp.dot(a, w1[...], preferred_element_type=jnp.float32) + b1[...])
    h2_ref[...] = _leaky(jnp.dot(t, w2[...],
                                 preferred_element_type=jnp.float32) + b2[...])


def _gcn_call(aggp, degp, gW1, gb1, gW2, gb2):
    full = lambda shape: pl.BlockSpec(shape, lambda i: (0,) * len(shape))
    return pl.pallas_call(
        _tc_gcn_body,
        grid=(NPAD // BLK,),
        in_specs=[
            pl.BlockSpec((NC, BLK, HH), lambda i: (0, i, 0)),
            pl.BlockSpec((NC, BLK), lambda i: (0, i)),
            full((HID, HID)), full((1, HID)),
            full((HID, HID)), full((1, HID)),
        ],
        out_specs=pl.BlockSpec((BLK, HID), lambda i: (i, 0)),
        out_shape=jax.ShapeDtypeStruct((NPAD, HID), jnp.float32),
    )(aggp, degp, gW1, gb1.reshape(1, HID), gW2, gb2.reshape(1, HID))


def _tc_head_body(poolp_ref, mw1, mb1, gam, bet, mw2, mb2, out_ref, sig_ref):
    pm = jnp.max(poolp_ref[...], axis=0)[:NUM_GRAPHS]
    pooled = jnp.where(jnp.isfinite(pm), pm, 0.0)
    z = jnp.dot(pooled, mw1[...], preferred_element_type=jnp.float32) + mb1[...]
    z = (z / jnp.sqrt(1.0 + BN_EPS)) * gam[...] + bet[...]
    z = _leaky(z)
    o = jnp.dot(z, mw2[...], preferred_element_type=jnp.float32) + mb2[...]
    out_ref[...] = o
    sig_ref[...] = jax.nn.sigmoid(o)


def _head_call(poolp, mW1, mb1, bn_gamma, bn_beta, mW2, mb2):
    full = lambda shape: pl.BlockSpec(shape, lambda: (0,) * len(shape))
    return pl.pallas_call(
        _tc_head_body,
        in_specs=[
            full((NW, GP, HID)),
            full((HID, HID)), full((1, HID)),
            full((1, HID)), full((1, HID)),
            full((HID, 1)), full((1, 1)),
        ],
        out_specs=[
            full((NUM_GRAPHS, 1)),
            full((NUM_GRAPHS, 1)),
        ],
        out_shape=[
            jax.ShapeDtypeStruct((NUM_GRAPHS, 1), jnp.float32),
            jax.ShapeDtypeStruct((NUM_GRAPHS, 1), jnp.float32),
        ],
    )(poolp, mW1, mb1.reshape(1, HID), bn_gamma.reshape(1, HID),
      bn_beta.reshape(1, HID), mW2, mb2.reshape(1, 1))


def kernel(x, edge_index, batch, W1, b1, W2, b2, W3, b3, gW1, gb1, gW2, gb2,
           mW1, mb1, bn_gamma, bn_beta, mW2, mb2):
    batchp = jnp.concatenate(
        [batch, jnp.full((NPAD - N_NODES,), NUM_GRAPHS, jnp.int32)])
    ninf_tab = jnp.full((GP, HID), -jnp.inf, jnp.float32)

    ei3 = edge_index.reshape(2, EI_ROWS, CH)
    srcp, dstp = _edge_call(ei3)
    degp = _deg_call(dstp.reshape(NW, STEPS, CH)).reshape(NC, NPAD)
    h = _embed_call(x, W1, b1, W2, b2, W3, b3)
    g = _scale_call(h, degp)
    aggp = _main_call(srcp, dstp, g)
    h2 = _gcn_call(aggp, degp, gW1, gb1, gW2, gb2)
    poolp = _pool_call(h2, batchp, ninf_tab)
    out, sig = _head_call(poolp, mW1, mb1, bn_gamma, bn_beta, mW2, mb2)
    return (out, sig)

# --- scband reference (transcript-rebuilt; emitter-appended) ---
"""Pipeline reference for scband-gcn-16097537425930 (READ-ONLY COPY).

The authoritative reference and input builder live on the scoring server;
editing this copy changes nothing except your own understanding.
"""

import jax, jax.numpy as jnp
import numpy as np

N_NODES = 50000
N_EDGES = 1600000
IN_CH = 128
HID = 32
NUM_GRAPHS = 512
BN_EPS = 1e-5


def _lin(k, fi, fo):
    return jax.random.normal(k, (fi, fo), dtype=jnp.float32) * (1.0 / np.sqrt(fi))


def setup_inputs(seed: int = 0) -> dict:
    key = jax.random.key(seed)
    ks = jax.random.split(key, 24)
    x = jax.random.normal(ks[0], (N_NODES, IN_CH), dtype=jnp.float32)
    edge_index = jax.random.randint(ks[1], (2, N_EDGES), 0, N_NODES, dtype=jnp.int32)
    batch = jnp.sort(jax.random.randint(ks[2], (N_NODES,), 0, NUM_GRAPHS, dtype=jnp.int32))
    inp = {
        'x': x,
        'edge_index': edge_index,
        'batch': batch,
        # MLPembd (input node embedding MLP, ReLU activations)
        'W1': _lin(ks[3], IN_CH, HID), 'b1': jnp.zeros((HID,), jnp.float32),
        'W2': _lin(ks[4], HID, HID), 'b2': jnp.zeros((HID,), jnp.float32),
        'W3': _lin(ks[5], HID, HID), 'b3': jnp.zeros((HID,), jnp.float32),
        # GCNConv MLP (input_size=[HID,HID,HID], LeakyReLU)
        'gW1': _lin(ks[6], HID, HID), 'gb1': jnp.zeros((HID,), jnp.float32),
        'gW2': _lin(ks[7], HID, HID), 'gb2': jnp.zeros((HID,), jnp.float32),
        # mlp_out: Linear -> BatchNorm1d (eval) -> LeakyReLU -> Dropout(eval) -> Linear
        'mW1': _lin(ks[8], HID, HID), 'mb1': jnp.zeros((HID,), jnp.float32),
        'bn_gamma': jnp.ones((HID,), jnp.float32), 'bn_beta': jnp.zeros((HID,), jnp.float32),
        'mW2': _lin(ks[9], HID, 1), 'mb2': jnp.zeros((1,), jnp.float32),
    }
    return inp


def reference(x, edge_index, batch, W1, b1, W2, b2, W3, b3, gW1, gb1, gW2, gb2,
              mW1, mb1, bn_gamma, bn_beta, mW2, mb2):
    N = x.shape[0]
    # ---- MLPembd: node feature embedding MLP (ReLU) ----
    h = jax.nn.relu(x @ W1 + b1)
    h = jax.nn.relu(h @ W2 + b2)
    h = h @ W3 + b3
    # ---- GCNConv: sym-normalized neighbor aggregation + MLP (LeakyReLU) ----
    src = edge_index[0]
    dst = edge_index[1]
    deg = jax.ops.segment_sum(jnp.ones((src.shape[0],), dtype=h.dtype), dst, num_segments=N)
    dinv = jax.lax.rsqrt(jnp.clip(deg, 1.0, None))
    norm = dinv[src] * dinv[dst]
    msg = h[src] * norm[:, None]              # gather (memory-bound)
    agg = jax.ops.segment_sum(msg, dst, num_segments=N)  # scatter-add
    h = jax.nn.leaky_relu(agg @ gW1 + gb1, negative_slope=0.01)
    h = jax.nn.leaky_relu(h @ gW2 + gb2, negative_slope=0.01)
    # ---- global_max_pool over graphs (torch_scatter fills empty segments with 0) ----
    pooled = jax.ops.segment_max(h, batch, num_segments=NUM_GRAPHS)
    pooled = jnp.where(jnp.isfinite(pooled), pooled, 0.0)
    # ---- mlp_out: Linear -> BN(eval: mean=0, var=1) -> LeakyReLU -> Dropout(eval) -> Linear ----
    z = pooled @ mW1 + mb1
    z = (z / jnp.sqrt(1.0 + BN_EPS)) * bn_gamma + bn_beta
    z = jax.nn.leaky_relu(z, negative_slope=0.01)
    out = z @ mW2 + mb2
    return (out, jax.nn.sigmoid(out))

if __name__ == "__main__":
    import jax
    _d = setup_inputs()
    print(jax.jit(kernel)(*tuple(_d.values())))

</pallas_src>

<mosaic_0001>
#map = affine_map<(d0, d1) -> (0, 0)>
#map1 = affine_map<(d0, d1) -> (0)>
#map2 = affine_map<(d0, d1) -> (0, 0, 0)>
module attributes {stable_mosaic.version = 14 : i64} {
  func.func @_sc_pool_body(%arg0: i32, %arg1: i32, %arg2: memref<53248x32xf32, #tpu.memory_space<hbm>>, %arg3: memref<53248xi32, #tpu.memory_space<hbm>>, %arg4: memref<520x32xf32, #tpu.memory_space<hbm>>, %arg5: memref<32x520x32xf32, #tpu.memory_space<hbm>>, %arg6: memref<1664x32xf32, #tpu.memory_space<vmem>>, %arg7: memref<1664xi32, #tpu.memory_space<vmem>>, %arg8: memref<520x32xf32, #tpu.memory_space<vmem>>) attributes {dimension_semantics = [#tpu.dimension_semantics<core_parallel>, #tpu.dimension_semantics<subcore_parallel>], iteration_bounds = array<i64: 2, 16>, scalar_prefetch = 0 : i64, scratch_operands = 3 : i64, tpu.core_type = #tpu.core_type<sc_vector_subcore>, window_params = [{transform_indices = #map}, {transform_indices = #map1}, {transform_indices = #map}, {transform_indices = #map2}]} {
    %mul3A = arith.constant 16 : i32
    %mul3A_0 = arith.muli %arg0, %mul3A : i32
    %add3A = arith.addi %mul3A_0, %arg1 : i32
    %mul3A_1 = arith.constant 1664 : i32
    %mul3A_2 = arith.muli %add3A, %mul3A_1 : i32
    "tpu.region"() ({
      %run_scoped3A = tpu.sem_alloc : memref<!tpu.dma_semaphore, #tpu.memory_space<semaphore_mem>>
      %dma_start3A = arith.constant 0 : i32
      %dma_start3A_8 = tpu.memref_slice %arg2[%mul3A_2, %dma_start3A] : memref<53248x32xf32, #tpu.memory_space<hbm>> -> memref<1664x32xf32, #tpu.memory_space<hbm>>
      %dma_start3A_9 = arith.constant 0 : i32
      %dma_start3A_10 = tpu.memref_slice %arg2[%mul3A_2, %dma_start3A_9] : memref<53248x32xf32, #tpu.memory_space<hbm>> -> memref<1664x32xf32, #tpu.memory_space<hbm>>
      tpu.enqueue_dma source(%dma_start3A_10 : memref<1664x32xf32, #tpu.memory_space<hbm>>) target(%arg6 : memref<1664x32xf32, #tpu.memory_space<vmem>>) target_semaphore(%run_scoped3A : memref<!tpu.dma_semaphore, #tpu.memory_space<semaphore_mem>>)
      %dma_wait3A = arith.constant 0 : i32
      %dma_wait3A_11 = tpu.memref_slice %arg2[%mul3A_2, %dma_wait3A] : memref<53248x32xf32, #tpu.memory_space<hbm>> -> memref<1664x32xf32, #tpu.memory_space<hbm>>
      %dma_wait3A_12 = arith.constant 0 : i32
      %dma_wait3A_13 = tpu.memref_slice %arg2[%mul3A_2, %dma_wait3A_12] : memref<53248x32xf32, #tpu.memory_space<hbm>> -> memref<1664x32xf32, #tpu.memory_space<hbm>>
      tpu.wait_dma2 semaphore(%run_scoped3A : memref<!tpu.dma_semaphore, #tpu.memory_space<semaphore_mem>>) src(%dma_wait3A_13 : memref<1664x32xf32, #tpu.memory_space<hbm>>) dst(%arg6 : memref<1664x32xf32, #tpu.memory_space<vmem>>)
      tpu.yield
    }) : () -> ()
    "tpu.region"() ({
      %run_scoped3A = tpu.sem_alloc : memref<!tpu.dma_semaphore, #tpu.memory_space<semaphore_mem>>
      %dma_start3A = tpu.memref_slice %arg3[%mul3A_2] : memref<53248xi32, #tpu.memory_space<hbm>> -> memref<1664xi32, #tpu.memory_space<hbm>>
      %dma_start3A_8 = tpu.memref_slice %arg3[%mul3A_2] : memref<53248xi32, #tpu.memory_space<hbm>> -> memref<1664xi32, #tpu.memory_space<hbm>>
      tpu.enqueue_dma source(%dma_start3A_8 : memref<1664xi32, #tpu.memory_space<hbm>>) target(%arg7 : memref<1664xi32, #tpu.memory_space<vmem>>) target_semaphore(%run_scoped3A : memref<!tpu.dma_semaphore, #tpu.memory_space<semaphore_mem>>)
      %dma_wait3A = tpu.memref_slice %arg3[%mul3A_2] : memref<53248xi32, #tpu.memory_space<hbm>> -> memref<1664xi32, #tpu.memory_space<hbm>>
      %dma_wait3A_9 = tpu.memref_slice %arg3[%mul3A_2] : memref<53248xi32, #tpu.memory_space<hbm>> -> memref<1664xi32, #tpu.memory_space<hbm>>
      tpu.wait_dma2 semaphore(%run_scoped3A : memref<!tpu.dma_semaphore, #tpu.memory_space<semaphore_mem>>) src(%dma_wait3A_9 : memref<1664xi32, #tpu.memory_space<hbm>>) dst(%arg7 : memref<1664xi32, #tpu.memory_space<vmem>>)
      tpu.yield
    }) : () -> ()
    "tpu.region"() ({
      %run_scoped3A = tpu.sem_alloc : memref<!tpu.dma_semaphore, #tpu.memory_space<semaphore_mem>>
      tpu.enqueue_dma source(%arg4 : memref<520x32xf32, #tpu.memory_space<hbm>>) target(%arg8 : memref<520x32xf32, #tpu.memory_space<vmem>>) target_semaphore(%run_scoped3A : memref<!tpu.dma_semaphore, #tpu.memory_space<semaphore_mem>>)
      tpu.wait_dma2 semaphore(%run_scoped3A : memref<!tpu.dma_semaphore, #tpu.memory_space<semaphore_mem>>) src(%arg4 : memref<520x32xf32, #tpu.memory_space<hbm>>) dst(%arg8 : memref<520x32xf32, #tpu.memory_space<vmem>>)
      tpu.yield
    }) : () -> ()
    %iota3A = tpu.iota {dimensions = array<i32: 0>} : vector<16xi32>
    %scan3A = arith.constant 0 : i32
    %scan3A_3 = arith.constant 0 : i32
    %scan3A_4 = arith.constant 1664 : i32
    %scan3A_5 = arith.addi %scan3A_3, %scan3A_4 : i32
    %scan3A_6 = arith.constant 1 : i32
    scf.for %scan3A_8 = %scan3A_3 to %scan3A_5 step %scan3A_6  : i32 {
      %broadcast_in_dim3A = vector.broadcast %scan3A_8 : i32 to vector<16xi32>
      %gather3A = tpu.vector_load_idx %arg7[%broadcast_in_dim3A] : memref<1664xi32, #tpu.memory_space<vmem>>[vector<16xi32>], vector<16xi32>,
      %add3A_9 = arith.constant 0 : i32
      %add3A_10 = vector.broadcast %add3A_9 : i32 to vector<16xi32>
      %add3A_11 = arith.addi %iota3A, %add3A_10 : vector<16xi32>
      %gather3A_12 = tpu.vector_load_idx %arg6[%broadcast_in_dim3A, %add3A_11] : memref<1664x32xf32, #tpu.memory_space<vmem>>[vector<16xi32>, vector<16xi32>], vector<16xf32>,
      %gather3A_13 = tpu.vector_load_idx %arg8[%gather3A, %add3A_11] : memref<520x32xf32, #tpu.memory_space<vmem>>[vector<16xi32>, vector<16xi32>], vector<16xf32>,
      %max3A = arith.maximumf %gather3A_13, %gather3A_12 : vector<16xf32>
      tpu.vector_store_idx %arg8[%gather3A, %add3A_11], %max3A : memref<520x32xf32, #tpu.memory_space<vmem>>[vector<16xi32>, vector<16xi32>], vector<16xf32>,
      %add3A_14 = arith.constant 16 : i32
      %add3A_15 = vector.broadcast %add3A_14 : i32 to vector<16xi32>
      %add3A_16 = arith.addi %iota3A, %add3A_15 : vector<16xi32>
      %gather3A_17 = tpu.vector_load_idx %arg6[%broadcast_in_dim3A, %add3A_16] : memref<1664x32xf32, #tpu.memory_space<vmem>>[vector<16xi32>, vector<16xi32>], vector<16xf32>,
      %gather3A_18 = tpu.vector_load_idx %arg8[%gather3A, %add3A_16] : memref<520x32xf32, #tpu.memory_space<vmem>>[vector<16xi32>, vector<16xi32>], vector<16xf32>,
      %max3A_19 = arith.maximumf %gather3A_18, %gather3A_17 : vector<16xf32>
      tpu.vector_store_idx %arg8[%gather3A, %add3A_16], %max3A_19 : memref<520x32xf32, #tpu.memory_space<vmem>>[vector<16xi32>, vector<16xi32>], vector<16xf32>,
    }
    %scan3A_7 = arith.constant 1664 : i32
    "tpu.region"() ({
      %run_scoped3A = tpu.sem_alloc : memref<!tpu.dma_semaphore, #tpu.memory_space<semaphore_mem>>
      %dma_start3A = arith.constant 0 : i32
      %dma_start3A_8 = arith.constant 0 : i32
      %dma_start3A_9 = tpu.memref_slice %arg5[%add3A, %dma_start3A, %dma_start3A_8] : memref<32x520x32xf32, #tpu.memory_space<hbm>> -> memref<1x520x32xf32, #tpu.memory_space<hbm>>
      %dma_start3A_10 = tpu.memref_squeeze %dma_start3A_9 : memref<1x520x32xf32, #tpu.memory_space<hbm>> -> memref<520x32xf32, #tpu.memory_space<hbm>>
      %dma_start3A_11 = arith.constant 0 : i32
      %dma_start3A_12 = arith.constant 0 : i32
      %dma_start3A_13 = tpu.memref_slice %arg5[%add3A, %dma_start3A_11, %dma_start3A_12] : memref<32x520x32xf32, #tpu.memory_space<hbm>> -> memref<1x520x32xf32, #tpu.memory_space<hbm>>
      %dma_start3A_14 = tpu.memref_squeeze %dma_start3A_13 : memref<1x520x32xf32, #tpu.memory_space<hbm>> -> memref<520x32xf32, #tpu.memory_space<hbm>>
      tpu.enqueue_dma source(%arg8 : memref<520x32xf32, #tpu.memory_space<vmem>>) target(%dma_start3A_14 : memref<520x32xf32, #tpu.memory_space<hbm>>) target_semaphore(%run_scoped3A : memref<!tpu.dma_semaphore, #tpu.memory_space<semaphore_mem>>)
      %dma_wait3A = arith.constant 0 : i32
      %dma_wait3A_15 = arith.constant 0 : i32
      %dma_wait3A_16 = tpu.memref_slice %arg5[%add3A, %dma_wait3A, %dma_wait3A_15] : memref<32x520x32xf32, #tpu.memory_space<hbm>> -> memref<1x520x32xf32, #tpu.memory_space<hbm>>
      %dma_wait3A_17 = tpu.memref_squeeze %dma_wait3A_16 : memref<1x520x32xf32, #tpu.memory_space<hbm>> -> memref<520x32xf32, #tpu.memory_space<hbm>>
      %dma_wait3A_18 = arith.constant 0 : i32
      %dma_wait3A_19 = arith.constant 0 : i32
      %dma_wait3A_20 = tpu.memref_slice %arg5[%add3A, %dma_wait3A_18, %dma_wait3A_19] : memref<32x520x32xf32, #tpu.memory_space<hbm>> -> memref<1x520x32xf32, #tpu.memory_space<hbm>>
      %dma_wait3A_21 = tpu.memref_squeeze %dma_wait3A_20 : memref<1x520x32xf32, #tpu.memory_space<hbm>> -> memref<520x32xf32, #tpu.memory_space<hbm>>
      tpu.wait_dma2 semaphore(%run_scoped3A : memref<!tpu.dma_semaphore, #tpu.memory_space<semaphore_mem>>) src(%arg8 : memref<520x32xf32, #tpu.memory_space<vmem>>) dst(%dma_wait3A_21 : memref<520x32xf32, #tpu.memory_space<hbm>>)
      tpu.yield
    }) : () -> ()
    return
  }
}

#map = affine_map<(d0, d1) -> (0, 0, 0)>
module attributes {stable_mosaic.version = 14 : i64} {
  func.func @_sc_main_body(%arg0: i32, %arg1: i32, %arg2: memref<16x792x128xi32, #tpu.memory_space<hbm>>, %arg3: memref<16x792x128xi32, #tpu.memory_space<hbm>>, %arg4: memref<2x53248x16xf32, #tpu.memory_space<hbm>>, %arg5: memref<2x53248x16xf32, #tpu.memory_space<hbm>>, %arg6: memref<24x128xi32, #tpu.memory_space<vmem>>, %arg7: memref<24x128xi32, #tpu.memory_space<vmem>>, %arg8: memref<6x128x16xf32, #tpu.memory_space<vmem>>, %arg9: memref<53248x16xf32, #tpu.memory_space<vmem_shared>>, %arg10: memref<53248x16xf32, #tpu.memory_space<vmem_shared>>, %arg11: memref<!tpu.dma_semaphore, #tpu.memory_space<semaphore_mem>>, %arg12: memref<!tpu.dma_semaphore, #tpu.memory_space<semaphore_mem>>) attributes {dimension_semantics = [#tpu.dimension_semantics<core_parallel>, #tpu.dimension_semantics<subcore_parallel>], iteration_bounds = array<i64: 2, 16>, scalar_prefetch = 0 : i64, scratch_operands = 7 : i64, tpu.core_type = #tpu.core_type<sc_vector_subcore>, window_params = [{transform_indices = #map}, {transform_indices = #map}, {transform_indices = #map}, {transform_indices = #map}]} {
    %mul3A = arith.constant 3328 : i32
    %mul3A_0 = arith.muli %arg1, %mul3A : i32
    %mul3A_1 = arith.constant 3328 : i32
    %mul3A_2 = arith.muli %arg1, %mul3A_1 : i32
    "tpu.region"() ({
      %run_scoped3A_1499 = tpu.sem_alloc : memref<!tpu.dma_semaphore, #tpu.memory_space<semaphore_mem>>
      %dma_start3A = arith.constant 0 : i32
      %dma_start3A_1500 = tpu.memref_slice %arg10[%mul3A_2, %dma_start3A] : memref<53248x16xf32, #tpu.memory_space<vmem_shared>> -> memref<3328x16xf32, #tpu.memory_space<vmem_shared>>
      %dma_start3A_1501 = arith.constant 0 : i32
      %dma_start3A_1502 = tpu.memref_slice %arg4[%arg0, %mul3A_0, %dma_start3A_1501] : memref<2x53248x16xf32, #tpu.memory_space<hbm>> -> memref<1x3328x16xf32, #tpu.memory_space<hbm>>
      %dma_start3A_1503 = tpu.memref_squeeze %dma_start3A_1502 : memref<1x3328x16xf32, #tpu.memory_space<hbm>> -> memref<3328x16xf32, #tpu.memory_space<hbm>>
      tpu.enqueue_dma source(%dma_start3A_1503 : memref<3328x16xf32, #tpu.memory_space<hbm>>) target(%dma_start3A_1500 : memref<3328x16xf32, #tpu.memory_space<vmem_shared>>) target_semaphore(%run_scoped3A_1499 : memref<!tpu.dma_semaphore, #tpu.memory_space<semaphore_mem>>)
      %dma_wait3A = arith.constant 0 : i32
      %dma_wait3A_1504 = tpu.memref_slice %arg10[%mul3A_2, %dma_wait3A] : memref<53248x16xf32, #tpu.memory_space<vmem_shared>> -> memref<3328x16xf32, #tpu.memory_space<vmem_shared>>
      %dma_wait3A_1505 = arith.constant 0 : i32
      %dma_wait3A_1506 = tpu.memref_slice %arg4[%arg0, %mul3A_0, %dma_wait3A_1505] : memref<2x53248x16xf32, #tpu.memory_space<hbm>> -> memref<1x3328x16xf32, #tpu.memory_space<hbm>>
      %dma_wait3A_1507 = tpu.memref_squeeze %dma_wait3A_1506 : memref<1x3328x16xf32, #tpu.memory_space<hbm>> -> memref<3328x16xf32, #tpu.memory_space<hbm>>
      tpu.wait_dma2 semaphore(%run_scoped3A_1499 : memref<!tpu.dma_semaphore, #tpu.memory_space<semaphore_mem>>) src(%dma_wait3A_1507 : memref<3328x16xf32, #tpu.memory_space<hbm>>) dst(%dma_wait3A_1504 : memref<3328x16xf32, #tpu.memory_space<vmem_shared>>)
      tpu.yield
    }) : () -> ()
    %broadcast_in_dim3A = arith.constant 0.000000e+00 : f32
    %broadcast_in_dim3A_3 = vector.broadcast %broadcast_in_dim3A : f32 to vector<16xf32>
    %swap3A = arith.constant 0 : i32
    %swap3A_4 = arith.constant 0 : i32
    %swap3A_5 = arith.constant 0 : i32
    %swap3A_6 = arith.constant 0 : i32
    %swap3A_7 = tpu.memref_slice %arg8[%swap3A, %swap3A_5, %swap3A_6] : memref<6x128x16xf32, #tpu.memory_space<vmem>> -> memref<1x128x16xf32, #tpu.memory_space<vmem>>
    %swap3A_8 = tpu.memref_squeeze %swap3A_7 : memref<1x128x16xf32, #tpu.memory_space<vmem>> -> memref<128x16xf32, #tpu.memory_space<vmem>>
    %swap3A_9 = arith.index_cast %swap3A_4 : i32 to index
    %swap3A_10 = arith.constant 0 : index
    %swap3A_11 = tpu.vector_load %swap3A_8[%swap3A_9, %swap3A_10] {strides = array<i32>} : memref<128x16xf32, #tpu.memory_space<vmem>>, vector<1x16xf32>,
    %swap3A_12 = vector.shape_cast %swap3A_11 : vector<1x16xf32> to vector<16xf32>
    %swap3A_13 = vector.shape_cast %broadcast_in_dim3A_3 : vector<16xf32> to vector<1x16xf32>
    tpu.vector_store %swap3A_8[%swap3A_9, %swap3A_10], %swap3A_13 {strides = array<i32>} : memref<128x16xf32, #tpu.memory_space<vmem>>, vector<1x16xf32>,
    %swap3A_14 = arith.constant 0 : i32
    %swap3A_15 = arith.constant 1 : i32
    %swap3A_16 = arith.constant 0 : i32
    %swap3A_17 = arith.constant 0 : i32
    %swap3A_18 = tpu.memref_slice %arg8[%swap3A_14, %swap3A_16, %swap3A_17] : memref<6x128x16xf32, #tpu.memory_space<vmem>> -> memref<1x128x16xf32, #tpu.memory_space<vmem>>
    %swap3A_19 = tpu.memref_squeeze %swap3A_18 : memref<1x128x16xf32, #tpu.memory_space<vmem>> -> memref<128x16xf32, #tpu.memory_space<vmem>>
    %swap3A_20 = arith.index_cast %swap3A_15 : i32 to index
    %swap3A_21 = arith.constant 0 : index
    %swap3A_22 = tpu.vector_load %swap3A_19[%swap3A_20, %swap3A_21] {strides = array<i32>} : memref<128x16xf32, #tpu.memory_space<vmem>>, vector<1x16xf32>,
    %swap3A_23 = vector.shape_cast %swap3A_22 : vector<1x16xf32> to vector<16xf32>
    %swap3A_24 = vector.shape_cast %broadcast_in_dim3A_3 : vector<16xf32> to vector<1x16xf32>
    tpu.vector_store %swap3A_19[%swap3A_20, %swap3A_21], %swap3A_24 {strides = array<i32>} : memref<128x16xf32, #tpu.memory_space<vmem>>, vector<1x16xf32>,
    %swap3A_25 = arith.constant 0 : i32
    %swap3A_26 = arith.constant 2 : i32
    %swap3A_27 = arith.constant 0 : i32
    %swap3A_28 = arith.constant 0 : i32
    %swap3A_29 = tpu.memref_slice %arg8[%swap3A_25, %swap3A_27, %swap3A_28] : memref<6x128x16xf32, #tpu.memory_space<vmem>> -> memref<1x128x16xf32, #tpu.memory_space<vmem>>
    %swap3A_30 = tpu.memref_squeeze %swap3A_29 : memref<1x128x16xf32, #tpu.memory_space<vmem>> -> memref<128x16xf32, #tpu.memory_space<vmem>>
    %swap3A_31 = arith.index_cast %swap3A_26 : i32 to index
    %swap3A_32 = arith.constant 0 : index
    %swap3A_33 = tpu.vector_load %swap3A_30[%swap3A_31, %swap3A_32] {strides = array<i32>} : memref<128x16xf32, #tpu.memory_space<vmem>>, vector<1x16xf32>,
    %swap3A_34 = vector.shape_cast %swap3A_33 : vector<1x16xf32> to vector<16xf32>
    %swap3A_35 = vector.shape_cast %broadcast_in_dim3A_3 : vector<16xf32> to vector<1x16xf32>
    tpu.vector_store %swap3A_30[%swap3A_31, %swap3A_32], %swap3A_35 {strides = array<i32>} : memref<128x16xf32, #tpu.memory_space<vmem>>, vector<1x16xf32>,
    %swap3A_36 = arith.constant 0 : i32
    %swap3A_37 = arith.constant 3 : i32
    %swap3A_38 = arith.constant 0 : i32
    %swap3A_39 = arith.constant 0 : i32
    %swap3A_40 = tpu.memref_slice %arg8[%swap3A_36, %swap3A_38, %swap3A_39] : memref<6x128x16xf32, #tpu.memory_space<vmem>> -> memref<1x128x16xf32, #tpu.memory_space<vmem>>
    %swap3A_41 = tpu.memref_squeeze %swap3A_40 : memref<1x128x16xf32, #tpu.memory_space<vmem>> -> memref<128x16xf32, #tpu.memory_space<vmem>>
    %swap3A_42 = arith.index_cast %swap3A_37 : i32 to index
    %swap3A_43 = arith.constant 0 : index
    %swap3A_44 = tpu.vector_load %swap3A_41[%swap3A_42, %swap3A_43] {strides = array<i32>} : memref<128x16xf32, #tpu.memory_space<vmem>>, vector<1x16xf32>,
    %swap3A_45 = vector.shape_cast %swap3A_44 : vector<1x16xf32> to vector<16xf32>
    %swap3A_46 = vector.shape_cast %broadcast_in_dim3A_3 : vector<16xf32> to vector<1x16xf32>
    tpu.vector_store %swap3A_41[%swap3A_42, %swap3A_43], %swap3A_46 {strides = array<i32>} : memref<128x16xf32, #tpu.memory_space<vmem>>, vector<1x16xf32>,
    %swap3A_47 = arith.constant 0 : i32
    %swap3A_48 = arith.constant 4 : i32
    %swap3A_49 = arith.constant 0 : i32
    %swap3A_50 = arith.constant 0 : i32
    %swap3A_51 = tpu.memref_slice %arg8[%swap3A_47, %swap3A_49, %swap3A_50] : memref<6x128x16xf32, #tpu.memory_space<vmem>> -> memref<1x128x16xf32, #tpu.memory_space<vmem>>
    %swap3A_52 = tpu.memref_squeeze %swap3A_51 : memref<1x128x16xf32, #tpu.memory_space<vmem>> -> memref<128x16xf32, #tpu.memory_space<vmem>>
    %swap3A_53 = arith.index_cast %swap3A_48 : i32 to index
    %swap3A_54 = arith.constant 0 : index
    %swap3A_55 = tpu.vector_load %swap3A_52[%swap3A_53, %swap3A_54] {strides = array<i32>} : memref<128x16xf32, #tpu.memory_space<vmem>>, vector<1x16xf32>,
    %swap3A_56 = vector.shape_cast %swap3A_55 : vector<1x16xf32> to vector<16xf32>
    %swap3A_57 = vector.shape_cast %broadcast_in_dim3A_3 : vector<16xf32> to vector<1x16xf32>
    tpu.vector_store %swap3A_52[%swap3A_53, %swap3A_54], %swap3A_57 {strides = array<i32>} : memref<128x16xf32, #tpu.memory_space<vmem>>, vector<1x16xf32>,
    %swap3A_58 = arith.constant 0 : i32
    %swap3A_59 = arith.constant 5 : i32
    %swap3A_60 = arith.constant 0 : i32
    %swap3A_61 = arith.constant 0 : i32
    %swap3A_62 = tpu.memref_slice %arg8[%swap3A_58, %swap3A_60, %swap3A_61] : memref<6x128x16xf32, #tpu.memory_space<vmem>> -> memref<1x128x16xf32, #tpu.memory_space<vmem>>
    %swap3A_63 = tpu.memref_squeeze %swap3A_62 : memref<1x128x16xf32, #tpu.memory_space<vmem>> -> memref<128x16xf32, #tpu.memory_space<vmem>>
    %swap3A_64 = arith.index_cast %swap3A_59 : i32 to index
    %swap3A_65 = arith.constant 0 : index
    %swap3A_66 = tpu.vector_load %swap3A_63[%swap3A_64, %swap3A_65] {strides = array<i32>} : memref<128x16xf32, #tpu.memory_space<vmem>>, vector<1x16xf32>,
    %swap3A_67 = vector.shape_cast %swap3A_66 : vector<1x16xf32> to vector<16xf32>
    %swap3A_68 = vector.shape_cast %broadcast_in_dim3A_3 : vector<16xf32> to vector<1x16xf32>
    tpu.vector_store %swap3A_63[%swap3A_64, %swap3A_65], %swap3A_68 {strides = array<i32>} : memref<128x16xf32, #tpu.memory_space<vmem>>, vector<1x16xf32>,
    %swap3A_69 = arith.constant 0 : i32
    %swap3A_70 = arith.constant 6 : i32
    %swap3A_71 = arith.constant 0 : i32
    %swap3A_72 = arith.constant 0 : i32
    %swap3A_73 = tpu.memref_slice %arg8[%swap3A_69, %swap3A_71, %swap3A_72] : memref<6x128x16xf32, #tpu.memory_space<vmem>> -> memref<1x128x16xf32, #tpu.memory_space<vmem>>
    %swap3A_74 = tpu.memref_squeeze %swap3A_73 : memref<1x128x16xf32, #tpu.memory_space<vmem>> -> memref<128x16xf32, #tpu.memory_space<vmem>>
    %swap3A_75 = arith.index_cast %swap3A_70 : i32 to index
    %swap3A_76 = arith.constant 0 : index
    %swap3A_77 = tpu.vector_load %swap3A_74[%swap3A_75, %swap3A_76] {strides = array<i32>} : memref<128x16xf32, #tpu.memory_space<vmem>>, vector<1x16xf32>,
    %swap3A_78 = vector.shape_cast %swap3A_77 : vector<1x16xf32> to vector<16xf32>
    %swap3A_79 = vector.shape_cast %broadcast_in_dim3A_3 : vector<16xf32> to vector<1x16xf32>
    tpu.vector_store %swap3A_74[%swap3A_75, %swap3A_76], %swap3A_79 {strides = array<i32>} : memref<128x16xf32, #tpu.memory_space<vmem>>, vector<1x16xf32>,
    %swap3A_80 = arith.constant 0 : i32
    %swap3A_81 = arith.constant 7 : i32
    %swap3A_82 = arith.constant 0 : i32
    %swap3A_83 = arith.constant 0 : i32
    %swap3A_84 = tpu.memref_slice %arg8[%swap3A_80, %swap3A_82, %swap3A_83] : memref<6x128x16xf32, #tpu.memory_space<vmem>> -> memref<1x128x16xf32, #tpu.memory_space<vmem>>
    %swap3A_85 = tpu.memref_squeeze %swap3A_84 : memref<1x128x16xf32, #tpu.memory_space<vmem>> -> memref<128x16xf32, #tpu.memory_space<vmem>>
    %swap3A_86 = arith.index_cast %swap3A_81 : i32 to index
    %swap3A_87 = arith.constant 0 : index
    %swap3A_88 = tpu.vector_load %swap3A_85[%swap3A_86, %swap3A_87] {strides = array<i32>} : memref<128x16xf32, #tpu.memory_space<vmem>>, vector<1x16xf32>,
    %swap3A_89 = vector.shape_cast %swap3A_88 : vector<1x16xf32> to vector<16xf32>
    %swap3A_90 = vector.shape_cast %broadcast_in_dim3A_3 : vector<16xf32> to vector<1x16xf32>
    tpu.vector_store %swap3A_85[%swap3A_86, %swap3A_87], %swap3A_90 {strides = array<i32>} : memref<128x16xf32, #tpu.memory_space<vmem>>, vector<1x16xf32>,
    %swap3A_91 = arith.constant 0 : i32
    %swap3A_92 = arith.constant 8 : i32
    %swap3A_93 = arith.constant 0 : i32
    %swap3A_94 = arith.constant 0 : i32
    %swap3A_95 = tpu.memref_slice %arg8[%swap3A_91, %swap3A_93, %swap3A_94] : memref<6x128x16xf32, #tpu.memory_space<vmem>> -> memref<1x128x16xf32, #tpu.memory_space<vmem>>
    %swap3A_96 = tpu.memref_squeeze %swap3A_95 : memref<1x128x16xf32, #tpu.memory_space<vmem>> -> memref<128x16xf32, #tpu.memory_space<vmem>>
    %swap3A_97 = arith.index_cast %swap3A_92 : i32 to index
    %swap3A_98 = arith.constant 0 : index
    %swap3A_99 = tpu.vector_load %swap3A_96[%swap3A_97, %swap3A_98] {strides = array<i32>} : memref<128x16xf32, #tpu.memory_space<vmem>>, vector<1x16xf32>,
    %swap3A_100 = vector.shape_cast %swap3A_99 : vector<1x16xf32> to vector<16xf32>
    %swap3A_101 = vector.shape_cast %broadcast_in_dim3A_3 : vector<16xf32> to vector<1x16xf32>
    tpu.vector_store %swap3A_96[%swap3A_97, %swap3A_98], %swap3A_101 {strides = array<i32>} : memref<128x16xf32, #tpu.memory_space<vmem>>, vector<1x16xf32>,
    %swap3A_102 = arith.constant 0 : i32
    %swap3A_103 = arith.constant 9 : i32
    %swap3A_104 = arith.constant 0 : i32
    %swap3A_105 = arith.constant 0 : i32
    %swap3A_106 = tpu.memref_slice %arg8[%swap3A_102, %swap3A_104, %swap3A_105] : memref<6x128x16xf32, #tpu.memory_space<vmem>> -> memref<1x128x16xf32, #tpu.memory_space<vmem>>
    %swap3A_107 = tpu.memref_squeeze %swap3A_106 : memref<1x128x16xf32, #tpu.memory_space<vmem>> -> memref<128x16xf32, #tpu.memory_space<vmem>>
    %swap3A_108 = arith.index_cast %swap3A_103 : i32 to index
    %swap3A_109 = arith.constant 0 : index
    %swap3A_110 = tpu.vector_load %swap3A_107[%swap3A_108, %swap3A_109] {strides = array<i32>} : memref<128x16xf32, #tpu.memory_space<vmem>>, vector<1x16xf32>,
    %swap3A_111 = vector.shape_cast %swap3A_110 : vector<1x16xf32> to vector<16xf32>
    %swap3A_112 = vector.shape_cast %broadcast_in_dim3A_3 : vector<16xf32> to vector<1x16xf32>
    tpu.vector_store %swap3A_107[%swap3A_108, %swap3A_109], %swap3A_112 {strides = array<i32>} : memref<128x16xf32, #tpu.memory_space<vmem>>, vector<1x16xf32>,
    %swap3A_113 = arith.constant 0 : i32
    %swap3A_114 = arith.constant 10 : i32
    %swap3A_115 = arith.constant 0 : i32
    %swap3A_116 = arith.constant 0 : i32
    %swap3A_117 = tpu.memref_slice %arg8[%swap3A_113, %swap3A_115, %swap3A_116] : memref<6x128x16xf32, #tpu.memory_space<vmem>> -> memref<1x128x16xf32, #tpu.memory_space<vmem>>
    %swap3A_118 = tpu.memref_squeeze %swap3A_117 : memref<1x128x16xf32, #tpu.memory_space<vmem>> -> memref<128x16xf32, #tpu.memory_space<vmem>>
    %swap3A_119 = arith.index_cast %swap3A_114 : i32 to index
    %swap3A_120 = arith.constant 0 : index
    %swap3A_121 = tpu.vector_load %swap3A_118[%swap3A_119, %swap3A_120] {strides = array<i32>} : memref<128x16xf32, #tpu.memory_space<vmem>>, vector<1x16xf32>,
    %swap3A_122 = vector.shape_cast %swap3A_121 : vector<1x16xf32> to vector<16xf32>
    %swap3A_123 = vector.shape_cast %broadcast_in_dim3A_3 : vector<16xf32> to vector<1x16xf32>
    tpu.vector_store %swap3A_118[%swap3A_119, %swap3A_120], %swap3A_123 {strides = array<i32>} : memref<128x16xf32, #tpu.memory_space<vmem>>, vector<1x16xf32>,
    %swap3A_124 = arith.constant 0 : i32
    %swap3A_125 = arith.constant 11 : i32
    %swap3A_126 = arith.constant 0 : i32
    %swap3A_127 = arith.constant 0 : i32
    %swap3A_128 = tpu.memref_slice %arg8[%swap3A_124, %swap3A_126, %swap3A_127] : memref<6x128x16xf32, #tpu.memory_space<vmem>> -> memref<1x128x16xf32, #tpu.memory_space<vmem>>
    %swap3A_129 = tpu.memref_squeeze %swap3A_128 : memref<1x128x16xf32, #tpu.memory_space<vmem>> -> memref<128x16xf32, #tpu.memory_space<vmem>>
    %swap3A_130 = arith.index_cast %swap3A_125 : i32 to index
    %swap3A_131 = arith.constant 0 : index
    %swap3A_132 = tpu.vector_load %swap3A_129[%swap3A_130, %swap3A_131] {strides = array<i32>} : memref<128x16xf32, #tpu.memory_space<vmem>>, vector<1x16xf32>,
    %swap3A_133 = vector.shape_cast %swap3A_132 : vector<1x16xf32> to vector<16xf32>
    %swap3A_134 = vector.shape_cast %broadcast_in_dim3A_3 : vector<16xf32> to vector<1x16xf32>
    tpu.vector_store %swap3A_129[%swap3A_130, %swap3A_131], %swap3A_134 {strides = array<i32>} : memref<128x16xf32, #tpu.memory_space<vmem>>, vector<1x16xf32>,
    %swap3A_135 = arith.constant 0 : i32
    %swap3A_136 = arith.constant 12 : i32
    %swap3A_137 = arith.constant 0 : i32
    %swap3A_138 = arith.constant 0 : i32
    %swap3A_139 = tpu.memref_slice %arg8[%swap3A_135, %swap3A_137, %swap3A_138] : memref<6x128x16xf32, #tpu.memory_space<vmem>> -> memref<1x128x16xf32, #tpu.memory_space<vmem>>
    %swap3A_140 = tpu.memref_squeeze %swap3A_139 : memref<1x128x16xf32, #tpu.memory_space<vmem>> -> memref<128x16xf32, #tpu.memory_space<vmem>>
    %swap3A_141 = arith.index_cast %swap3A_136 : i32 to index
    %swap3A_142 = arith.constant 0 : index
    %swap3A_143 = tpu.vector_load %swap3A_140[%swap3A_141, %swap3A_142] {strides = array<i32>} : memref<128x16xf32, #tpu.memory_space<vmem>>, vector<1x16xf32>,
    %swap3A_144 = vector.shape_cast %swap3A_143 : vector<1x16xf32> to vector<16xf32>
    %swap3A_145 = vector.shape_cast %broadcast_in_dim3A_3 : vector<16xf32> to vector<1x16xf32>
    tpu.vector_store %swap3A_140[%swap3A_141, %swap3A_142], %swap3A_145 {strides = array<i32>} : memref<128x16xf32, #tpu.memory_space<vmem>>, vector<1x16xf32>,
    %swap3A_146 = arith.constant 0 : i32
    %swap3A_147 = arith.constant 13 : i32
    %swap3A_148 = arith.constant 0 : i32
    %swap3A_149 = arith.constant 0 : i32
    %swap3A_150 = tpu.memref_slice %arg8[%swap3A_146, %swap3A_148, %swap3A_149] : memref<6x128x16xf32, #tpu.memory_space<vmem>> -> memref<1x128x16xf32, #tpu.memory_space<vmem>>
    %swap3A_151 = tpu.memref_squeeze %swap3A_150 : memref<1x128x16xf32, #tpu.memory_space<vmem>> -> memref<128x16xf32, #tpu.memory_space<vmem>>
    %swap3A_152 = arith.index_cast %swap3A_147 : i32 to index
    %swap3A_153 = arith.constant 0 : index
    %swap3A_154 = tpu.vector_load %swap3A_151[%swap3A_152, %swap3A_153] {strides = array<i32>} : memref<128x16xf32, #tpu.memory_space<vmem>>, vector<1x16xf32>,
    %swap3A_155 = vector.shape_cast %swap3A_154 : vector<1x16xf32> to vector<16xf32>
    %swap3A_156 = vector.shape_cast %broadcast_in_dim3A_3 : vector<16xf32> to vector<1x16xf32>
    tpu.vector_store %swap3A_151[%swap3A_152, %swap3A_153], %swap3A_156 {strides = array<i32>} : memref<128x16xf32, #tpu.memory_space<vmem>>, vector<1x16xf32>,
    %swap3A_157 = arith.constant 0 : i32
    %swap3A_158 = arith.constant 14 : i32
    %swap3A_159 = arith.constant 0 : i32
    %swap3A_160 = arith.constant 0 : i32
    %swap3A_161 = tpu.memref_slice %arg8[%swap3A_157, %swap3A_159, %swap3A_160] : memref<6x128x16xf32, #tpu.memory_space<vmem>> -> memref<1x128x16xf32, #tpu.memory_space<vmem>>
    %swap3A_162 = tpu.memref_squeeze %swap3A_161 : memref<1x128x16xf32, #tpu.memory_space<vmem>> -> memref<128x16xf32, #tpu.memory_space<vmem>>
    %swap3A_163 = arith.index_cast %swap3A_158 : i32 to index
    %swap3A_164 = arith.constant 0 : index
    %swap3A_165 = tpu.vector_load %swap3A_162[%swap3A_163, %swap3A_164] {strides = array<i32>} : memref<128x16xf32, #tpu.memory_space<vmem>>, vector<1x16xf32>,
    %swap3A_166 = vector.shape_cast %swap3A_165 : vector<1x16xf32> to vector<16xf32>
    %swap3A_167 = vector.shape_cast %broadcast_in_dim3A_3 : vector<16xf32> to vector<1x16xf32>
    tpu.vector_store %swap3A_162[%swap3A_163, %swap3A_164], %swap3A_167 {strides = array<i32>} : memref<128x16xf32, #tpu.memory_space<vmem>>, vector<1x16xf32>,
    %swap3A_168 = arith.constant 0 : i32
    %swap3A_169 = arith.constant 15 : i32
    %swap3A_170 = arith.constant 0 : i32
    %swap3A_171 = arith.constant 0 : i32
    %swap3A_172 = tpu.memref_slice %arg8[%swap3A_168, %swap3A_170, %swap3A_171] : memref<6x128x16xf32, #tpu.memory_space<vmem>> -> memref<1x128x16xf32, #tpu.memory_space<vmem>>
    %swap3A_173 = tpu.memref_squeeze %swap3A_172 : memref<1x128x16xf32, #tpu.memory_space<vmem>> -> memref<128x16xf32, #tpu.memory_space<vmem>>
    %swap3A_174 = arith.index_cast %swap3A_169 : i32 to index
    %swap3A_175 = arith.constant 0 : index
    %swap3A_176 = tpu.vector_load %swap3A_173[%swap3A_174, %swap3A_175] {strides = array<i32>} : memref<128x16xf32, #tpu.memory_space<vmem>>, vector<1x16xf32>,
    %swap3A_177 = vector.shape_cast %swap3A_176 : vector<1x16xf32> to vector<16xf32>
    %swap3A_178 = vector.shape_cast %broadcast_in_dim3A_3 : vector<16xf32> to vector<1x16xf32>
    tpu.vector_store %swap3A_173[%swap3A_174, %swap3A_175], %swap3A_178 {strides = array<i32>} : memref<128x16xf32, #tpu.memory_space<vmem>>, vector<1x16xf32>,
    %swap3A_179 = arith.constant 0 : i32
    %swap3A_180 = arith.constant 16 : i32
    %swap3A_181 = arith.constant 0 : i32
    %swap3A_182 = arith.constant 0 : i32
    %swap3A_183 = tpu.memref_slice %arg8[%swap3A_179, %swap3A_181, %swap3A_182] : memref<6x128x16xf32, #tpu.memory_space<vmem>> -> memref<1x128x16xf32, #tpu.memory_space<vmem>>
    %swap3A_184 = tpu.memref_squeeze %swap3A_183 : memref<1x128x16xf32, #tpu.memory_space<vmem>> -> memref<128x16xf32, #tpu.memory_space<vmem>>
    %swap3A_185 = arith.index_cast %swap3A_180 : i32 to index
    %swap3A_186 = arith.constant 0 : index
    %swap3A_187 = tpu.vector_load %swap3A_184[%swap3A_185, %swap3A_186] {strides = array<i32>} : memref<128x16xf32, #tpu.memory_space<vmem>>, vector<1x16xf32>,
    %swap3A_188 = vector.shape_cast %swap3A_187 : vector<1x16xf32> to vector<16xf32>
    %swap3A_189 = vector.shape_cast %broadcast_in_dim3A_3 : vector<16xf32> to vector<1x16xf32>
    tpu.vector_store %swap3A_184[%swap3A_185, %swap3A_186], %swap3A_189 {strides = array<i32>} : memref<128x16xf32, #tpu.memory_space<vmem>>, vector<1x16xf32>,
    %swap3A_190 = arith.constant 0 : i32
    %swap3A_191 = arith.constant 17 : i32
    %swap3A_192 = arith.constant 0 : i32
    %swap3A_193 = arith.constant 0 : i32
    %swap3A_194 = tpu.memref_slice %arg8[%swap3A_190, %swap3A_192, %swap3A_193] : memref<6x128x16xf32, #tpu.memory_space<vmem>> -> memref<1x128x16xf32, #tpu.memory_space<vmem>>
    %swap3A_195 = tpu.memref_squeeze %swap3A_194 : memref<1x128x16xf32, #tpu.memory_space<vmem>> -> memref<128x16xf32, #tpu.memory_space<vmem>>
    %swap3A_196 = arith.index_cast %swap3A_191 : i32 to index
    %swap3A_197 = arith.constant 0 : index
    %swap3A_198 = tpu.vector_load %swap3A_195[%swap3A_196, %swap3A_197] {strides = array<i32>} : memref<128x16xf32, #tpu.memory_space<vmem>>, vector<1x16xf32>,
    %swap3A_199 = vector.shape_cast %swap3A_198 : vector<1x16xf32> to vector<16xf32>
    %swap3A_200 = vector.shape_cast %broadcast_in_dim3A_3 : vector<16xf32> to vector<1x16xf32>
    tpu.vector_store %swap3A_195[%swap3A_196, %swap3A_197], %swap3A_200 {strides = array<i32>} : memref<128x16xf32, #tpu.memory_space<vmem>>, vector<1x16xf32>,
    %swap3A_201 = arith.constant 0 : i32
    %swap3A_202 = arith.constant 18 : i32
    %swap3A_203 = arith.constant 0 : i32
    %swap3A_204 = arith.constant 0 : i32
    %swap3A_205 = tpu.memref_slice %arg8[%swap3A_201, %swap3A_203, %swap3A_204] : memref<6x128x16xf32, #tpu.memory_space<vmem>> -> memref<1x128x16xf32, #tpu.memory_space<vmem>>
    %swap3A_206 = tpu.memref_squeeze %swap3A_205 : memref<1x128x16xf32, #tpu.memory_space<vmem>> -> memref<128x16xf32, #tpu.memory_space<vmem>>
    %swap3A_207 = arith.index_cast %swap3A_202 : i32 to index
    %swap3A_208 = arith.constant 0 : index
    %swap3A_209 = tpu.vector_load %swap3A_206[%swap3A_207, %swap3A_208] {strides = array<i32>} : memref<128x16xf32, #tpu.memory_space<vmem>>, vector<1x16xf32>,
    %swap3A_210 = vector.shape_cast %swap3A_209 : vector<1x16xf32> to vector<16xf32>
    %swap3A_211 = vector.shape_cast %broadcast_in_dim3A_3 : vector<16xf32> to vector<1x16xf32>
    tpu.vector_store %swap3A_206[%swap3A_207, %swap3A_208], %swap3A_211 {strides = array<i32>} : memref<128x16xf32, #tpu.memory_space<vmem>>, vector<1x16xf32>,
    %swap3A_212 = arith.constant 0 : i32
    %swap3A_213 = arith.constant 19 : i32
    %swap3A_214 = arith.constant 0 : i32
    %swap3A_215 = arith.constant 0 : i32
    %swap3A_216 = tpu.memref_slice %arg8[%swap3A_212, %swap3A_214, %swap3A_215] : memref<6x128x16xf32, #tpu.memory_space<vmem>> -> memref<1x128x16xf32, #tpu.memory_space<vmem>>
    %swap3A_217 = tpu.memref_squeeze %swap3A_216 : memref<1x128x16xf32, #tpu.memory_space<vmem>> -> memref<128x16xf32, #tpu.memory_space<vmem>>
    %swap3A_218 = arith.index_cast %swap3A_213 : i32 to index
    %swap3A_219 = arith.constant 0 : index
    %swap3A_220 = tpu.vector_load %swap3A_217[%swap3A_218, %swap3A_219] {strides = array<i32>} : memref<128x16xf32, #tpu.memory_space<vmem>>, vector<1x16xf32>,
    %swap3A_221 = vector.shape_cast %swap3A_220 : vector<1x16xf32> to vector<16xf32>
    %swap3A_222 = vector.shape_cast %broadcast_in_dim3A_3 : vector<16xf32> to vector<1x16xf32>
    tpu.vector_store %swap3A_217[%swap3A_218, %swap3A_219], %swap3A_222 {strides = array<i32>} : memref<128x16xf32, #tpu.memory_space<vmem>>, vector<1x16xf32>,
    %swap3A_223 = arith.constant 0 : i32
    %swap3A_224 = arith.constant 20 : i32
    %swap3A_225 = arith.constant 0 : i32
    %swap3A_226 = arith.constant 0 : i32
    %swap3A_227 = tpu.memref_slice %arg8[%swap3A_223, %swap3A_225, %swap3A_226] : memref<6x128x16xf32, #tpu.memory_space<vmem>> -> memref<1x128x16xf32, #tpu.memory_space<vmem>>
    %swap3A_228 = tpu.memref_squeeze %swap3A_227 : memref<1x128x16xf32, #tpu.memory_space<vmem>> -> memref<128x16xf32, #tpu.memory_space<vmem>>
    %swap3A_229 = arith.index_cast %swap3A_224 : i32 to index
    %swap3A_230 = arith.constant 0 : index
    %swap3A_231 = tpu.vector_load %swap3A_228[%swap3A_229, %swap3A_230] {strides = array<i32>} : memref<128x16xf32, #tpu.memory_space<vmem>>, vector<1x16xf32>,
    %swap3A_232 = vector.shape_cast %swap3A_231 : vector<1x16xf32> to vector<16xf32>
    %swap3A_233 = vector.shape_cast %broadcast_in_dim3A_3 : vector<16xf32> to vector<1x16xf32>
    tpu.vector_store %swap3A_228[%swap3A_229, %swap3A_230], %swap3A_233 {strides = array<i32>} : memref<128x16xf32, #tpu.memory_space<vmem>>, vector<1x16xf32>,
    %swap3A_234 = arith.constant 0 : i32
    %swap3A_235 = arith.constant 21 : i32
    %swap3A_236 = arith.constant 0 : i32
    %swap3A_237 = arith.constant 0 : i32
    %swap3A_238 = tpu.memref_slice %arg8[%swap3A_234, %swap3A_236, %swap3A_237] : memref<6x128x16xf32, #tpu.memory_space<vmem>> -> memref<1x128x16xf32, #tpu.memory_space<vmem>>
    %swap3A_239 = tpu.memref_squeeze %swap3A_238 : memref<1x128x16xf32, #tpu.memory_space<vmem>> -> memref<128x16xf32, #tpu.memory_space<vmem>>
    %swap3A_240 = arith.index_cast %swap3A_235 : i32 to index
    %swap3A_241 = arith.constant 0 : index
    %swap3A_242 = tpu.vector_load %swap3A_239[%swap3A_240, %swap3A_241] {strides = array<i32>} : memref<128x16xf32, #tpu.memory_space<vmem>>, vector<1x16xf32>,
    %swap3A_243 = vector.shape_cast %swap3A_242 : vector<1x16xf32> to vector<16xf32>
    %swap3A_244 = vector.shape_cast %broadcast_in_dim3A_3 : vector<16xf32> to vector<1x16xf32>
    tpu.vector_store %swap3A_239[%swap3A_240, %swap3A_241], %swap3A_244 {strides = array<i32>} : memref<128x16xf32, #tpu.memory_space<vmem>>, vector<1x16xf32>,
    %swap3A_245 = arith.constant 0 : i32
    %swap3A_246 = arith.constant 22 : i32
    %swap3A_247 = arith.constant 0 : i32
    %swap3A_248 = arith.constant 0 : i32
    %swap3A_249 = tpu.memref_slice %arg8[%swap3A_245, %swap3A_247, %swap3A_248] : memref<6x128x16xf32, #tpu.memory_space<vmem>> -> memref<1x128x16xf32, #tpu.memory_space<vmem>>
    %swap3A_250 = tpu.memref_squeeze %swap3A_249 : memref<1x128x16xf32, #tpu.memory_space<vmem>> -> memref<128x16xf32, #tpu.memory_space<vmem>>
    %swap3A_251 = arith.index_cast %swap3A_246 : i32 to index
    %swap3A_252 = arith.constant 0 : index
    %swap3A_253 = tpu.vector_load %swap3A_250[%swap3A_251, %swap3A_252] {strides = array<i32>} : memref<128x16xf32, #tpu.memory_space<vmem>>, vector<1x16xf32>,
    %swap3A_254 = vector.shape_cast %swap3A_253 : vector<1x16xf32> to vector<16xf32>
    %swap3A_255 = vector.shape_cast %broadcast_in_dim3A_3 : vector<16xf32> to vector<1x16xf32>
    tpu.vector_store %swap3A_250[%swap3A_251, %swap3A_252], %swap3A_255 {strides = array<i32>} : memref<128x16xf32, #tpu.memory_space<vmem>>, vector<1x16xf32>,
    %swap3A_256 = arith.constant 0 : i32
    %swap3A_257 = arith.constant 23 : i32
    %swap3A_258 = arith.constant 0 : i32
    %swap3A_259 = arith.constant 0 : i32
    %swap3A_260 = tpu.memref_slice %arg8[%swap3A_256, %swap3A_258, %swap3A_259] : memref<6x128x16xf32, #tpu.memory_space<vmem>> -> memref<1x128x16xf32, #tpu.memory_space<vmem>>
    %swap3A_261 = tpu.memref_squeeze %swap3A_260 : memref<1x128x16xf32, #tpu.memory_space<vmem>> -> memref<128x16xf32, #tpu.memory_space<vmem>>
    %swap3A_262 = arith.index_cast %swap3A_257 : i32 to index
    %swap3A_263 = arith.constant 0 : index
    %swap3A_264 = tpu.vector_load %swap3A_261[%swap3A_262, %swap3A_263] {strides = array<i32>} : memref<128x16xf32, #tpu.memory_space<vmem>>, vector<1x16xf32>,
    %swap3A_265 = vector.shape_cast %swap3A_264 : vector<1x16xf32> to vector<16xf32>
    %swap3A_266 = vector.shape_cast %broadcast_in_dim3A_3 : vector<16xf32> to vector<1x16xf32>
    tpu.vector_store %swap3A_261[%swap3A_262, %swap3A_263], %swap3A_266 {strides = array<i32>} : memref<128x16xf32, #tpu.memory_space<vmem>>, vector<1x16xf32>,
    %swap3A_267 = arith.constant 0 : i32
    %swap3A_268 = arith.constant 24 : i32
    %swap3A_269 = arith.constant 0 : i32
    %swap3A_270 = arith.constant 0 : i32
    %swap3A_271 = tpu.memref_slice %arg8[%swap3A_267, %swap3A_269, %swap3A_270] : memref<6x128x16xf32, #tpu.memory_space<vmem>> -> memref<1x128x16xf32, #tpu.memory_space<vmem>>
    %swap3A_272 = tpu.memref_squeeze %swap3A_271 : memref<1x128x16xf32, #tpu.memory_space<vmem>> -> memref<128x16xf32, #tpu.memory_space<vmem>>
    %swap3A_273 = arith.index_cast %swap3A_268 : i32 to index
    %swap3A_274 = arith.constant 0 : index
    %swap3A_275 = tpu.vector_load %swap3A_272[%swap3A_273, %swap3A_274] {strides = array<i32>} : memref<128x16xf32, #tpu.memory_space<vmem>>, vector<1x16xf32>,
    %swap3A_276 = vector.shape_cast %swap3A_275 : vector<1x16xf32> to vector<16xf32>
    %swap3A_277 = vector.shape_cast %broadcast_in_dim3A_3 : vector<16xf32> to vector<1x16xf32>
    tpu.vector_store %swap3A_272[%swap3A_273, %swap3A_274], %swap3A_277 {strides = array<i32>} : memref<128x16xf32, #tpu.memory_space<vmem>>, vector<1x16xf32>,
    %swap3A_278 = arith.constant 0 : i32
    %swap3A_279 = arith.constant 25 : i32
    %swap3A_280 = arith.constant 0 : i32
    %swap3A_281 = arith.constant 0 : i32
    %swap3A_282 = tpu.memref_slice %arg8[%swap3A_278, %swap3A_280, %swap3A_281] : memref<6x128x16xf32, #tpu.memory_space<vmem>> -> memref<1x128x16xf32, #tpu.memory_space<vmem>>
    %swap3A_283 = tpu.memref_squeeze %swap3A_282 : memref<1x128x16xf32, #tpu.memory_space<vmem>> -> memref<128x16xf32, #tpu.memory_space<vmem>>
    %swap3A_284 = arith.index_cast %swap3A_279 : i32 to index
    %swap3A_285 = arith.constant 0 : index
    %swap3A_286 = tpu.vector_load %swap3A_283[%swap3A_284, %swap3A_285] {strides = array<i32>} : memref<128x16xf32, #tpu.memory_space<vmem>>, vector<1x16xf32>,
    %swap3A_287 = vector.shape_cast %swap3A_286 : vector<1x16xf32> to vector<16xf32>
    %swap3A_288 = vector.shape_cast %broadcast_in_dim3A_3 : vector<16xf32> to vector<1x16xf32>
    tpu.vector_store %swap3A_283[%swap3A_284, %swap3A_285], %swap3A_288 {strides = array<i32>} : memref<128x16xf32, #tpu.memory_space<vmem>>, vector<1x16xf32>,
    %swap3A_289 = arith.constant 0 : i32
    %swap3A_290 = arith.constant 26 : i32
    %swap3A_291 = arith.constant 0 : i32
    %swap3A_292 = arith.constant 0 : i32
    %swap3A_293 = tpu.memref_slice %arg8[%swap3A_289, %swap3A_291, %swap3A_292] : memref<6x128x16xf32, #tpu.memory_space<vmem>> -> memref<1x128x16xf32, #tpu.memory_space<vmem>>
    %swap3A_294 = tpu.memref_squeeze %swap3A_293 : memref<1x128x16xf32, #tpu.memory_space<vmem>> -> memref<128x16xf32, #tpu.memory_space<vmem>>
    %swap3A_295 = arith.index_cast %swap3A_290 : i32 to index
    %swap3A_296 = arith.constant 0 : index
    %swap3A_297 = tpu.vector_load %swap3A_294[%swap3A_295, %swap3A_296] {strides = array<i32>} : memref<128x16xf32, #tpu.memory_space<vmem>>, vector<1x16xf32>,
    %swap3A_298 = vector.shape_cast %swap3A_297 : vector<1x16xf32> to vector<16xf32>
    %swap3A_299 = vector.shape_cast %broadcast_in_dim3A_3 : vector<16xf32> to vector<1x16xf32>
    tpu.vector_store %swap3A_294[%swap3A_295, %swap3A_296], %swap3A_299 {strides = array<i32>} : memref<128x16xf32, #tpu.memory_space<vmem>>, vector<1x16xf32>,
    %swap3A_300 = arith.constant 0 : i32
    %swap3A_301 = arith.constant 27 : i32
    %swap3A_302 = arith.constant 0 : i32
    %swap3A_303 = arith.constant 0 : i32
    %swap3A_304 = tpu.memref_slice %arg8[%swap3A_300, %swap3A_302, %swap3A_303] : memref<6x128x16xf32, #tpu.memory_space<vmem>> -> memref<1x128x16xf32, #tpu.memory_space<vmem>>
    %swap3A_305 = tpu.memref_squeeze %swap3A_304 : memref<1x128x16xf32, #tpu.memory_space<vmem>> -> memref<128x16xf32, #tpu.memory_space<vmem>>
    %swap3A_306 = arith.index_cast %swap3A_301 : i32 to index
    %swap3A_307 = arith.constant 0 : index
    %swap3A_308 = tpu.vector_load %swap3A_305[%swap3A_306, %swap3A_307] {strides = array<i32>} : memref<128x16xf32, #tpu.memory_space<vmem>>, vector<1x16xf32>,
    %swap3A_309 = vector.shape_cast %swap3A_308 : vector<1x16xf32> to vector<16xf32>
    %swap3A_310 = vector.shape_cast %broadcast_in_dim3A_3 : vector<16xf32> to vector<1x16xf32>
    tpu.vector_store %swap3A_305[%swap3A_306, %swap3A_307], %swap3A_310 {strides = array<i32>} : memref<128x16xf32, #tpu.memory_space<vmem>>, vector<1x16xf32>,
    %swap3A_311 = arith.constant 0 : i32
    %swap3A_312 = arith.constant 28 : i32
    %swap3A_313 = arith.constant 0 : i32
    %swap3A_314 = arith.constant 0 : i32
    %swap3A_315 = tpu.memref_slice %arg8[%swap3A_311, %swap3A_313, %swap3A_314] : memref<6x128x16xf32, #tpu.memory_space<vmem>> -> memref<1x128x16xf32, #tpu.memory_space<vmem>>
    %swap3A_316 = tpu.memref_squeeze %swap3A_315 : memref<1x128x16xf32, #tpu.memory_space<vmem>> -> memref<128x16xf32, #tpu.memory_space<vmem>>
    %swap3A_317 = arith.index_cast %swap3A_312 : i32 to index
    %swap3A_318 = arith.constant 0 : index
    %swap3A_319 = tpu.vector_load %swap3A_316[%swap3A_317, %swap3A_318] {strides = array<i32>} : memref<128x16xf32, #tpu.memory_space<vmem>>, vector<1x16xf32>,
    %swap3A_320 = vector.shape_cast %swap3A_319 : vector<1x16xf32> to vector<16xf32>
    %swap3A_321 = vector.shape_cast %broadcast_in_dim3A_3 : vector<16xf32> to vector<1x16xf32>
    tpu.vector_store %swap3A_316[%swap3A_317, %swap3A_318], %swap3A_321 {strides = array<i32>} : memref<128x16xf32, #tpu.memory_space<vmem>>, vector<1x16xf32>,
    %swap3A_322 = arith.constant 0 : i32
    %swap3A_323 = arith.constant 29 : i32
    %swap3A_324 = arith.constant 0 : i32
    %swap3A_325 = arith.constant 0 : i32
    %swap3A_326 = tpu.memref_slice %arg8[%swap3A_322, %swap3A_324, %swap3A_325] : memref<6x128x16xf32, #tpu.memory_space<vmem>> -> memref<1x128x16xf32, #tpu.memory_space<vmem>>
    %swap3A_327 = tpu.memref_squeeze %swap3A_326 : memref<1x128x16xf32, #tpu.memory_space<vmem>> -> memref<128x16xf32, #tpu.memory_space<vmem>>
    %swap3A_328 = arith.index_cast %swap3A_323 : i32 to index
    %swap3A_329 = arith.constant 0 : index
    %swap3A_330 = tpu.vector_load %swap3A_327[%swap3A_328, %swap3A_329] {strides = array<i32>} : memref<128x16xf32, #tpu.memory_space<vmem>>, vector<1x16xf32>,
    %swap3A_331 = vector.shape_cast %swap3A_330 : vector<1x16xf32> to vector<16xf32>
    %swap3A_332 = vector.shape_cast %broadcast_in_dim3A_3 : vector<16xf32> to vector<1x16xf32>
    tpu.vector_store %swap3A_327[%swap3A_328, %swap3A_329], %swap3A_332 {strides = array<i32>} : memref<128x16xf32, #tpu.memory_space<vmem>>, vector<1x16xf32>,
    %swap3A_333 = arith.constant 0 : i32
    %swap3A_334 = arith.constant 30 : i32
    %swap3A_335 = arith.constant 0 : i32
    %swap3A_336 = arith.constant 0 : i32
    %swap3A_337 = tpu.memref_slice %arg8[%swap3A_333, %swap3A_335, %swap3A_336] : memref<6x128x16xf32, #tpu.memory_space<vmem>> -> memref<1x128x16xf32, #tpu.memory_space<vmem>>
    %swap3A_338 = tpu.memref_squeeze %swap3A_337 : memref<1x128x16xf32, #tpu.memory_space<vmem>> -> memref<128x16xf32, #tpu.memory_space<vmem>>
    %swap3A_339 = arith.index_cast %swap3A_334 : i32 to index
    %swap3A_340 = arith.constant 0 : index
    %swap3A_341 = tpu.vector_load %swap3A_338[%swap3A_339, %swap3A_340] {strides = array<i32>} : memref<128x16xf32, #tpu.memory_space<vmem>>, vector<1x16xf32>,
    %swap3A_342 = vector.shape_cast %swap3A_341 : vector<1x16xf32> to vector<16xf32>
    %swap3A_343 = vector.shape_cast %broadcast_in_dim3A_3 : vector<16xf32> to vector<1x16xf32>
    tpu.vector_store %swap3A_338[%swap3A_339, %swap3A_340], %swap3A_343 {strides = array<i32>} : memref<128x16xf32, #tpu.memory_space<vmem>>, vector<1x16xf32>,
    %swap3A_344 = arith.constant 0 : i32
    %swap3A_345 = arith.constant 31 : i32
    %swap3A_346 = arith.constant 0 : i32
    %swap3A_347 = arith.constant 0 : i32
    %swap3A_348 = tpu.memref_slice %arg8[%swap3A_344, %swap3A_346, %swap3A_347] : memref<6x128x16xf32, #tpu.memory_space<vmem>> -> memref<1x128x16xf32, #tpu.memory_space<vmem>>
    %swap3A_349 = tpu.memref_squeeze %swap3A_348 : memref<1x128x16xf32, #tpu.memory_space<vmem>> -> memref<128x16xf32, #tpu.memory_space<vmem>>
    %swap3A_350 = arith.index_cast %swap3A_345 : i32 to index
    %swap3A_351 = arith.constant 0 : index
    %swap3A_352 = tpu.vector_load %swap3A_349[%swap3A_350, %swap3A_351] {strides = array<i32>} : memref<128x16xf32, #tpu.memory_space<vmem>>, vector<1x16xf32>,
    %swap3A_353 = vector.shape_cast %swap3A_352 : vector<1x16xf32> to vector<16xf32>
    %swap3A_354 = vector.shape_cast %broadcast_in_dim3A_3 : vector<16xf32> to vector<1x16xf32>
    tpu.vector_store %swap3A_349[%swap3A_350, %swap3A_351], %swap3A_354 {strides = array<i32>} : memref<128x16xf32, #tpu.memory_space<vmem>>, vector<1x16xf32>,
    %swap3A_355 = arith.constant 0 : i32
    %swap3A_356 = arith.constant 32 : i32
    %swap3A_357 = arith.constant 0 : i32
    %swap3A_358 = arith.constant 0 : i32
    %swap3A_359 = tpu.memref_slice %arg8[%swap3A_355, %swap3A_357, %swap3A_358] : memref<6x128x16xf32, #tpu.memory_space<vmem>> -> memref<1x128x16xf32, #tpu.memory_space<vmem>>
    %swap3A_360 = tpu.memref_squeeze %swap3A_359 : memref<1x128x16xf32, #tpu.memory_space<vmem>> -> memref<128x16xf32, #tpu.memory_space<vmem>>
    %swap3A_361 = arith.index_cast %swap3A_356 : i32 to index
    %swap3A_362 = arith.constant 0 : index
    %swap3A_363 = tpu.vector_load %swap3A_360[%swap3A_361, %swap3A_362] {strides = array<i32>} : memref<128x16xf32, #tpu.memory_space<vmem>>, vector<1x16xf32>,
    %swap3A_364 = vector.shape_cast %swap3A_363 : vector<1x16xf32> to vector<16xf32>
    %swap3A_365 = vector.shape_cast %broadcast_in_dim3A_3 : vector<16xf32> to vector<1x16xf32>
    tpu.vector_store %swap3A_360[%swap3A_361, %swap3A_362], %swap3A_365 {strides = array<i32>} : memref<128x16xf32, #tpu.memory_space<vmem>>, vector<1x16xf32>,
    %swap3A_366 = arith.constant 0 : i32
    %swap3A_367 = arith.constant 33 : i32
    %swap3A_368 = arith.constant 0 : i32
    %swap3A_369 = arith.constant 0 : i32
    %swap3A_370 = tpu.memref_slice %arg8[%swap3A_366, %swap3A_368, %swap3A_369] : memref<6x128x16xf32, #tpu.memory_space<vmem>> -> memref<1x128x16xf32, #tpu.memory_space<vmem>>
    %swap3A_371 = tpu.memref_squeeze %swap3A_370 : memref<1x128x16xf32, #tpu.memory_space<vmem>> -> memref<128x16xf32, #tpu.memory_space<vmem>>
    %swap3A_372 = arith.index_cast %swap3A_367 : i32 to index
    %swap3A_373 = arith.constant 0 : index
    %swap3A_374 = tpu.vector_load %swap3A_371[%swap3A_372, %swap3A_373] {strides = array<i32>} : memref<128x16xf32, #tpu.memory_space<vmem>>, vector<1x16xf32>,
    %swap3A_375 = vector.shape_cast %swap3A_374 : vector<1x16xf32> to vector<16xf32>
    %swap3A_376 = vector.shape_cast %broadcast_in_dim3A_3 : vector<16xf32> to vector<1x16xf32>
    tpu.vector_store %swap3A_371[%swap3A_372, %swap3A_373], %swap3A_376 {strides = array<i32>} : memref<128x16xf32, #tpu.memory_space<vmem>>, vector<1x16xf32>,
    %swap3A_377 = arith.constant 0 : i32
    %swap3A_378 = arith.constant 34 : i32
    %swap3A_379 = arith.constant 0 : i32
    %swap3A_380 = arith.constant 0 : i32
    %swap3A_381 = tpu.memref_slice %arg8[%swap3A_377, %swap3A_379, %swap3A_380] : memref<6x128x16xf32, #tpu.memory_space<vmem>> -> memref<1x128x16xf32, #tpu.memory_space<vmem>>
    %swap3A_382 = tpu.memref_squeeze %swap3A_381 : memref<1x128x16xf32, #tpu.memory_space<vmem>> -> memref<128x16xf32, #tpu.memory_space<vmem>>
    %swap3A_383 = arith.index_cast %swap3A_378 : i32 to index
    %swap3A_384 = arith.constant 0 : index
    %swap3A_385 = tpu.vector_load %swap3A_382[%swap3A_383, %swap3A_384] {strides = array<i32>} : memref<128x16xf32, #tpu.memory_space<vmem>>, vector<1x16xf32>,
    %swap3A_386 = vector.shape_cast %swap3A_385 : vector<1x16xf32> to vector<16xf32>
    %swap3A_387 = vector.shape_cast %broadcast_in_dim3A_3 : vector<16xf32> to vector<1x16xf32>
    tpu.vector_store %swap3A_382[%swap3A_383, %swap3A_384], %swap3A_387 {strides = array<i32>} : memref<128x16xf32, #tpu.memory_space<vmem>>, vector<1x16xf32>,
    %swap3A_388 = arith.constant 0 : i32
    %swap3A_389 = arith.constant 35 : i32
    %swap3A_390 = arith.constant 0 : i32
    %swap3A_391 = arith.constant 0 : i32
    %swap3A_392 = tpu.memref_slice %arg8[%swap3A_388, %swap3A_390, %swap3A_391] : memref<6x128x16xf32, #tpu.memory_space<vmem>> -> memref<1x128x16xf32, #tpu.memory_space<vmem>>
    %swap3A_393 = tpu.memref_squeeze %swap3A_392 : memref<1x128x16xf32, #tpu.memory_space<vmem>> -> memref<128x16xf32, #tpu.memory_space<vmem>>
    %swap3A_394 = arith.index_cast %swap3A_389 : i32 to index
    %swap3A_395 = arith.constant 0 : index
    %swap3A_396 = tpu.vector_load %swap3A_393[%swap3A_394, %swap3A_395] {strides = array<i32>} : memref<128x16xf32, #tpu.memory_space<vmem>>, vector<1x16xf32>,
    %swap3A_397 = vector.shape_cast %swap3A_396 : vector<1x16xf32> to vector<16xf32>
    %swap3A_398 = vector.shape_cast %broadcast_in_dim3A_3 : vector<16xf32> to vector<1x16xf32>
    tpu.vector_store %swap3A_393[%swap3A_394, %swap3A_395], %swap3A_398 {strides = array<i32>} : memref<128x16xf32, #tpu.memory_space<vmem>>, vector<1x16xf32>,
    %swap3A_399 = arith.constant 0 : i32
    %swap3A_400 = arith.constant 36 : i32
    %swap3A_401 = arith.constant 0 : i32
    %swap3A_402 = arith.constant 0 : i32
    %swap3A_403 = tpu.memref_slice %arg8[%swap3A_399, %swap3A_401, %swap3A_402] : memref<6x128x16xf32, #tpu.memory_space<vmem>> -> memref<1x128x16xf32, #tpu.memory_space<vmem>>
    %swap3A_404 = tpu.memref_squeeze %swap3A_403 : memref<1x128x16xf32, #tpu.memory_space<vmem>> -> memref<128x16xf32, #tpu.memory_space<vmem>>
    %swap3A_405 = arith.index_cast %swap3A_400 : i32 to index
    %swap3A_406 = arith.constant 0 : index
    %swap3A_407 = tpu.vector_load %swap3A_404[%swap3A_405, %swap3A_406] {strides = array<i32>} : memref<128x16xf32, #tpu.memory_space<vmem>>, vector<1x16xf32>,
    %swap3A_408 = vector.shape_cast %swap3A_407 : vector<1x16xf32> to vector<16xf32>
    %swap3A_409 = vector.shape_cast %broadcast_in_dim3A_3 : vector<16xf32> to vector<1x16xf32>
    tpu.vector_store %swap3A_404[%swap3A_405, %swap3A_406], %swap3A_409 {strides = array<i32>} : memref<128x16xf32, #tpu.memory_space<vmem>>, vector<1x16xf32>,
    %swap3A_410 = arith.constant 0 : i32
    %swap3A_411 = arith.constant 37 : i32
    %swap3A_412 = arith.constant 0 : i32
    %swap3A_413 = arith.constant 0 : i32
    %swap3A_414 = tpu.memref_slice %arg8[%swap3A_410, %swap3A_412, %swap3A_413] : memref<6x128x16xf32, #tpu.memory_space<vmem>> -> memref<1x128x16xf32, #tpu.memory_space<vmem>>
    %swap3A_415 = tpu.memref_squeeze %swap3A_414 : memref<1x128x16xf32, #tpu.memory_space<vmem>> -> memref<128x16xf32, #tpu.memory_space<vmem>>
    %swap3A_416 = arith.index_cast %swap3A_411 : i32 to index
    %swap3A_417 = arith.constant 0 : index
    %swap3A_418 = tpu.vector_load %swap3A_415[%swap3A_416, %swap3A_417] {strides = array<i32>} : memref<128x16xf32, #tpu.memory_space<vmem>>, vector<1x16xf32>,
    %swap3A_419 = vector.shape_cast %swap3A_418 : vector<1x16xf32> to vector<16xf32>
    %swap3A_420 = vector.shape_cast %broadcast_in_dim3A_3 : vector<16xf32> to vector<1x16xf32>
    tpu.vector_store %swap3A_415[%swap3A_416, %swap3A_417], %swap3A_420 {strides = array<i32>} : memref<128x16xf32, #tpu.memory_space<vmem>>, vector<1x16xf32>,
    %swap3A_421 = arith.constant 0 : i32
    %swap3A_422 = arith.constant 38 : i32
    %swap3A_423 = arith.constant 0 : i32
    %swap3A_424 = arith.constant 0 : i32
    %swap3A_425 = tpu.memref_slice %arg8[%swap3A_421, %swap3A_423, %swap3A_424] : memref<6x128x16xf32, #tpu.memory_space<vmem>> -> memref<1x128x16xf32, #tpu.memory_space<vmem>>
    %swap3A_426 = tpu.memref_squeeze %swap3A_425 : memref<1x128x16xf32, #tpu.memory_space<vmem>> -> memref<128x16xf32, #tpu.memory_space<vmem>>
    %swap3A_427 = arith.index_cast %swap3A_422 : i32 to index
    %swap3A_428 = arith.constant 0 : index
    %swap3A_429 = tpu.vector_load %swap3A_426[%swap3A_427, %swap3A_428] {strides = array<i32>} : memref<128x16xf32, #tpu.memory_space<vmem>>, vector<1x16xf32>,
    %swap3A_430 = vector.shape_cast %swap3A_429 : vector<1x16xf32> to vector<16xf32>
    %swap3A_431 = vector.shape_cast %broadcast_in_dim3A_3 : vector<16xf32> to vector<1x16xf32>
    tpu.vector_store %swap3A_426[%swap3A_427, %swap3A_428], %swap3A_431 {strides = array<i32>} : memref<128x16xf32, #tpu.memory_space<vmem>>, vector<1x16xf32>,
    %swap3A_432 = arith.constant 0 : i32
    %swap3A_433 = arith.constant 39 : i32
    %swap3A_434 = arith.constant 0 : i32
    %swap3A_435 = arith.constant 0 : i32
    %swap3A_436 = tpu.memref_slice %arg8[%swap3A_432, %swap3A_434, %swap3A_435] : memref<6x128x16xf32, #tpu.memory_space<vmem>> -> memref<1x128x16xf32, #tpu.memory_space<vmem>>
    %swap3A_437 = tpu.memref_squeeze %swap3A_436 : memref<1x128x16xf32, #tpu.memory_space<vmem>> -> memref<128x16xf32, #tpu.memory_space<vmem>>
    %swap3A_438 = arith.index_cast %swap3A_433 : i32 to index
    %swap3A_439 = arith.constant 0 : index
    %swap3A_440 = tpu.vector_load %swap3A_437[%swap3A_438, %swap3A_439] {strides = array<i32>} : memref<128x16xf32, #tpu.memory_space<vmem>>, vector<1x16xf32>,
    %swap3A_441 = vector.shape_cast %swap3A_440 : vector<1x16xf32> to vector<16xf32>
    %swap3A_442 = vector.shape_cast %broadcast_in_dim3A_3 : vector<16xf32> to vector<1x16xf32>
    tpu.vector_store %swap3A_437[%swap3A_438, %swap3A_439], %swap3A_442 {strides = array<i32>} : memref<128x16xf32, #tpu.memory_space<vmem>>, vector<1x16xf32>,
    %swap3A_443 = arith.constant 0 : i32
    %swap3A_444 = arith.constant 40 : i32
    %swap3A_445 = arith.constant 0 : i32
    %swap3A_446 = arith.constant 0 : i32
    %swap3A_447 = tpu.memref_slice %arg8[%swap3A_443, %swap3A_445, %swap3A_446] : memref<6x128x16xf32, #tpu.memory_space<vmem>> -> memref<1x128x16xf32, #tpu.memory_space<vmem>>
    %swap3A_448 = tpu.memref_squeeze %swap3A_447 : memref<1x128x16xf32, #tpu.memory_space<vmem>> -> memref<128x16xf32, #tpu.memory_space<vmem>>
    %swap3A_449 = arith.index_cast %swap3A_444 : i32 to index
    %swap3A_450 = arith.constant 0 : index
    %swap3A_451 = tpu.vector_load %swap3A_448[%swap3A_449, %swap3A_450] {strides = array<i32>} : memref<128x16xf32, #tpu.memory_space<vmem>>, vector<1x16xf32>,
    %swap3A_452 = vector.shape_cast %swap3A_451 : vector<1x16xf32> to vector<16xf32>
    %swap3A_453 = vector.shape_cast %broadcast_in_dim3A_3 : vector<16xf32> to vector<1x16xf32>
    tpu.vector_store %swap3A_448[%swap3A_449, %swap3A_450], %swap3A_453 {strides = array<i32>} : memref<128x16xf32, #tpu.memory_space<vmem>>, vector<1x16xf32>,
    %swap3A_454 = arith.constant 0 : i32
    %swap3A_455 = arith.constant 41 : i32
    %swap3A_456 = arith.constant 0 : i32
    %swap3A_457 = arith.constant 0 : i32
    %swap3A_458 = tpu.memref_slice %arg8[%swap3A_454, %swap3A_456, %swap3A_457] : memref<6x128x16xf32, #tpu.memory_space<vmem>> -> memref<1x128x16xf32, #tpu.memory_space<vmem>>
    %swap3A_459 = tpu.memref_squeeze %swap3A_458 : memref<1x128x16xf32, #tpu.memory_space<vmem>> -> memref<128x16xf32, #tpu.memory_space<vmem>>
    %swap3A_460 = arith.index_cast %swap3A_455 : i32 to index
    %swap3A_461 = arith.constant 0 : index
    %swap3A_462 = tpu.vector_load %swap3A_459[%swap3A_460, %swap3A_461] {strides = array<i32>} : memref<128x16xf32, #tpu.memory_space<vmem>>, vector<1x16xf32>,
    %swap3A_463 = vector.shape_cast %swap3A_462 : vector<1x16xf32> to vector<16xf32>
    %swap3A_464 = vector.shape_cast %broadcast_in_dim3A_3 : vector<16xf32> to vector<1x16xf32>
    tpu.vector_store %swap3A_459[%swap3A_460, %swap3A_461], %swap3A_464 {strides = array<i32>} : memref<128x16xf32, #tpu.memory_space<vmem>>, vector<1x16xf32>,
    %swap3A_465 = arith.constant 0 : i32
    %swap3A_466 = arith.constant 42 : i32
    %swap3A_467 = arith.constant 0 : i32
    %swap3A_468 = arith.constant 0 : i32
    %swap3A_469 = tpu.memref_slice %arg8[%swap3A_465, %swap3A_467, %swap3A_468] : memref<6x128x16xf32, #tpu.memory_space<vmem>> -> memref<1x128x16xf32, #tpu.memory_space<vmem>>
    %swap3A_470 = tpu.memref_squeeze %swap3A_469 : memref<1x128x16xf32, #tpu.memory_space<vmem>> -> memref<128x16xf32, #tpu.memory_space<vmem>>
    %swap3A_471 = arith.index_cast %swap3A_466 : i32 to index
    %swap3A_472 = arith.constant 0 : index
    %swap3A_473 = tpu.vector_load %swap3A_470[%swap3A_471, %swap3A_472] {strides = array<i32>} : memref<128x16xf32, #tpu.memory_space<vmem>>, vector<1x16xf32>,
    %swap3A_474 = vector.shape_cast %swap3A_473 : vector<1x16xf32> to vector<16xf32>
    %swap3A_475 = vector.shape_cast %broadcast_in_dim3A_3 : vector<16xf32> to vector<1x16xf32>
    tpu.vector_store %swap3A_470[%swap3A_471, %swap3A_472], %swap3A_475 {strides = array<i32>} : memref<128x16xf32, #tpu.memory_space<vmem>>, vector<1x16xf32>,
    %swap3A_476 = arith.constant 0 : i32
    %swap3A_477 = arith.constant 43 : i32
    %swap3A_478 = arith.constant 0 : i32
    %swap3A_479 = arith.constant 0 : i32
    %swap3A_480 = tpu.memref_slice %arg8[%swap3A_476, %swap3A_478, %swap3A_479] : memref<6x128x16xf32, #tpu.memory_space<vmem>> -> memref<1x128x16xf32, #tpu.memory_space<vmem>>
    %swap3A_481 = tpu.memref_squeeze %swap3A_480 : memref<1x128x16xf32, #tpu.memory_space<vmem>> -> memref<128x16xf32, #tpu.memory_space<vmem>>
    %swap3A_482 = arith.index_cast %swap3A_477 : i32 to index
    %swap3A_483 = arith.constant 0 : index
    %swap3A_484 = tpu.vector_load %swap3A_481[%swap3A_482, %swap3A_483] {strides = array<i32>} : memref<128x16xf32, #tpu.memory_space<vmem>>, vector<1x16xf32>,
    %swap3A_485 = vector.shape_cast %swap3A_484 : vector<1x16xf32> to vector<16xf32>
    %swap3A_486 = vector.shape_cast %broadcast_in_dim3A_3 : vector<16xf32> to vector<1x16xf32>
    tpu.vector_store %swap3A_481[%swap3A_482, %swap3A_483], %swap3A_486 {strides = array<i32>} : memref<128x16xf32, #tpu.memory_space<vmem>>, vector<1x16xf32>,
    %swap3A_487 = arith.constant 0 : i32
    %swap3A_488 = arith.constant 44 : i32
    %swap3A_489 = arith.constant 0 : i32
    %swap3A_490 = arith.constant 0 : i32
    %swap3A_491 = tpu.memref_slice %arg8[%swap3A_487, %swap3A_489, %swap3A_490] : memref<6x128x16xf32, #tpu.memory_space<vmem>> -> memref<1x128x16xf32, #tpu.memory_space<vmem>>
    %swap3A_492 = tpu.memref_squeeze %swap3A_491 : memref<1x128x16xf32, #tpu.memory_space<vmem>> -> memref<128x16xf32, #tpu.memory_space<vmem>>
    %swap3A_493 = arith.index_cast %swap3A_488 : i32 to index
    %swap3A_494 = arith.constant 0 : index
    %swap3A_495 = tpu.vector_load %swap3A_492[%swap3A_493, %swap3A_494] {strides = array<i32>} : memref<128x16xf32, #tpu.memory_space<vmem>>, vector<1x16xf32>,
    %swap3A_496 = vector.shape_cast %swap3A_495 : vector<1x16xf32> to vector<16xf32>
    %swap3A_497 = vector.shape_cast %broadcast_in_dim3A_3 : vector<16xf32> to vector<1x16xf32>
    tpu.vector_store %swap3A_492[%swap3A_493, %swap3A_494], %swap3A_497 {strides = array<i32>} : memref<128x16xf32, #tpu.memory_space<vmem>>, vector<1x16xf32>,
    %swap3A_498 = arith.constant 0 : i32
    %swap3A_499 = arith.constant 45 : i32
    %swap3A_500 = arith.constant 0 : i32
    %swap3A_501 = arith.constant 0 : i32
    %swap3A_502 = tpu.memref_slice %arg8[%swap3A_498, %swap3A_500, %swap3A_501] : memref<6x128x16xf32, #tpu.memory_space<vmem>> -> memref<1x128x16xf32, #tpu.memory_space<vmem>>
    %swap3A_503 = tpu.memref_squeeze %swap3A_502 : memref<1x128x16xf32, #tpu.memory_space<vmem>> -> memref<128x16xf32, #tpu.memory_space<vmem>>
    %swap3A_504 = arith.index_cast %swap3A_499 : i32 to index
    %swap3A_505 = arith.constant 0 : index
    %swap3A_506 = tpu.vector_load %swap3A_503[%swap3A_504, %swap3A_505] {strides = array<i32>} : memref<128x16xf32, #tpu.memory_space<vmem>>, vector<1x16xf32>,
    %swap3A_507 = vector.shape_cast %swap3A_506 : vector<1x16xf32> to vector<16xf32>
    %swap3A_508 = vector.shape_cast %broadcast_in_dim3A_3 : vector<16xf32> to vector<1x16xf32>
    tpu.vector_store %swap3A_503[%swap3A_504, %swap3A_505], %swap3A_508 {strides = array<i32>} : memref<128x16xf32, #tpu.memory_space<vmem>>, vector<1x16xf32>,
    %swap3A_509 = arith.constant 0 : i32
    %swap3A_510 = arith.constant 46 : i32
    %swap3A_511 = arith.constant 0 : i32
    %swap3A_512 = arith.constant 0 : i32
    %swap3A_513 = tpu.memref_slice %arg8[%swap3A_509, %swap3A_511, %swap3A_512] : memref<6x128x16xf32, #tpu.memory_space<vmem>> -> memref<1x128x16xf32, #tpu.memory_space<vmem>>
    %swap3A_514 = tpu.memref_squeeze %swap3A_513 : memref<1x128x16xf32, #tpu.memory_space<vmem>> -> memref<128x16xf32, #tpu.memory_space<vmem>>
    %swap3A_515 = arith.index_cast %swap3A_510 : i32 to index
    %swap3A_516 = arith.constant 0 : index
    %swap3A_517 = tpu.vector_load %swap3A_514[%swap3A_515, %swap3A_516] {strides = array<i32>} : memref<128x16xf32, #tpu.memory_space<vmem>>, vector<1x16xf32>,
    %swap3A_518 = vector.shape_cast %swap3A_517 : vector<1x16xf32> to vector<16xf32>
    %swap3A_519 = vector.shape_cast %broadcast_in_dim3A_3 : vector<16xf32> to vector<1x16xf32>
    tpu.vector_store %swap3A_514[%swap3A_515, %swap3A_516], %swap3A_519 {strides = array<i32>} : memref<128x16xf32, #tpu.memory_space<vmem>>, vector<1x16xf32>,
    %swap3A_520 = arith.constant 0 : i32
    %swap3A_521 = arith.constant 47 : i32
    %swap3A_522 = arith.constant 0 : i32
    %swap3A_523 = arith.constant 0 : i32
    %swap3A_524 = tpu.memref_slice %arg8[%swap3A_520, %swap3A_522, %swap3A_523] : memref<6x128x16xf32, #tpu.memory_space<vmem>> -> memref<1x128x16xf32, #tpu.memory_space<vmem>>
    %swap3A_525 = tpu.memref_squeeze %swap3A_524 : memref<1x128x16xf32, #tpu.memory_space<vmem>> -> memref<128x16xf32, #tpu.memory_space<vmem>>
    %swap3A_526 = arith.index_cast %swap3A_521 : i32 to index
    %swap3A_527 = arith.constant 0 : index
    %swap3A_528 = tpu.vector_load %swap3A_525[%swap3A_526, %swap3A_527] {strides = array<i32>} : memref<128x16xf32, #tpu.memory_space<vmem>>, vector<1x16xf32>,
    %swap3A_529 = vector.shape_cast %swap3A_528 : vector<1x16xf32> to vector<16xf32>
    %swap3A_530 = vector.shape_cast %broadcast_in_dim3A_3 : vector<16xf32> to vector<1x16xf32>
    tpu.vector_store %swap3A_525[%swap3A_526, %swap3A_527], %swap3A_530 {strides = array<i32>} : memref<128x16xf32, #tpu.memory_space<vmem>>, vector<1x16xf32>,
    %swap3A_531 = arith.constant 0 : i32
    %swap3A_532 = arith.constant 48 : i32
    %swap3A_533 = arith.constant 0 : i32
    %swap3A_534 = arith.constant 0 : i32
    %swap3A_535 = tpu.memref_slice %arg8[%swap3A_531, %swap3A_533, %swap3A_534] : memref<6x128x16xf32, #tpu.memory_space<vmem>> -> memref<1x128x16xf32, #tpu.memory_space<vmem>>
    %swap3A_536 = tpu.memref_squeeze %swap3A_535 : memref<1x128x16xf32, #tpu.memory_space<vmem>> -> memref<128x16xf32, #tpu.memory_space<vmem>>
    %swap3A_537 = arith.index_cast %swap3A_532 : i32 to index
    %swap3A_538 = arith.constant 0 : index
    %swap3A_539 = tpu.vector_load %swap3A_536[%swap3A_537, %swap3A_538] {strides = array<i32>} : memref<128x16xf32, #tpu.memory_space<vmem>>, vector<1x16xf32>,
    %swap3A_540 = vector.shape_cast %swap3A_539 : vector<1x16xf32> to vector<16xf32>
    %swap3A_541 = vector.shape_cast %broadcast_in_dim3A_3 : vector<16xf32> to vector<1x16xf32>
    tpu.vector_store %swap3A_536[%swap3A_537, %swap3A_538], %swap3A_541 {strides = array<i32>} : memref<128x16xf32, #tpu.memory_space<vmem>>, vector<1x16xf32>,
    %swap3A_542 = arith.constant 0 : i32
    %swap3A_543 = arith.constant 49 : i32
    %swap3A_544 = arith.constant 0 : i32
    %swap3A_545 = arith.constant 0 : i32
    %swap3A_546 = tpu.memref_slice %arg8[%swap3A_542, %swap3A_544, %swap3A_545] : memref<6x128x16xf32, #tpu.memory_space<vmem>> -> memref<1x128x16xf32, #tpu.memory_space<vmem>>
    %swap3A_547 = tpu.memref_squeeze %swap3A_546 : memref<1x128x16xf32, #tpu.memory_space<vmem>> -> memref<128x16xf32, #tpu.memory_space<vmem>>
    %swap3A_548 = arith.index_cast %swap3A_543 : i32 to index
    %swap3A_549 = arith.constant 0 : index
    %swap3A_550 = tpu.vector_load %swap3A_547[%swap3A_548, %swap3A_549] {strides = array<i32>} : memref<128x16xf32, #tpu.memory_space<vmem>>, vector<1x16xf32>,
    %swap3A_551 = vector.shape_cast %swap3A_550 : vector<1x16xf32> to vector<16xf32>
    %swap3A_552 = vector.shape_cast %broadcast_in_dim3A_3 : vector<16xf32> to vector<1x16xf32>
    tpu.vector_store %swap3A_547[%swap3A_548, %swap3A_549], %swap3A_552 {strides = array<i32>} : memref<128x16xf32, #tpu.memory_space<vmem>>, vector<1x16xf32>,
    %swap3A_553 = arith.constant 0 : i32
    %swap3A_554 = arith.constant 50 : i32
    %swap3A_555 = arith.constant 0 : i32
    %swap3A_556 = arith.constant 0 : i32
    %swap3A_557 = tpu.memref_slice %arg8[%swap3A_553, %swap3A_555, %swap3A_556] : memref<6x128x16xf32, #tpu.memory_space<vmem>> -> memref<1x128x16xf32, #tpu.memory_space<vmem>>
    %swap3A_558 = tpu.memref_squeeze %swap3A_557 : memref<1x128x16xf32, #tpu.memory_space<vmem>> -> memref<128x16xf32, #tpu.memory_space<vmem>>
    %swap3A_559 = arith.index_cast %swap3A_554 : i32 to index
    %swap3A_560 = arith.constant 0 : index
    %swap3A_561 = tpu.vector_load %swap3A_558[%swap3A_559, %swap3A_560] {strides = array<i32>} : memref<128x16xf32, #tpu.memory_space<vmem>>, vector<1x16xf32>,
    %swap3A_562 = vector.shape_cast %swap3A_561 : vector<1x16xf32> to vector<16xf32>
    %swap3A_563 = vector.shape_cast %broadcast_in_dim3A_3 : vector<16xf32> to vector<1x16xf32>
    tpu.vector_store %swap3A_558[%swap3A_559, %swap3A_560], %swap3A_563 {strides = array<i32>} : memref<128x16xf32, #tpu.memory_space<vmem>>, vector<1x16xf32>,
    %swap3A_564 = arith.constant 0 : i32
    %swap3A_565 = arith.constant 51 : i32
    %swap3A_566 = arith.constant 0 : i32
    %swap3A_567 = arith.constant 0 : i32
    %swap3A_568 = tpu.memref_slice %arg8[%swap3A_564, %swap3A_566, %swap3A_567] : memref<6x128x16xf32, #tpu.memory_space<vmem>> -> memref<1x128x16xf32, #tpu.memory_space<vmem>>
    %swap3A_569 = tpu.memref_squeeze %swap3A_568 : memref<1x128x16xf32, #tpu.memory_space<vmem>> -> memref<128x16xf32, #tpu.memory_space<vmem>>
    %swap3A_570 = arith.index_cast %swap3A_565 : i32 to index
    %swap3A_571 = arith.constant 0 : index
    %swap3A_572 = tpu.vector_load %swap3A_569[%swap3A_570, %swap3A_571] {strides = array<i32>} : memref<128x16xf32, #tpu.memory_space<vmem>>, vector<1x16xf32>,
    %swap3A_573 = vector.shape_cast %swap3A_572 : vector<1x16xf32> to vector<16xf32>
    %swap3A_574 = vector.shape_cast %broadcast_in_dim3A_3 : vector<16xf32> to vector<1x16xf32>
    tpu.vector_store %swap3A_569[%swap3A_570, %swap3A_571], %swap3A_574 {strides = array<i32>} : memref<128x16xf32, #tpu.memory_space<vmem>>, vector<1x16xf32>,
    %swap3A_575 = arith.constant 0 : i32
    %swap3A_576 = arith.constant 52 : i32
    %swap3A_577 = arith.constant 0 : i32
    %swap3A_578 = arith.constant 0 : i32
    %swap3A_579 = tpu.memref_slice %arg8[%swap3A_575, %swap3A_577, %swap3A_578] : memref<6x128x16xf32, #tpu.memory_space<vmem>> -> memref<1x128x16xf32, #tpu.memory_space<vmem>>
    %swap3A_580 = tpu.memref_squeeze %swap3A_579 : memref<1x128x16xf32, #tpu.memory_space<vmem>> -> memref<128x16xf32, #tpu.memory_space<vmem>>
    %swap3A_581 = arith.index_cast %swap3A_576 : i32 to index
    %swap3A_582 = arith.constant 0 : index
    %swap3A_583 = tpu.vector_load %swap3A_580[%swap3A_581, %swap3A_582] {strides = array<i32>} : memref<128x16xf32, #tpu.memory_space<vmem>>, vector<1x16xf32>,
    %swap3A_584 = vector.shape_cast %swap3A_583 : vector<1x16xf32> to vector<16xf32>
    %swap3A_585 = vector.shape_cast %broadcast_in_dim3A_3 : vector<16xf32> to vector<1x16xf32>
    tpu.vector_store %swap3A_580[%swap3A_581, %swap3A_582], %swap3A_585 {strides = array<i32>} : memref<128x16xf32, #tpu.memory_space<vmem>>, vector<1x16xf32>,
    %swap3A_586 = arith.constant 0 : i32
    %swap3A_587 = arith.constant 53 : i32
    %swap3A_588 = arith.constant 0 : i32
    %swap3A_589 = arith.constant 0 : i32
    %swap3A_590 = tpu.memref_slice %arg8[%swap3A_586, %swap3A_588, %swap3A_589] : memref<6x128x16xf32, #tpu.memory_space<vmem>> -> memref<1x128x16xf32, #tpu.memory_space<vmem>>
    %swap3A_591 = tpu.memref_squeeze %swap3A_590 : memref<1x128x16xf32, #tpu.memory_space<vmem>> -> memref<128x16xf32, #tpu.memory_space<vmem>>
    %swap3A_592 = arith.index_cast %swap3A_587 : i32 to index
    %swap3A_593 = arith.constant 0 : index
    %swap3A_594 = tpu.vector_load %swap3A_591[%swap3A_592, %swap3A_593] {strides = array<i32>} : memref<128x16xf32, #tpu.memory_space<vmem>>, vector<1x16xf32>,
    %swap3A_595 = vector.shape_cast %swap3A_594 : vector<1x16xf32> to vector<16xf32>
    %swap3A_596 = vector.shape_cast %broadcast_in_dim3A_3 : vector<16xf32> to vector<1x16xf32>
    tpu.vector_store %swap3A_591[%swap3A_592, %swap3A_593], %swap3A_596 {strides = array<i32>} : memref<128x16xf32, #tpu.memory_space<vmem>>, vector<1x16xf32>,
    %swap3A_597 = arith.constant 0 : i32
    %swap3A_598 = arith.constant 54 : i32
    %swap3A_599 = arith.constant 0 : i32
    %swap3A_600 = arith.constant 0 : i32
    %swap3A_601 = tpu.memref_slice %arg8[%swap3A_597, %swap3A_599, %swap3A_600] : memref<6x128x16xf32, #tpu.memory_space<vmem>> -> memref<1x128x16xf32, #tpu.memory_space<vmem>>
    %swap3A_602 = tpu.memref_squeeze %swap3A_601 : memref<1x128x16xf32, #tpu.memory_space<vmem>> -> memref<128x16xf32, #tpu.memory_space<vmem>>
    %swap3A_603 = arith.index_cast %swap3A_598 : i32 to index
    %swap3A_604 = arith.constant 0 : index
    %swap3A_605 = tpu.vector_load %swap3A_602[%swap3A_603, %swap3A_604] {strides = array<i32>} : memref<128x16xf32, #tpu.memory_space<vmem>>, vector<1x16xf32>,
    %swap3A_606 = vector.shape_cast %swap3A_605 : vector<1x16xf32> to vector<16xf32>
    %swap3A_607 = vector.shape_cast %broadcast_in_dim3A_3 : vector<16xf32> to vector<1x16xf32>
    tpu.vector_store %swap3A_602[%swap3A_603, %swap3A_604], %swap3A_607 {strides = array<i32>} : memref<128x16xf32, #tpu.memory_space<vmem>>, vector<1x16xf32>,
    %swap3A_608 = arith.constant 0 : i32
    %swap3A_609 = arith.constant 55 : i32
    %swap3A_610 = arith.constant 0 : i32
    %swap3A_611 = arith.constant 0 : i32
    %swap3A_612 = tpu.memref_slice %arg8[%swap3A_608, %swap3A_610, %swap3A_611] : memref<6x128x16xf32, #tpu.memory_space<vmem>> -> memref<1x128x16xf32, #tpu.memory_space<vmem>>
    %swap3A_613 = tpu.memref_squeeze %swap3A_612 : memref<1x128x16xf32, #tpu.memory_space<vmem>> -> memref<128x16xf32, #tpu.memory_space<vmem>>
    %swap3A_614 = arith.index_cast %swap3A_609 : i32 to index
    %swap3A_615 = arith.constant 0 : index
    %swap3A_616 = tpu.vector_load %swap3A_613[%swap3A_614, %swap3A_615] {strides = array<i32>} : memref<128x16xf32, #tpu.memory_space<vmem>>, vector<1x16xf32>,
    %swap3A_617 = vector.shape_cast %swap3A_616 : vector<1x16xf32> to vector<16xf32>
    %swap3A_618 = vector.shape_cast %broadcast_in_dim3A_3 : vector<16xf32> to vector<1x16xf32>
    tpu.vector_store %swap3A_613[%swap3A_614, %swap3A_615], %swap3A_618 {strides = array<i32>} : memref<128x16xf32, #tpu.memory_space<vmem>>, vector<1x16xf32>,
    %swap3A_619 = arith.constant 0 : i32
    %swap3A_620 = arith.constant 56 : i32
    %swap3A_621 = arith.constant 0 : i32
    %swap3A_622 = arith.constant 0 : i32
    %swap3A_623 = tpu.memref_slice %arg8[%swap3A_619, %swap3A_621, %swap3A_622] : memref<6x128x16xf32, #tpu.memory_space<vmem>> -> memref<1x128x16xf32, #tpu.memory_space<vmem>>
    %swap3A_624 = tpu.memref_squeeze %swap3A_623 : memref<1x128x16xf32, #tpu.memory_space<vmem>> -> memref<128x16xf32, #tpu.memory_space<vmem>>
    %swap3A_625 = arith.index_cast %swap3A_620 : i32 to index
    %swap3A_626 = arith.constant 0 : index
    %swap3A_627 = tpu.vector_load %swap3A_624[%swap3A_625, %swap3A_626] {strides = array<i32>} : memref<128x16xf32, #tpu.memory_space<vmem>>, vector<1x16xf32>,
    %swap3A_628 = vector.shape_cast %swap3A_627 : vector<1x16xf32> to vector<16xf32>
    %swap3A_629 = vector.shape_cast %broadcast_in_dim3A_3 : vector<16xf32> to vector<1x16xf32>
    tpu.vector_store %swap3A_624[%swap3A_625, %swap3A_626], %swap3A_629 {strides = array<i32>} : memref<128x16xf32, #tpu.memory_space<vmem>>, vector<1x16xf32>,
    %swap3A_630 = arith.constant 0 : i32
    %swap3A_631 = arith.constant 57 : i32
    %swap3A_632 = arith.constant 0 : i32
    %swap3A_633 = arith.constant 0 : i32
    %swap3A_634 = tpu.memref_slice %arg8[%swap3A_630, %swap3A_632, %swap3A_633] : memref<6x128x16xf32, #tpu.memory_space<vmem>> -> memref<1x128x16xf32, #tpu.memory_space<vmem>>
    %swap3A_635 = tpu.memref_squeeze %swap3A_634 : memref<1x128x16xf32, #tpu.memory_space<vmem>> -> memref<128x16xf32, #tpu.memory_space<vmem>>
    %swap3A_636 = arith.index_cast %swap3A_631 : i32 to index
    %swap3A_637 = arith.constant 0 : index
    %swap3A_638 = tpu.vector_load %swap3A_635[%swap3A_636, %swap3A_637] {strides = array<i32>} : memref<128x16xf32, #tpu.memory_space<vmem>>, vector<1x16xf32>,
    %swap3A_639 = vector.shape_cast %swap3A_638 : vector<1x16xf32> to vector<16xf32>
    %swap3A_640 = vector.shape_cast %broadcast_in_dim3A_3 : vector<16xf32> to vector<1x16xf32>
    tpu.vector_store %swap3A_635[%swap3A_636, %swap3A_637], %swap3A_640 {strides = array<i32>} : memref<128x16xf32, #tpu.memory_space<vmem>>, vector<1x16xf32>,
    %swap3A_641 = arith.constant 0 : i32
    %swap3A_642 = arith.constant 58 : i32
    %swap3A_643 = arith.constant 0 : i32
    %swap3A_644 = arith.constant 0 : i32
    %swap3A_645 = tpu.memref_slice %arg8[%swap3A_641, %swap3A_643, %swap3A_644] : memref<6x128x16xf32, #tpu.memory_space<vmem>> -> memref<1x128x16xf32, #tpu.memory_space<vmem>>
    %swap3A_646 = tpu.memref_squeeze %swap3A_645 : memref<1x128x16xf32, #tpu.memory_space<vmem>> -> memref<128x16xf32, #tpu.memory_space<vmem>>
    %swap3A_647 = arith.index_cast %swap3A_642 : i32 to index
    %swap3A_648 = arith.constant 0 : index
    %swap3A_649 = tpu.vector_load %swap3A_646[%swap3A_647, %swap3A_648] {strides = array<i32>} : memref<128x16xf32, #tpu.memory_space<vmem>>, vector<1x16xf32>,
    %swap3A_650 = vector.shape_cast %swap3A_649 : vector<1x16xf32> to vector<16xf32>
    %swap3A_651 = vector.shape_cast %broadcast_in_dim3A_3 : vector<16xf32> to vector<1x16xf32>
    tpu.vector_store %swap3A_646[%swap3A_647, %swap3A_648], %swap3A_651 {strides = array<i32>} : memref<128x16xf32, #tpu.memory_space<vmem>>, vector<1x16xf32>,
    %swap3A_652 = arith.constant 0 : i32
    %swap3A_653 = arith.constant 59 : i32
    %swap3A_654 = arith.constant 0 : i32
    %swap3A_655 = arith.constant 0 : i32
    %swap3A_656 = tpu.memref_slice %arg8[%swap3A_652, %swap3A_654, %swap3A_655] : memref<6x128x16xf32, #tpu.memory_space<vmem>> -> memref<1x128x16xf32, #tpu.memory_space<vmem>>
    %swap3A_657 = tpu.memref_squeeze %swap3A_656 : memref<1x128x16xf32, #tpu.memory_space<vmem>> -> memref<128x16xf32, #tpu.memory_space<vmem>>
    %swap3A_658 = arith.index_cast %swap3A_653 : i32 to index
    %swap3A_659 = arith.constant 0 : index
    %swap3A_660 = tpu.vector_load %swap3A_657[%swap3A_658, %swap3A_659] {strides = array<i32>} : memref<128x16xf32, #tpu.memory_space<vmem>>, vector<1x16xf32>,
    %swap3A_661 = vector.shape_cast %swap3A_660 : vector<1x16xf32> to vector<16xf32>
    %swap3A_662 = vector.shape_cast %broadcast_in_dim3A_3 : vector<16xf32> to vector<1x16xf32>
    tpu.vector_store %swap3A_657[%swap3A_658, %swap3A_659], %swap3A_662 {strides = array<i32>} : memref<128x16xf32, #tpu.memory_space<vmem>>, vector<1x16xf32>,
    %swap3A_663 = arith.constant 0 : i32
    %swap3A_664 = arith.constant 60 : i32
    %swap3A_665 = arith.constant 0 : i32
    %swap3A_666 = arith.constant 0 : i32
    %swap3A_667 = tpu.memref_slice %arg8[%swap3A_663, %swap3A_665, %swap3A_666] : memref<6x128x16xf32, #tpu.memory_space<vmem>> -> memref<1x128x16xf32, #tpu.memory_space<vmem>>
    %swap3A_668 = tpu.memref_squeeze %swap3A_667 : memref<1x128x16xf32, #tpu.memory_space<vmem>> -> memref<128x16xf32, #tpu.memory_space<vmem>>
    %swap3A_669 = arith.index_cast %swap3A_664 : i32 to index
    %swap3A_670 = arith.constant 0 : index
    %swap3A_671 = tpu.vector_load %swap3A_668[%swap3A_669, %swap3A_670] {strides = array<i32>} : memref<128x16xf32, #tpu.memory_space<vmem>>, vector<1x16xf32>,
    %swap3A_672 = vector.shape_cast %swap3A_671 : vector<1x16xf32> to vector<16xf32>
    %swap3A_673 = vector.shape_cast %broadcast_in_dim3A_3 : vector<16xf32> to vector<1x16xf32>
    tpu.vector_store %swap3A_668[%swap3A_669, %swap3A_670], %swap3A_673 {strides = array<i32>} : memref<128x16xf32, #tpu.memory_space<vmem>>, vector<1x16xf32>,
    %swap3A_674 = arith.constant 0 : i32
    %swap3A_675 = arith.constant 61 : i32
    %swap3A_676 = arith.constant 0 : i32
    %swap3A_677 = arith.constant 0 : i32
    %swap3A_678 = tpu.memref_slice %arg8[%swap3A_674, %swap3A_676, %swap3A_677] : memref<6x128x16xf32, #tpu.memory_space<vmem>> -> memref<1x128x16xf32, #tpu.memory_space<vmem>>
    %swap3A_679 = tpu.memref_squeeze %swap3A_678 : memref<1x128x16xf32, #tpu.memory_space<vmem>> -> memref<128x16xf32, #tpu.memory_space<vmem>>
    %swap3A_680 = arith.index_cast %swap3A_675 : i32 to index
    %swap3A_681 = arith.constant 0 : index
    %swap3A_682 = tpu.vector_load %swap3A_679[%swap3A_680, %swap3A_681] {strides = array<i32>} : memref<128x16xf32, #tpu.memory_space<vmem>>, vector<1x16xf32>,
    %swap3A_683 = vector.shape_cast %swap3A_682 : vector<1x16xf32> to vector<16xf32>
    %swap3A_684 = vector.shape_cast %broadcast_in_dim3A_3 : vector<16xf32> to vector<1x16xf32>
    tpu.vector_store %swap3A_679[%swap3A_680, %swap3A_681], %swap3A_684 {strides = array<i32>} : memref<128x16xf32, #tpu.memory_space<vmem>>, vector<1x16xf32>,
    %swap3A_685 = arith.constant 0 : i32
    %swap3A_686 = arith.constant 62 : i32
    %swap3A_687 = arith.constant 0 : i32
    %swap3A_688 = arith.constant 0 : i32
    %swap3A_689 = tpu.memref_slice %arg8[%swap3A_685, %swap3A_687, %swap3A_688] : memref<6x128x16xf32, #tpu.memory_space<vmem>> -> memref<1x128x16xf32, #tpu.memory_space<vmem>>
    %swap3A_690 = tpu.memref_squeeze %swap3A_689 : memref<1x128x16xf32, #tpu.memory_space<vmem>> -> memref<128x16xf32, #tpu.memory_space<vmem>>
    %swap3A_691 = arith.index_cast %swap3A_686 : i32 to index
    %swap3A_692 = arith.constant 0 : index
    %swap3A_693 = tpu.vector_load %swap3A_690[%swap3A_691, %swap3A_692] {strides = array<i32>} : memref<128x16xf32, #tpu.memory_space<vmem>>, vector<1x16xf32>,
    %swap3A_694 = vector.shape_cast %swap3A_693 : vector<1x16xf32> to vector<16xf32>
    %swap3A_695 = vector.shape_cast %broadcast_in_dim3A_3 : vector<16xf32> to vector<1x16xf32>
    tpu.vector_store %swap3A_690[%swap3A_691, %swap3A_692], %swap3A_695 {strides = array<i32>} : memref<128x16xf32, #tpu.memory_space<vmem>>, vector<1x16xf32>,
    %swap3A_696 = arith.constant 0 : i32
    %swap3A_697 = arith.constant 63 : i32
    %swap3A_698 = arith.constant 0 : i32
    %swap3A_699 = arith.constant 0 : i32
    %swap3A_700 = tpu.memref_slice %arg8[%swap3A_696, %swap3A_698, %swap3A_699] : memref<6x128x16xf32, #tpu.memory_space<vmem>> -> memref<1x128x16xf32, #tpu.memory_space<vmem>>
    %swap3A_701 = tpu.memref_squeeze %swap3A_700 : memref<1x128x16xf32, #tpu.memory_space<vmem>> -> memref<128x16xf32, #tpu.memory_space<vmem>>
    %swap3A_702 = arith.index_cast %swap3A_697 : i32 to index
    %swap3A_703 = arith.constant 0 : index
    %swap3A_704 = tpu.vector_load %swap3A_701[%swap3A_702, %swap3A_703] {strides = array<i32>} : memref<128x16xf32, #tpu.memory_space<vmem>>, vector<1x16xf32>,
    %swap3A_705 = vector.shape_cast %swap3A_704 : vector<1x16xf32> to vector<16xf32>
    %swap3A_706 = vector.shape_cast %broadcast_in_dim3A_3 : vector<16xf32> to vector<1x16xf32>
    tpu.vector_store %swap3A_701[%swap3A_702, %swap3A_703], %swap3A_706 {strides = array<i32>} : memref<128x16xf32, #tpu.memory_space<vmem>>, vector<1x16xf32>,
    %swap3A_707 = arith.constant 0 : i32
    %swap3A_708 = arith.constant 64 : i32
    %swap3A_709 = arith.constant 0 : i32
    %swap3A_710 = arith.constant 0 : i32
    %swap3A_711 = tpu.memref_slice %arg8[%swap3A_707, %swap3A_709, %swap3A_710] : memref<6x128x16xf32, #tpu.memory_space<vmem>> -> memref<1x128x16xf32, #tpu.memory_space<vmem>>
    %swap3A_712 = tpu.memref_squeeze %swap3A_711 : memref<1x128x16xf32, #tpu.memory_space<vmem>> -> memref<128x16xf32, #tpu.memory_space<vmem>>
    %swap3A_713 = arith.index_cast %swap3A_708 : i32 to index
    %swap3A_714 = arith.constant 0 : index
    %swap3A_715 = tpu.vector_load %swap3A_712[%swap3A_713, %swap3A_714] {strides = array<i32>} : memref<128x16xf32, #tpu.memory_space<vmem>>, vector<1x16xf32>,
    %swap3A_716 = vector.shape_cast %swap3A_715 : vector<1x16xf32> to vector<16xf32>
    %swap3A_717 = vector.shape_cast %broadcast_in_dim3A_3 : vector<16xf32> to vector<1x16xf32>
    tpu.vector_store %swap3A_712[%swap3A_713, %swap3A_714], %swap3A_717 {strides = array<i32>} : memref<128x16xf32, #tpu.memory_space<vmem>>, vector<1x16xf32>,
    %swap3A_718 = arith.constant 0 : i32
    %swap3A_719 = arith.constant 65 : i32
    %swap3A_720 = arith.constant 0 : i32
    %swap3A_721 = arith.constant 0 : i32
    %swap3A_722 = tpu.memref_slice %arg8[%swap3A_718, %swap3A_720, %swap3A_721] : memref<6x128x16xf32, #tpu.memory_space<vmem>> -> memref<1x128x16xf32, #tpu.memory_space<vmem>>
    %swap3A_723 = tpu.memref_squeeze %swap3A_722 : memref<1x128x16xf32, #tpu.memory_space<vmem>> -> memref<128x16xf32, #tpu.memory_space<vmem>>
    %swap3A_724 = arith.index_cast %swap3A_719 : i32 to index
    %swap3A_725 = arith.constant 0 : index
    %swap3A_726 = tpu.vector_load %swap3A_723[%swap3A_724, %swap3A_725] {strides = array<i32>} : memref<128x16xf32, #tpu.memory_space<vmem>>, vector<1x16xf32>,
    %swap3A_727 = vector.shape_cast %swap3A_726 : vector<1x16xf32> to vector<16xf32>
    %swap3A_728 = vector.shape_cast %broadcast_in_dim3A_3 : vector<16xf32> to vector<1x16xf32>
    tpu.vector_store %swap3A_723[%swap3A_724, %swap3A_725], %swap3A_728 {strides = array<i32>} : memref<128x16xf32, #tpu.memory_space<vmem>>, vector<1x16xf32>,
    %swap3A_729 = arith.constant 0 : i32
    %swap3A_730 = arith.constant 66 : i32
    %swap3A_731 = arith.constant 0 : i32
    %swap3A_732 = arith.constant 0 : i32
    %swap3A_733 = tpu.memref_slice %arg8[%swap3A_729, %swap3A_731, %swap3A_732] : memref<6x128x16xf32, #tpu.memory_space<vmem>> -> memref<1x128x16xf32, #tpu.memory_space<vmem>>
    %swap3A_734 = tpu.memref_squeeze %swap3A_733 : memref<1x128x16xf32, #tpu.memory_space<vmem>> -> memref<128x16xf32, #tpu.memory_space<vmem>>
    %swap3A_735 = arith.index_cast %swap3A_730 : i32 to index
    %swap3A_736 = arith.constant 0 : index
    %swap3A_737 = tpu.vector_load %swap3A_734[%swap3A_735, %swap3A_736] {strides = array<i32>} : memref<128x16xf32, #tpu.memory_space<vmem>>, vector<1x16xf32>,
    %swap3A_738 = vector.shape_cast %swap3A_737 : vector<1x16xf32> to vector<16xf32>
    %swap3A_739 = vector.shape_cast %broadcast_in_dim3A_3 : vector<16xf32> to vector<1x16xf32>
    tpu.vector_store %swap3A_734[%swap3A_735, %swap3A_736], %swap3A_739 {strides = array<i32>} : memref<128x16xf32, #tpu.memory_space<vmem>>, vector<1x16xf32>,
    %swap3A_740 = arith.constant 0 : i32
    %swap3A_741 = arith.constant 67 : i32
    %swap3A_742 = arith.constant 0 : i32
    %swap3A_743 = arith.constant 0 : i32
    %swap3A_744 = tpu.memref_slice %arg8[%swap3A_740, %swap3A_742, %swap3A_743] : memref<6x128x16xf32, #tpu.memory_space<vmem>> -> memref<1x128x16xf32, #tpu.memory_space<vmem>>
    %swap3A_745 = tpu.memref_squeeze %swap3A_744 : memref<1x128x16xf32, #tpu.memory_space<vmem>> -> memref<128x16xf32, #tpu.memory_space<vmem>>
    %swap3A_746 = arith.index_cast %swap3A_741 : i32 to index
    %swap3A_747 = arith.constant 0 : index
    %swap3A_748 = tpu.vector_load %swap3A_745[%swap3A_746, %swap3A_747] {strides = array<i32>} : memref<128x16xf32, #tpu.memory_space<vmem>>, vector<1x16xf32>,
    %swap3A_749 = vector.shape_cast %swap3A_748 : vector<1x16xf32> to vector<16xf32>
    %swap3A_750 = vector.shape_cast %broadcast_in_dim3A_3 : vector<16xf32> to vector<1x16xf32>
    tpu.vector_store %swap3A_745[%swap3A_746, %swap3A_747], %swap3A_750 {strides = array<i32>} : memref<128x16xf32, #tpu.memory_space<vmem>>, vector<1x16xf32>,
    %swap3A_751 = arith.constant 0 : i32
    %swap3A_752 = arith.constant 68 : i32
    %swap3A_753 = arith.constant 0 : i32
    %swap3A_754 = arith.constant 0 : i32
    %swap3A_755 = tpu.memref_slice %arg8[%swap3A_751, %swap3A_753, %swap3A_754] : memref<6x128x16xf32, #tpu.memory_space<vmem>> -> memref<1x128x16xf32, #tpu.memory_space<vmem>>
    %swap3A_756 = tpu.memref_squeeze %swap3A_755 : memref<1x128x16xf32, #tpu.memory_space<vmem>> -> memref<128x16xf32, #tpu.memory_space<vmem>>
    %swap3A_757 = arith.index_cast %swap3A_752 : i32 to index
    %swap3A_758 = arith.constant 0 : index
    %swap3A_759 = tpu.vector_load %swap3A_756[%swap3A_757, %swap3A_758] {strides = array<i32>} : memref<128x16xf32, #tpu.memory_space<vmem>>, vector<1x16xf32>,
    %swap3A_760 = vector.shape_cast %swap3A_759 : vector<1x16xf32> to vector<16xf32>
    %swap3A_761 = vector.shape_cast %broadcast_in_dim3A_3 : vector<16xf32> to vector<1x16xf32>
    tpu.vector_store %swap3A_756[%swap3A_757, %swap3A_758], %swap3A_761 {strides = array<i32>} : memref<128x16xf32, #tpu.memory_space<vmem>>, vector<1x16xf32>,
    %swap3A_762 = arith.constant 0 : i32
    %swap3A_763 = arith.constant 69 : i32
    %swap3A_764 = arith.constant 0 : i32
    %swap3A_765 = arith.constant 0 : i32
    %swap3A_766 = tpu.memref_slice %arg8[%swap3A_762, %swap3A_764, %swap3A_765] : memref<6x128x16xf32, #tpu.memory_space<vmem>> -> memref<1x128x16xf32, #tpu.memory_space<vmem>>
    %swap3A_767 = tpu.memref_squeeze %swap3A_766 : memref<1x128x16xf32, #tpu.memory_space<vmem>> -> memref<128x16xf32, #tpu.memory_space<vmem>>
    %swap3A_768 = arith.index_cast %swap3A_763 : i32 to index
    %swap3A_769 = arith.constant 0 : index
    %swap3A_770 = tpu.vector_load %swap3A_767[%swap3A_768, %swap3A_769] {strides = array<i32>} : memref<128x16xf32, #tpu.memory_space<vmem>>, vector<1x16xf32>,
    %swap3A_771 = vector.shape_cast %swap3A_770 : vector<1x16xf32> to vector<16xf32>
    %swap3A_772 = vector.shape_cast %broadcast_in_dim3A_3 : vector<16xf32> to vector<1x16xf32>
    tpu.vector_store %swap3A_767[%swap3A_768, %swap3A_769], %swap3A_772 {strides = array<i32>} : memref<128x16xf32, #tpu.memory_space<vmem>>, vector<1x16xf32>,
    %swap3A_773 = arith.constant 0 : i32
    %swap3A_774 = arith.constant 70 : i32
    %swap3A_775 = arith.constant 0 : i32
    %swap3A_776 = arith.constant 0 : i32
    %swap3A_777 = tpu.memref_slice %arg8[%swap3A_773, %swap3A_775, %swap3A_776] : memref<6x128x16xf32, #tpu.memory_space<vmem>> -> memref<1x128x16xf32, #tpu.memory_space<vmem>>
    %swap3A_778 = tpu.memref_squeeze %swap3A_777 : memref<1x128x16xf32, #tpu.memory_space<vmem>> -> memref<128x16xf32, #tpu.memory_space<vmem>>
    %swap3A_779 = arith.index_cast %swap3A_774 : i32 to index
    %swap3A_780 = arith.constant 0 : index
    %swap3A_781 = tpu.vector_load %swap3A_778[%swap3A_779, %swap3A_780] {strides = array<i32>} : memref<128x16xf32, #tpu.memory_space<vmem>>, vector<1x16xf32>,
    %swap3A_782 = vector.shape_cast %swap3A_781 : vector<1x16xf32> to vector<16xf32>
    %swap3A_783 = vector.shape_cast %broadcast_in_dim3A_3 : vector<16xf32> to vector<1x16xf32>
    tpu.vector_store %swap3A_778[%swap3A_779, %swap3A_780], %swap3A_783 {strides = array<i32>} : memref<128x16xf32, #tpu.memory_space<vmem>>, vector<1x16xf32>,
    %swap3A_784 = arith.constant 0 : i32
    %swap3A_785 = arith.constant 71 : i32
    %swap3A_786 = arith.constant 0 : i32
    %swap3A_787 = arith.constant 0 : i32
    %swap3A_788 = tpu.memref_slice %arg8[%swap3A_784, %swap3A_786, %swap3A_787] : memref<6x128x16xf32, #tpu.memory_space<vmem>> -> memref<1x128x16xf32, #tpu.memory_space<vmem>>
    %swap3A_789 = tpu.memref_squeeze %swap3A_788 : memref<1x128x16xf32, #tpu.memory_space<vmem>> -> memref<128x16xf32, #tpu.memory_space<vmem>>
    %swap3A_790 = arith.index_cast %swap3A_785 : i32 to index
    %swap3A_791 = arith.constant 0 : index
    %swap3A_792 = tpu.vector_load %swap3A_789[%swap3A_790, %swap3A_791] {strides = array<i32>} : memref<128x16xf32, #tpu.memory_space<vmem>>, vector<1x16xf32>,
    %swap3A_793 = vector.shape_cast %swap3A_792 : vector<1x16xf32> to vector<16xf32>
    %swap3A_794 = vector.shape_cast %broadcast_in_dim3A_3 : vector<16xf32> to vector<1x16xf32>
    tpu.vector_store %swap3A_789[%swap3A_790, %swap3A_791], %swap3A_794 {strides = array<i32>} : memref<128x16xf32, #tpu.memory_space<vmem>>, vector<1x16xf32>,
    %swap3A_795 = arith.constant 0 : i32
    %swap3A_796 = arith.constant 72 : i32
    %swap3A_797 = arith.constant 0 : i32
    %swap3A_798 = arith.constant 0 : i32
    %swap3A_799 = tpu.memref_slice %arg8[%swap3A_795, %swap3A_797, %swap3A_798] : memref<6x128x16xf32, #tpu.memory_space<vmem>> -> memref<1x128x16xf32, #tpu.memory_space<vmem>>
    %swap3A_800 = tpu.memref_squeeze %swap3A_799 : memref<1x128x16xf32, #tpu.memory_space<vmem>> -> memref<128x16xf32, #tpu.memory_space<vmem>>
    %swap3A_801 = arith.index_cast %swap3A_796 : i32 to index
    %swap3A_802 = arith.constant 0 : index
    %swap3A_803 = tpu.vector_load %swap3A_800[%swap3A_801, %swap3A_802] {strides = array<i32>} : memref<128x16xf32, #tpu.memory_space<vmem>>, vector<1x16xf32>,
    %swap3A_804 = vector.shape_cast %swap3A_803 : vector<1x16xf32> to vector<16xf32>
    %swap3A_805 = vector.shape_cast %broadcast_in_dim3A_3 : vector<16xf32> to vector<1x16xf32>
    tpu.vector_store %swap3A_800[%swap3A_801, %swap3A_802], %swap3A_805 {strides = array<i32>} : memref<128x16xf32, #tpu.memory_space<vmem>>, vector<1x16xf32>,
    %swap3A_806 = arith.constant 0 : i32
    %swap3A_807 = arith.constant 73 : i32
    %swap3A_808 = arith.constant 0 : i32
    %swap3A_809 = arith.constant 0 : i32
    %swap3A_810 = tpu.memref_slice %arg8[%swap3A_806, %swap3A_808, %swap3A_809] : memref<6x128x16xf32, #tpu.memory_space<vmem>> -> memref<1x128x16xf32, #tpu.memory_space<vmem>>
    %swap3A_811 = tpu.memref_squeeze %swap3A_810 : memref<1x128x16xf32, #tpu.memory_space<vmem>> -> memref<128x16xf32, #tpu.memory_space<vmem>>
    %swap3A_812 = arith.index_cast %swap3A_807 : i32 to index
    %swap3A_813 = arith.constant 0 : index
    %swap3A_814 = tpu.vector_load %swap3A_811[%swap3A_812, %swap3A_813] {strides = array<i32>} : memref<128x16xf32, #tpu.memory_space<vmem>>, vector<1x16xf32>,
    %swap3A_815 = vector.shape_cast %swap3A_814 : vector<1x16xf32> to vector<16xf32>
    %swap3A_816 = vector.shape_cast %broadcast_in_dim3A_3 : vector<16xf32> to vector<1x16xf32>
    tpu.vector_store %swap3A_811[%swap3A_812, %swap3A_813], %swap3A_816 {strides = array<i32>} : memref<128x16xf32, #tpu.memory_space<vmem>>, vector<1x16xf32>,
    %swap3A_817 = arith.constant 0 : i32
    %swap3A_818 = arith.constant 74 : i32
    %swap3A_819 = arith.constant 0 : i32
    %swap3A_820 = arith.constant 0 : i32
    %swap3A_821 = tpu.memref_slice %arg8[%swap3A_817, %swap3A_819, %swap3A_820] : memref<6x128x16xf32, #tpu.memory_space<vmem>> -> memref<1x128x16xf32, #tpu.memory_space<vmem>>
    %swap3A_822 = tpu.memref_squeeze %swap3A_821 : memref<1x128x16xf32, #tpu.memory_space<vmem>> -> memref<128x16xf32, #tpu.memory_space<vmem>>
    %swap3A_823 = arith.index_cast %swap3A_818 : i32 to index
    %swap3A_824 = arith.constant 0 : index
    %swap3A_825 = tpu.vector_load %swap3A_822[%swap3A_823, %swap3A_824] {strides = array<i32>} : memref<128x16xf32, #tpu.memory_space<vmem>>, vector<1x16xf32>,
    %swap3A_826 = vector.shape_cast %swap3A_825 : vector<1x16xf32> to vector<16xf32>
    %swap3A_827 = vector.shape_cast %broadcast_in_dim3A_3 : vector<16xf32> to vector<1x16xf32>
    tpu.vector_store %swap3A_822[%swap3A_823, %swap3A_824], %swap3A_827 {strides = array<i32>} : memref<128x16xf32, #tpu.memory_space<vmem>>, vector<1x16xf32>,
    %swap3A_828 = arith.constant 0 : i32
    %swap3A_829 = arith.constant 75 : i32
    %swap3A_830 = arith.constant 0 : i32
    %swap3A_831 = arith.constant 0 : i32
    %swap3A_832 = tpu.memref_slice %arg8[%swap3A_828, %swap3A_830, %swap3A_831] : memref<6x128x16xf32, #tpu.memory_space<vmem>> -> memref<1x128x16xf32, #tpu.memory_space<vmem>>
    %swap3A_833 = tpu.memref_squeeze %swap3A_832 : memref<1x128x16xf32, #tpu.memory_space<vmem>> -> memref<128x16xf32, #tpu.memory_space<vmem>>
    %swap3A_834 = arith.index_cast %swap3A_829 : i32 to index
    %swap3A_835 = arith.constant 0 : index
    %swap3A_836 = tpu.vector_load %swap3A_833[%swap3A_834, %swap3A_835] {strides = array<i32>} : memref<128x16xf32, #tpu.memory_space<vmem>>, vector<1x16xf32>,
    %swap3A_837 = vector.shape_cast %swap3A_836 : vector<1x16xf32> to vector<16xf32>
    %swap3A_838 = vector.shape_cast %broadcast_in_dim3A_3 : vector<16xf32> to vector<1x16xf32>
    tpu.vector_store %swap3A_833[%swap3A_834, %swap3A_835], %swap3A_838 {strides = array<i32>} : memref<128x16xf32, #tpu.memory_space<vmem>>, vector<1x16xf32>,
    %swap3A_839 = arith.constant 0 : i32
    %swap3A_840 = arith.constant 76 : i32
    %swap3A_841 = arith.constant 0 : i32
    %swap3A_842 = arith.constant 0 : i32
    %swap3A_843 = tpu.memref_slice %arg8[%swap3A_839, %swap3A_841, %swap3A_842] : memref<6x128x16xf32, #tpu.memory_space<vmem>> -> memref<1x128x16xf32, #tpu.memory_space<vmem>>
    %swap3A_844 = tpu.memref_squeeze %swap3A_843 : memref<1x128x16xf32, #tpu.memory_space<vmem>> -> memref<128x16xf32, #tpu.memory_space<vmem>>
    %swap3A_845 = arith.index_cast %swap3A_840 : i32 to index
    %swap3A_846 = arith.constant 0 : index
    %swap3A_847 = tpu.vector_load %swap3A_844[%swap3A_845, %swap3A_846] {strides = array<i32>} : memref<128x16xf32, #tpu.memory_space<vmem>>, vector<1x16xf32>,
    %swap3A_848 = vector.shape_cast %swap3A_847 : vector<1x16xf32> to vector<16xf32>
    %swap3A_849 = vector.shape_cast %broadcast_in_dim3A_3 : vector<16xf32> to vector<1x16xf32>
    tpu.vector_store %swap3A_844[%swap3A_845, %swap3A_846], %swap3A_849 {strides = array<i32>} : memref<128x16xf32, #tpu.memory_space<vmem>>, vector<1x16xf32>,
    %swap3A_850 = arith.constant 0 : i32
    %swap3A_851 = arith.constant 77 : i32
    %swap3A_852 = arith.constant 0 : i32
    %swap3A_853 = arith.constant 0 : i32
    %swap3A_854 = tpu.memref_slice %arg8[%swap3A_850, %swap3A_852, %swap3A_853] : memref<6x128x16xf32, #tpu.memory_space<vmem>> -> memref<1x128x16xf32, #tpu.memory_space<vmem>>
    %swap3A_855 = tpu.memref_squeeze %swap3A_854 : memref<1x128x16xf32, #tpu.memory_space<vmem>> -> memref<128x16xf32, #tpu.memory_space<vmem>>
    %swap3A_856 = arith.index_cast %swap3A_851 : i32 to index
    %swap3A_857 = arith.constant 0 : index
    %swap3A_858 = tpu.vector_load %swap3A_855[%swap3A_856, %swap3A_857] {strides = array<i32>} : memref<128x16xf32, #tpu.memory_space<vmem>>, vector<1x16xf32>,
    %swap3A_859 = vector.shape_cast %swap3A_858 : vector<1x16xf32> to vector<16xf32>
    %swap3A_860 = vector.shape_cast %broadcast_in_dim3A_3 : vector<16xf32> to vector<1x16xf32>
    tpu.vector_store %swap3A_855[%swap3A_856, %swap3A_857], %swap3A_860 {strides = array<i32>} : memref<128x16xf32, #tpu.memory_space<vmem>>, vector<1x16xf32>,
    %swap3A_861 = arith.constant 0 : i32
    %swap3A_862 = arith.constant 78 : i32
    %swap3A_863 = arith.constant 0 : i32
    %swap3A_864 = arith.constant 0 : i32
    %swap3A_865 = tpu.memref_slice %arg8[%swap3A_861, %swap3A_863, %swap3A_864] : memref<6x128x16xf32, #tpu.memory_space<vmem>> -> memref<1x128x16xf32, #tpu.memory_space<vmem>>
    %swap3A_866 = tpu.memref_squeeze %swap3A_865 : memref<1x128x16xf32, #tpu.memory_space<vmem>> -> memref<128x16xf32, #tpu.memory_space<vmem>>
    %swap3A_867 = arith.index_cast %swap3A_862 : i32 to index
    %swap3A_868 = arith.constant 0 : index
    %swap3A_869 = tpu.vector_load %swap3A_866[%swap3A_867, %swap3A_868] {strides = array<i32>} : memref<128x16xf32, #tpu.memory_space<vmem>>, vector<1x16xf32>,
    %swap3A_870 = vector.shape_cast %swap3A_869 : vector<1x16xf32> to vector<16xf32>
    %swap3A_871 = vector.shape_cast %broadcast_in_dim3A_3 : vector<16xf32> to vector<1x16xf32>
    tpu.vector_store %swap3A_866[%swap3A_867, %swap3A_868], %swap3A_871 {strides = array<i32>} : memref<128x16xf32, #tpu.memory_space<vmem>>, vector<1x16xf32>,
    %swap3A_872 = arith.constant 0 : i32
    %swap3A_873 = arith.constant 79 : i32
    %swap3A_874 = arith.constant 0 : i32
    %swap3A_875 = arith.constant 0 : i32
    %swap3A_876 = tpu.memref_slice %arg8[%swap3A_872, %swap3A_874, %swap3A_875] : memref<6x128x16xf32, #tpu.memory_space<vmem>> -> memref<1x128x16xf32, #tpu.memory_space<vmem>>
    %swap3A_877 = tpu.memref_squeeze %swap3A_876 : memref<1x128x16xf32, #tpu.memory_space<vmem>> -> memref<128x16xf32, #tpu.memory_space<vmem>>
    %swap3A_878 = arith.index_cast %swap3A_873 : i32 to index
    %swap3A_879 = arith.constant 0 : index
    %swap3A_880 = tpu.vector_load %swap3A_877[%swap3A_878, %swap3A_879] {strides = array<i32>} : memref<128x16xf32, #tpu.memory_space<vmem>>, vector<1x16xf32>,
    %swap3A_881 = vector.shape_cast %swap3A_880 : vector<1x16xf32> to vector<16xf32>
    %swap3A_882 = vector.shape_cast %broadcast_in_dim3A_3 : vector<16xf32> to vector<1x16xf32>
    tpu.vector_store %swap3A_877[%swap3A_878, %swap3A_879], %swap3A_882 {strides = array<i32>} : memref<128x16xf32, #tpu.memory_space<vmem>>, vector<1x16xf32>,
    %swap3A_883 = arith.constant 0 : i32
    %swap3A_884 = arith.constant 80 : i32
    %swap3A_885 = arith.constant 0 : i32
    %swap3A_886 = arith.constant 0 : i32
    %swap3A_887 = tpu.memref_slice %arg8[%swap3A_883, %swap3A_885, %swap3A_886] : memref<6x128x16xf32, #tpu.memory_space<vmem>> -> memref<1x128x16xf32, #tpu.memory_space<vmem>>
    %swap3A_888 = tpu.memref_squeeze %swap3A_887 : memref<1x128x16xf32, #tpu.memory_space<vmem>> -> memref<128x16xf32, #tpu.memory_space<vmem>>
    %swap3A_889 = arith.index_cast %swap3A_884 : i32 to index
    %swap3A_890 = arith.constant 0 : index
    %swap3A_891 = tpu.vector_load %swap3A_888[%swap3A_889, %swap3A_890] {strides = array<i32>} : memref<128x16xf32, #tpu.memory_space<vmem>>, vector<1x16xf32>,
    %swap3A_892 = vector.shape_cast %swap3A_891 : vector<1x16xf32> to vector<16xf32>
    %swap3A_893 = vector.shape_cast %broadcast_in_dim3A_3 : vector<16xf32> to vector<1x16xf32>
    tpu.vector_store %swap3A_888[%swap3A_889, %swap3A_890], %swap3A_893 {strides = array<i32>} : memref<128x16xf32, #tpu.memory_space<vmem>>, vector<1x16xf32>,
    %swap3A_894 = arith.constant 0 : i32
    %swap3A_895 = arith.constant 81 : i32
    %swap3A_896 = arith.constant 0 : i32
    %swap3A_897 = arith.constant 0 : i32
    %swap3A_898 = tpu.memref_slice %arg8[%swap3A_894, %swap3A_896, %swap3A_897] : memref<6x128x16xf32, #tpu.memory_space<vmem>> -> memref<1x128x16xf32, #tpu.memory_space<vmem>>
    %swap3A_899 = tpu.memref_squeeze %swap3A_898 : memref<1x128x16xf32, #tpu.memory_space<vmem>> -> memref<128x16xf32, #tpu.memory_space<vmem>>
    %swap3A_900 = arith.index_cast %swap3A_895 : i32 to index
    %swap3A_901 = arith.constant 0 : index
    %swap3A_902 = tpu.vector_load %swap3A_899[%swap3A_900, %swap3A_901] {strides = array<i32>} : memref<128x16xf32, #tpu.memory_space<vmem>>, vector<1x16xf32>,
    %swap3A_903 = vector.shape_cast %swap3A_902 : vector<1x16xf32> to vector<16xf32>
    %swap3A_904 = vector.shape_cast %broadcast_in_dim3A_3 : vector<16xf32> to vector<1x16xf32>
    tpu.vector_store %swap3A_899[%swap3A_900, %swap3A_901], %swap3A_904 {strides = array<i32>} : memref<128x16xf32, #tpu.memory_space<vmem>>, vector<1x16xf32>,
    %swap3A_905 = arith.constant 0 : i32
    %swap3A_906 = arith.constant 82 : i32
    %swap3A_907 = arith.constant 0 : i32
    %swap3A_908 = arith.constant 0 : i32
    %swap3A_909 = tpu.memref_slice %arg8[%swap3A_905, %swap3A_907, %swap3A_908] : memref<6x128x16xf32, #tpu.memory_space<vmem>> -> memref<1x128x16xf32, #tpu.memory_space<vmem>>
    %swap3A_910 = tpu.memref_squeeze %swap3A_909 : memref<1x128x16xf32, #tpu.memory_space<vmem>> -> memref<128x16xf32, #tpu.memory_space<vmem>>
    %swap3A_911 = arith.index_cast %swap3A_906 : i32 to index
    %swap3A_912 = arith.constant 0 : index
    %swap3A_913 = tpu.vector_load %swap3A_910[%swap3A_911, %swap3A_912] {strides = array<i32>} : memref<128x16xf32, #tpu.memory_space<vmem>>, vector<1x16xf32>,
    %swap3A_914 = vector.shape_cast %swap3A_913 : vector<1x16xf32> to vector<16xf32>
    %swap3A_915 = vector.shape_cast %broadcast_in_dim3A_3 : vector<16xf32> to vector<1x16xf32>
    tpu.vector_store %swap3A_910[%swap3A_911, %swap3A_912], %swap3A_915 {strides = array<i32>} : memref<128x16xf32, #tpu.memory_space<vmem>>, vector<1x16xf32>,
    %swap3A_916 = arith.constant 0 : i32
    %swap3A_917 = arith.constant 83 : i32
    %swap3A_918 = arith.constant 0 : i32
    %swap3A_919 = arith.constant 0 : i32
    %swap3A_920 = tpu.memref_slice %arg8[%swap3A_916, %swap3A_918, %swap3A_919] : memref<6x128x16xf32, #tpu.memory_space<vmem>> -> memref<1x128x16xf32, #tpu.memory_space<vmem>>
    %swap3A_921 = tpu.memref_squeeze %swap3A_920 : memref<1x128x16xf32, #tpu.memory_space<vmem>> -> memref<128x16xf32, #tpu.memory_space<vmem>>
    %swap3A_922 = arith.index_cast %swap3A_917 : i32 to index
    %swap3A_923 = arith.constant 0 : index
    %swap3A_924 = tpu.vector_load %swap3A_921[%swap3A_922, %swap3A_923] {strides = array<i32>} : memref<128x16xf32, #tpu.memory_space<vmem>>, vector<1x16xf32>,
    %swap3A_925 = vector.shape_cast %swap3A_924 : vector<1x16xf32> to vector<16xf32>
    %swap3A_926 = vector.shape_cast %broadcast_in_dim3A_3 : vector<16xf32> to vector<1x16xf32>
    tpu.vector_store %swap3A_921[%swap3A_922, %swap3A_923], %swap3A_926 {strides = array<i32>} : memref<128x16xf32, #tpu.memory_space<vmem>>, vector<1x16xf32>,
    %swap3A_927 = arith.constant 0 : i32
    %swap3A_928 = arith.constant 84 : i32
    %swap3A_929 = arith.constant 0 : i32
    %swap3A_930 = arith.constant 0 : i32
    %swap3A_931 = tpu.memref_slice %arg8[%swap3A_927, %swap3A_929, %swap3A_930] : memref<6x128x16xf32, #tpu.memory_space<vmem>> -> memref<1x128x16xf32, #tpu.memory_space<vmem>>
    %swap3A_932 = tpu.memref_squeeze %swap3A_931 : memref<1x128x16xf32, #tpu.memory_space<vmem>> -> memref<128x16xf32, #tpu.memory_space<vmem>>
    %swap3A_933 = arith.index_cast %swap3A_928 : i32 to index
    %swap3A_934 = arith.constant 0 : index
    %swap3A_935 = tpu.vector_load %swap3A_932[%swap3A_933, %swap3A_934] {strides = array<i32>} : memref<128x16xf32, #tpu.memory_space<vmem>>, vector<1x16xf32>,
    %swap3A_936 = vector.shape_cast %swap3A_935 : vector<1x16xf32> to vector<16xf32>
    %swap3A_937 = vector.shape_cast %broadcast_in_dim3A_3 : vector<16xf32> to vector<1x16xf32>
    tpu.vector_store %swap3A_932[%swap3A_933, %swap3A_934], %swap3A_937 {strides = array<i32>} : memref<128x16xf32, #tpu.memory_space<vmem>>, vector<1x16xf32>,
    %swap3A_938 = arith.constant 0 : i32
    %swap3A_939 = arith.constant 85 : i32
    %swap3A_940 = arith.constant 0 : i32
    %swap3A_941 = arith.constant 0 : i32
    %swap3A_942 = tpu.memref_slice %arg8[%swap3A_938, %swap3A_940, %swap3A_941] : memref<6x128x16xf32, #tpu.memory_space<vmem>> -> memref<1x128x16xf32, #tpu.memory_space<vmem>>
    %swap3A_943 = tpu.memref_squeeze %swap3A_942 : memref<1x128x16xf32, #tpu.memory_space<vmem>> -> memref<128x16xf32, #tpu.memory_space<vmem>>
    %swap3A_944 = arith.index_cast %swap3A_939 : i32 to index
    %swap3A_945 = arith.constant 0 : index
    %swap3A_946 = tpu.vector_load %swap3A_943[%swap3A_944, %swap3A_945] {strides = array<i32>} : memref<128x16xf32, #tpu.memory_space<vmem>>, vector<1x16xf32>,
    %swap3A_947 = vector.shape_cast %swap3A_946 : vector<1x16xf32> to vector<16xf32>
    %swap3A_948 = vector.shape_cast %broadcast_in_dim3A_3 : vector<16xf32> to vector<1x16xf32>
    tpu.vector_store %swap3A_943[%swap3A_944, %swap3A_945], %swap3A_948 {strides = array<i32>} : memref<128x16xf32, #tpu.memory_space<vmem>>, vector<1x16xf32>,
    %swap3A_949 = arith.constant 0 : i32
    %swap3A_950 = arith.constant 86 : i32
    %swap3A_951 = arith.constant 0 : i32
    %swap3A_952 = arith.constant 0 : i32
    %swap3A_953 = tpu.memref_slice %arg8[%swap3A_949, %swap3A_951, %swap3A_952] : memref<6x128x16xf32, #tpu.memory_space<vmem>> -> memref<1x128x16xf32, #tpu.memory_space<vmem>>
    %swap3A_954 = tpu.memref_squeeze %swap3A_953 : memref<1x128x16xf32, #tpu.memory_space<vmem>> -> memref<128x16xf32, #tpu.memory_space<vmem>>
    %swap3A_955 = arith.index_cast %swap3A_950 : i32 to index
    %swap3A_956 = arith.constant 0 : index
    %swap3A_957 = tpu.vector_load %swap3A_954[%swap3A_955, %swap3A_956] {strides = array<i32>} : memref<128x16xf32, #tpu.memory_space<vmem>>, vector<1x16xf32>,
    %swap3A_958 = vector.shape_cast %swap3A_957 : vector<1x16xf32> to vector<16xf32>
    %swap3A_959 = vector.shape_cast %broadcast_in_dim3A_3 : vector<16xf32> to vector<1x16xf32>
    tpu.vector_store %swap3A_954[%swap3A_955, %swap3A_956], %swap3A_959 {strides = array<i32>} : memref<128x16xf32, #tpu.memory_space<vmem>>, vector<1x16xf32>,
    %swap3A_960 = arith.constant 0 : i32
    %swap3A_961 = arith.constant 87 : i32
    %swap3A_962 = arith.constant 0 : i32
    %swap3A_963 = arith.constant 0 : i32
    %swap3A_964 = tpu.memref_slice %arg8[%swap3A_960, %swap3A_962, %swap3A_963] : memref<6x128x16xf32, #tpu.memory_space<vmem>> -> memref<1x128x16xf32, #tpu.memory_space<vmem>>
    %swap3A_965 = tpu.memref_squeeze %swap3A_964 : memref<1x128x16xf32, #tpu.memory_space<vmem>> -> memref<128x16xf32, #tpu.memory_space<vmem>>
    %swap3A_966 = arith.index_cast %swap3A_961 : i32 to index
    %swap3A_967 = arith.constant 0 : index
    %swap3A_968 = tpu.vector_load %swap3A_965[%swap3A_966, %swap3A_967] {strides = array<i32>} : memref<128x16xf32, #tpu.memory_space<vmem>>, vector<1x16xf32>,
    %swap3A_969 = vector.shape_cast %swap3A_968 : vector<1x16xf32> to vector<16xf32>
    %swap3A_970 = vector.shape_cast %broadcast_in_dim3A_3 : vector<16xf32> to vector<1x16xf32>
    tpu.vector_store %swap3A_965[%swap3A_966, %swap3A_967], %swap3A_970 {strides = array<i32>} : memref<128x16xf32, #tpu.memory_space<vmem>>, vector<1x16xf32>,
    %swap3A_971 = arith.constant 0 : i32
    %swap3A_972 = arith.constant 88 : i32
    %swap3A_973 = arith.constant 0 : i32
    %swap3A_974 = arith.constant 0 : i32
    %swap3A_975 = tpu.memref_slice %arg8[%swap3A_971, %swap3A_973, %swap3A_974] : memref<6x128x16xf32, #tpu.memory_space<vmem>> -> memref<1x128x16xf32, #tpu.memory_space<vmem>>
    %swap3A_976 = tpu.memref_squeeze %swap3A_975 : memref<1x128x16xf32, #tpu.memory_space<vmem>> -> memref<128x16xf32, #tpu.memory_space<vmem>>
    %swap3A_977 = arith.index_cast %swap3A_972 : i32 to index
    %swap3A_978 = arith.constant 0 : index
    %swap3A_979 = tpu.vector_load %swap3A_976[%swap3A_977, %swap3A_978] {strides = array<i32>} : memref<128x16xf32, #tpu.memory_space<vmem>>, vector<1x16xf32>,
    %swap3A_980 = vector.shape_cast %swap3A_979 : vector<1x16xf32> to vector<16xf32>
    %swap3A_981 = vector.shape_cast %broadcast_in_dim3A_3 : vector<16xf32> to vector<1x16xf32>
    tpu.vector_store %swap3A_976[%swap3A_977, %swap3A_978], %swap3A_981 {strides = array<i32>} : memref<128x16xf32, #tpu.memory_space<vmem>>, vector<1x16xf32>,
    %swap3A_982 = arith.constant 0 : i32
    %swap3A_983 = arith.constant 89 : i32
    %swap3A_984 = arith.constant 0 : i32
    %swap3A_985 = arith.constant 0 : i32
    %swap3A_986 = tpu.memref_slice %arg8[%swap3A_982, %swap3A_984, %swap3A_985] : memref<6x128x16xf32, #tpu.memory_space<vmem>> -> memref<1x128x16xf32, #tpu.memory_space<vmem>>
    %swap3A_987 = tpu.memref_squeeze %swap3A_986 : memref<1x128x16xf32, #tpu.memory_space<vmem>> -> memref<128x16xf32, #tpu.memory_space<vmem>>
    %swap3A_988 = arith.index_cast %swap3A_983 : i32 to index
    %swap3A_989 = arith.constant 0 : index
    %swap3A_990 = tpu.vector_load %swap3A_987[%swap3A_988, %swap3A_989] {strides = array<i32>} : memref<128x16xf32, #tpu.memory_space<vmem>>, vector<1x16xf32>,
    %swap3A_991 = vector.shape_cast %swap3A_990 : vector<1x16xf32> to vector<16xf32>
    %swap3A_992 = vector.shape_cast %broadcast_in_dim3A_3 : vector<16xf32> to vector<1x16xf32>
    tpu.vector_store %swap3A_987[%swap3A_988, %swap3A_989], %swap3A_992 {strides = array<i32>} : memref<128x16xf32, #tpu.memory_space<vmem>>, vector<1x16xf32>,
    %swap3A_993 = arith.constant 0 : i32
    %swap3A_994 = arith.constant 90 : i32
    %swap3A_995 = arith.constant 0 : i32
    %swap3A_996 = arith.constant 0 : i32
    %swap3A_997 = tpu.memref_slice %arg8[%swap3A_993, %swap3A_995, %swap3A_996] : memref<6x128x16xf32, #tpu.memory_space<vmem>> -> memref<1x128x16xf32, #tpu.memory_space<vmem>>
    %swap3A_998 = tpu.memref_squeeze %swap3A_997 : memref<1x128x16xf32, #tpu.memory_space<vmem>> -> memref<128x16xf32, #tpu.memory_space<vmem>>
    %swap3A_999 = arith.index_cast %swap3A_994 : i32 to index
    %swap3A_1000 = arith.constant 0 : index
    %swap3A_1001 = tpu.vector_load %swap3A_998[%swap3A_999, %swap3A_1000] {strides = array<i32>} : memref<128x16xf32, #tpu.memory_space<vmem>>, vector<1x16xf32>,
    %swap3A_1002 = vector.shape_cast %swap3A_1001 : vector<1x16xf32> to vector<16xf32>
    %swap3A_1003 = vector.shape_cast %broadcast_in_dim3A_3 : vector<16xf32> to vector<1x16xf32>
    tpu.vector_store %swap3A_998[%swap3A_999, %swap3A_1000], %swap3A_1003 {strides = array<i32>} : memref<128x16xf32, #tpu.memory_space<vmem>>, vector<1x16xf32>,
    %swap3A_1004 = arith.constant 0 : i32
    %swap3A_1005 = arith.constant 91 : i32
    %swap3A_1006 = arith.constant 0 : i32
    %swap3A_1007 = arith.constant 0 : i32
    %swap3A_1008 = tpu.memref_slice %arg8[%swap3A_1004, %swap3A_1006, %swap3A_1007] : memref<6x128x16xf32, #tpu.memory_space<vmem>> -> memref<1x128x16xf32, #tpu.memory_space<vmem>>
    %swap3A_1009 = tpu.memref_squeeze %swap3A_1008 : memref<1x128x16xf32, #tpu.memory_space<vmem>> -> memref<128x16xf32, #tpu.memory_space<vmem>>
    %swap3A_1010 = arith.index_cast %swap3A_1005 : i32 to index
    %swap3A_1011 = arith.constant 0 : index
    %swap3A_1012 = tpu.vector_load %swap3A_1009[%swap3A_1010, %swap3A_1011] {strides = array<i32>} : memref<128x16xf32, #tpu.memory_space<vmem>>, vector<1x16xf32>,
    %swap3A_1013 = vector.shape_cast %swap3A_1012 : vector<1x16xf32> to vector<16xf32>
    %swap3A_1014 = vector.shape_cast %broadcast_in_dim3A_3 : vector<16xf32> to vector<1x16xf32>
    tpu.vector_store %swap3A_1009[%swap3A_1010, %swap3A_1011], %swap3A_1014 {strides = array<i32>} : memref<128x16xf32, #tpu.memory_space<vmem>>, vector<1x16xf32>,
    %swap3A_1015 = arith.constant 0 : i32
    %swap3A_1016 = arith.constant 92 : i32
    %swap3A_1017 = arith.constant 0 : i32
    %swap3A_1018 = arith.constant 0 : i32
    %swap3A_1019 = tpu.memref_slice %arg8[%swap3A_1015, %swap3A_1017, %swap3A_1018] : memref<6x128x16xf32, #tpu.memory_space<vmem>> -> memref<1x128x16xf32, #tpu.memory_space<vmem>>
    %swap3A_1020 = tpu.memref_squeeze %swap3A_1019 : memref<1x128x16xf32, #tpu.memory_space<vmem>> -> memref<128x16xf32, #tpu.memory_space<vmem>>
    %swap3A_1021 = arith.index_cast %swap3A_1016 : i32 to index
    %swap3A_1022 = arith.constant 0 : index
    %swap3A_1023 = tpu.vector_load %swap3A_1020[%swap3A_1021, %swap3A_1022] {strides = array<i32>} : memref<128x16xf32, #tpu.memory_space<vmem>>, vector<1x16xf32>,
    %swap3A_1024 = vector.shape_cast %swap3A_1023 : vector<1x16xf32> to vector<16xf32>
    %swap3A_1025 = vector.shape_cast %broadcast_in_dim3A_3 : vector<16xf32> to vector<1x16xf32>
    tpu.vector_store %swap3A_1020[%swap3A_1021, %swap3A_1022], %swap3A_1025 {strides = array<i32>} : memref<128x16xf32, #tpu.memory_space<vmem>>, vector<1x16xf32>,
    %swap3A_1026 = arith.constant 0 : i32
    %swap3A_1027 = arith.constant 93 : i32
    %swap3A_1028 = arith.constant 0 : i32
    %swap3A_1029 = arith.constant 0 : i32
    %swap3A_1030 = tpu.memref_slice %arg8[%swap3A_1026, %swap3A_1028, %swap3A_1029] : memref<6x128x16xf32, #tpu.memory_space<vmem>> -> memref<1x128x16xf32, #tpu.memory_space<vmem>>
    %swap3A_1031 = tpu.memref_squeeze %swap3A_1030 : memref<1x128x16xf32, #tpu.memory_space<vmem>> -> memref<128x16xf32, #tpu.memory_space<vmem>>
    %swap3A_1032 = arith.index_cast %swap3A_1027 : i32 to index
    %swap3A_1033 = arith.constant 0 : index
    %swap3A_1034 = tpu.vector_load %swap3A_1031[%swap3A_1032, %swap3A_1033] {strides = array<i32>} : memref<128x16xf32, #tpu.memory_space<vmem>>, vector<1x16xf32>,
    %swap3A_1035 = vector.shape_cast %swap3A_1034 : vector<1x16xf32> to vector<16xf32>
    %swap3A_1036 = vector.shape_cast %broadcast_in_dim3A_3 : vector<16xf32> to vector<1x16xf32>
    tpu.vector_store %swap3A_1031[%swap3A_1032, %swap3A_1033], %swap3A_1036 {strides = array<i32>} : memref<128x16xf32, #tpu.memory_space<vmem>>, vector<1x16xf32>,
    %swap3A_1037 = arith.constant 0 : i32
    %swap3A_1038 = arith.constant 94 : i32
    %swap3A_1039 = arith.constant 0 : i32
    %swap3A_1040 = arith.constant 0 : i32
    %swap3A_1041 = tpu.memref_slice %arg8[%swap3A_1037, %swap3A_1039, %swap3A_1040] : memref<6x128x16xf32, #tpu.memory_space<vmem>> -> memref<1x128x16xf32, #tpu.memory_space<vmem>>
    %swap3A_1042 = tpu.memref_squeeze %swap3A_1041 : memref<1x128x16xf32, #tpu.memory_space<vmem>> -> memref<128x16xf32, #tpu.memory_space<vmem>>
    %swap3A_1043 = arith.index_cast %swap3A_1038 : i32 to index
    %swap3A_1044 = arith.constant 0 : index
    %swap3A_1045 = tpu.vector_load %swap3A_1042[%swap3A_1043, %swap3A_1044] {strides = array<i32>} : memref<128x16xf32, #tpu.memory_space<vmem>>, vector<1x16xf32>,
    %swap3A_1046 = vector.shape_cast %swap3A_1045 : vector<1x16xf32> to vector<16xf32>
    %swap3A_1047 = vector.shape_cast %broadcast_in_dim3A_3 : vector<16xf32> to vector<1x16xf32>
    tpu.vector_store %swap3A_1042[%swap3A_1043, %swap3A_1044], %swap3A_1047 {strides = array<i32>} : memref<128x16xf32, #tpu.memory_space<vmem>>, vector<1x16xf32>,
    %swap3A_1048 = arith.constant 0 : i32
    %swap3A_1049 = arith.constant 95 : i32
    %swap3A_1050 = arith.constant 0 : i32
    %swap3A_1051 = arith.constant 0 : i32
    %swap3A_1052 = tpu.memref_slice %arg8[%swap3A_1048, %swap3A_1050, %swap3A_1051] : memref<6x128x16xf32, #tpu.memory_space<vmem>> -> memref<1x128x16xf32, #tpu.memory_space<vmem>>
    %swap3A_1053 = tpu.memref_squeeze %swap3A_1052 : memref<1x128x16xf32, #tpu.memory_space<vmem>> -> memref<128x16xf32, #tpu.memory_space<vmem>>
    %swap3A_1054 = arith.index_cast %swap3A_1049 : i32 to index
    %swap3A_1055 = arith.constant 0 : index
    %swap3A_1056 = tpu.vector_load %swap3A_1053[%swap3A_1054, %swap3A_1055] {strides = array<i32>} : memref<128x16xf32, #tpu.memory_space<vmem>>, vector<1x16xf32>,
    %swap3A_1057 = vector.shape_cast %swap3A_1056 : vector<1x16xf32> to vector<16xf32>
    %swap3A_1058 = vector.shape_cast %broadcast_in_dim3A_3 : vector<16xf32> to vector<1x16xf32>
    tpu.vector_store %swap3A_1053[%swap3A_1054, %swap3A_1055], %swap3A_1058 {strides = array<i32>} : memref<128x16xf32, #tpu.memory_space<vmem>>, vector<1x16xf32>,
    %swap3A_1059 = arith.constant 0 : i32
    %swap3A_1060 = arith.constant 96 : i32
    %swap3A_1061 = arith.constant 0 : i32
    %swap3A_1062 = arith.constant 0 : i32
    %swap3A_1063 = tpu.memref_slice %arg8[%swap3A_1059, %swap3A_1061, %swap3A_1062] : memref<6x128x16xf32, #tpu.memory_space<vmem>> -> memref<1x128x16xf32, #tpu.memory_space<vmem>>
    %swap3A_1064 = tpu.memref_squeeze %swap3A_1063 : memref<1x128x16xf32, #tpu.memory_space<vmem>> -> memref<128x16xf32, #tpu.memory_space<vmem>>
    %swap3A_1065 = arith.index_cast %swap3A_1060 : i32 to index
    %swap3A_1066 = arith.constant 0 : index
    %swap3A_1067 = tpu.vector_load %swap3A_1064[%swap3A_1065, %swap3A_1066] {strides = array<i32>} : memref<128x16xf32, #tpu.memory_space<vmem>>, vector<1x16xf32>,
    %swap3A_1068 = vector.shape_cast %swap3A_1067 : vector<1x16xf32> to vector<16xf32>
    %swap3A_1069 = vector.shape_cast %broadcast_in_dim3A_3 : vector<16xf32> to vector<1x16xf32>
    tpu.vector_store %swap3A_1064[%swap3A_1065, %swap3A_1066], %swap3A_1069 {strides = array<i32>} : memref<128x16xf32, #tpu.memory_space<vmem>>, vector<1x16xf32>,
    %swap3A_1070 = arith.constant 0 : i32
    %swap3A_1071 = arith.constant 97 : i32
    %swap3A_1072 = arith.constant 0 : i32
    %swap3A_1073 = arith.constant 0 : i32
    %swap3A_1074 = tpu.memref_slice %arg8[%swap3A_1070, %swap3A_1072, %swap3A_1073] : memref<6x128x16xf32, #tpu.memory_space<vmem>> -> memref<1x128x16xf32, #tpu.memory_space<vmem>>
    %swap3A_1075 = tpu.memref_squeeze %swap3A_1074 : memref<1x128x16xf32, #tpu.memory_space<vmem>> -> memref<128x16xf32, #tpu.memory_space<vmem>>
    %swap3A_1076 = arith.index_cast %swap3A_1071 : i32 to index
    %swap3A_1077 = arith.constant 0 : index
    %swap3A_1078 = tpu.vector_load %swap3A_1075[%swap3A_1076, %swap3A_1077] {strides = array<i32>} : memref<128x16xf32, #tpu.memory_space<vmem>>, vector<1x16xf32>,
    %swap3A_1079 = vector.shape_cast %swap3A_1078 : vector<1x16xf32> to vector<16xf32>
    %swap3A_1080 = vector.shape_cast %broadcast_in_dim3A_3 : vector<16xf32> to vector<1x16xf32>
    tpu.vector_store %swap3A_1075[%swap3A_1076, %swap3A_1077], %swap3A_1080 {strides = array<i32>} : memref<128x16xf32, #tpu.memory_space<vmem>>, vector<1x16xf32>,
    %swap3A_1081 = arith.constant 0 : i32
    %swap3A_1082 = arith.constant 98 : i32
    %swap3A_1083 = arith.constant 0 : i32
    %swap3A_1084 = arith.constant 0 : i32
    %swap3A_1085 = tpu.memref_slice %arg8[%swap3A_1081, %swap3A_1083, %swap3A_1084] : memref<6x128x16xf32, #tpu.memory_space<vmem>> -> memref<1x128x16xf32, #tpu.memory_space<vmem>>
    %swap3A_1086 = tpu.memref_squeeze %swap3A_1085 : memref<1x128x16xf32, #tpu.memory_space<vmem>> -> memref<128x16xf32, #tpu.memory_space<vmem>>
    %swap3A_1087 = arith.index_cast %swap3A_1082 : i32 to index
    %swap3A_1088 = arith.constant 0 : index
    %swap3A_1089 = tpu.vector_load %swap3A_1086[%swap3A_1087, %swap3A_1088] {strides = array<i32>} : memref<128x16xf32, #tpu.memory_space<vmem>>, vector<1x16xf32>,
    %swap3A_1090 = vector.shape_cast %swap3A_1089 : vector<1x16xf32> to vector<16xf32>
    %swap3A_1091 = vector.shape_cast %broadcast_in_dim3A_3 : vector<16xf32> to vector<1x16xf32>
    tpu.vector_store %swap3A_1086[%swap3A_1087, %swap3A_1088], %swap3A_1091 {strides = array<i32>} : memref<128x16xf32, #tpu.memory_space<vmem>>, vector<1x16xf32>,
    %swap3A_1092 = arith.constant 0 : i32
    %swap3A_1093 = arith.constant 99 : i32
    %swap3A_1094 = arith.constant 0 : i32
    %swap3A_1095 = arith.constant 0 : i32
    %swap3A_1096 = tpu.memref_slice %arg8[%swap3A_1092, %swap3A_1094, %swap3A_1095] : memref<6x128x16xf32, #tpu.memory_space<vmem>> -> memref<1x128x16xf32, #tpu.memory_space<vmem>>
    %swap3A_1097 = tpu.memref_squeeze %swap3A_1096 : memref<1x128x16xf32, #tpu.memory_space<vmem>> -> memref<128x16xf32, #tpu.memory_space<vmem>>
    %swap3A_1098 = arith.index_cast %swap3A_1093 : i32 to index
    %swap3A_1099 = arith.constant 0 : index
    %swap3A_1100 = tpu.vector_load %swap3A_1097[%swap3A_1098, %swap3A_1099] {strides = array<i32>} : memref<128x16xf32, #tpu.memory_space<vmem>>, vector<1x16xf32>,
    %swap3A_1101 = vector.shape_cast %swap3A_1100 : vector<1x16xf32> to vector<16xf32>
    %swap3A_1102 = vector.shape_cast %broadcast_in_dim3A_3 : vector<16xf32> to vector<1x16xf32>
    tpu.vector_store %swap3A_1097[%swap3A_1098, %swap3A_1099], %swap3A_1102 {strides = array<i32>} : memref<128x16xf32, #tpu.memory_space<vmem>>, vector<1x16xf32>,
    %swap3A_1103 = arith.constant 0 : i32
    %swap3A_1104 = arith.constant 100 : i32
    %swap3A_1105 = arith.constant 0 : i32
    %swap3A_1106 = arith.constant 0 : i32
    %swap3A_1107 = tpu.memref_slice %arg8[%swap3A_1103, %swap3A_1105, %swap3A_1106] : memref<6x128x16xf32, #tpu.memory_space<vmem>> -> memref<1x128x16xf32, #tpu.memory_space<vmem>>
    %swap3A_1108 = tpu.memref_squeeze %swap3A_1107 : memref<1x128x16xf32, #tpu.memory_space<vmem>> -> memref<128x16xf32, #tpu.memory_space<vmem>>
    %swap3A_1109 = arith.index_cast %swap3A_1104 : i32 to index
    %swap3A_1110 = arith.constant 0 : index
    %swap3A_1111 = tpu.vector_load %swap3A_1108[%swap3A_1109, %swap3A_1110] {strides = array<i32>} : memref<128x16xf32, #tpu.memory_space<vmem>>, vector<1x16xf32>,
    %swap3A_1112 = vector.shape_cast %swap3A_1111 : vector<1x16xf32> to vector<16xf32>
    %swap3A_1113 = vector.shape_cast %broadcast_in_dim3A_3 : vector<16xf32> to vector<1x16xf32>
    tpu.vector_store %swap3A_1108[%swap3A_1109, %swap3A_1110], %swap3A_1113 {strides = array<i32>} : memref<128x16xf32, #tpu.memory_space<vmem>>, vector<1x16xf32>,
    %swap3A_1114 = arith.constant 0 : i32
    %swap3A_1115 = arith.constant 101 : i32
    %swap3A_1116 = arith.constant 0 : i32
    %swap3A_1117 = arith.constant 0 : i32
    %swap3A_1118 = tpu.memref_slice %arg8[%swap3A_1114, %swap3A_1116, %swap3A_1117] : memref<6x128x16xf32, #tpu.memory_space<vmem>> -> memref<1x128x16xf32, #tpu.memory_space<vmem>>
    %swap3A_1119 = tpu.memref_squeeze %swap3A_1118 : memref<1x128x16xf32, #tpu.memory_space<vmem>> -> memref<128x16xf32, #tpu.memory_space<vmem>>
    %swap3A_1120 = arith.index_cast %swap3A_1115 : i32 to index
    %swap3A_1121 = arith.constant 0 : index
    %swap3A_1122 = tpu.vector_load %swap3A_1119[%swap3A_1120, %swap3A_1121] {strides = array<i32>} : memref<128x16xf32, #tpu.memory_space<vmem>>, vector<1x16xf32>,
    %swap3A_1123 = vector.shape_cast %swap3A_1122 : vector<1x16xf32> to vector<16xf32>
    %swap3A_1124 = vector.shape_cast %broadcast_in_dim3A_3 : vector<16xf32> to vector<1x16xf32>
    tpu.vector_store %swap3A_1119[%swap3A_1120, %swap3A_1121], %swap3A_1124 {strides = array<i32>} : memref<128x16xf32, #tpu.memory_space<vmem>>, vector<1x16xf32>,
    %swap3A_1125 = arith.constant 0 : i32
    %swap3A_1126 = arith.constant 102 : i32
    %swap3A_1127 = arith.constant 0 : i32
    %swap3A_1128 = arith.constant 0 : i32
    %swap3A_1129 = tpu.memref_slice %arg8[%swap3A_1125, %swap3A_1127, %swap3A_1128] : memref<6x128x16xf32, #tpu.memory_space<vmem>> -> memref<1x128x16xf32, #tpu.memory_space<vmem>>
    %swap3A_1130 = tpu.memref_squeeze %swap3A_1129 : memref<1x128x16xf32, #tpu.memory_space<vmem>> -> memref<128x16xf32, #tpu.memory_space<vmem>>
    %swap3A_1131 = arith.index_cast %swap3A_1126 : i32 to index
    %swap3A_1132 = arith.constant 0 : index
    %swap3A_1133 = tpu.vector_load %swap3A_1130[%swap3A_1131, %swap3A_1132] {strides = array<i32>} : memref<128x16xf32, #tpu.memory_space<vmem>>, vector<1x16xf32>,
    %swap3A_1134 = vector.shape_cast %swap3A_1133 : vector<1x16xf32> to vector<16xf32>
    %swap3A_1135 = vector.shape_cast %broadcast_in_dim3A_3 : vector<16xf32> to vector<1x16xf32>
    tpu.vector_store %swap3A_1130[%swap3A_1131, %swap3A_1132], %swap3A_1135 {strides = array<i32>} : memref<128x16xf32, #tpu.memory_space<vmem>>, vector<1x16xf32>,
    %swap3A_1136 = arith.constant 0 : i32
    %swap3A_1137 = arith.constant 103 : i32
    %swap3A_1138 = arith.constant 0 : i32
    %swap3A_1139 = arith.constant 0 : i32
    %swap3A_1140 = tpu.memref_slice %arg8[%swap3A_1136, %swap3A_1138, %swap3A_1139] : memref<6x128x16xf32, #tpu.memory_space<vmem>> -> memref<1x128x16xf32, #tpu.memory_space<vmem>>
    %swap3A_1141 = tpu.memref_squeeze %swap3A_1140 : memref<1x128x16xf32, #tpu.memory_space<vmem>> -> memref<128x16xf32, #tpu.memory_space<vmem>>
    %swap3A_1142 = arith.index_cast %swap3A_1137 : i32 to index
    %swap3A_1143 = arith.constant 0 : index
    %swap3A_1144 = tpu.vector_load %swap3A_1141[%swap3A_1142, %swap3A_1143] {strides = array<i32>} : memref<128x16xf32, #tpu.memory_space<vmem>>, vector<1x16xf32>,
    %swap3A_1145 = vector.shape_cast %swap3A_1144 : vector<1x16xf32> to vector<16xf32>
    %swap3A_1146 = vector.shape_cast %broadcast_in_dim3A_3 : vector<16xf32> to vector<1x16xf32>
    tpu.vector_store %swap3A_1141[%swap3A_1142, %swap3A_1143], %swap3A_1146 {strides = array<i32>} : memref<128x16xf32, #tpu.memory_space<vmem>>, vector<1x16xf32>,
    %swap3A_1147 = arith.constant 0 : i32
    %swap3A_1148 = arith.constant 104 : i32
    %swap3A_1149 = arith.constant 0 : i32
    %swap3A_1150 = arith.constant 0 : i32
    %swap3A_1151 = tpu.memref_slice %arg8[%swap3A_1147, %swap3A_1149, %swap3A_1150] : memref<6x128x16xf32, #tpu.memory_space<vmem>> -> memref<1x128x16xf32, #tpu.memory_space<vmem>>
    %swap3A_1152 = tpu.memref_squeeze %swap3A_1151 : memref<1x128x16xf32, #tpu.memory_space<vmem>> -> memref<128x16xf32, #tpu.memory_space<vmem>>
    %swap3A_1153 = arith.index_cast %swap3A_1148 : i32 to index
    %swap3A_1154 = arith.constant 0 : index
    %swap3A_1155 = tpu.vector_load %swap3A_1152[%swap3A_1153, %swap3A_1154] {strides = array<i32>} : memref<128x16xf32, #tpu.memory_space<vmem>>, vector<1x16xf32>,
    %swap3A_1156 = vector.shape_cast %swap3A_1155 : vector<1x16xf32> to vector<16xf32>
    %swap3A_1157 = vector.shape_cast %broadcast_in_dim3A_3 : vector<16xf32> to vector<1x16xf32>
    tpu.vector_store %swap3A_1152[%swap3A_1153, %swap3A_1154], %swap3A_1157 {strides = array<i32>} : memref<128x16xf32, #tpu.memory_space<vmem>>, vector<1x16xf32>,
    %swap3A_1158 = arith.constant 0 : i32
    %swap3A_1159 = arith.constant 105 : i32
    %swap3A_1160 = arith.constant 0 : i32
    %swap3A_1161 = arith.constant 0 : i32
    %swap3A_1162 = tpu.memref_slice %arg8[%swap3A_1158, %swap3A_1160, %swap3A_1161] : memref<6x128x16xf32, #tpu.memory_space<vmem>> -> memref<1x128x16xf32, #tpu.memory_space<vmem>>
    %swap3A_1163 = tpu.memref_squeeze %swap3A_1162 : memref<1x128x16xf32, #tpu.memory_space<vmem>> -> memref<128x16xf32, #tpu.memory_space<vmem>>
    %swap3A_1164 = arith.index_cast %swap3A_1159 : i32 to index
    %swap3A_1165 = arith.constant 0 : index
    %swap3A_1166 = tpu.vector_load %swap3A_1163[%swap3A_1164, %swap3A_1165] {strides = array<i32>} : memref<128x16xf32, #tpu.memory_space<vmem>>, vector<1x16xf32>,
    %swap3A_1167 = vector.shape_cast %swap3A_1166 : vector<1x16xf32> to vector<16xf32>
    %swap3A_1168 = vector.shape_cast %broadcast_in_dim3A_3 : vector<16xf32> to vector<1x16xf32>
    tpu.vector_store %swap3A_1163[%swap3A_1164, %swap3A_1165], %swap3A_1168 {strides = array<i32>} : memref<128x16xf32, #tpu.memory_space<vmem>>, vector<1x16xf32>,
    %swap3A_1169 = arith.constant 0 : i32
    %swap3A_1170 = arith.constant 106 : i32
    %swap3A_1171 = arith.constant 0 : i32
    %swap3A_1172 = arith.constant 0 : i32
    %swap3A_1173 = tpu.memref_slice %arg8[%swap3A_1169, %swap3A_1171, %swap3A_1172] : memref<6x128x16xf32, #tpu.memory_space<vmem>> -> memref<1x128x16xf32, #tpu.memory_space<vmem>>
    %swap3A_1174 = tpu.memref_squeeze %swap3A_1173 : memref<1x128x16xf32, #tpu.memory_space<vmem>> -> memref<128x16xf32, #tpu.memory_space<vmem>>
    %swap3A_1175 = arith.index_cast %swap3A_1170 : i32 to index
    %swap3A_1176 = arith.constant 0 : index
    %swap3A_1177 = tpu.vector_load %swap3A_1174[%swap3A_1175, %swap3A_1176] {strides = array<i32>} : memref<128x16xf32, #tpu.memory_space<vmem>>, vector<1x16xf32>,
    %swap3A_1178 = vector.shape_cast %swap3A_1177 : vector<1x16xf32> to vector<16xf32>
    %swap3A_1179 = vector.shape_cast %broadcast_in_dim3A_3 : vector<16xf32> to vector<1x16xf32>
    tpu.vector_store %swap3A_1174[%swap3A_1175, %swap3A_1176], %swap3A_1179 {strides = array<i32>} : memref<128x16xf32, #tpu.memory_space<vmem>>, vector<1x16xf32>,
    %swap3A_1180 = arith.constant 0 : i32
    %swap3A_1181 = arith.constant 107 : i32
    %swap3A_1182 = arith.constant 0 : i32
    %swap3A_1183 = arith.constant 0 : i32
    %swap3A_1184 = tpu.memref_slice %arg8[%swap3A_1180, %swap3A_1182, %swap3A_1183] : memref<6x128x16xf32, #tpu.memory_space<vmem>> -> memref<1x128x16xf32, #tpu.memory_space<vmem>>
    %swap3A_1185 = tpu.memref_squeeze %swap3A_1184 : memref<1x128x16xf32, #tpu.memory_space<vmem>> -> memref<128x16xf32, #tpu.memory_space<vmem>>
    %swap3A_1186 = arith.index_cast %swap3A_1181 : i32 to index
    %swap3A_1187 = arith.constant 0 : index
    %swap3A_1188 = tpu.vector_load %swap3A_1185[%swap3A_1186, %swap3A_1187] {strides = array<i32>} : memref<128x16xf32, #tpu.memory_space<vmem>>, vector<1x16xf32>,
    %swap3A_1189 = vector.shape_cast %swap3A_1188 : vector<1x16xf32> to vector<16xf32>
    %swap3A_1190 = vector.shape_cast %broadcast_in_dim3A_3 : vector<16xf32> to vector<1x16xf32>
    tpu.vector_store %swap3A_1185[%swap3A_1186, %swap3A_1187], %swap3A_1190 {strides = array<i32>} : memref<128x16xf32, #tpu.memory_space<vmem>>, vector<1x16xf32>,
    %swap3A_1191 = arith.constant 0 : i32
    %swap3A_1192 = arith.constant 108 : i32
    %swap3A_1193 = arith.constant 0 : i32
    %swap3A_1194 = arith.constant 0 : i32
    %swap3A_1195 = tpu.memref_slice %arg8[%swap3A_1191, %swap3A_1193, %swap3A_1194] : memref<6x128x16xf32, #tpu.memory_space<vmem>> -> memref<1x128x16xf32, #tpu.memory_space<vmem>>
    %swap3A_1196 = tpu.memref_squeeze %swap3A_1195 : memref<1x128x16xf32, #tpu.memory_space<vmem>> -> memref<128x16xf32, #tpu.memory_space<vmem>>
    %swap3A_1197 = arith.index_cast %swap3A_1192 : i32 to index
    %swap3A_1198 = arith.constant 0 : index
    %swap3A_1199 = tpu.vector_load %swap3A_1196[%swap3A_1197, %swap3A_1198] {strides = array<i32>} : memref<128x16xf32, #tpu.memory_space<vmem>>, vector<1x16xf32>,
    %swap3A_1200 = vector.shape_cast %swap3A_1199 : vector<1x16xf32> to vector<16xf32>
    %swap3A_1201 = vector.shape_cast %broadcast_in_dim3A_3 : vector<16xf32> to vector<1x16xf32>
    tpu.vector_store %swap3A_1196[%swap3A_1197, %swap3A_1198], %swap3A_1201 {strides = array<i32>} : memref<128x16xf32, #tpu.memory_space<vmem>>, vector<1x16xf32>,
    %swap3A_1202 = arith.constant 0 : i32
    %swap3A_1203 = arith.constant 109 : i32
    %swap3A_1204 = arith.constant 0 : i32
    %swap3A_1205 = arith.constant 0 : i32
    %swap3A_1206 = tpu.memref_slice %arg8[%swap3A_1202, %swap3A_1204, %swap3A_1205] : memref<6x128x16xf32, #tpu.memory_space<vmem>> -> memref<1x128x16xf32, #tpu.memory_space<vmem>>
    %swap3A_1207 = tpu.memref_squeeze %swap3A_1206 : memref<1x128x16xf32, #tpu.memory_space<vmem>> -> memref<128x16xf32, #tpu.memory_space<vmem>>
    %swap3A_1208 = arith.index_cast %swap3A_1203 : i32 to index
    %swap3A_1209 = arith.constant 0 : index
    %swap3A_1210 = tpu.vector_load %swap3A_1207[%swap3A_1208, %swap3A_1209] {strides = array<i32>} : memref<128x16xf32, #tpu.memory_space<vmem>>, vector<1x16xf32>,
    %swap3A_1211 = vector.shape_cast %swap3A_1210 : vector<1x16xf32> to vector<16xf32>
    %swap3A_1212 = vector.shape_cast %broadcast_in_dim3A_3 : vector<16xf32> to vector<1x16xf32>
    tpu.vector_store %swap3A_1207[%swap3A_1208, %swap3A_1209], %swap3A_1212 {strides = array<i32>} : memref<128x16xf32, #tpu.memory_space<vmem>>, vector<1x16xf32>,
    %swap3A_1213 = arith.constant 0 : i32
    %swap3A_1214 = arith.constant 110 : i32
    %swap3A_1215 = arith.constant 0 : i32
    %swap3A_1216 = arith.constant 0 : i32
    %swap3A_1217 = tpu.memref_slice %arg8[%swap3A_1213, %swap3A_1215, %swap3A_1216] : memref<6x128x16xf32, #tpu.memory_space<vmem>> -> memref<1x128x16xf32, #tpu.memory_space<vmem>>
    %swap3A_1218 = tpu.memref_squeeze %swap3A_1217 : memref<1x128x16xf32, #tpu.memory_space<vmem>> -> memref<128x16xf32, #tpu.memory_space<vmem>>
    %swap3A_1219 = arith.index_cast %swap3A_1214 : i32 to index
    %swap3A_1220 = arith.constant 0 : index
    %swap3A_1221 = tpu.vector_load %swap3A_1218[%swap3A_1219, %swap3A_1220] {strides = array<i32>} : memref<128x16xf32, #tpu.memory_space<vmem>>, vector<1x16xf32>,
    %swap3A_1222 = vector.shape_cast %swap3A_1221 : vector<1x16xf32> to vector<16xf32>
    %swap3A_1223 = vector.shape_cast %broadcast_in_dim3A_3 : vector<16xf32> to vector<1x16xf32>
    tpu.vector_store %swap3A_1218[%swap3A_1219, %swap3A_1220], %swap3A_1223 {strides = array<i32>} : memref<128x16xf32, #tpu.memory_space<vmem>>, vector<1x16xf32>,
    %swap3A_1224 = arith.constant 0 : i32
    %swap3A_1225 = arith.constant 111 : i32
    %swap3A_1226 = arith.constant 0 : i32
    %swap3A_1227 = arith.constant 0 : i32
    %swap3A_1228 = tpu.memref_slice %arg8[%swap3A_1224, %swap3A_1226, %swap3A_1227] : memref<6x128x16xf32, #tpu.memory_space<vmem>> -> memref<1x128x16xf32, #tpu.memory_space<vmem>>
    %swap3A_1229 = tpu.memref_squeeze %swap3A_1228 : memref<1x128x16xf32, #tpu.memory_space<vmem>> -> memref<128x16xf32, #tpu.memory_space<vmem>>
    %swap3A_1230 = arith.index_cast %swap3A_1225 : i32 to index
    %swap3A_1231 = arith.constant 0 : index
    %swap3A_1232 = tpu.vector_load %swap3A_1229[%swap3A_1230, %swap3A_1231] {strides = array<i32>} : memref<128x16xf32, #tpu.memory_space<vmem>>, vector<1x16xf32>,
    %swap3A_1233 = vector.shape_cast %swap3A_1232 : vector<1x16xf32> to vector<16xf32>
    %swap3A_1234 = vector.shape_cast %broadcast_in_dim3A_3 : vector<16xf32> to vector<1x16xf32>
    tpu.vector_store %swap3A_1229[%swap3A_1230, %swap3A_1231], %swap3A_1234 {strides = array<i32>} : memref<128x16xf32, #tpu.memory_space<vmem>>, vector<1x16xf32>,
    %swap3A_1235 = arith.constant 0 : i32
    %swap3A_1236 = arith.constant 112 : i32
    %swap3A_1237 = arith.constant 0 : i32
    %swap3A_1238 = arith.constant 0 : i32
    %swap3A_1239 = tpu.memref_slice %arg8[%swap3A_1235, %swap3A_1237, %swap3A_1238] : memref<6x128x16xf32, #tpu.memory_space<vmem>> -> memref<1x128x16xf32, #tpu.memory_space<vmem>>
    %swap3A_1240 = tpu.memref_squeeze %swap3A_1239 : memref<1x128x16xf32, #tpu.memory_space<vmem>> -> memref<128x16xf32, #tpu.memory_space<vmem>>
    %swap3A_1241 = arith.index_cast %swap3A_1236 : i32 to index
    %swap3A_1242 = arith.constant 0 : index
    %swap3A_1243 = tpu.vector_load %swap3A_1240[%swap3A_1241, %swap3A_1242] {strides = array<i32>} : memref<128x16xf32, #tpu.memory_space<vmem>>, vector<1x16xf32>,
    %swap3A_1244 = vector.shape_cast %swap3A_1243 : vector<1x16xf32> to vector<16xf32>
    %swap3A_1245 = vector.shape_cast %broadcast_in_dim3A_3 : vector<16xf32> to vector<1x16xf32>
    tpu.vector_store %swap3A_1240[%swap3A_1241, %swap3A_1242], %swap3A_1245 {strides = array<i32>} : memref<128x16xf32, #tpu.memory_space<vmem>>, vector<1x16xf32>,
    %swap3A_1246 = arith.constant 0 : i32
    %swap3A_1247 = arith.constant 113 : i32
    %swap3A_1248 = arith.constant 0 : i32
    %swap3A_1249 = arith.constant 0 : i32
    %swap3A_1250 = tpu.memref_slice %arg8[%swap3A_1246, %swap3A_1248, %swap3A_1249] : memref<6x128x16xf32, #tpu.memory_space<vmem>> -> memref<1x128x16xf32, #tpu.memory_space<vmem>>
    %swap3A_1251 = tpu.memref_squeeze %swap3A_1250 : memref<1x128x16xf32, #tpu.memory_space<vmem>> -> memref<128x16xf32, #tpu.memory_space<vmem>>
    %swap3A_1252 = arith.index_cast %swap3A_1247 : i32 to index
    %swap3A_1253 = arith.constant 0 : index
    %swap3A_1254 = tpu.vector_load %swap3A_1251[%swap3A_1252, %swap3A_1253] {strides = array<i32>} : memref<128x16xf32, #tpu.memory_space<vmem>>, vector<1x16xf32>,
    %swap3A_1255 = vector.shape_cast %swap3A_1254 : vector<1x16xf32> to vector<16xf32>
    %swap3A_1256 = vector.shape_cast %broadcast_in_dim3A_3 : vector<16xf32> to vector<1x16xf32>
    tpu.vector_store %swap3A_1251[%swap3A_1252, %swap3A_1253], %swap3A_1256 {strides = array<i32>} : memref<128x16xf32, #tpu.memory_space<vmem>>, vector<1x16xf32>,
    %swap3A_1257 = arith.constant 0 : i32
    %swap3A_1258 = arith.constant 114 : i32
    %swap3A_1259 = arith.constant 0 : i32
    %swap3A_1260 = arith.constant 0 : i32
    %swap3A_1261 = tpu.memref_slice %arg8[%swap3A_1257, %swap3A_1259, %swap3A_1260] : memref<6x128x16xf32, #tpu.memory_space<vmem>> -> memref<1x128x16xf32, #tpu.memory_space<vmem>>
    %swap3A_1262 = tpu.memref_squeeze %swap3A_1261 : memref<1x128x16xf32, #tpu.memory_space<vmem>> -> memref<128x16xf32, #tpu.memory_space<vmem>>
    %swap3A_1263 = arith.index_cast %swap3A_1258 : i32 to index
    %swap3A_1264 = arith.constant 0 : index
    %swap3A_1265 = tpu.vector_load %swap3A_1262[%swap3A_1263, %swap3A_1264] {strides = array<i32>} : memref<128x16xf32, #tpu.memory_space<vmem>>, vector<1x16xf32>,
    %swap3A_1266 = vector.shape_cast %swap3A_1265 : vector<1x16xf32> to vector<16xf32>
    %swap3A_1267 = vector.shape_cast %broadcast_in_dim3A_3 : vector<16xf32> to vector<1x16xf32>
    tpu.vector_store %swap3A_1262[%swap3A_1263, %swap3A_1264], %swap3A_1267 {strides = array<i32>} : memref<128x16xf32, #tpu.memory_space<vmem>>, vector<1x16xf32>,
    %swap3A_1268 = arith.constant 0 : i32
    %swap3A_1269 = arith.constant 115 : i32
    %swap3A_1270 = arith.constant 0 : i32
    %swap3A_1271 = arith.constant 0 : i32
    %swap3A_1272 = tpu.memref_slice %arg8[%swap3A_1268, %swap3A_1270, %swap3A_1271] : memref<6x128x16xf32, #tpu.memory_space<vmem>> -> memref<1x128x16xf32, #tpu.memory_space<vmem>>
    %swap3A_1273 = tpu.memref_squeeze %swap3A_1272 : memref<1x128x16xf32, #tpu.memory_space<vmem>> -> memref<128x16xf32, #tpu.memory_space<vmem>>
    %swap3A_1274 = arith.index_cast %swap3A_1269 : i32 to index
    %swap3A_1275 = arith.constant 0 : index
    %swap3A_1276 = tpu.vector_load %swap3A_1273[%swap3A_1274, %swap3A_1275] {strides = array<i32>} : memref<128x16xf32, #tpu.memory_space<vmem>>, vector<1x16xf32>,
    %swap3A_1277 = vector.shape_cast %swap3A_1276 : vector<1x16xf32> to vector<16xf32>
    %swap3A_1278 = vector.shape_cast %broadcast_in_dim3A_3 : vector<16xf32> to vector<1x16xf32>
    tpu.vector_store %swap3A_1273[%swap3A_1274, %swap3A_1275], %swap3A_1278 {strides = array<i32>} : memref<128x16xf32, #tpu.memory_space<vmem>>, vector<1x16xf32>,
    %swap3A_1279 = arith.constant 0 : i32
    %swap3A_1280 = arith.constant 116 : i32
    %swap3A_1281 = arith.constant 0 : i32
    %swap3A_1282 = arith.constant 0 : i32
    %swap3A_1283 = tpu.memref_slice %arg8[%swap3A_1279, %swap3A_1281, %swap3A_1282] : memref<6x128x16xf32, #tpu.memory_space<vmem>> -> memref<1x128x16xf32, #tpu.memory_space<vmem>>
    %swap3A_1284 = tpu.memref_squeeze %swap3A_1283 : memref<1x128x16xf32, #tpu.memory_space<vmem>> -> memref<128x16xf32, #tpu.memory_space<vmem>>
    %swap3A_1285 = arith.index_cast %swap3A_1280 : i32 to index
    %swap3A_1286 = arith.constant 0 : index
    %swap3A_1287 = tpu.vector_load %swap3A_1284[%swap3A_1285, %swap3A_1286] {strides = array<i32>} : memref<128x16xf32, #tpu.memory_space<vmem>>, vector<1x16xf32>,
    %swap3A_1288 = vector.shape_cast %swap3A_1287 : vector<1x16xf32> to vector<16xf32>
    %swap3A_1289 = vector.shape_cast %broadcast_in_dim3A_3 : vector<16xf32> to vector<1x16xf32>
    tpu.vector_store %swap3A_1284[%swap3A_1285, %swap3A_1286], %swap3A_1289 {strides = array<i32>} : memref<128x16xf32, #tpu.memory_space<vmem>>, vector<1x16xf32>,
    %swap3A_1290 = arith.constant 0 : i32
    %swap3A_1291 = arith.constant 117 : i32
    %swap3A_1292 = arith.constant 0 : i32
    %swap3A_1293 = arith.constant 0 : i32
    %swap3A_1294 = tpu.memref_slice %arg8[%swap3A_1290, %swap3A_1292, %swap3A_1293] : memref<6x128x16xf32, #tpu.memory_space<vmem>> -> memref<1x128x16xf32, #tpu.memory_space<vmem>>
    %swap3A_1295 = tpu.memref_squeeze %swap3A_1294 : memref<1x128x16xf32, #tpu.memory_space<vmem>> -> memref<128x16xf32, #tpu.memory_space<vmem>>
    %swap3A_1296 = arith.index_cast %swap3A_1291 : i32 to index
    %swap3A_1297 = arith.constant 0 : index
    %swap3A_1298 = tpu.vector_load %swap3A_1295[%swap3A_1296, %swap3A_1297] {strides = array<i32>} : memref<128x16xf32, #tpu.memory_space<vmem>>, vector<1x16xf32>,
    %swap3A_1299 = vector.shape_cast %swap3A_1298 : vector<1x16xf32> to vector<16xf32>
    %swap3A_1300 = vector.shape_cast %broadcast_in_dim3A_3 : vector<16xf32> to vector<1x16xf32>
    tpu.vector_store %swap3A_1295[%swap3A_1296, %swap3A_1297], %swap3A_1300 {strides = array<i32>} : memref<128x16xf32, #tpu.memory_space<vmem>>, vector<1x16xf32>,
    %swap3A_1301 = arith.constant 0 : i32
    %swap3A_1302 = arith.constant 118 : i32
    %swap3A_1303 = arith.constant 0 : i32
    %swap3A_1304 = arith.constant 0 : i32
    %swap3A_1305 = tpu.memref_slice %arg8[%swap3A_1301, %swap3A_1303, %swap3A_1304] : memref<6x128x16xf32, #tpu.memory_space<vmem>> -> memref<1x128x16xf32, #tpu.memory_space<vmem>>
    %swap3A_1306 = tpu.memref_squeeze %swap3A_1305 : memref<1x128x16xf32, #tpu.memory_space<vmem>> -> memref<128x16xf32, #tpu.memory_space<vmem>>
    %swap3A_1307 = arith.index_cast %swap3A_1302 : i32 to index
    %swap3A_1308 = arith.constant 0 : index
    %swap3A_1309 = tpu.vector_load %swap3A_1306[%swap3A_1307, %swap3A_1308] {strides = array<i32>} : memref<128x16xf32, #tpu.memory_space<vmem>>, vector<1x16xf32>,
    %swap3A_1310 = vector.shape_cast %swap3A_1309 : vector<1x16xf32> to vector<16xf32>
    %swap3A_1311 = vector.shape_cast %broadcast_in_dim3A_3 : vector<16xf32> to vector<1x16xf32>
    tpu.vector_store %swap3A_1306[%swap3A_1307, %swap3A_1308], %swap3A_1311 {strides = array<i32>} : memref<128x16xf32, #tpu.memory_space<vmem>>, vector<1x16xf32>,
    %swap3A_1312 = arith.constant 0 : i32
    %swap3A_1313 = arith.constant 119 : i32
    %swap3A_1314 = arith.constant 0 : i32
    %swap3A_1315 = arith.constant 0 : i32
    %swap3A_1316 = tpu.memref_slice %arg8[%swap3A_1312, %swap3A_1314, %swap3A_1315] : memref<6x128x16xf32, #tpu.memory_space<vmem>> -> memref<1x128x16xf32, #tpu.memory_space<vmem>>
    %swap3A_1317 = tpu.memref_squeeze %swap3A_1316 : memref<1x128x16xf32, #tpu.memory_space<vmem>> -> memref<128x16xf32, #tpu.memory_space<vmem>>
    %swap3A_1318 = arith.index_cast %swap3A_1313 : i32 to index
    %swap3A_1319 = arith.constant 0 : index
    %swap3A_1320 = tpu.vector_load %swap3A_1317[%swap3A_1318, %swap3A_1319] {strides = array<i32>} : memref<128x16xf32, #tpu.memory_space<vmem>>, vector<1x16xf32>,
    %swap3A_1321 = vector.shape_cast %swap3A_1320 : vector<1x16xf32> to vector<16xf32>
    %swap3A_1322 = vector.shape_cast %broadcast_in_dim3A_3 : vector<16xf32> to vector<1x16xf32>
    tpu.vector_store %swap3A_1317[%swap3A_1318, %swap3A_1319], %swap3A_1322 {strides = array<i32>} : memref<128x16xf32, #tpu.memory_space<vmem>>, vector<1x16xf32>,
    %swap3A_1323 = arith.constant 0 : i32
    %swap3A_1324 = arith.constant 120 : i32
    %swap3A_1325 = arith.constant 0 : i32
    %swap3A_1326 = arith.constant 0 : i32
    %swap3A_1327 = tpu.memref_slice %arg8[%swap3A_1323, %swap3A_1325, %swap3A_1326] : memref<6x128x16xf32, #tpu.memory_space<vmem>> -> memref<1x128x16xf32, #tpu.memory_space<vmem>>
    %swap3A_1328 = tpu.memref_squeeze %swap3A_1327 : memref<1x128x16xf32, #tpu.memory_space<vmem>> -> memref<128x16xf32, #tpu.memory_space<vmem>>
    %swap3A_1329 = arith.index_cast %swap3A_1324 : i32 to index
    %swap3A_1330 = arith.constant 0 : index
    %swap3A_1331 = tpu.vector_load %swap3A_1328[%swap3A_1329, %swap3A_1330] {strides = array<i32>} : memref<128x16xf32, #tpu.memory_space<vmem>>, vector<1x16xf32>,
    %swap3A_1332 = vector.shape_cast %swap3A_1331 : vector<1x16xf32> to vector<16xf32>
    %swap3A_1333 = vector.shape_cast %broadcast_in_dim3A_3 : vector<16xf32> to vector<1x16xf32>
    tpu.vector_store %swap3A_1328[%swap3A_1329, %swap3A_1330], %swap3A_1333 {strides = array<i32>} : memref<128x16xf32, #tpu.memory_space<vmem>>, vector<1x16xf32>,
    %swap3A_1334 = arith.constant 0 : i32
    %swap3A_1335 = arith.constant 121 : i32
    %swap3A_1336 = arith.constant 0 : i32
    %swap3A_1337 = arith.constant 0 : i32
    %swap3A_1338 = tpu.memref_slice %arg8[%swap3A_1334, %swap3A_1336, %swap3A_1337] : memref<6x128x16xf32, #tpu.memory_space<vmem>> -> memref<1x128x16xf32, #tpu.memory_space<vmem>>
    %swap3A_1339 = tpu.memref_squeeze %swap3A_1338 : memref<1x128x16xf32, #tpu.memory_space<vmem>> -> memref<128x16xf32, #tpu.memory_space<vmem>>
    %swap3A_1340 = arith.index_cast %swap3A_1335 : i32 to index
    %swap3A_1341 = arith.constant 0 : index
    %swap3A_1342 = tpu.vector_load %swap3A_1339[%swap3A_1340, %swap3A_1341] {strides = array<i32>} : memref<128x16xf32, #tpu.memory_space<vmem>>, vector<1x16xf32>,
    %swap3A_1343 = vector.shape_cast %swap3A_1342 : vector<1x16xf32> to vector<16xf32>
    %swap3A_1344 = vector.shape_cast %broadcast_in_dim3A_3 : vector<16xf32> to vector<1x16xf32>
    tpu.vector_store %swap3A_1339[%swap3A_1340, %swap3A_1341], %swap3A_1344 {strides = array<i32>} : memref<128x16xf32, #tpu.memory_space<vmem>>, vector<1x16xf32>,
    %swap3A_1345 = arith.constant 0 : i32
    %swap3A_1346 = arith.constant 122 : i32
    %swap3A_1347 = arith.constant 0 : i32
    %swap3A_1348 = arith.constant 0 : i32
    %swap3A_1349 = tpu.memref_slice %arg8[%swap3A_1345, %swap3A_1347, %swap3A_1348] : memref<6x128x16xf32, #tpu.memory_space<vmem>> -> memref<1x128x16xf32, #tpu.memory_space<vmem>>
    %swap3A_1350 = tpu.memref_squeeze %swap3A_1349 : memref<1x128x16xf32, #tpu.memory_space<vmem>> -> memref<128x16xf32, #tpu.memory_space<vmem>>
    %swap3A_1351 = arith.index_cast %swap3A_1346 : i32 to index
    %swap3A_1352 = arith.constant 0 : index
    %swap3A_1353 = tpu.vector_load %swap3A_1350[%swap3A_1351, %swap3A_1352] {strides = array<i32>} : memref<128x16xf32, #tpu.memory_space<vmem>>, vector<1x16xf32>,
    %swap3A_1354 = vector.shape_cast %swap3A_1353 : vector<1x16xf32> to vector<16xf32>
    %swap3A_1355 = vector.shape_cast %broadcast_in_dim3A_3 : vector<16xf32> to vector<1x16xf32>
    tpu.vector_store %swap3A_1350[%swap3A_1351, %swap3A_1352], %swap3A_1355 {strides = array<i32>} : memref<128x16xf32, #tpu.memory_space<vmem>>, vector<1x16xf32>,
    %swap3A_1356 = arith.constant 0 : i32
    %swap3A_1357 = arith.constant 123 : i32
    %swap3A_1358 = arith.constant 0 : i32
    %swap3A_1359 = arith.constant 0 : i32
    %swap3A_1360 = tpu.memref_slice %arg8[%swap3A_1356, %swap3A_1358, %swap3A_1359] : memref<6x128x16xf32, #tpu.memory_space<vmem>> -> memref<1x128x16xf32, #tpu.memory_space<vmem>>
    %swap3A_1361 = tpu.memref_squeeze %swap3A_1360 : memref<1x128x16xf32, #tpu.memory_space<vmem>> -> memref<128x16xf32, #tpu.memory_space<vmem>>
    %swap3A_1362 = arith.index_cast %swap3A_1357 : i32 to index
    %swap3A_1363 = arith.constant 0 : index
    %swap3A_1364 = tpu.vector_load %swap3A_1361[%swap3A_1362, %swap3A_1363] {strides = array<i32>} : memref<128x16xf32, #tpu.memory_space<vmem>>, vector<1x16xf32>,
    %swap3A_1365 = vector.shape_cast %swap3A_1364 : vector<1x16xf32> to vector<16xf32>
    %swap3A_1366 = vector.shape_cast %broadcast_in_dim3A_3 : vector<16xf32> to vector<1x16xf32>
    tpu.vector_store %swap3A_1361[%swap3A_1362, %swap3A_1363], %swap3A_1366 {strides = array<i32>} : memref<128x16xf32, #tpu.memory_space<vmem>>, vector<1x16xf32>,
    %swap3A_1367 = arith.constant 0 : i32
    %swap3A_1368 = arith.constant 124 : i32
    %swap3A_1369 = arith.constant 0 : i32
    %swap3A_1370 = arith.constant 0 : i32
    %swap3A_1371 = tpu.memref_slice %arg8[%swap3A_1367, %swap3A_1369, %swap3A_1370] : memref<6x128x16xf32, #tpu.memory_space<vmem>> -> memref<1x128x16xf32, #tpu.memory_space<vmem>>
    %swap3A_1372 = tpu.memref_squeeze %swap3A_1371 : memref<1x128x16xf32, #tpu.memory_space<vmem>> -> memref<128x16xf32, #tpu.memory_space<vmem>>
    %swap3A_1373 = arith.index_cast %swap3A_1368 : i32 to index
    %swap3A_1374 = arith.constant 0 : index
    %swap3A_1375 = tpu.vector_load %swap3A_1372[%swap3A_1373, %swap3A_1374] {strides = array<i32>} : memref<128x16xf32, #tpu.memory_space<vmem>>, vector<1x16xf32>,
    %swap3A_1376 = vector.shape_cast %swap3A_1375 : vector<1x16xf32> to vector<16xf32>
    %swap3A_1377 = vector.shape_cast %broadcast_in_dim3A_3 : vector<16xf32> to vector<1x16xf32>
    tpu.vector_store %swap3A_1372[%swap3A_1373, %swap3A_1374], %swap3A_1377 {strides = array<i32>} : memref<128x16xf32, #tpu.memory_space<vmem>>, vector<1x16xf32>,
    %swap3A_1378 = arith.constant 0 : i32
    %swap3A_1379 = arith.constant 125 : i32
    %swap3A_1380 = arith.constant 0 : i32
    %swap3A_1381 = arith.constant 0 : i32
    %swap3A_1382 = tpu.memref_slice %arg8[%swap3A_1378, %swap3A_1380, %swap3A_1381] : memref<6x128x16xf32, #tpu.memory_space<vmem>> -> memref<1x128x16xf32, #tpu.memory_space<vmem>>
    %swap3A_1383 = tpu.memref_squeeze %swap3A_1382 : memref<1x128x16xf32, #tpu.memory_space<vmem>> -> memref<128x16xf32, #tpu.memory_space<vmem>>
    %swap3A_1384 = arith.index_cast %swap3A_1379 : i32 to index
    %swap3A_1385 = arith.constant 0 : index
    %swap3A_1386 = tpu.vector_load %swap3A_1383[%swap3A_1384, %swap3A_1385] {strides = array<i32>} : memref<128x16xf32, #tpu.memory_space<vmem>>, vector<1x16xf32>,
    %swap3A_1387 = vector.shape_cast %swap3A_1386 : vector<1x16xf32> to vector<16xf32>
    %swap3A_1388 = vector.shape_cast %broadcast_in_dim3A_3 : vector<16xf32> to vector<1x16xf32>
    tpu.vector_store %swap3A_1383[%swap3A_1384, %swap3A_1385], %swap3A_1388 {strides = array<i32>} : memref<128x16xf32, #tpu.memory_space<vmem>>, vector<1x16xf32>,
    %swap3A_1389 = arith.constant 0 : i32
    %swap3A_1390 = arith.constant 126 : i32
    %swap3A_1391 = arith.constant 0 : i32
    %swap3A_1392 = arith.constant 0 : i32
    %swap3A_1393 = tpu.memref_slice %arg8[%swap3A_1389, %swap3A_1391, %swap3A_1392] : memref<6x128x16xf32, #tpu.memory_space<vmem>> -> memref<1x128x16xf32, #tpu.memory_space<vmem>>
    %swap3A_1394 = tpu.memref_squeeze %swap3A_1393 : memref<1x128x16xf32, #tpu.memory_space<vmem>> -> memref<128x16xf32, #tpu.memory_space<vmem>>
    %swap3A_1395 = arith.index_cast %swap3A_1390 : i32 to index
    %swap3A_1396 = arith.constant 0 : index
    %swap3A_1397 = tpu.vector_load %swap3A_1394[%swap3A_1395, %swap3A_1396] {strides = array<i32>} : memref<128x16xf32, #tpu.memory_space<vmem>>, vector<1x16xf32>,
    %swap3A_1398 = vector.shape_cast %swap3A_1397 : vector<1x16xf32> to vector<16xf32>
    %swap3A_1399 = vector.shape_cast %broadcast_in_dim3A_3 : vector<16xf32> to vector<1x16xf32>
    tpu.vector_store %swap3A_1394[%swap3A_1395, %swap3A_1396], %swap3A_1399 {strides = array<i32>} : memref<128x16xf32, #tpu.memory_space<vmem>>, vector<1x16xf32>,
    %swap3A_1400 = arith.constant 0 : i32
    %swap3A_1401 = arith.constant 127 : i32
    %swap3A_1402 = arith.constant 0 : i32
    %swap3A_1403 = arith.constant 0 : i32
    %swap3A_1404 = tpu.memref_slice %arg8[%swap3A_1400, %swap3A_1402, %swap3A_1403] : memref<6x128x16xf32, #tpu.memory_space<vmem>> -> memref<1x128x16xf32, #tpu.memory_space<vmem>>
    %swap3A_1405 = tpu.memref_squeeze %swap3A_1404 : memref<1x128x16xf32, #tpu.memory_space<vmem>> -> memref<128x16xf32, #tpu.memory_space<vmem>>
    %swap3A_1406 = arith.index_cast %swap3A_1401 : i32 to index
    %swap3A_1407 = arith.constant 0 : index
    %swap3A_1408 = tpu.vector_load %swap3A_1405[%swap3A_1406, %swap3A_1407] {strides = array<i32>} : memref<128x16xf32, #tpu.memory_space<vmem>>, vector<1x16xf32>,
    %swap3A_1409 = vector.shape_cast %swap3A_1408 : vector<1x16xf32> to vector<16xf32>
    %swap3A_1410 = vector.shape_cast %broadcast_in_dim3A_3 : vector<16xf32> to vector<1x16xf32>
    tpu.vector_store %swap3A_1405[%swap3A_1406, %swap3A_1407], %swap3A_1410 {strides = array<i32>} : memref<128x16xf32, #tpu.memory_space<vmem>>, vector<1x16xf32>,
    %mul3A_1411 = arith.constant 3328 : i32
    %mul3A_1412 = arith.muli %arg1, %mul3A_1411 : i32
    %add3A = arith.constant 0 : i32
    %add3A_1413 = arith.addi %mul3A_1412, %add3A : i32
    %run_scoped3A = arith.constant 0 : i32
    "tpu.region"() ({
      %run_scoped3A_1499 = tpu.sem_alloc : memref<!tpu.dma_semaphore, #tpu.memory_space<semaphore_mem>>
      %dma_start3A = arith.constant 0 : i32
      %dma_start3A_1500 = arith.constant 0 : i32
      %dma_start3A_1501 = tpu.memref_slice %arg8[%run_scoped3A, %dma_start3A, %dma_start3A_1500] : memref<6x128x16xf32, #tpu.memory_space<vmem>> -> memref<1x128x16xf32, #tpu.memory_space<vmem>>
      %dma_start3A_1502 = tpu.memref_squeeze %dma_start3A_1501 : memref<1x128x16xf32, #tpu.memory_space<vmem>> -> memref<128x16xf32, #tpu.memory_space<vmem>>
      %dma_start3A_1503 = arith.constant 0 : i32
      %dma_start3A_1504 = tpu.memref_slice %arg9[%add3A_1413, %dma_start3A_1503] : memref<53248x16xf32, #tpu.memory_space<vmem_shared>> -> memref<128x16xf32, #tpu.memory_space<vmem_shared>>
      %dma_start3A_1505 = arith.constant 0 : i32
      %dma_start3A_1506 = tpu.memref_slice %arg9[%add3A_1413, %dma_start3A_1505] : memref<53248x16xf32, #tpu.memory_space<vmem_shared>> -> memref<128x16xf32, #tpu.memory_space<vmem_shared>>
      %dma_start3A_1507 = arith.constant 0 : i32
      %dma_start3A_1508 = arith.constant 0 : i32
      %dma_start3A_1509 = tpu.memref_slice %arg8[%run_scoped3A, %dma_start3A_1507, %dma_start3A_1508] : memref<6x128x16xf32, #tpu.memory_space<vmem>> -> memref<1x128x16xf32, #tpu.memory_space<vmem>>
      %dma_start3A_1510 = tpu.memref_squeeze %dma_start3A_1509 : memref<1x128x16xf32, #tpu.memory_space<vmem>> -> memref<128x16xf32, #tpu.memory_space<vmem>>
      tpu.enqueue_dma source(%dma_start3A_1510 : memref<128x16xf32, #tpu.memory_space<vmem>>) target(%dma_start3A_1506 : memref<128x16xf32, #tpu.memory_space<vmem_shared>>) target_semaphore(%run_scoped3A_1499 : memref<!tpu.dma_semaphore, #tpu.memory_space<semaphore_mem>>)
      %dma_wait3A = arith.constant 0 : i32
      %dma_wait3A_1511 = arith.constant 0 : i32
      %dma_wait3A_1512 = tpu.memref_slice %arg8[%run_scoped3A, %dma_wait3A, %dma_wait3A_1511] : memref<6x128x16xf32, #tpu.memory_space<vmem>> -> memref<1x128x16xf32, #tpu.memory_space<vmem>>
      %dma_wait3A_1513 = tpu.memref_squeeze %dma_wait3A_1512 : memref<1x128x16xf32, #tpu.memory_space<vmem>> -> memref<128x16xf32, #tpu.memory_space<vmem>>
      %dma_wait3A_1514 = arith.constant 0 : i32
      %dma_wait3A_1515 = tpu.memref_slice %arg9[%add3A_1413, %dma_wait3A_1514] : memref<53248x16xf32, #tpu.memory_space<vmem_shared>> -> memref<128x16xf32, #tpu.memory_space<vmem_shared>>
      %dma_wait3A_1516 = arith.constant 0 : i32
      %dma_wait3A_1517 = tpu.memref_slice %arg9[%add3A_1413, %dma_wait3A_1516] : memref<53248x16xf32, #tpu.memory_space<vmem_shared>> -> memref<128x16xf32, #tpu.memory_space<vmem_shared>>
      %dma_wait3A_1518 = arith.constant 0 : i32
      %dma_wait3A_1519 = arith.constant 0 : i32
      %dma_wait3A_1520 = tpu.memref_slice %arg8[%run_scoped3A, %dma_wait3A_1518, %dma_wait3A_1519] : memref<6x128x16xf32, #tpu.memory_space<vmem>> -> memref<1x128x16xf32, #tpu.memory_space<vmem>>
      %dma_wait3A_1521 = tpu.memref_squeeze %dma_wait3A_1520 : memref<1x128x16xf32, #tpu.memory_space<vmem>> -> memref<128x16xf32, #tpu.memory_space<vmem>>
      tpu.wait_dma2 semaphore(%run_scoped3A_1499 : memref<!tpu.dma_semaphore, #tpu.memory_space<semaphore_mem>>) src(%dma_wait3A_1521 : memref<128x16xf32, #tpu.memory_space<vmem>>) dst(%dma_wait3A_1517 : memref<128x16xf32, #tpu.memory_space<vmem_shared>>)
      tpu.yield
    }) : () -> ()
    %add3A_1414 = arith.constant 128 : i32
    %add3A_1415 = arith.addi %mul3A_1412, %add3A_1414 : i32
    %run_scoped3A_1416 = arith.constant 0 : i32
    "tpu.region"() ({
      %run_scoped3A_1499 = tpu.sem_alloc : memref<!tpu.dma_semaphore, #tpu.memory_space<semaphore_mem>>
      %dma_start3A = arith.constant 0 : i32
      %dma_start3A_1500 = arith.constant 0 : i32
      %dma_start3A_1501 = tpu.memref_slice %arg8[%run_scoped3A_1416, %dma_start3A, %dma_start3A_1500] : memref<6x128x16xf32, #tpu.memory_space<vmem>> -> memref<1x128x16xf32, #tpu.memory_space<vmem>>
      %dma_start3A_1502 = tpu.memref_squeeze %dma_start3A_1501 : memref<1x128x16xf32, #tpu.memory_space<vmem>> -> memref<128x16xf32, #tpu.memory_space<vmem>>
      %dma_start3A_1503 = arith.constant 0 : i32
      %dma_start3A_1504 = tpu.memref_slice %arg9[%add3A_1415, %dma_start3A_1503] : memref<53248x16xf32, #tpu.memory_space<vmem_shared>> -> memref<128x16xf32, #tpu.memory_space<vmem_shared>>
      %dma_start3A_1505 = arith.constant 0 : i32
      %dma_start3A_1506 = tpu.memref_slice %arg9[%add3A_1415, %dma_start3A_1505] : memref<53248x16xf32, #tpu.memory_space<vmem_shared>> -> memref<128x16xf32, #tpu.memory_space<vmem_shared>>
      %dma_start3A_1507 = arith.constant 0 : i32
      %dma_start3A_1508 = arith.constant 0 : i32
      %dma_start3A_1509 = tpu.memref_slice %arg8[%run_scoped3A_1416, %dma_start3A_1507, %dma_start3A_1508] : memref<6x128x16xf32, #tpu.memory_space<vmem>> -> memref<1x128x16xf32, #tpu.memory_space<vmem>>
      %dma_start3A_1510 = tpu.memref_squeeze %dma_start3A_1509 : memref<1x128x16xf32, #tpu.memory_space<vmem>> -> memref<128x16xf32, #tpu.memory_space<vmem>>
      tpu.enqueue_dma source(%dma_start3A_1510 : memref<128x16xf32, #tpu.memory_space<vmem>>) target(%dma_start3A_1506 : memref<128x16xf32, #tpu.memory_space<vmem_shared>>) target_semaphore(%run_scoped3A_1499 : memref<!tpu.dma_semaphore, #tpu.memory_space<semaphore_mem>>)
      %dma_wait3A = arith.constant 0 : i32
      %dma_wait3A_1511 = arith.constant 0 : i32
      %dma_wait3A_1512 = tpu.memref_slice %arg8[%run_scoped3A_1416, %dma_wait3A, %dma_wait3A_1511] : memref<6x128x16xf32, #tpu.memory_space<vmem>> -> memref<1x128x16xf32, #tpu.memory_space<vmem>>
      %dma_wait3A_1513 = tpu.memref_squeeze %dma_wait3A_1512 : memref<1x128x16xf32, #tpu.memory_space<vmem>> -> memref<128x16xf32, #tpu.memory_space<vmem>>
      %dma_wait3A_1514 = arith.constant 0 : i32
      %dma_wait3A_1515 = tpu.memref_slice %arg9[%add3A_1415, %dma_wait3A_1514] : memref<53248x16xf32, #tpu.memory_space<vmem_shared>> -> memref<128x16xf32, #tpu.memory_space<vmem_shared>>
      %dma_wait3A_1516 = arith.constant 0 : i32
      %dma_wait3A_1517 = tpu.memref_slice %arg9[%add3A_1415, %dma_wait3A_1516] : memref<53248x16xf32, #tpu.memory_space<vmem_shared>> -> memref<128x16xf32, #tpu.memory_space<vmem_shared>>
      %dma_wait3A_1518 = arith.constant 0 : i32
      %dma_wait3A_1519 = arith.constant 0 : i32
      %dma_wait3A_1520 = tpu.memref_slice %arg8[%run_scoped3A_1416, %dma_wait3A_1518, %dma_wait3A_1519] : memref<6x128x16xf32, #tpu.memory_space<vmem>> -> memref<1x128x16xf32, #tpu.memory_space<vmem>>
      %dma_wait3A_1521 = tpu.memref_squeeze %dma_wait3A_1520 : memref<1x128x16xf32, #tpu.memory_space<vmem>> -> memref<128x16xf32, #tpu.memory_space<vmem>>
      tpu.wait_dma2 semaphore(%run_scoped3A_1499 : memref<!tpu.dma_semaphore, #tpu.memory_space<semaphore_mem>>) src(%dma_wait3A_1521 : memref<128x16xf32, #tpu.memory_space<vmem>>) dst(%dma_wait3A_1517 : memref<128x16xf32, #tpu.memory_space<vmem_shared>>)
      tpu.yield
    }) : () -> ()
    %add3A_1417 = arith.constant 256 : i32
    %add3A_1418 = arith.addi %mul3A_1412, %add3A_1417 : i32
    %run_scoped3A_1419 = arith.constant 0 : i32
    "tpu.region"() ({
      %run_scoped3A_1499 = tpu.sem_alloc : memref<!tpu.dma_semaphore, #tpu.memory_space<semaphore_mem>>
      %dma_start3A = arith.constant 0 : i32
      %dma_start3A_1500 = arith.constant 0 : i32
      %dma_start3A_1501 = tpu.memref_slice %arg8[%run_scoped3A_1419, %dma_start3A, %dma_start3A_1500] : memref<6x128x16xf32, #tpu.memory_space<vmem>> -> memref<1x128x16xf32, #tpu.memory_space<vmem>>
      %dma_start3A_1502 = tpu.memref_squeeze %dma_start3A_1501 : memref<1x128x16xf32, #tpu.memory_space<vmem>> -> memref<128x16xf32, #tpu.memory_space<vmem>>
      %dma_start3A_1503 = arith.constant 0 : i32
      %dma_start3A_1504 = tpu.memref_slice %arg9[%add3A_1418, %dma_start3A_1503] : memref<53248x16xf32, #tpu.memory_space<vmem_shared>> -> memref<128x16xf32, #tpu.memory_space<vmem_shared>>
      %dma_start3A_1505 = arith.constant 0 : i32
      %dma_start3A_1506 = tpu.memref_slice %arg9[%add3A_1418, %dma_start3A_1505] : memref<53248x16xf32, #tpu.memory_space<vmem_shared>> -> memref<128x16xf32, #tpu.memory_space<vmem_shared>>
      %dma_start3A_1507 = arith.constant 0 : i32
      %dma_start3A_1508 = arith.constant 0 : i32
      %dma_start3A_1509 = tpu.memref_slice %arg8[%run_scoped3A_1419, %dma_start3A_1507, %dma_start3A_1508] : memref<6x128x16xf32, #tpu.memory_space<vmem>> -> memref<1x128x16xf32, #tpu.memory_space<vmem>>
      %dma_start3A_1510 = tpu.memref_squeeze %dma_start3A_1509 : memref<1x128x16xf32, #tpu.memory_space<vmem>> -> memref<128x16xf32, #tpu.memory_space<vmem>>
      tpu.enqueue_dma source(%dma_start3A_1510 : memref<128x16xf32, #tpu.memory_space<vmem>>) target(%dma_start3A_1506 : memref<128x16xf32, #tpu.memory_space<vmem_shared>>) target_semaphore(%run_scoped3A_1499 : memref<!tpu.dma_semaphore, #tpu.memory_space<semaphore_mem>>)
      %dma_wait3A = arith.constant 0 : i32
      %dma_wait3A_1511 = arith.constant 0 : i32
      %dma_wait3A_1512 = tpu.memref_slice %arg8[%run_scoped3A_1419, %dma_wait3A, %dma_wait3A_1511] : memref<6x128x16xf32, #tpu.memory_space<vmem>> -> memref<1x128x16xf32, #tpu.memory_space<vmem>>
      %dma_wait3A_1513 = tpu.memref_squeeze %dma_wait3A_1512 : memref<1x128x16xf32, #tpu.memory_space<vmem>> -> memref<128x16xf32, #tpu.memory_space<vmem>>
      %dma_wait3A_1514 = arith.constant 0 : i32
      %dma_wait3A_1515 = tpu.memref_slice %arg9[%add3A_1418, %dma_wait3A_1514] : memref<53248x16xf32, #tpu.memory_space<vmem_shared>> -> memref<128x16xf32, #tpu.memory_space<vmem_shared>>
      %dma_wait3A_1516 = arith.constant 0 : i32
      %dma_wait3A_1517 = tpu.memref_slice %arg9[%add3A_1418, %dma_wait3A_1516] : memref<53248x16xf32, #tpu.memory_space<vmem_shared>> -> memref<128x16xf32, #tpu.memory_space<vmem_shared>>
      %dma_wait3A_1518 = arith.constant 0 : i32
      %dma_wait3A_1519 = arith.constant 0 : i32
      %dma_wait3A_1520 = tpu.memref_slice %arg8[%run_scoped3A_1419, %dma_wait3A_1518, %dma_wait3A_1519] : memref<6x128x16xf32, #tpu.memory_space<vmem>> -> memref<1x128x16xf32, #tpu.memory_space<vmem>>
      %dma_wait3A_1521 = tpu.memref_squeeze %dma_wait3A_1520 : memref<1x128x16xf32, #tpu.memory_space<vmem>> -> memref<128x16xf32, #tpu.memory_space<vmem>>
      tpu.wait_dma2 semaphore(%run_scoped3A_1499 : memref<!tpu.dma_semaphore, #tpu.memory_space<semaphore_mem>>) src(%dma_wait3A_1521 : memref<128x16xf32, #tpu.memory_space<vmem>>) dst(%dma_wait3A_1517 : memref<128x16xf32, #tpu.memory_space<vmem_shared>>)
      tpu.yield
    }) : () -> ()
    %add3A_1420 = arith.constant 384 : i32
    %add3A_1421 = arith.addi %mul3A_1412, %add3A_1420 : i32
    %run_scoped3A_1422 = arith.constant 0 : i32
    "tpu.region"() ({
      %run_scoped3A_1499 = tpu.sem_alloc : memref<!tpu.dma_semaphore, #tpu.memory_space<semaphore_mem>>
      %dma_start3A = arith.constant 0 : i32
      %dma_start3A_1500 = arith.constant 0 : i32
      %dma_start3A_1501 = tpu.memref_slice %arg8[%run_scoped3A_1422, %dma_start3A, %dma_start3A_1500] : memref<6x128x16xf32, #tpu.memory_space<vmem>> -> memref<1x128x16xf32, #tpu.memory_space<vmem>>
      %dma_start3A_1502 = tpu.memref_squeeze %dma_start3A_1501 : memref<1x128x16xf32, #tpu.memory_space<vmem>> -> memref<128x16xf32, #tpu.memory_space<vmem>>
      %dma_start3A_1503 = arith.constant 0 : i32
      %dma_start3A_1504 = tpu.memref_slice %arg9[%add3A_1421, %dma_start3A_1503] : memref<53248x16xf32, #tpu.memory_space<vmem_shared>> -> memref<128x16xf32, #tpu.memory_space<vmem_shared>>
      %dma_start3A_1505 = arith.constant 0 : i32
      %dma_start3A_1506 = tpu.memref_slice %arg9[%add3A_1421, %dma_start3A_1505] : memref<53248x16xf32, #tpu.memory_space<vmem_shared>> -> memref<128x16xf32, #tpu.memory_space<vmem_shared>>
      %dma_start3A_1507 = arith.constant 0 : i32
      %dma_start3A_1508 = arith.constant 0 : i32
      %dma_start3A_1509 = tpu.memref_slice %arg8[%run_scoped3A_1422, %dma_start3A_1507, %dma_start3A_1508] : memref<6x128x16xf32, #tpu.memory_space<vmem>> -> memref<1x128x16xf32, #tpu.memory_space<vmem>>
      %dma_start3A_1510 = tpu.memref_squeeze %dma_start3A_1509 : memref<1x128x16xf32, #tpu.memory_space<vmem>> -> memref<128x16xf32, #tpu.memory_space<vmem>>
      tpu.enqueue_dma source(%dma_start3A_1510 : memref<128x16xf32, #tpu.memory_space<vmem>>) target(%dma_start3A_1506 : memref<128x16xf32, #tpu.memory_space<vmem_shared>>) target_semaphore(%run_scoped3A_1499 : memref<!tpu.dma_semaphore, #tpu.memory_space<semaphore_mem>>)
      %dma_wait3A = arith.constant 0 : i32
      %dma_wait3A_1511 = arith.constant 0 : i32
      %dma_wait3A_1512 = tpu.memref_slice %arg8[%run_scoped3A_1422, %dma_wait3A, %dma_wait3A_1511] : memref<6x128x16xf32, #tpu.memory_space<vmem>> -> memref<1x128x16xf32, #tpu.memory_space<vmem>>
      %dma_wait3A_1513 = tpu.memref_squeeze %dma_wait3A_1512 : memref<1x128x16xf32, #tpu.memory_space<vmem>> -> memref<128x16xf32, #tpu.memory_space<vmem>>
      %dma_wait3A_1514 = arith.constant 0 : i32
      %dma_wait3A_1515 = tpu.memref_slice %arg9[%add3A_1421, %dma_wait3A_1514] : memref<53248x16xf32, #tpu.memory_space<vmem_shared>> -> memref<128x16xf32, #tpu.memory_space<vmem_shared>>
      %dma_wait3A_1516 = arith.constant 0 : i32
      %dma_wait3A_1517 = tpu.memref_slice %arg9[%add3A_1421, %dma_wait3A_1516] : memref<53248x16xf32, #tpu.memory_space<vmem_shared>> -> memref<128x16xf32, #tpu.memory_space<vmem_shared>>
      %dma_wait3A_1518 = arith.constant 0 : i32
      %dma_wait3A_1519 = arith.constant 0 : i32
      %dma_wait3A_1520 = tpu.memref_slice %arg8[%run_scoped3A_1422, %dma_wait3A_1518, %dma_wait3A_1519] : memref<6x128x16xf32, #tpu.memory_space<vmem>> -> memref<1x128x16xf32, #tpu.memory_space<vmem>>
      %dma_wait3A_1521 = tpu.memref_squeeze %dma_wait3A_1520 : memref<1x128x16xf32, #tpu.memory_space<vmem>> -> memref<128x16xf32, #tpu.memory_space<vmem>>
      tpu.wait_dma2 semaphore(%run_scoped3A_1499 : memref<!tpu.dma_semaphore, #tpu.memory_space<semaphore_mem>>) src(%dma_wait3A_1521 : memref<128x16xf32, #tpu.memory_space<vmem>>) dst(%dma_wait3A_1517 : memref<128x16xf32, #tpu.memory_space<vmem_shared>>)
      tpu.yield
    }) : () -> ()
    %add3A_1423 = arith.constant 512 : i32
    %add3A_1424 = arith.addi %mul3A_1412, %add3A_1423 : i32
    %run_scoped3A_1425 = arith.constant 0 : i32
    "tpu.region"() ({
      %run_scoped3A_1499 = tpu.sem_alloc : memref<!tpu.dma_semaphore, #tpu.memory_space<semaphore_mem>>
      %dma_start3A = arith.constant 0 : i32
      %dma_start3A_1500 = arith.constant 0 : i32
      %dma_start3A_1501 = tpu.memref_slice %arg8[%run_scoped3A_1425, %dma_start3A, %dma_start3A_1500] : memref<6x128x16xf32, #tpu.memory_space<vmem>> -> memref<1x128x16xf32, #tpu.memory_space<vmem>>
      %dma_start3A_1502 = tpu.memref_squeeze %dma_start3A_1501 : memref<1x128x16xf32, #tpu.memory_space<vmem>> -> memref<128x16xf32, #tpu.memory_space<vmem>>
      %dma_start3A_1503 = arith.constant 0 : i32
      %dma_start3A_1504 = tpu.memref_slice %arg9[%add3A_1424, %dma_start3A_1503] : memref<53248x16xf32, #tpu.memory_space<vmem_shared>> -> memref<128x16xf32, #tpu.memory_space<vmem_shared>>
      %dma_start3A_1505 = arith.constant 0 : i32
      %dma_start3A_1506 = tpu.memref_slice %arg9[%add3A_1424, %dma_start3A_1505] : memref<53248x16xf32, #tpu.memory_space<vmem_shared>> -> memref<128x16xf32, #tpu.memory_space<vmem_shared>>
      %dma_start3A_1507 = arith.constant 0 : i32
      %dma_start3A_1508 = arith.constant 0 : i32
      %dma_start3A_1509 = tpu.memref_slice %arg8[%run_scoped3A_1425, %dma_start3A_1507, %dma_start3A_1508] : memref<6x128x16xf32, #tpu.memory_space<vmem>> -> memref<1x128x16xf32, #tpu.memory_space<vmem>>
      %dma_start3A_1510 = tpu.memref_squeeze %dma_start3A_1509 : memref<1x128x16xf32, #tpu.memory_space<vmem>> -> memref<128x16xf32, #tpu.memory_space<vmem>>
      tpu.enqueue_dma source(%dma_start3A_1510 : memref<128x16xf32, #tpu.memory_space<vmem>>) target(%dma_start3A_1506 : memref<128x16xf32, #tpu.memory_space<vmem_shared>>) target_semaphore(%run_scoped3A_1499 : memref<!tpu.dma_semaphore, #tpu.memory_space<semaphore_mem>>)
      %dma_wait3A = arith.constant 0 : i32
      %dma_wait3A_1511 = arith.constant 0 : i32
      %dma_wait3A_1512 = tpu.memref_slice %arg8[%run_scoped3A_1425, %dma_wait3A, %dma_wait3A_1511] : memref<6x128x16xf32, #tpu.memory_space<vmem>> -> memref<1x128x16xf32, #tpu.memory_space<vmem>>
      %dma_wait3A_1513 = tpu.memref_squeeze %dma_wait3A_1512 : memref<1x128x16xf32, #tpu.memory_space<vmem>> -> memref<128x16xf32, #tpu.memory_space<vmem>>
      %dma_wait3A_1514 = arith.constant 0 : i32
      %dma_wait3A_1515 = tpu.memref_slice %arg9[%add3A_1424, %dma_wait3A_1514] : memref<53248x16xf32, #tpu.memory_space<vmem_shared>> -> memref<128x16xf32, #tpu.memory_space<vmem_shared>>
      %dma_wait3A_1516 = arith.constant 0 : i32
      %dma_wait3A_1517 = tpu.memref_slice %arg9[%add3A_1424, %dma_wait3A_1516] : memref<53248x16xf32, #tpu.memory_space<vmem_shared>> -> memref<128x16xf32, #tpu.memory_space<vmem_shared>>
      %dma_wait3A_1518 = arith.constant 0 : i32
      %dma_wait3A_1519 = arith.constant 0 : i32
      %dma_wait3A_1520 = tpu.memref_slice %arg8[%run_scoped3A_1425, %dma_wait3A_1518, %dma_wait3A_1519] : memref<6x128x16xf32, #tpu.memory_space<vmem>> -> memref<1x128x16xf32, #tpu.memory_space<vmem>>
      %dma_wait3A_1521 = tpu.memref_squeeze %dma_wait3A_1520 : memref<1x128x16xf32, #tpu.memory_space<vmem>> -> memref<128x16xf32, #tpu.memory_space<vmem>>
      tpu.wait_dma2 semaphore(%run_scoped3A_1499 : memref<!tpu.dma_semaphore, #tpu.memory_space<semaphore_mem>>) src(%dma_wait3A_1521 : memref<128x16xf32, #tpu.memory_space<vmem>>) dst(%dma_wait3A_1517 : memref<128x16xf32, #tpu.memory_space<vmem_shared>>)
      tpu.yield
    }) : () -> ()
    %add3A_1426 = arith.constant 640 : i32
    %add3A_1427 = arith.addi %mul3A_1412, %add3A_1426 : i32
    %run_scoped3A_1428 = arith.constant 0 : i32
    "tpu.region"() ({
      %run_scoped3A_1499 = tpu.sem_alloc : memref<!tpu.dma_semaphore, #tpu.memory_space<semaphore_mem>>
      %dma_start3A = arith.constant 0 : i32
      %dma_start3A_1500 = arith.constant 0 : i32
      %dma_start3A_1501 = tpu.memref_slice %arg8[%run_scoped3A_1428, %dma_start3A, %dma_start3A_1500] : memref<6x128x16xf32, #tpu.memory_space<vmem>> -> memref<1x128x16xf32, #tpu.memory_space<vmem>>
      %dma_start3A_1502 = tpu.memref_squeeze %dma_start3A_1501 : memref<1x128x16xf32, #tpu.memory_space<vmem>> -> memref<128x16xf32, #tpu.memory_space<vmem>>
      %dma_start3A_1503 = arith.constant 0 : i32
      %dma_start3A_1504 = tpu.memref_slice %arg9[%add3A_1427, %dma_start3A_1503] : memref<53248x16xf32, #tpu.memory_space<vmem_shared>> -> memref<128x16xf32, #tpu.memory_space<vmem_shared>>
      %dma_start3A_1505 = arith.constant 0 : i32
      %dma_start3A_1506 = tpu.memref_slice %arg9[%add3A_1427, %dma_start3A_1505] : memref<53248x16xf32, #tpu.memory_space<vmem_shared>> -> memref<128x16xf32, #tpu.memory_space<vmem_shared>>
      %dma_start3A_1507 = arith.constant 0 : i32
      %dma_start3A_1508 = arith.constant 0 : i32
      %dma_start3A_1509 = tpu.memref_slice %arg8[%run_scoped3A_1428, %dma_start3A_1507, %dma_start3A_1508] : memref<6x128x16xf32, #tpu.memory_space<vmem>> -> memref<1x128x16xf32, #tpu.memory_space<vmem>>
      %dma_start3A_1510 = tpu.memref_squeeze %dma_start3A_1509 : memref<1x128x16xf32, #tpu.memory_space<vmem>> -> memref<128x16xf32, #tpu.memory_space<vmem>>
      tpu.enqueue_dma source(%dma_start3A_1510 : memref<128x16xf32, #tpu.memory_space<vmem>>) target(%dma_start3A_1506 : memref<128x16xf32, #tpu.memory_space<vmem_shared>>) target_semaphore(%run_scoped3A_1499 : memref<!tpu.dma_semaphore, #tpu.memory_space<semaphore_mem>>)
      %dma_wait3A = arith.constant 0 : i32
      %dma_wait3A_1511 = arith.constant 0 : i32
      %dma_wait3A_1512 = tpu.memref_slice %arg8[%run_scoped3A_1428, %dma_wait3A, %dma_wait3A_1511] : memref<6x128x16xf32, #tpu.memory_space<vmem>> -> memref<1x128x16xf32, #tpu.memory_space<vmem>>
      %dma_wait3A_1513 = tpu.memref_squeeze %dma_wait3A_1512 : memref<1x128x16xf32, #tpu.memory_space<vmem>> -> memref<128x16xf32, #tpu.memory_space<vmem>>
      %dma_wait3A_1514 = arith.constant 0 : i32
      %dma_wait3A_1515 = tpu.memref_slice %arg9[%add3A_1427, %dma_wait3A_1514] : memref<53248x16xf32, #tpu.memory_space<vmem_shared>> -> memref<128x16xf32, #tpu.memory_space<vmem_shared>>
      %dma_wait3A_1516 = arith.constant 0 : i32
      %dma_wait3A_1517 = tpu.memref_slice %arg9[%add3A_1427, %dma_wait3A_1516] : memref<53248x16xf32, #tpu.memory_space<vmem_shared>> -> memref<128x16xf32, #tpu.memory_space<vmem_shared>>
      %dma_wait3A_1518 = arith.constant 0 : i32
      %dma_wait3A_1519 = arith.constant 0 : i32
      %dma_wait3A_1520 = tpu.memref_slice %arg8[%run_scoped3A_1428, %dma_wait3A_1518, %dma_wait3A_1519] : memref<6x128x16xf32, #tpu.memory_space<vmem>> -> memref<1x128x16xf32, #tpu.memory_space<vmem>>
      %dma_wait3A_1521 = tpu.memref_squeeze %dma_wait3A_1520 : memref<1x128x16xf32, #tpu.memory_space<vmem>> -> memref<128x16xf32, #tpu.memory_space<vmem>>
      tpu.wait_dma2 semaphore(%run_scoped3A_1499 : memref<!tpu.dma_semaphore, #tpu.memory_space<semaphore_mem>>) src(%dma_wait3A_1521 : memref<128x16xf32, #tpu.memory_space<vmem>>) dst(%dma_wait3A_1517 : memref<128x16xf32, #tpu.memory_space<vmem_shared>>)
      tpu.yield
    }) : () -> ()
    %add3A_1429 = arith.constant 768 : i32
    %add3A_1430 = arith.addi %mul3A_1412, %add3A_1429 : i32
    %run_scoped3A_1431 = arith.constant 0 : i32
    "tpu.region"() ({
      %run_scoped3A_1499 = tpu.sem_alloc : memref<!tpu.dma_semaphore, #tpu.memory_space<semaphore_mem>>
      %dma_start3A = arith.constant 0 : i32
      %dma_start3A_1500 = arith.constant 0 : i32
      %dma_start3A_1501 = tpu.memref_slice %arg8[%run_scoped3A_1431, %dma_start3A, %dma_start3A_1500] : memref<6x128x16xf32, #tpu.memory_space<vmem>> -> memref<1x128x16xf32, #tpu.memory_space<vmem>>
      %dma_start3A_1502 = tpu.memref_squeeze %dma_start3A_1501 : memref<1x128x16xf32, #tpu.memory_space<vmem>> -> memref<128x16xf32, #tpu.memory_space<vmem>>
      %dma_start3A_1503 = arith.constant 0 : i32
      %dma_start3A_1504 = tpu.memref_slice %arg9[%add3A_1430, %dma_start3A_1503] : memref<53248x16xf32, #tpu.memory_space<vmem_shared>> -> memref<128x16xf32, #tpu.memory_space<vmem_shared>>
      %dma_start3A_1505 = arith.constant 0 : i32
      %dma_start3A_1506 = tpu.memref_slice %arg9[%add3A_1430, %dma_start3A_1505] : memref<53248x16xf32, #tpu.memory_space<vmem_shared>> -> memref<128x16xf32, #tpu.memory_space<vmem_shared>>
      %dma_start3A_1507 = arith.constant 0 : i32
      %dma_start3A_1508 = arith.constant 0 : i32
      %dma_start3A_1509 = tpu.memref_slice %arg8[%run_scoped3A_1431, %dma_start3A_1507, %dma_start3A_1508] : memref<6x128x16xf32, #tpu.memory_space<vmem>> -> memref<1x128x16xf32, #tpu.memory_space<vmem>>
      %dma_start3A_1510 = tpu.memref_squeeze %dma_start3A_1509 : memref<1x128x16xf32, #tpu.memory_space<vmem>> -> memref<128x16xf32, #tpu.memory_space<vmem>>
      tpu.enqueue_dma source(%dma_start3A_1510 : memref<128x16xf32, #tpu.memory_space<vmem>>) target(%dma_start3A_1506 : memref<128x16xf32, #tpu.memory_space<vmem_shared>>) target_semaphore(%run_scoped3A_1499 : memref<!tpu.dma_semaphore, #tpu.memory_space<semaphore_mem>>)
      %dma_wait3A = arith.constant 0 : i32
      %dma_wait3A_1511 = arith.constant 0 : i32
      %dma_wait3A_1512 = tpu.memref_slice %arg8[%run_scoped3A_1431, %dma_wait3A, %dma_wait3A_1511] : memref<6x128x16xf32, #tpu.memory_space<vmem>> -> memref<1x128x16xf32, #tpu.memory_space<vmem>>
      %dma_wait3A_1513 = tpu.memref_squeeze %dma_wait3A_1512 : memref<1x128x16xf32, #tpu.memory_space<vmem>> -> memref<128x16xf32, #tpu.memory_space<vmem>>
      %dma_wait3A_1514 = arith.constant 0 : i32
      %dma_wait3A_1515 = tpu.memref_slice %arg9[%add3A_1430, %dma_wait3A_1514] : memref<53248x16xf32, #tpu.memory_space<vmem_shared>> -> memref<128x16xf32, #tpu.memory_space<vmem_shared>>
      %dma_wait3A_1516 = arith.constant 0 : i32
      %dma_wait3A_1517 = tpu.memref_slice %arg9[%add3A_1430, %dma_wait3A_1516] : memref<53248x16xf32, #tpu.memory_space<vmem_shared>> -> memref<128x16xf32, #tpu.memory_space<vmem_shared>>
      %dma_wait3A_1518 = arith.constant 0 : i32
      %dma_wait3A_1519 = arith.constant 0 : i32
      %dma_wait3A_1520 = tpu.memref_slice %arg8[%run_scoped3A_1431, %dma_wait3A_1518, %dma_wait3A_1519] : memref<6x128x16xf32, #tpu.memory_space<vmem>> -> memref<1x128x16xf32, #tpu.memory_space<vmem>>
      %dma_wait3A_1521 = tpu.memref_squeeze %dma_wait3A_1520 : memref<1x128x16xf32, #tpu.memory_space<vmem>> -> memref<128x16xf32, #tpu.memory_space<vmem>>
      tpu.wait_dma2 semaphore(%run_scoped3A_1499 : memref<!tpu.dma_semaphore, #tpu.memory_space<semaphore_mem>>) src(%dma_wait3A_1521 : memref<128x16xf32, #tpu.memory_space<vmem>>) dst(%dma_wait3A_1517 : memref<128x16xf32, #tpu.memory_space<vmem_shared>>)
      tpu.yield
    }) : () -> ()
    %add3A_1432 = arith.constant 896 : i32
    %add3A_1433 = arith.addi %mul3A_1412, %add3A_1432 : i32
    %run_scoped3A_1434 = arith.constant 0 : i32
    "tpu.region"() ({
      %run_scoped3A_1499 = tpu.sem_alloc : memref<!tpu.dma_semaphore, #tpu.memory_space<semaphore_mem>>
      %dma_start3A = arith.constant 0 : i32
      %dma_start3A_1500 = arith.constant 0 : i32
      %dma_start3A_1501 = tpu.memref_slice %arg8[%run_scoped3A_1434, %dma_start3A, %dma_start3A_1500] : memref<6x128x16xf32, #tpu.memory_space<vmem>> -> memref<1x128x16xf32, #tpu.memory_space<vmem>>
      %dma_start3A_1502 = tpu.memref_squeeze %dma_start3A_1501 : memref<1x128x16xf32, #tpu.memory_space<vmem>> -> memref<128x16xf32, #tpu.memory_space<vmem>>
      %dma_start3A_1503 = arith.constant 0 : i32
      %dma_start3A_1504 = tpu.memref_slice %arg9[%add3A_1433, %dma_start3A_1503] : memref<53248x16xf32, #tpu.memory_space<vmem_shared>> -> memref<128x16xf32, #tpu.memory_space<vmem_shared>>
      %dma_start3A_1505 = arith.constant 0 : i32
      %dma_start3A_1506 = tpu.memref_slice %arg9[%add3A_1433, %dma_start3A_1505] : memref<53248x16xf32, #tpu.memory_space<vmem_shared>> -> memref<128x16xf32, #tpu.memory_space<vmem_shared>>
      %dma_start3A_1507 = arith.constant 0 : i32
      %dma_start3A_1508 = arith.constant 0 : i32
      %dma_start3A_1509 = tpu.memref_slice %arg8[%run_scoped3A_1434, %dma_start3A_1507, %dma_start3A_1508] : memref<6x128x16xf32, #tpu.memory_space<vmem>> -> memref<1x128x16xf32, #tpu.memory_space<vmem>>
      %dma_start3A_1510 = tpu.memref_squeeze %dma_start3A_1509 : memref<1x128x16xf32, #tpu.memory_space<vmem>> -> memref<128x16xf32, #tpu.memory_space<vmem>>
      tpu.enqueue_dma source(%dma_start3A_1510 : memref<128x16xf32, #tpu.memory_space<vmem>>) target(%dma_start3A_1506 : memref<128x16xf32, #tpu.memory_space<vmem_shared>>) target_semaphore(%run_scoped3A_1499 : memref<!tpu.dma_semaphore, #tpu.memory_space<semaphore_mem>>)
      %dma_wait3A = arith.constant 0 : i32
      %dma_wait3A_1511 = arith.constant 0 : i32
      %dma_wait3A_1512 = tpu.memref_slice %arg8[%run_scoped3A_1434, %dma_wait3A, %dma_wait3A_1511] : memref<6x128x16xf32, #tpu.memory_space<vmem>> -> memref<1x128x16xf32, #tpu.memory_space<vmem>>
      %dma_wait3A_1513 = tpu.memref_squeeze %dma_wait3A_1512 : memref<1x128x16xf32, #tpu.memory_space<vmem>> -> memref<128x16xf32, #tpu.memory_space<vmem>>
      %dma_wait3A_1514 = arith.constant 0 : i32
      %dma_wait3A_1515 = tpu.memref_slice %arg9[%add3A_1433, %dma_wait3A_1514] : memref<53248x16xf32, #tpu.memory_space<vmem_shared>> -> memref<128x16xf32, #tpu.memory_space<vmem_shared>>
      %dma_wait3A_1516 = arith.constant 0 : i32
      %dma_wait3A_1517 = tpu.memref_slice %arg9[%add3A_1433, %dma_wait3A_1516] : memref<53248x16xf32, #tpu.memory_space<vmem_shared>> -> memref<128x16xf32, #tpu.memory_space<vmem_shared>>
      %dma_wait3A_1518 = arith.constant 0 : i32
      %dma_wait3A_1519 = arith.constant 0 : i32
      %dma_wait3A_1520 = tpu.memref_slice %arg8[%run_scoped3A_1434, %dma_wait3A_1518, %dma_wait3A_1519] : memref<6x128x16xf32, #tpu.memory_space<vmem>> -> memref<1x128x16xf32, #tpu.memory_space<vmem>>
      %dma_wait3A_1521 = tpu.memref_squeeze %dma_wait3A_1520 : memref<1x128x16xf32, #tpu.memory_space<vmem>> -> memref<128x16xf32, #tpu.memory_space<vmem>>
      tpu.wait_dma2 semaphore(%run_scoped3A_1499 : memref<!tpu.dma_semaphore, #tpu.memory_space<semaphore_mem>>) src(%dma_wait3A_1521 : memref<128x16xf32, #tpu.memory_space<vmem>>) dst(%dma_wait3A_1517 : memref<128x16xf32, #tpu.memory_space<vmem_shared>>)
      tpu.yield
    }) : () -> ()
    %add3A_1435 = arith.constant 1024 : i32
    %add3A_1436 = arith.addi %mul3A_1412, %add3A_1435 : i32
    %run_scoped3A_1437 = arith.constant 0 : i32
    "tpu.region"() ({
      %run_scoped3A_1499 = tpu.sem_alloc : memref<!tpu.dma_semaphore, #tpu.memory_space<semaphore_mem>>
      %dma_start3A = arith.constant 0 : i32
      %dma_start3A_1500 = arith.constant 0 : i32
      %dma_start3A_1501 = tpu.memref_slice %arg8[%run_scoped3A_1437, %dma_start3A, %dma_start3A_1500] : memref<6x128x16xf32, #tpu.memory_space<vmem>> -> memref<1x128x16xf32, #tpu.memory_space<vmem>>
      %dma_start3A_1502 = tpu.memref_squeeze %dma_start3A_1501 : memref<1x128x16xf32, #tpu.memory_space<vmem>> -> memref<128x16xf32, #tpu.memory_space<vmem>>
      %dma_start3A_1503 = arith.constant 0 : i32
      %dma_start3A_1504 = tpu.memref_slice %arg9[%add3A_1436, %dma_start3A_1503] : memref<53248x16xf32, #tpu.memory_space<vmem_shared>> -> memref<128x16xf32, #tpu.memory_space<vmem_shared>>
      %dma_start3A_1505 = arith.constant 0 : i32
      %dma_start3A_1506 = tpu.memref_slice %arg9[%add3A_1436, %dma_start3A_1505] : memref<53248x16xf32, #tpu.memory_space<vmem_shared>> -> memref<128x16xf32, #tpu.memory_space<vmem_shared>>
      %dma_start3A_1507 = arith.constant 0 : i32
      %dma_start3A_1508 = arith.constant 0 : i32
      %dma_start3A_1509 = tpu.memref_slice %arg8[%run_scoped3A_1437, %dma_start3A_1507, %dma_start3A_1508] : memref<6x128x16xf32, #tpu.memory_space<vmem>> -> memref<1x128x16xf32, #tpu.memory_space<vmem>>
      %dma_start3A_1510 = tpu.memref_squeeze %dma_start3A_1509 : memref<1x128x16xf32, #tpu.memory_space<vmem>> -> memref<128x16xf32, #tpu.memory_space<vmem>>
      tpu.enqueue_dma source(%dma_start3A_1510 : memref<128x16xf32, #tpu.memory_space<vmem>>) target(%dma_start3A_1506 : memref<128x16xf32, #tpu.memory_space<vmem_shared>>) target_semaphore(%run_scoped3A_1499 : memref<!tpu.dma_semaphore, #tpu.memory_space<semaphore_mem>>)
      %dma_wait3A = arith.constant 0 : i32
      %dma_wait3A_1511 = arith.constant 0 : i32
      %dma_wait3A_1512 = tpu.memref_slice %arg8[%run_scoped3A_1437, %dma_wait3A, %dma_wait3A_1511] : memref<6x128x16xf32, #tpu.memory_space<vmem>> -> memref<1x128x16xf32, #tpu.memory_space<vmem>>
      %dma_wait3A_1513 = tpu.memref_squeeze %dma_wait3A_1512 : memref<1x128x16xf32, #tpu.memory_space<vmem>> -> memref<128x16xf32, #tpu.memory_space<vmem>>
      %dma_wait3A_1514 = arith.constant 0 : i32
      %dma_wait3A_1515 = tpu.memref_slice %arg9[%add3A_1436, %dma_wait3A_1514] : memref<53248x16xf32, #tpu.memory_space<vmem_shared>> -> memref<128x16xf32, #tpu.memory_space<vmem_shared>>
      %dma_wait3A_1516 = arith.constant 0 : i32
      %dma_wait3A_1517 = tpu.memref_slice %arg9[%add3A_1436, %dma_wait3A_1516] : memref<53248x16xf32, #tpu.memory_space<vmem_shared>> -> memref<128x16xf32, #tpu.memory_space<vmem_shared>>
      %dma_wait3A_1518 = arith.constant 0 : i32
      %dma_wait3A_1519 = arith.constant 0 : i32
      %dma_wait3A_1520 = tpu.memref_slice %arg8[%run_scoped3A_1437, %dma_wait3A_1518, %dma_wait3A_1519] : memref<6x128x16xf32, #tpu.memory_space<vmem>> -> memref<1x128x16xf32, #tpu.memory_space<vmem>>
      %dma_wait3A_1521 = tpu.memref_squeeze %dma_wait3A_1520 : memref<1x128x16xf32, #tpu.memory_space<vmem>> -> memref<128x16xf32, #tpu.memory_space<vmem>>
      tpu.wait_dma2 semaphore(%run_scoped3A_1499 : memref<!tpu.dma_semaphore, #tpu.memory_space<semaphore_mem>>) src(%dma_wait3A_1521 : memref<128x16xf32, #tpu.memory_space<vmem>>) dst(%dma_wait3A_1517 : memref<128x16xf32, #tpu.memory_space<vmem_shared>>)
      tpu.yield
    }) : () -> ()
    %add3A_1438 = arith.constant 1152 : i32
    %add3A_1439 = arith.addi %mul3A_1412, %add3A_1438 : i32
    %run_scoped3A_1440 = arith.constant 0 : i32
    "tpu.region"() ({
      %run_scoped3A_1499 = tpu.sem_alloc : memref<!tpu.dma_semaphore, #tpu.memory_space<semaphore_mem>>
      %dma_start3A = arith.constant 0 : i32
      %dma_start3A_1500 = arith.constant 0 : i32
      %dma_start3A_1501 = tpu.memref_slice %arg8[%run_scoped3A_1440, %dma_start3A, %dma_start3A_1500] : memref<6x128x16xf32, #tpu.memory_space<vmem>> -> memref<1x128x16xf32, #tpu.memory_space<vmem>>
      %dma_start3A_1502 = tpu.memref_squeeze %dma_start3A_1501 : memref<1x128x16xf32, #tpu.memory_space<vmem>> -> memref<128x16xf32, #tpu.memory_space<vmem>>
      %dma_start3A_1503 = arith.constant 0 : i32
      %dma_start3A_1504 = tpu.memref_slice %arg9[%add3A_1439, %dma_start3A_1503] : memref<53248x16xf32, #tpu.memory_space<vmem_shared>> -> memref<128x16xf32, #tpu.memory_space<vmem_shared>>
      %dma_start3A_1505 = arith.constant 0 : i32
      %dma_start3A_1506 = tpu.memref_slice %arg9[%add3A_1439, %dma_start3A_1505] : memref<53248x16xf32, #tpu.memory_space<vmem_shared>> -> memref<128x16xf32, #tpu.memory_space<vmem_shared>>
      %dma_start3A_1507 = arith.constant 0 : i32
      %dma_start3A_1508 = arith.constant 0 : i32
      %dma_start3A_1509 = tpu.memref_slice %arg8[%run_scoped3A_1440, %dma_start3A_1507, %dma_start3A_1508] : memref<6x128x16xf32, #tpu.memory_space<vmem>> -> memref<1x128x16xf32, #tpu.memory_space<vmem>>
      %dma_start3A_1510 = tpu.memref_squeeze %dma_start3A_1509 : memref<1x128x16xf32, #tpu.memory_space<vmem>> -> memref<128x16xf32, #tpu.memory_space<vmem>>
      tpu.enqueue_dma source(%dma_start3A_1510 : memref<128x16xf32, #tpu.memory_space<vmem>>) target(%dma_start3A_1506 : memref<128x16xf32, #tpu.memory_space<vmem_shared>>) target_semaphore(%run_scoped3A_1499 : memref<!tpu.dma_semaphore, #tpu.memory_space<semaphore_mem>>)
      %dma_wait3A = arith.constant 0 : i32
      %dma_wait3A_1511 = arith.constant 0 : i32
      %dma_wait3A_1512 = tpu.memref_slice %arg8[%run_scoped3A_1440, %dma_wait3A, %dma_wait3A_1511] : memref<6x128x16xf32, #tpu.memory_space<vmem>> -> memref<1x128x16xf32, #tpu.memory_space<vmem>>
      %dma_wait3A_1513 = tpu.memref_squeeze %dma_wait3A_1512 : memref<1x128x16xf32, #tpu.memory_space<vmem>> -> memref<128x16xf32, #tpu.memory_space<vmem>>
      %dma_wait3A_1514 = arith.constant 0 : i32
      %dma_wait3A_1515 = tpu.memref_slice %arg9[%add3A_1439, %dma_wait3A_1514] : memref<53248x16xf32, #tpu.memory_space<vmem_shared>> -> memref<128x16xf32, #tpu.memory_space<vmem_shared>>
      %dma_wait3A_1516 = arith.constant 0 : i32
      %dma_wait3A_1517 = tpu.memref_slice %arg9[%add3A_1439, %dma_wait3A_1516] : memref<53248x16xf32, #tpu.memory_space<vmem_shared>> -> memref<128x16xf32, #tpu.memory_space<vmem_shared>>
      %dma_wait3A_1518 = arith.constant 0 : i32
      %dma_wait3A_1519 = arith.constant 0 : i32
      %dma_wait3A_1520 = tpu.memref_slice %arg8[%run_scoped3A_1440, %dma_wait3A_1518, %dma_wait3A_1519] : memref<6x128x16xf32, #tpu.memory_space<vmem>> -> memref<1x128x16xf32, #tpu.memory_space<vmem>>
      %dma_wait3A_1521 = tpu.memref_squeeze %dma_wait3A_1520 : memref<1x128x16xf32, #tpu.memory_space<vmem>> -> memref<128x16xf32, #tpu.memory_space<vmem>>
      tpu.wait_dma2 semaphore(%run_scoped3A_1499 : memref<!tpu.dma_semaphore, #tpu.memory_space<semaphore_mem>>) src(%dma_wait3A_1521 : memref<128x16xf32, #tpu.memory_space<vmem>>) dst(%dma_wait3A_1517 : memref<128x16xf32, #tpu.memory_space<vmem_shared>>)
      tpu.yield
    }) : () -> ()
    %add3A_1441 = arith.constant 1280 : i32
    %add3A_1442 = arith.addi %mul3A_1412, %add3A_1441 : i32
    %run_scoped3A_1443 = arith.constant 0 : i32
    "tpu.region"() ({
      %run_scoped3A_1499 = tpu.sem_alloc : memref<!tpu.dma_semaphore, #tpu.memory_space<semaphore_mem>>
      %dma_start3A = arith.constant 0 : i32
      %dma_start3A_1500 = arith.constant 0 : i32
      %dma_start3A_1501 = tpu.memref_slice %arg8[%run_scoped3A_1443, %dma_start3A, %dma_start3A_1500] : memref<6x128x16xf32, #tpu.memory_space<vmem>> -> memref<1x128x16xf32, #tpu.memory_space<vmem>>
      %dma_start3A_1502 = tpu.memref_squeeze %dma_start3A_1501 : memref<1x128x16xf32, #tpu.memory_space<vmem>> -> memref<128x16xf32, #tpu.memory_space<vmem>>
      %dma_start3A_1503 = arith.constant 0 : i32
      %dma_start3A_1504 = tpu.memref_slice %arg9[%add3A_1442, %dma_start3A_1503] : memref<53248x16xf32, #tpu.memory_space<vmem_shared>> -> memref<128x16xf32, #tpu.memory_space<vmem_shared>>
      %dma_start3A_1505 = arith.constant 0 : i32
      %dma_start3A_1506 = tpu.memref_slice %arg9[%add3A_1442, %dma_start3A_1505] : memref<53248x16xf32, #tpu.memory_space<vmem_shared>> -> memref<128x16xf32, #tpu.memory_space<vmem_shared>>
      %dma_start3A_1507 = arith.constant 0 : i32
      %dma_start3A_1508 = arith.constant 0 : i32
      %dma_start3A_1509 = tpu.memref_slice %arg8[%run_scoped3A_1443, %dma_start3A_1507, %dma_start3A_1508] : memref<6x128x16xf32, #tpu.memory_space<vmem>> -> memref<1x128x16xf32, #tpu.memory_space<vmem>>
      %dma_start3A_1510 = tpu.memref_squeeze %dma_start3A_1509 : memref<1x128x16xf32, #tpu.memory_space<vmem>> -> memref<128x16xf32, #tpu.memory_space<vmem>>
      tpu.enqueue_dma source(%dma_start3A_1510 : memref<128x16xf32, #tpu.memory_space<vmem>>) target(%dma_start3A_1506 : memref<128x16xf32, #tpu.memory_space<vmem_shared>>) target_semaphore(%run_scoped3A_1499 : memref<!tpu.dma_semaphore, #tpu.memory_space<semaphore_mem>>)
      %dma_wait3A = arith.constant 0 : i32
      %dma_wait3A_1511 = arith.constant 0 : i32
      %dma_wait3A_1512 = tpu.memref_slice %arg8[%run_scoped3A_1443, %dma_wait3A, %dma_wait3A_1511] : memref<6x128x16xf32, #tpu.memory_space<vmem>> -> memref<1x128x16xf32, #tpu.memory_space<vmem>>
      %dma_wait3A_1513 = tpu.memref_squeeze %dma_wait3A_1512 : memref<1x128x16xf32, #tpu.memory_space<vmem>> -> memref<128x16xf32, #tpu.memory_space<vmem>>
      %dma_wait3A_1514 = arith.constant 0 : i32
      %dma_wait3A_1515 = tpu.memref_slice %arg9[%add3A_1442, %dma_wait3A_1514] : memref<53248x16xf32, #tpu.memory_space<vmem_shared>> -> memref<128x16xf32, #tpu.memory_space<vmem_shared>>
      %dma_wait3A_1516 = arith.constant 0 : i32
      %dma_wait3A_1517 = tpu.memref_slice %arg9[%add3A_1442, %dma_wait3A_1516] : memref<53248x16xf32, #tpu.memory_space<vmem_shared>> -> memref<128x16xf32, #tpu.memory_space<vmem_shared>>
      %dma_wait3A_1518 = arith.constant 0 : i32
      %dma_wait3A_1519 = arith.constant 0 : i32
      %dma_wait3A_1520 = tpu.memref_slice %arg8[%run_scoped3A_1443, %dma_wait3A_1518, %dma_wait3A_1519] : memref<6x128x16xf32, #tpu.memory_space<vmem>> -> memref<1x128x16xf32, #tpu.memory_space<vmem>>
      %dma_wait3A_1521 = tpu.memref_squeeze %dma_wait3A_1520 : memref<1x128x16xf32, #tpu.memory_space<vmem>> -> memref<128x16xf32, #tpu.memory_space<vmem>>
      tpu.wait_dma2 semaphore(%run_scoped3A_1499 : memref<!tpu.dma_semaphore, #tpu.memory_space<semaphore_mem>>) src(%dma_wait3A_1521 : memref<128x16xf32, #tpu.memory_space<vmem>>) dst(%dma_wait3A_1517 : memref<128x16xf32, #tpu.memory_space<vmem_shared>>)
      tpu.yield
    }) : () -> ()
    %add3A_1444 = arith.constant 1408 : i32
    %add3A_1445 = arith.addi %mul3A_1412, %add3A_1444 : i32
    %run_scoped3A_1446 = arith.constant 0 : i32
    "tpu.region"() ({
      %run_scoped3A_1499 = tpu.sem_alloc : memref<!tpu.dma_semaphore, #tpu.memory_space<semaphore_mem>>
      %dma_start3A = arith.constant 0 : i32
      %dma_start3A_1500 = arith.constant 0 : i32
      %dma_start3A_1501 = tpu.memref_slice %arg8[%run_scoped3A_1446, %dma_start3A, %dma_start3A_1500] : memref<6x128x16xf32, #tpu.memory_space<vmem>> -> memref<1x128x16xf32, #tpu.memory_space<vmem>>
      %dma_start3A_1502 = tpu.memref_squeeze %dma_start3A_1501 : memref<1x128x16xf32, #tpu.memory_space<vmem>> -> memref<128x16xf32, #tpu.memory_space<vmem>>
      %dma_start3A_1503 = arith.constant 0 : i32
      %dma_start3A_1504 = tpu.memref_slice %arg9[%add3A_1445, %dma_start3A_1503] : memref<53248x16xf32, #tpu.memory_space<vmem_shared>> -> memref<128x16xf32, #tpu.memory_space<vmem_shared>>
      %dma_start3A_1505 = arith.constant 0 : i32
      %dma_start3A_1506 = tpu.memref_slice %arg9[%add3A_1445, %dma_start3A_1505] : memref<53248x16xf32, #tpu.memory_space<vmem_shared>> -> memref<128x16xf32, #tpu.memory_space<vmem_shared>>
      %dma_start3A_1507 = arith.constant 0 : i32
      %dma_start3A_1508 = arith.constant 0 : i32
      %dma_start3A_1509 = tpu.memref_slice %arg8[%run_scoped3A_1446, %dma_start3A_1507, %dma_start3A_1508] : memref<6x128x16xf32, #tpu.memory_space<vmem>> -> memref<1x128x16xf32, #tpu.memory_space<vmem>>
      %dma_start3A_1510 = tpu.memref_squeeze %dma_start3A_1509 : memref<1x128x16xf32, #tpu.memory_space<vmem>> -> memref<128x16xf32, #tpu.memory_space<vmem>>
      tpu.enqueue_dma source(%dma_start3A_1510 : memref<128x16xf32, #tpu.memory_space<vmem>>) target(%dma_start3A_1506 : memref<128x16xf32, #tpu.memory_space<vmem_shared>>) target_semaphore(%run_scoped3A_1499 : memref<!tpu.dma_semaphore, #tpu.memory_space<semaphore_mem>>)
      %dma_wait3A = arith.constant 0 : i32
      %dma_wait3A_1511 = arith.constant 0 : i32
      %dma_wait3A_1512 = tpu.memref_slice %arg8[%run_scoped3A_1446, %dma_wait3A, %dma_wait3A_1511] : memref<6x128x16xf32, #tpu.memory_space<vmem>> -> memref<1x128x16xf32, #tpu.memory_space<vmem>>
      %dma_wait3A_1513 = tpu.memref_squeeze %dma_wait3A_1512 : memref<1x128x16xf32, #tpu.memory_space<vmem>> -> memref<128x16xf32, #tpu.memory_space<vmem>>
      %dma_wait3A_1514 = arith.constant 0 : i32
      %dma_wait3A_1515 = tpu.memref_slice %arg9[%add3A_1445, %dma_wait3A_1514] : memref<53248x16xf32, #tpu.memory_space<vmem_shared>> -> memref<128x16xf32, #tpu.memory_space<vmem_shared>>
      %dma_wait3A_1516 = arith.constant 0 : i32
      %dma_wait3A_1517 = tpu.memref_slice %arg9[%add3A_1445, %dma_wait3A_1516] : memref<53248x16xf32, #tpu.memory_space<vmem_shared>> -> memref<128x16xf32, #tpu.memory_space<vmem_shared>>
      %dma_wait3A_1518 = arith.constant 0 : i32
      %dma_wait3A_1519 = arith.constant 0 : i32
      %dma_wait3A_1520 = tpu.memref_slice %arg8[%run_scoped3A_1446, %dma_wait3A_1518, %dma_wait3A_1519] : memref<6x128x16xf32, #tpu.memory_space<vmem>> -> memref<1x128x16xf32, #tpu.memory_space<vmem>>
      %dma_wait3A_1521 = tpu.memref_squeeze %dma_wait3A_1520 : memref<1x128x16xf32, #tpu.memory_space<vmem>> -> memref<128x16xf32, #tpu.memory_space<vmem>>
      tpu.wait_dma2 semaphore(%run_scoped3A_1499 : memref<!tpu.dma_semaphore, #tpu.memory_space<semaphore_mem>>) src(%dma_wait3A_1521 : memref<128x16xf32, #tpu.memory_space<vmem>>) dst(%dma_wait3A_1517 : memref<128x16xf32, #tpu.memory_space<vmem_shared>>)
      tpu.yield
    }) : () -> ()
    %add3A_1447 = arith.constant 1536 : i32
    %add3A_1448 = arith.addi %mul3A_1412, %add3A_1447 : i32
    %run_scoped3A_1449 = arith.constant 0 : i32
    "tpu.region"() ({
      %run_scoped3A_1499 = tpu.sem_alloc : memref<!tpu.dma_semaphore, #tpu.memory_space<semaphore_mem>>
      %dma_start3A = arith.constant 0 : i32
      %dma_start3A_1500 = arith.constant 0 : i32
      %dma_start3A_1501 = tpu.memref_slice %arg8[%run_scoped3A_1449, %dma_start3A, %dma_start3A_1500] : memref<6x128x16xf32, #tpu.memory_space<vmem>> -> memref<1x128x16xf32, #tpu.memory_space<vmem>>
      %dma_start3A_1502 = tpu.memref_squeeze %dma_start3A_1501 : memref<1x128x16xf32, #tpu.memory_space<vmem>> -> memref<128x16xf32, #tpu.memory_space<vmem>>
      %dma_start3A_1503 = arith.constant 0 : i32
      %dma_start3A_1504 = tpu.memref_slice %arg9[%add3A_1448, %dma_start3A_1503] : memref<53248x16xf32, #tpu.memory_space<vmem_shared>> -> memref<128x16xf32, #tpu.memory_space<vmem_shared>>
      %dma_start3A_1505 = arith.constant 0 : i32
      %dma_start3A_1506 = tpu.memref_slice %arg9[%add3A_1448, %dma_start3A_1505] : memref<53248x16xf32, #tpu.memory_space<vmem_shared>> -> memref<128x16xf32, #tpu.memory_space<vmem_shared>>
      %dma_start3A_1507 = arith.constant 0 : i32
      %dma_start3A_1508 = arith.constant 0 : i32
      %dma_start3A_1509 = tpu.memref_slice %arg8[%run_scoped3A_1449, %dma_start3A_1507, %dma_start3A_1508] : memref<6x128x16xf32, #tpu.memory_space<vmem>> -> memref<1x128x16xf32, #tpu.memory_space<vmem>>
      %dma_start3A_1510 = tpu.memref_squeeze %dma_start3A_1509 : memref<1x128x16xf32, #tpu.memory_space<vmem>> -> memref<128x16xf32, #tpu.memory_space<vmem>>
      tpu.enqueue_dma source(%dma_start3A_1510 : memref<128x16xf32, #tpu.memory_space<vmem>>) target(%dma_start3A_1506 : memref<128x16xf32, #tpu.memory_space<vmem_shared>>) target_semaphore(%run_scoped3A_1499 : memref<!tpu.dma_semaphore, #tpu.memory_space<semaphore_mem>>)
      %dma_wait3A = arith.constant 0 : i32
      %dma_wait3A_1511 = arith.constant 0 : i32
      %dma_wait3A_1512 = tpu.memref_slice %arg8[%run_scoped3A_1449, %dma_wait3A, %dma_wait3A_1511] : memref<6x128x16xf32, #tpu.memory_space<vmem>> -> memref<1x128x16xf32, #tpu.memory_space<vmem>>
      %dma_wait3A_1513 = tpu.memref_squeeze %dma_wait3A_1512 : memref<1x128x16xf32, #tpu.memory_space<vmem>> -> memref<128x16xf32, #tpu.memory_space<vmem>>
      %dma_wait3A_1514 = arith.constant 0 : i32
      %dma_wait3A_1515 = tpu.memref_slice %arg9[%add3A_1448, %dma_wait3A_1514] : memref<53248x16xf32, #tpu.memory_space<vmem_shared>> -> memref<128x16xf32, #tpu.memory_space<vmem_shared>>
      %dma_wait3A_1516 = arith.constant 0 : i32
      %dma_wait3A_1517 = tpu.memref_slice %arg9[%add3A_1448, %dma_wait3A_1516] : memref<53248x16xf32, #tpu.memory_space<vmem_shared>> -> memref<128x16xf32, #tpu.memory_space<vmem_shared>>
      %dma_wait3A_1518 = arith.constant 0 : i32
      %dma_wait3A_1519 = arith.constant 0 : i32
      %dma_wait3A_1520 = tpu.memref_slice %arg8[%run_scoped3A_1449, %dma_wait3A_1518, %dma_wait3A_1519] : memref<6x128x16xf32, #tpu.memory_space<vmem>> -> memref<1x128x16xf32, #tpu.memory_space<vmem>>
      %dma_wait3A_1521 = tpu.memref_squeeze %dma_wait3A_1520 : memref<1x128x16xf32, #tpu.memory_space<vmem>> -> memref<128x16xf32, #tpu.memory_space<vmem>>
      tpu.wait_dma2 semaphore(%run_scoped3A_1499 : memref<!tpu.dma_semaphore, #tpu.memory_space<semaphore_mem>>) src(%dma_wait3A_1521 : memref<128x16xf32, #tpu.memory_space<vmem>>) dst(%dma_wait3A_1517 : memref<128x16xf32, #tpu.memory_space<vmem_shared>>)
      tpu.yield
    }) : () -> ()
    %add3A_1450 = arith.constant 1664 : i32
    %add3A_1451 = arith.addi %mul3A_1412, %add3A_1450 : i32
    %run_scoped3A_1452 = arith.constant 0 : i32
    "tpu.region"() ({
      %run_scoped3A_1499 = tpu.sem_alloc : memref<!tpu.dma_semaphore, #tpu.memory_space<semaphore_mem>>
      %dma_start3A = arith.constant 0 : i32
      %dma_start3A_1500 = arith.constant 0 : i32
      %dma_start3A_1501 = tpu.memref_slice %arg8[%run_scoped3A_1452, %dma_start3A, %dma_start3A_1500] : memref<6x128x16xf32, #tpu.memory_space<vmem>> -> memref<1x128x16xf32, #tpu.memory_space<vmem>>
      %dma_start3A_1502 = tpu.memref_squeeze %dma_start3A_1501 : memref<1x128x16xf32, #tpu.memory_space<vmem>> -> memref<128x16xf32, #tpu.memory_space<vmem>>
      %dma_start3A_1503 = arith.constant 0 : i32
      %dma_start3A_1504 = tpu.memref_slice %arg9[%add3A_1451, %dma_start3A_1503] : memref<53248x16xf32, #tpu.memory_space<vmem_shared>> -> memref<128x16xf32, #tpu.memory_space<vmem_shared>>
      %dma_start3A_1505 = arith.constant 0 : i32
      %dma_start3A_1506 = tpu.memref_slice %arg9[%add3A_1451, %dma_start3A_1505] : memref<53248x16xf32, #tpu.memory_space<vmem_shared>> -> memref<128x16xf32, #tpu.memory_space<vmem_shared>>
      %dma_start3A_1507 = arith.constant 0 : i32
      %dma_start3A_1508 = arith.constant 0 : i32
      %dma_start3A_1509 = tpu.memref_slice %arg8[%run_scoped3A_1452, %dma_start3A_1507, %dma_start3A_1508] : memref<6x128x16xf32, #tpu.memory_space<vmem>> -> memref<1x128x16xf32, #tpu.memory_space<vmem>>
      %dma_start3A_1510 = tpu.memref_squeeze %dma_start3A_1509 : memref<1x128x16xf32, #tpu.memory_space<vmem>> -> memref<128x16xf32, #tpu.memory_space<vmem>>
      tpu.enqueue_dma source(%dma_start3A_1510 : memref<128x16xf32, #tpu.memory_space<vmem>>) target(%dma_start3A_1506 : memref<128x16xf32, #tpu.memory_space<vmem_shared>>) target_semaphore(%run_scoped3A_1499 : memref<!tpu.dma_semaphore, #tpu.memory_space<semaphore_mem>>)
      %dma_wait3A = arith.constant 0 : i32
      %dma_wait3A_1511 = arith.constant 0 : i32
      %dma_wait3A_1512 = tpu.memref_slice %arg8[%run_scoped3A_1452, %dma_wait3A, %dma_wait3A_1511] : memref<6x128x16xf32, #tpu.memory_space<vmem>> -> memref<1x128x16xf32, #tpu.memory_space<vmem>>
      %dma_wait3A_1513 = tpu.memref_squeeze %dma_wait3A_1512 : memref<1x128x16xf32, #tpu.memory_space<vmem>> -> memref<128x16xf32, #tpu.memory_space<vmem>>
      %dma_wait3A_1514 = arith.constant 0 : i32
      %dma_wait3A_1515 = tpu.memref_slice %arg9[%add3A_1451, %dma_wait3A_1514] : memref<53248x16xf32, #tpu.memory_space<vmem_shared>> -> memref<128x16xf32, #tpu.memory_space<vmem_shared>>
      %dma_wait3A_1516 = arith.constant 0 : i32
      %dma_wait3A_1517 = tpu.memref_slice %arg9[%add3A_1451, %dma_wait3A_1516] : memref<53248x16xf32, #tpu.memory_space<vmem_shared>> -> memref<128x16xf32, #tpu.memory_space<vmem_shared>>
      %dma_wait3A_1518 = arith.constant 0 : i32
      %dma_wait3A_1519 = arith.constant 0 : i32
      %dma_wait3A_1520 = tpu.memref_slice %arg8[%run_scoped3A_1452, %dma_wait3A_1518, %dma_wait3A_1519] : memref<6x128x16xf32, #tpu.memory_space<vmem>> -> memref<1x128x16xf32, #tpu.memory_space<vmem>>
      %dma_wait3A_1521 = tpu.memref_squeeze %dma_wait3A_1520 : memref<1x128x16xf32, #tpu.memory_space<vmem>> -> memref<128x16xf32, #tpu.memory_space<vmem>>
      tpu.wait_dma2 semaphore(%run_scoped3A_1499 : memref<!tpu.dma_semaphore, #tpu.memory_space<semaphore_mem>>) src(%dma_wait3A_1521 : memref<128x16xf32, #tpu.memory_space<vmem>>) dst(%dma_wait3A_1517 : memref<128x16xf32, #tpu.memory_space<vmem_shared>>)
      tpu.yield
    }) : () -> ()
    %add3A_1453 = arith.constant 1792 : i32
    %add3A_1454 = arith.addi %mul3A_1412, %add3A_1453 : i32
    %run_scoped3A_1455 = arith.constant 0 : i32
    "tpu.region"() ({
      %run_scoped3A_1499 = tpu.sem_alloc : memref<!tpu.dma_semaphore, #tpu.memory_space<semaphore_mem>>
      %dma_start3A = arith.constant 0 : i32
      %dma_start3A_1500 = arith.constant 0 : i32
      %dma_start3A_1501 = tpu.memref_slice %arg8[%run_scoped3A_1455, %dma_start3A, %dma_start3A_1500] : memref<6x128x16xf32, #tpu.memory_space<vmem>> -> memref<1x128x16xf32, #tpu.memory_space<vmem>>
      %dma_start3A_1502 = tpu.memref_squeeze %dma_start3A_1501 : memref<1x128x16xf32, #tpu.memory_space<vmem>> -> memref<128x16xf32, #tpu.memory_space<vmem>>
      %dma_start3A_1503 = arith.constant 0 : i32
      %dma_start3A_1504 = tpu.memref_slice %arg9[%add3A_1454, %dma_start3A_1503] : memref<53248x16xf32, #tpu.memory_space<vmem_shared>> -> memref<128x16xf32, #tpu.memory_space<vmem_shared>>
      %dma_start3A_1505 = arith.constant 0 : i32
      %dma_start3A_1506 = tpu.memref_slice %arg9[%add3A_1454, %dma_start3A_1505] : memref<53248x16xf32, #tpu.memory_space<vmem_shared>> -> memref<128x16xf32, #tpu.memory_space<vmem_shared>>
      %dma_start3A_1507 = arith.constant 0 : i32
      %dma_start3A_1508 = arith.constant 0 : i32
      %dma_start3A_1509 = tpu.memref_slice %arg8[%run_scoped3A_1455, %dma_start3A_1507, %dma_start3A_1508] : memref<6x128x16xf32, #tpu.memory_space<vmem>> -> memref<1x128x16xf32, #tpu.memory_space<vmem>>
      %dma_start3A_1510 = tpu.memref_squeeze %dma_start3A_1509 : memref<1x128x16xf32, #tpu.memory_space<vmem>> -> memref<128x16xf32, #tpu.memory_space<vmem>>
      tpu.enqueue_dma source(%dma_start3A_1510 : memref<128x16xf32, #tpu.memory_space<vmem>>) target(%dma_start3A_1506 : memref<128x16xf32, #tpu.memory_space<vmem_shared>>) target_semaphore(%run_scoped3A_1499 : memref<!tpu.dma_semaphore, #tpu.memory_space<semaphore_mem>>)
      %dma_wait3A = arith.constant 0 : i32
      %dma_wait3A_1511 = arith.constant 0 : i32
      %dma_wait3A_1512 = tpu.memref_slice %arg8[%run_scoped3A_1455, %dma_wait3A, %dma_wait3A_1511] : memref<6x128x16xf32, #tpu.memory_space<vmem>> -> memref<1x128x16xf32, #tpu.memory_space<vmem>>
      %dma_wait3A_1513 = tpu.memref_squeeze %dma_wait3A_1512 : memref<1x128x16xf32, #tpu.memory_space<vmem>> -> memref<128x16xf32, #tpu.memory_space<vmem>>
      %dma_wait3A_1514 = arith.constant 0 : i32
      %dma_wait3A_1515 = tpu.memref_slice %arg9[%add3A_1454, %dma_wait3A_1514] : memref<53248x16xf32, #tpu.memory_space<vmem_shared>> -> memref<128x16xf32, #tpu.memory_space<vmem_shared>>
      %dma_wait3A_1516 = arith.constant 0 : i32
      %dma_wait3A_1517 = tpu.memref_slice %arg9[%add3A_1454, %dma_wait3A_1516] : memref<53248x16xf32, #tpu.memory_space<vmem_shared>> -> memref<128x16xf32, #tpu.memory_space<vmem_shared>>
      %dma_wait3A_1518 = arith.constant 0 : i32
      %dma_wait3A_1519 = arith.constant 0 : i32
      %dma_wait3A_1520 = tpu.memref_slice %arg8[%run_scoped3A_1455, %dma_wait3A_1518, %dma_wait3A_1519] : memref<6x128x16xf32, #tpu.memory_space<vmem>> -> memref<1x128x16xf32, #tpu.memory_space<vmem>>
      %dma_wait3A_1521 = tpu.memref_squeeze %dma_wait3A_1520 : memref<1x128x16xf32, #tpu.memory_space<vmem>> -> memref<128x16xf32, #tpu.memory_space<vmem>>
      tpu.wait_dma2 semaphore(%run_scoped3A_1499 : memref<!tpu.dma_semaphore, #tpu.memory_space<semaphore_mem>>) src(%dma_wait3A_1521 : memref<128x16xf32, #tpu.memory_space<vmem>>) dst(%dma_wait3A_1517 : memref<128x16xf32, #tpu.memory_space<vmem_shared>>)
      tpu.yield
    }) : () -> ()
    %add3A_1456 = arith.constant 1920 : i32
    %add3A_1457 = arith.addi %mul3A_1412, %add3A_1456 : i32
    %run_scoped3A_1458 = arith.constant 0 : i32
    "tpu.region"() ({
      %run_scoped3A_1499 = tpu.sem_alloc : memref<!tpu.dma_semaphore, #tpu.memory_space<semaphore_mem>>
      %dma_start3A = arith.constant 0 : i32
      %dma_start3A_1500 = arith.constant 0 : i32
      %dma_start3A_1501 = tpu.memref_slice %arg8[%run_scoped3A_1458, %dma_start3A, %dma_start3A_1500] : memref<6x128x16xf32, #tpu.memory_space<vmem>> -> memref<1x128x16xf32, #tpu.memory_space<vmem>>
      %dma_start3A_1502 = tpu.memref_squeeze %dma_start3A_1501 : memref<1x128x16xf32, #tpu.memory_space<vmem>> -> memref<128x16xf32, #tpu.memory_space<vmem>>
      %dma_start3A_1503 = arith.constant 0 : i32
      %dma_start3A_1504 = tpu.memref_slice %arg9[%add3A_1457, %dma_start3A_1503] : memref<53248x16xf32, #tpu.memory_space<vmem_shared>> -> memref<128x16xf32, #tpu.memory_space<vmem_shared>>
      %dma_start3A_1505 = arith.constant 0 : i32
      %dma_start3A_1506 = tpu.memref_slice %arg9[%add3A_1457, %dma_start3A_1505] : memref<53248x16xf32, #tpu.memory_space<vmem_shared>> -> memref<128x16xf32, #tpu.memory_space<vmem_shared>>
      %dma_start3A_1507 = arith.constant 0 : i32
      %dma_start3A_1508 = arith.constant 0 : i32
      %dma_start3A_1509 = tpu.memref_slice %arg8[%run_scoped3A_1458, %dma_start3A_1507, %dma_start3A_1508] : memref<6x128x16xf32, #tpu.memory_space<vmem>> -> memref<1x128x16xf32, #tpu.memory_space<vmem>>
      %dma_start3A_1510 = tpu.memref_squeeze %dma_start3A_1509 : memref<1x128x16xf32, #tpu.memory_space<vmem>> -> memref<128x16xf32, #tpu.memory_space<vmem>>
      tpu.enqueue_dma source(%dma_start3A_1510 : memref<128x16xf32, #tpu.memory_space<vmem>>) target(%dma_start3A_1506 : memref<128x16xf32, #tpu.memory_space<vmem_shared>>) target_semaphore(%run_scoped3A_1499 : memref<!tpu.dma_semaphore, #tpu.memory_space<semaphore_mem>>)
      %dma_wait3A = arith.constant 0 : i32
      %dma_wait3A_1511 = arith.constant 0 : i32
      %dma_wait3A_1512 = tpu.memref_slice %arg8[%run_scoped3A_1458, %dma_wait3A, %dma_wait3A_1511] : memref<6x128x16xf32, #tpu.memory_space<vmem>> -> memref<1x128x16xf32, #tpu.memory_space<vmem>>
      %dma_wait3A_1513 = tpu.memref_squeeze %dma_wait3A_1512 : memref<1x128x16xf32, #tpu.memory_space<vmem>> -> memref<128x16xf32, #tpu.memory_space<vmem>>
      %dma_wait3A_1514 = arith.constant 0 : i32
      %dma_wait3A_1515 = tpu.memref_slice %arg9[%add3A_1457, %dma_wait3A_1514] : memref<53248x16xf32, #tpu.memory_space<vmem_shared>> -> memref<128x16xf32, #tpu.memory_space<vmem_shared>>
      %dma_wait3A_1516 = arith.constant 0 : i32
      %dma_wait3A_1517 = tpu.memref_slice %arg9[%add3A_1457, %dma_wait3A_1516] : memref<53248x16xf32, #tpu.memory_space<vmem_shared>> -> memref<128x16xf32, #tpu.memory_space<vmem_shared>>
      %dma_wait3A_1518 = arith.constant 0 : i32
      %dma_wait3A_1519 = arith.constant 0 : i32
      %dma_wait3A_1520 = tpu.memref_slice %arg8[%run_scoped3A_1458, %dma_wait3A_1518, %dma_wait3A_1519] : memref<6x128x16xf32, #tpu.memory_space<vmem>> -> memref<1x128x16xf32, #tpu.memory_space<vmem>>
      %dma_wait3A_1521 = tpu.memref_squeeze %dma_wait3A_1520 : memref<1x128x16xf32, #tpu.memory_space<vmem>> -> memref<128x16xf32, #tpu.memory_space<vmem>>
      tpu.wait_dma2 semaphore(%run_scoped3A_1499 : memref<!tpu.dma_semaphore, #tpu.memory_space<semaphore_mem>>) src(%dma_wait3A_1521 : memref<128x16xf32, #tpu.memory_space<vmem>>) dst(%dma_wait3A_1517 : memref<128x16xf32, #tpu.memory_space<vmem_shared>>)
      tpu.yield
    }) : () -> ()
    %add3A_1459 = arith.constant 2048 : i32
    %add3A_1460 = arith.addi %mul3A_1412, %add3A_1459 : i32
    %run_scoped3A_1461 = arith.constant 0 : i32
    "tpu.region"() ({
      %run_scoped3A_1499 = tpu.sem_alloc : memref<!tpu.dma_semaphore, #tpu.memory_space<semaphore_mem>>
      %dma_start3A = arith.constant 0 : i32
      %dma_start3A_1500 = arith.constant 0 : i32
      %dma_start3A_1501 = tpu.memref_slice %arg8[%run_scoped3A_1461, %dma_start3A, %dma_start3A_1500] : memref<6x128x16xf32, #tpu.memory_space<vmem>> -> memref<1x128x16xf32, #tpu.memory_space<vmem>>
      %dma_start3A_1502 = tpu.memref_squeeze %dma_start3A_1501 : memref<1x128x16xf32, #tpu.memory_space<vmem>> -> memref<128x16xf32, #tpu.memory_space<vmem>>
      %dma_start3A_1503 = arith.constant 0 : i32
      %dma_start3A_1504 = tpu.memref_slice %arg9[%add3A_1460, %dma_start3A_1503] : memref<53248x16xf32, #tpu.memory_space<vmem_shared>> -> memref<128x16xf32, #tpu.memory_space<vmem_shared>>
      %dma_start3A_1505 = arith.constant 0 : i32
      %dma_start3A_1506 = tpu.memref_slice %arg9[%add3A_1460, %dma_start3A_1505] : memref<53248x16xf32, #tpu.memory_space<vmem_shared>> -> memref<128x16xf32, #tpu.memory_space<vmem_shared>>
      %dma_start3A_1507 = arith.constant 0 : i32
      %dma_start3A_1508 = arith.constant 0 : i32
      %dma_start3A_1509 = tpu.memref_slice %arg8[%run_scoped3A_1461, %dma_start3A_1507, %dma_start3A_1508] : memref<6x128x16xf32, #tpu.memory_space<vmem>> -> memref<1x128x16xf32, #tpu.memory_space<vmem>>
      %dma_start3A_1510 = tpu.memref_squeeze %dma_start3A_1509 : memref<1x128x16xf32, #tpu.memory_space<vmem>> -> memref<128x16xf32, #tpu.memory_space<vmem>>
      tpu.enqueue_dma source(%dma_start3A_1510 : memref<128x16xf32, #tpu.memory_space<vmem>>) target(%dma_start3A_1506 : memref<128x16xf32, #tpu.memory_space<vmem_shared>>) target_semaphore(%run_scoped3A_1499 : memref<!tpu.dma_semaphore, #tpu.memory_space<semaphore_mem>>)
      %dma_wait3A = arith.constant 0 : i32
      %dma_wait3A_1511 = arith.constant 0 : i32
      %dma_wait3A_1512 = tpu.memref_slice %arg8[%run_scoped3A_1461, %dma_wait3A, %dma_wait3A_1511] : memref<6x128x16xf32, #tpu.memory_space<vmem>> -> memref<1x128x16xf32, #tpu.memory_space<vmem>>
      %dma_wait3A_1513 = tpu.memref_squeeze %dma_wait3A_1512 : memref<1x128x16xf32, #tpu.memory_space<vmem>> -> memref<128x16xf32, #tpu.memory_space<vmem>>
      %dma_wait3A_1514 = arith.constant 0 : i32
      %dma_wait3A_1515 = tpu.memref_slice %arg9[%add3A_1460, %dma_wait3A_1514] : memref<53248x16xf32, #tpu.memory_space<vmem_shared>> -> memref<128x16xf32, #tpu.memory_space<vmem_shared>>
      %dma_wait3A_1516 = arith.constant 0 : i32
      %dma_wait3A_1517 = tpu.memref_slice %arg9[%add3A_1460, %dma_wait3A_1516] : memref<53248x16xf32, #tpu.memory_space<vmem_shared>> -> memref<128x16xf32, #tpu.memory_space<vmem_shared>>
      %dma_wait3A_1518 = arith.constant 0 : i32
      %dma_wait3A_1519 = arith.constant 0 : i32
      %dma_wait3A_1520 = tpu.memref_slice %arg8[%run_scoped3A_1461, %dma_wait3A_1518, %dma_wait3A_1519] : memref<6x128x16xf32, #tpu.memory_space<vmem>> -> memref<1x128x16xf32, #tpu.memory_space<vmem>>
      %dma_wait3A_1521 = tpu.memref_squeeze %dma_wait3A_1520 : memref<1x128x16xf32, #tpu.memory_space<vmem>> -> memref<128x16xf32, #tpu.memory_space<vmem>>
      tpu.wait_dma2 semaphore(%run_scoped3A_1499 : memref<!tpu.dma_semaphore, #tpu.memory_space<semaphore_mem>>) src(%dma_wait3A_1521 : memref<128x16xf32, #tpu.memory_space<vmem>>) dst(%dma_wait3A_1517 : memref<128x16xf32, #tpu.memory_space<vmem_shared>>)
      tpu.yield
    }) : () -> ()
    %add3A_1462 = arith.constant 2176 : i32
    %add3A_1463 = arith.addi %mul3A_1412, %add3A_1462 : i32
    %run_scoped3A_1464 = arith.constant 0 : i32
    "tpu.region"() ({
      %run_scoped3A_1499 = tpu.sem_alloc : memref<!tpu.dma_semaphore, #tpu.memory_space<semaphore_mem>>
      %dma_start3A = arith.constant 0 : i32
      %dma_start3A_1500 = arith.constant 0 : i32
      %dma_start3A_1501 = tpu.memref_slice %arg8[%run_scoped3A_1464, %dma_start3A, %dma_start3A_1500] : memref<6x128x16xf32, #tpu.memory_space<vmem>> -> memref<1x128x16xf32, #tpu.memory_space<vmem>>
      %dma_start3A_1502 = tpu.memref_squeeze %dma_start3A_1501 : memref<1x128x16xf32, #tpu.memory_space<vmem>> -> memref<128x16xf32, #tpu.memory_space<vmem>>
      %dma_start3A_1503 = arith.constant 0 : i32
      %dma_start3A_1504 = tpu.memref_slice %arg9[%add3A_1463, %dma_start3A_1503] : memref<53248x16xf32, #tpu.memory_space<vmem_shared>> -> memref<128x16xf32, #tpu.memory_space<vmem_shared>>
      %dma_start3A_1505 = arith.constant 0 : i32
      %dma_start3A_1506 = tpu.memref_slice %arg9[%add3A_1463, %dma_start3A_1505] : memref<53248x16xf32, #tpu.memory_space<vmem_shared>> -> memref<128x16xf32, #tpu.memory_space<vmem_shared>>
      %dma_start3A_1507 = arith.constant 0 : i32
      %dma_start3A_1508 = arith.constant 0 : i32
      %dma_start3A_1509 = tpu.memref_slice %arg8[%run_scoped3A_1464, %dma_start3A_1507, %dma_start3A_1508] : memref<6x128x16xf32, #tpu.memory_space<vmem>> -> memref<1x128x16xf32, #tpu.memory_space<vmem>>
      %dma_start3A_1510 = tpu.memref_squeeze %dma_start3A_1509 : memref<1x128x16xf32, #tpu.memory_space<vmem>> -> memref<128x16xf32, #tpu.memory_space<vmem>>
      tpu.enqueue_dma source(%dma_start3A_1510 : memref<128x16xf32, #tpu.memory_space<vmem>>) target(%dma_start3A_1506 : memref<128x16xf32, #tpu.memory_space<vmem_shared>>) target_semaphore(%run_scoped3A_1499 : memref<!tpu.dma_semaphore, #tpu.memory_space<semaphore_mem>>)
      %dma_wait3A = arith.constant 0 : i32
      %dma_wait3A_1511 = arith.constant 0 : i32
      %dma_wait3A_1512 = tpu.memref_slice %arg8[%run_scoped3A_1464, %dma_wait3A, %dma_wait3A_1511] : memref<6x128x16xf32, #tpu.memory_space<vmem>> -> memref<1x128x16xf32, #tpu.memory_space<vmem>>
      %dma_wait3A_1513 = tpu.memref_squeeze %dma_wait3A_1512 : memref<1x128x16xf32, #tpu.memory_space<vmem>> -> memref<128x16xf32, #tpu.memory_space<vmem>>
      %dma_wait3A_1514 = arith.constant 0 : i32
      %dma_wait3A_1515 = tpu.memref_slice %arg9[%add3A_1463, %dma_wait3A_1514] : memref<53248x16xf32, #tpu.memory_space<vmem_shared>> -> memref<128x16xf32, #tpu.memory_space<vmem_shared>>
      %dma_wait3A_1516 = arith.constant 0 : i32
      %dma_wait3A_1517 = tpu.memref_slice %arg9[%add3A_1463, %dma_wait3A_1516] : memref<53248x16xf32, #tpu.memory_space<vmem_shared>> -> memref<128x16xf32, #tpu.memory_space<vmem_shared>>
      %dma_wait3A_1518 = arith.constant 0 : i32
      %dma_wait3A_1519 = arith.constant 0 : i32
      %dma_wait3A_1520 = tpu.memref_slice %arg8[%run_scoped3A_1464, %dma_wait3A_1518, %dma_wait3A_1519] : memref<6x128x16xf32, #tpu.memory_space<vmem>> -> memref<1x128x16xf32, #tpu.memory_space<vmem>>
      %dma_wait3A_1521 = tpu.memref_squeeze %dma_wait3A_1520 : memref<1x128x16xf32, #tpu.memory_space<vmem>> -> memref<128x16xf32, #tpu.memory_space<vmem>>
      tpu.wait_dma2 semaphore(%run_scoped3A_1499 : memref<!tpu.dma_semaphore, #tpu.memory_space<semaphore_mem>>) src(%dma_wait3A_1521 : memref<128x16xf32, #tpu.memory_space<vmem>>) dst(%dma_wait3A_1517 : memref<128x16xf32, #tpu.memory_space<vmem_shared>>)
      tpu.yield
    }) : () -> ()
    %add3A_1465 = arith.constant 2304 : i32
    %add3A_1466 = arith.addi %mul3A_1412, %add3A_1465 : i32
    %run_scoped3A_1467 = arith.constant 0 : i32
    "tpu.region"() ({
      %run_scoped3A_1499 = tpu.sem_alloc : memref<!tpu.dma_semaphore, #tpu.memory_space<semaphore_mem>>
      %dma_start3A = arith.constant 0 : i32
      %dma_start3A_1500 = arith.constant 0 : i32
      %dma_start3A_1501 = tpu.memref_slice %arg8[%run_scoped3A_1467, %dma_start3A, %dma_start3A_1500] : memref<6x128x16xf32, #tpu.memory_space<vmem>> -> memref<1x128x16xf32, #tpu.memory_space<vmem>>
      %dma_start3A_1502 = tpu.memref_squeeze %dma_start3A_1501 : memref<1x128x16xf32, #tpu.memory_space<vmem>> -> memref<128x16xf32, #tpu.memory_space<vmem>>
      %dma_start3A_1503 = arith.constant 0 : i32
      %dma_start3A_1504 = tpu.memref_slice %arg9[%add3A_1466, %dma_start3A_1503] : memref<53248x16xf32, #tpu.memory_space<vmem_shared>> -> memref<128x16xf32, #tpu.memory_space<vmem_shared>>
      %dma_start3A_1505 = arith.constant 0 : i32
      %dma_start3A_1506 = tpu.memref_slice %arg9[%add3A_1466, %dma_start3A_1505] : memref<53248x16xf32, #tpu.memory_space<vmem_shared>> -> memref<128x16xf32, #tpu.memory_space<vmem_shared>>
      %dma_start3A_1507 = arith.constant 0 : i32
      %dma_start3A_1508 = arith.constant 0 : i32
      %dma_start3A_1509 = tpu.memref_slice %arg8[%run_scoped3A_1467, %dma_start3A_1507, %dma_start3A_1508] : memref<6x128x16xf32, #tpu.memory_space<vmem>> -> memref<1x128x16xf32, #tpu.memory_space<vmem>>
      %dma_start3A_1510 = tpu.memref_squeeze %dma_start3A_1509 : memref<1x128x16xf32, #tpu.memory_space<vmem>> -> memref<128x16xf32, #tpu.memory_space<vmem>>
      tpu.enqueue_dma source(%dma_start3A_1510 : memref<128x16xf32, #tpu.memory_space<vmem>>) target(%dma_start3A_1506 : memref<128x16xf32, #tpu.memory_space<vmem_shared>>) target_semaphore(%run_scoped3A_1499 : memref<!tpu.dma_semaphore, #tpu.memory_space<semaphore_mem>>)
      %dma_wait3A = arith.constant 0 : i32
      %dma_wait3A_1511 = arith.constant 0 : i32
      %dma_wait3A_1512 = tpu.memref_slice %arg8[%run_scoped3A_1467, %dma_wait3A, %dma_wait3A_1511] : memref<6x128x16xf32, #tpu.memory_space<vmem>> -> memref<1x128x16xf32, #tpu.memory_space<vmem>>
      %dma_wait3A_1513 = tpu.memref_squeeze %dma_wait3A_1512 : memref<1x128x16xf32, #tpu.memory_space<vmem>> -> memref<128x16xf32, #tpu.memory_space<vmem>>
      %dma_wait3A_1514 = arith.constant 0 : i32
      %dma_wait3A_1515 = tpu.memref_slice %arg9[%add3A_1466, %dma_wait3A_1514] : memref<53248x16xf32, #tpu.memory_space<vmem_shared>> -> memref<128x16xf32, #tpu.memory_space<vmem_shared>>
      %dma_wait3A_1516 = arith.constant 0 : i32
      %dma_wait3A_1517 = tpu.memref_slice %arg9[%add3A_1466, %dma_wait3A_1516] : memref<53248x16xf32, #tpu.memory_space<vmem_shared>> -> memref<128x16xf32, #tpu.memory_space<vmem_shared>>
      %dma_wait3A_1518 = arith.constant 0 : i32
      %dma_wait3A_1519 = arith.constant 0 : i32
      %dma_wait3A_1520 = tpu.memref_slice %arg8[%run_scoped3A_1467, %dma_wait3A_1518, %dma_wait3A_1519] : memref<6x128x16xf32, #tpu.memory_space<vmem>> -> memref<1x128x16xf32, #tpu.memory_space<vmem>>
      %dma_wait3A_1521 = tpu.memref_squeeze %dma_wait3A_1520 : memref<1x128x16xf32, #tpu.memory_space<vmem>> -> memref<128x16xf32, #tpu.memory_space<vmem>>
      tpu.wait_dma2 semaphore(%run_scoped3A_1499 : memref<!tpu.dma_semaphore, #tpu.memory_space<semaphore_mem>>) src(%dma_wait3A_1521 : memref<128x16xf32, #tpu.memory_space<vmem>>) dst(%dma_wait3A_1517 : memref<128x16xf32, #tpu.memory_space<vmem_shared>>)
      tpu.yield
    }) : () -> ()
    %add3A_1468 = arith.constant 2432 : i32
    %add3A_1469 = arith.addi %mul3A_1412, %add3A_1468 : i32
    %run_scoped3A_1470 = arith.constant 0 : i32
    "tpu.region"() ({
      %run_scoped3A_1499 = tpu.sem_alloc : memref<!tpu.dma_semaphore, #tpu.memory_space<semaphore_mem>>
      %dma_start3A = arith.constant 0 : i32
      %dma_start3A_1500 = arith.constant 0 : i32
      %dma_start3A_1501 = tpu.memref_slice %arg8[%run_scoped3A_1470, %dma_start3A, %dma_start3A_1500] : memref<6x128x16xf32, #tpu.memory_space<vmem>> -> memref<1x128x16xf32, #tpu.memory_space<vmem>>
      %dma_start3A_1502 = tpu.memref_squeeze %dma_start3A_1501 : memref<1x128x16xf32, #tpu.memory_space<vmem>> -> memref<128x16xf32, #tpu.memory_space<vmem>>
      %dma_start3A_1503 = arith.constant 0 : i32
      %dma_start3A_1504 = tpu.memref_slice %arg9[%add3A_1469, %dma_start3A_1503] : memref<53248x16xf32, #tpu.memory_space<vmem_shared>> -> memref<128x16xf32, #tpu.memory_space<vmem_shared>>
      %dma_start3A_1505 = arith.constant 0 : i32
      %dma_start3A_1506 = tpu.memref_slice %arg9[%add3A_1469, %dma_start3A_1505] : memref<53248x16xf32, #tpu.memory_space<vmem_shared>> -> memref<128x16xf32, #tpu.memory_space<vmem_shared>>
      %dma_start3A_1507 = arith.constant 0 : i32
      %dma_start3A_1508 = arith.constant 0 : i32
      %dma_start3A_1509 = tpu.memref_slice %arg8[%run_scoped3A_1470, %dma_start3A_1507, %dma_start3A_1508] : memref<6x128x16xf32, #tpu.memory_space<vmem>> -> memref<1x128x16xf32, #tpu.memory_space<vmem>>
      %dma_start3A_1510 = tpu.memref_squeeze %dma_start3A_1509 : memref<1x128x16xf32, #tpu.memory_space<vmem>> -> memref<128x16xf32, #tpu.memory_space<vmem>>
      tpu.enqueue_dma source(%dma_start3A_1510 : memref<128x16xf32, #tpu.memory_space<vmem>>) target(%dma_start3A_1506 : memref<128x16xf32, #tpu.memory_space<vmem_shared>>) target_semaphore(%run_scoped3A_1499 : memref<!tpu.dma_semaphore, #tpu.memory_space<semaphore_mem>>)
      %dma_wait3A = arith.constant 0 : i32
      %dma_wait3A_1511 = arith.constant 0 : i32
      %dma_wait3A_1512 = tpu.memref_slice %arg8[%run_scoped3A_1470, %dma_wait3A, %dma_wait3A_1511] : memref<6x128x16xf32, #tpu.memory_space<vmem>> -> memref<1x128x16xf32, #tpu.memory_space<vmem>>
      %dma_wait3A_1513 = tpu.memref_squeeze %dma_wait3A_1512 : memref<1x128x16xf32, #tpu.memory_space<vmem>> -> memref<128x16xf32, #tpu.memory_space<vmem>>
      %dma_wait3A_1514 = arith.constant 0 : i32
      %dma_wait3A_1515 = tpu.memref_slice %arg9[%add3A_1469, %dma_wait3A_1514] : memref<53248x16xf32, #tpu.memory_space<vmem_shared>> -> memref<128x16xf32, #tpu.memory_space<vmem_shared>>
      %dma_wait3A_1516 = arith.constant 0 : i32
      %dma_wait3A_1517 = tpu.memref_slice %arg9[%add3A_1469, %dma_wait3A_1516] : memref<53248x16xf32, #tpu.memory_space<vmem_shared>> -> memref<128x16xf32, #tpu.memory_space<vmem_shared>>
      %dma_wait3A_1518 = arith.constant 0 : i32
      %dma_wait3A_1519 = arith.constant 0 : i32
      %dma_wait3A_1520 = tpu.memref_slice %arg8[%run_scoped3A_1470, %dma_wait3A_1518, %dma_wait3A_1519] : memref<6x128x16xf32, #tpu.memory_space<vmem>> -> memref<1x128x16xf32, #tpu.memory_space<vmem>>
      %dma_wait3A_1521 = tpu.memref_squeeze %dma_wait3A_1520 : memref<1x128x16xf32, #tpu.memory_space<vmem>> -> memref<128x16xf32, #tpu.memory_space<vmem>>
      tpu.wait_dma2 semaphore(%run_scoped3A_1499 : memref<!tpu.dma_semaphore, #tpu.memory_space<semaphore_mem>>) src(%dma_wait3A_1521 : memref<128x16xf32, #tpu.memory_space<vmem>>) dst(%dma_wait3A_1517 : memref<128x16xf32, #tpu.memory_space<vmem_shared>>)
      tpu.yield
    }) : () -> ()
    %add3A_1471 = arith.constant 2560 : i32
    %add3A_1472 = arith.addi %mul3A_1412, %add3A_1471 : i32
    %run_scoped3A_1473 = arith.constant 0 : i32
    "tpu.region"() ({
      %run_scoped3A_1499 = tpu.sem_alloc : memref<!tpu.dma_semaphore, #tpu.memory_space<semaphore_mem>>
      %dma_start3A = arith.constant 0 : i32
      %dma_start3A_1500 = arith.constant 0 : i32
      %dma_start3A_1501 = tpu.memref_slice %arg8[%run_scoped3A_1473, %dma_start3A, %dma_start3A_1500] : memref<6x128x16xf32, #tpu.memory_space<vmem>> -> memref<1x128x16xf32, #tpu.memory_space<vmem>>
      %dma_start3A_1502 = tpu.memref_squeeze %dma_start3A_1501 : memref<1x128x16xf32, #tpu.memory_space<vmem>> -> memref<128x16xf32, #tpu.memory_space<vmem>>
      %dma_start3A_1503 = arith.constant 0 : i32
      %dma_start3A_1504 = tpu.memref_slice %arg9[%add3A_1472, %dma_start3A_1503] : memref<53248x16xf32, #tpu.memory_space<vmem_shared>> -> memref<128x16xf32, #tpu.memory_space<vmem_shared>>
      %dma_start3A_1505 = arith.constant 0 : i32
      %dma_start3A_1506 = tpu.memref_slice %arg9[%add3A_1472, %dma_start3A_1505] : memref<53248x16xf32, #tpu.memory_space<vmem_shared>> -> memref<128x16xf32, #tpu.memory_space<vmem_shared>>
      %dma_start3A_1507 = arith.constant 0 : i32
      %dma_start3A_1508 = arith.constant 0 : i32
      %dma_start3A_1509 = tpu.memref_slice %arg8[%run_scoped3A_1473, %dma_start3A_1507, %dma_start3A_1508] : memref<6x128x16xf32, #tpu.memory_space<vmem>> -> memref<1x128x16xf32, #tpu.memory_space<vmem>>
      %dma_start3A_1510 = tpu.memref_squeeze %dma_start3A_1509 : memref<1x128x16xf32, #tpu.memory_space<vmem>> -> memref<128x16xf32, #tpu.memory_space<vmem>>
      tpu.enqueue_dma source(%dma_start3A_1510 : memref<128x16xf32, #tpu.memory_space<vmem>>) target(%dma_start3A_1506 : memref<128x16xf32, #tpu.memory_space<vmem_shared>>) target_semaphore(%run_scoped3A_1499 : memref<!tpu.dma_semaphore, #tpu.memory_space<semaphore_mem>>)
      %dma_wait3A = arith.constant 0 : i32
      %dma_wait3A_1511 = arith.constant 0 : i32
      %dma_wait3A_1512 = tpu.memref_slice %arg8[%run_scoped3A_1473, %dma_wait3A, %dma_wait3A_1511] : memref<6x128x16xf32, #tpu.memory_space<vmem>> -> memref<1x128x16xf32, #tpu.memory_space<vmem>>
      %dma_wait3A_1513 = tpu.memref_squeeze %dma_wait3A_1512 : memref<1x128x16xf32, #tpu.memory_space<vmem>> -> memref<128x16xf32, #tpu.memory_space<vmem>>
      %dma_wait3A_1514 = arith.constant 0 : i32
      %dma_wait3A_1515 = tpu.memref_slice %arg9[%add3A_1472, %dma_wait3A_1514] : memref<53248x16xf32, #tpu.memory_space<vmem_shared>> -> memref<128x16xf32, #tpu.memory_space<vmem_shared>>
      %dma_wait3A_1516 = arith.constant 0 : i32
      %dma_wait3A_1517 = tpu.memref_slice %arg9[%add3A_1472, %dma_wait3A_1516] : memref<53248x16xf32, #tpu.memory_space<vmem_shared>> -> memref<128x16xf32, #tpu.memory_space<vmem_shared>>
      %dma_wait3A_1518 = arith.constant 0 : i32
      %dma_wait3A_1519 = arith.constant 0 : i32
      %dma_wait3A_1520 = tpu.memref_slice %arg8[%run_scoped3A_1473, %dma_wait3A_1518, %dma_wait3A_1519] : memref<6x128x16xf32, #tpu.memory_space<vmem>> -> memref<1x128x16xf32, #tpu.memory_space<vmem>>
      %dma_wait3A_1521 = tpu.memref_squeeze %dma_wait3A_1520 : memref<1x128x16xf32, #tpu.memory_space<vmem>> -> memref<128x16xf32, #tpu.memory_space<vmem>>
      tpu.wait_dma2 semaphore(%run_scoped3A_1499 : memref<!tpu.dma_semaphore, #tpu.memory_space<semaphore_mem>>) src(%dma_wait3A_1521 : memref<128x16xf32, #tpu.memory_space<vmem>>) dst(%dma_wait3A_1517 : memref<128x16xf32, #tpu.memory_space<vmem_shared>>)
      tpu.yield
    }) : () -> ()
    %add3A_1474 = arith.constant 2688 : i32
    %add3A_1475 = arith.addi %mul3A_1412, %add3A_1474 : i32
    %run_scoped3A_1476 = arith.constant 0 : i32
    "tpu.region"() ({
      %run_scoped3A_1499 = tpu.sem_alloc : memref<!tpu.dma_semaphore, #tpu.memory_space<semaphore_mem>>
      %dma_start3A = arith.constant 0 : i32
      %dma_start3A_1500 = arith.constant 0 : i32
      %dma_start3A_1501 = tpu.memref_slice %arg8[%run_scoped3A_1476, %dma_start3A, %dma_start3A_1500] : memref<6x128x16xf32, #tpu.memory_space<vmem>> -> memref<1x128x16xf32, #tpu.memory_space<vmem>>
      %dma_start3A_1502 = tpu.memref_squeeze %dma_start3A_1501 : memref<1x128x16xf32, #tpu.memory_space<vmem>> -> memref<128x16xf32, #tpu.memory_space<vmem>>
      %dma_start3A_1503 = arith.constant 0 : i32
      %dma_start3A_1504 = tpu.memref_slice %arg9[%add3A_1475, %dma_start3A_1503] : memref<53248x16xf32, #tpu.memory_space<vmem_shared>> -> memref<128x16xf32, #tpu.memory_space<vmem_shared>>
      %dma_start3A_1505 = arith.constant 0 : i32
      %dma_start3A_1506 = tpu.memref_slice %arg9[%add3A_1475, %dma_start3A_1505] : memref<53248x16xf32, #tpu.memory_space<vmem_shared>> -> memref<128x16xf32, #tpu.memory_space<vmem_shared>>
      %dma_start3A_1507 = arith.constant 0 : i32
      %dma_start3A_1508 = arith.constant 0 : i32
      %dma_start3A_1509 = tpu.memref_slice %arg8[%run_scoped3A_1476, %dma_start3A_1507, %dma_start3A_1508] : memref<6x128x16xf32, #tpu.memory_space<vmem>> -> memref<1x128x16xf32, #tpu.memory_space<vmem>>
      %dma_start3A_1510 = tpu.memref_squeeze %dma_start3A_1509 : memref<1x128x16xf32, #tpu.memory_space<vmem>> -> memref<128x16xf32, #tpu.memory_space<vmem>>
      tpu.enqueue_dma source(%dma_start3A_1510 : memref<128x16xf32, #tpu.memory_space<vmem>>) target(%dma_start3A_1506 : memref<128x16xf32, #tpu.memory_space<vmem_shared>>) target_semaphore(%run_scoped3A_1499 : memref<!tpu.dma_semaphore, #tpu.memory_space<semaphore_mem>>)
      %dma_wait3A = arith.constant 0 : i32
      %dma_wait3A_1511 = arith.constant 0 : i32
      %dma_wait3A_1512 = tpu.memref_slice %arg8[%run_scoped3A_1476, %dma_wait3A, %dma_wait3A_1511] : memref<6x128x16xf32, #tpu.memory_space<vmem>> -> memref<1x128x16xf32, #tpu.memory_space<vmem>>
      %dma_wait3A_1513 = tpu.memref_squeeze %dma_wait3A_1512 : memref<1x128x16xf32, #tpu.memory_space<vmem>> -> memref<128x16xf32, #tpu.memory_space<vmem>>
      %dma_wait3A_1514 = arith.constant 0 : i32
      %dma_wait3A_1515 = tpu.memref_slice %arg9[%add3A_1475, %dma_wait3A_1514] : memref<53248x16xf32, #tpu.memory_space<vmem_shared>> -> memref<128x16xf32, #tpu.memory_space<vmem_shared>>
      %dma_wait3A_1516 = arith.constant 0 : i32
      %dma_wait3A_1517 = tpu.memref_slice %arg9[%add3A_1475, %dma_wait3A_1516] : memref<53248x16xf32, #tpu.memory_space<vmem_shared>> -> memref<128x16xf32, #tpu.memory_space<vmem_shared>>
      %dma_wait3A_1518 = arith.constant 0 : i32
      %dma_wait3A_1519 = arith.constant 0 : i32
      %dma_wait3A_1520 = tpu.memref_slice %arg8[%run_scoped3A_1476, %dma_wait3A_1518, %dma_wait3A_1519] : memref<6x128x16xf32, #tpu.memory_space<vmem>> -> memref<1x128x16xf32, #tpu.memory_space<vmem>>
      %dma_wait3A_1521 = tpu.memref_squeeze %dma_wait3A_1520 : memref<1x128x16xf32, #tpu.memory_space<vmem>> -> memref<128x16xf32, #tpu.memory_space<vmem>>
      tpu.wait_dma2 semaphore(%run_scoped3A_1499 : memref<!tpu.dma_semaphore, #tpu.memory_space<semaphore_mem>>) src(%dma_wait3A_1521 : memref<128x16xf32, #tpu.memory_space<vmem>>) dst(%dma_wait3A_1517 : memref<128x16xf32, #tpu.memory_space<vmem_shared>>)
      tpu.yield
    }) : () -> ()
    %add3A_1477 = arith.constant 2816 : i32
    %add3A_1478 = arith.addi %mul3A_1412, %add3A_1477 : i32
    %run_scoped3A_1479 = arith.constant 0 : i32
    "tpu.region"() ({
      %run_scoped3A_1499 = tpu.sem_alloc : memref<!tpu.dma_semaphore, #tpu.memory_space<semaphore_mem>>
      %dma_start3A = arith.constant 0 : i32
      %dma_start3A_1500 = arith.constant 0 : i32
      %dma_start3A_1501 = tpu.memref_slice %arg8[%run_scoped3A_1479, %dma_start3A, %dma_start3A_1500] : memref<6x128x16xf32, #tpu.memory_space<vmem>> -> memref<1x128x16xf32, #tpu.memory_space<vmem>>
      %dma_start3A_1502 = tpu.memref_squeeze %dma_start3A_1501 : memref<1x128x16xf32, #tpu.memory_space<vmem>> -> memref<128x16xf32, #tpu.memory_space<vmem>>
      %dma_start3A_1503 = arith.constant 0 : i32
      %dma_start3A_1504 = tpu.memref_slice %arg9[%add3A_1478, %dma_start3A_1503] : memref<53248x16xf32, #tpu.memory_space<vmem_shared>> -> memref<128x16xf32, #tpu.memory_space<vmem_shared>>
      %dma_start3A_1505 = arith.constant 0 : i32
      %dma_start3A_1506 = tpu.memref_slice %arg9[%add3A_1478, %dma_start3A_1505] : memref<53248x16xf32, #tpu.memory_space<vmem_shared>> -> memref<128x16xf32, #tpu.memory_space<vmem_shared>>
      %dma_start3A_1507 = arith.constant 0 : i32
      %dma_start3A_1508 = arith.constant 0 : i32
      %dma_start3A_1509 = tpu.memref_slice %arg8[%run_scoped3A_1479, %dma_start3A_1507, %dma_start3A_1508] : memref<6x128x16xf32, #tpu.memory_space<vmem>> -> memref<1x128x16xf32, #tpu.memory_space<vmem>>
      %dma_start3A_1510 = tpu.memref_squeeze %dma_start3A_1509 : memref<1x128x16xf32, #tpu.memory_space<vmem>> -> memref<128x16xf32, #tpu.memory_space<vmem>>
      tpu.enqueue_dma source(%dma_start3A_1510 : memref<128x16xf32, #tpu.memory_space<vmem>>) target(%dma_start3A_1506 : memref<128x16xf32, #tpu.memory_space<vmem_shared>>) target_semaphore(%run_scoped3A_1499 : memref<!tpu.dma_semaphore, #tpu.memory_space<semaphore_mem>>)
      %dma_wait3A = arith.constant 0 : i32
      %dma_wait3A_1511 = arith.constant 0 : i32
      %dma_wait3A_1512 = tpu.memref_slice %arg8[%run_scoped3A_1479, %dma_wait3A, %dma_wait3A_1511] : memref<6x128x16xf32, #tpu.memory_space<vmem>> -> memref<1x128x16xf32, #tpu.memory_space<vmem>>
      %dma_wait3A_1513 = tpu.memref_squeeze %dma_wait3A_1512 : memref<1x128x16xf32, #tpu.memory_space<vmem>> -> memref<128x16xf32, #tpu.memory_space<vmem>>
      %dma_wait3A_1514 = arith.constant 0 : i32
      %dma_wait3A_1515 = tpu.memref_slice %arg9[%add3A_1478, %dma_wait3A_1514] : memref<53248x16xf32, #tpu.memory_space<vmem_shared>> -> memref<128x16xf32, #tpu.memory_space<vmem_shared>>
      %dma_wait3A_1516 = arith.constant 0 : i32
      %dma_wait3A_1517 = tpu.memref_slice %arg9[%add3A_1478, %dma_wait3A_1516] : memref<53248x16xf32, #tpu.memory_space<vmem_shared>> -> memref<128x16xf32, #tpu.memory_space<vmem_shared>>
      %dma_wait3A_1518 = arith.constant 0 : i32
      %dma_wait3A_1519 = arith.constant 0 : i32
      %dma_wait3A_1520 = tpu.memref_slice %arg8[%run_scoped3A_1479, %dma_wait3A_1518, %dma_wait3A_1519] : memref<6x128x16xf32, #tpu.memory_space<vmem>> -> memref<1x128x16xf32, #tpu.memory_space<vmem>>
      %dma_wait3A_1521 = tpu.memref_squeeze %dma_wait3A_1520 : memref<1x128x16xf32, #tpu.memory_space<vmem>> -> memref<128x16xf32, #tpu.memory_space<vmem>>
      tpu.wait_dma2 semaphore(%run_scoped3A_1499 : memref<!tpu.dma_semaphore, #tpu.memory_space<semaphore_mem>>) src(%dma_wait3A_1521 : memref<128x16xf32, #tpu.memory_space<vmem>>) dst(%dma_wait3A_1517 : memref<128x16xf32, #tpu.memory_space<vmem_shared>>)
      tpu.yield
    }) : () -> ()
    %add3A_1480 = arith.constant 2944 : i32
    %add3A_1481 = arith.addi %mul3A_1412, %add3A_1480 : i32
    %run_scoped3A_1482 = arith.constant 0 : i32
    "tpu.region"() ({
      %run_scoped3A_1499 = tpu.sem_alloc : memref<!tpu.dma_semaphore, #tpu.memory_space<semaphore_mem>>
      %dma_start3A = arith.constant 0 : i32
      %dma_start3A_1500 = arith.constant 0 : i32
      %dma_start3A_1501 = tpu.memref_slice %arg8[%run_scoped3A_1482, %dma_start3A, %dma_start3A_1500] : memref<6x128x16xf32, #tpu.memory_space<vmem>> -> memref<1x128x16xf32, #tpu.memory_space<vmem>>
      %dma_start3A_1502 = tpu.memref_squeeze %dma_start3A_1501 : memref<1x128x16xf32, #tpu.memory_space<vmem>> -> memref<128x16xf32, #tpu.memory_space<vmem>>
      %dma_start3A_1503 = arith.constant 0 : i32
      %dma_start3A_1504 = tpu.memref_slice %arg9[%add3A_1481, %dma_start3A_1503] : memref<53248x16xf32, #tpu.memory_space<vmem_shared>> -> memref<128x16xf32, #tpu.memory_space<vmem_shared>>
      %dma_start3A_1505 = arith.constant 0 : i32
      %dma_start3A_1506 = tpu.memref_slice %arg9[%add3A_1481, %dma_start3A_1505] : memref<53248x16xf32, #tpu.memory_space<vmem_shared>> -> memref<128x16xf32, #tpu.memory_space<vmem_shared>>
      %dma_start3A_1507 = arith.constant 0 : i32
      %dma_start3A_1508 = arith.constant 0 : i32
      %dma_start3A_1509 = tpu.memref_slice %arg8[%run_scoped3A_1482, %dma_start3A_1507, %dma_start3A_1508] : memref<6x128x16xf32, #tpu.memory_space<vmem>> -> memref<1x128x16xf32, #tpu.memory_space<vmem>>
      %dma_start3A_1510 = tpu.memref_squeeze %dma_start3A_1509 : memref<1x128x16xf32, #tpu.memory_space<vmem>> -> memref<128x16xf32, #tpu.memory_space<vmem>>
      tpu.enqueue_dma source(%dma_start3A_1510 : memref<128x16xf32, #tpu.memory_space<vmem>>) target(%dma_start3A_1506 : memref<128x16xf32, #tpu.memory_space<vmem_shared>>) target_semaphore(%run_scoped3A_1499 : memref<!tpu.dma_semaphore, #tpu.memory_space<semaphore_mem>>)
      %dma_wait3A = arith.constant 0 : i32
      %dma_wait3A_1511 = arith.constant 0 : i32
      %dma_wait3A_1512 = tpu.memref_slice %arg8[%run_scoped3A_1482, %dma_wait3A, %dma_wait3A_1511] : memref<6x128x16xf32, #tpu.memory_space<vmem>> -> memref<1x128x16xf32, #tpu.memory_space<vmem>>
      %dma_wait3A_1513 = tpu.memref_squeeze %dma_wait3A_1512 : memref<1x128x16xf32, #tpu.memory_space<vmem>> -> memref<128x16xf32, #tpu.memory_space<vmem>>
      %dma_wait3A_1514 = arith.constant 0 : i32
      %dma_wait3A_1515 = tpu.memref_slice %arg9[%add3A_1481, %dma_wait3A_1514] : memref<53248x16xf32, #tpu.memory_space<vmem_shared>> -> memref<128x16xf32, #tpu.memory_space<vmem_shared>>
      %dma_wait3A_1516 = arith.constant 0 : i32
      %dma_wait3A_1517 = tpu.memref_slice %arg9[%add3A_1481, %dma_wait3A_1516] : memref<53248x16xf32, #tpu.memory_space<vmem_shared>> -> memref<128x16xf32, #tpu.memory_space<vmem_shared>>
      %dma_wait3A_1518 = arith.constant 0 : i32
      %dma_wait3A_1519 = arith.constant 0 : i32
      %dma_wait3A_1520 = tpu.memref_slice %arg8[%run_scoped3A_1482, %dma_wait3A_1518, %dma_wait3A_1519] : memref<6x128x16xf32, #tpu.memory_space<vmem>> -> memref<1x128x16xf32, #tpu.memory_space<vmem>>
      %dma_wait3A_1521 = tpu.memref_squeeze %dma_wait3A_1520 : memref<1x128x16xf32, #tpu.memory_space<vmem>> -> memref<128x16xf32, #tpu.memory_space<vmem>>
      tpu.wait_dma2 semaphore(%run_scoped3A_1499 : memref<!tpu.dma_semaphore, #tpu.memory_space<semaphore_mem>>) src(%dma_wait3A_1521 : memref<128x16xf32, #tpu.memory_space<vmem>>) dst(%dma_wait3A_1517 : memref<128x16xf32, #tpu.memory_space<vmem_shared>>)
      tpu.yield
    }) : () -> ()
    %add3A_1483 = arith.constant 3072 : i32
    %add3A_1484 = arith.addi %mul3A_1412, %add3A_1483 : i32
    %run_scoped3A_1485 = arith.constant 0 : i32
    "tpu.region"() ({
      %run_scoped3A_1499 = tpu.sem_alloc : memref<!tpu.dma_semaphore, #tpu.memory_space<semaphore_mem>>
      %dma_start3A = arith.constant 0 : i32
      %dma_start3A_1500 = arith.constant 0 : i32
      %dma_start3A_1501 = tpu.memref_slice %arg8[%run_scoped3A_1485, %dma_start3A, %dma_start3A_1500] : memref<6x128x16xf32, #tpu.memory_space<vmem>> -> memref<1x128x16xf32, #tpu.memory_space<vmem>>
      %dma_start3A_1502 = tpu.memref_squeeze %dma_start3A_1501 : memref<1x128x16xf32, #tpu.memory_space<vmem>> -> memref<128x16xf32, #tpu.memory_space<vmem>>
      %dma_start3A_1503 = arith.constant 0 : i32
      %dma_start3A_1504 = tpu.memref_slice %arg9[%add3A_1484, %dma_start3A_1503] : memref<53248x16xf32, #tpu.memory_space<vmem_shared>> -> memref<128x16xf32, #tpu.memory_space<vmem_shared>>
      %dma_start3A_1505 = arith.constant 0 : i32
      %dma_start3A_1506 = tpu.memref_slice %arg9[%add3A_1484, %dma_start3A_1505] : memref<53248x16xf32, #tpu.memory_space<vmem_shared>> -> memref<128x16xf32, #tpu.memory_space<vmem_shared>>
      %dma_start3A_1507 = arith.constant 0 : i32
      %dma_start3A_1508 = arith.constant 0 : i32
      %dma_start3A_1509 = tpu.memref_slice %arg8[%run_scoped3A_1485, %dma_start3A_1507, %dma_start3A_1508] : memref<6x128x16xf32, #tpu.memory_space<vmem>> -> memref<1x128x16xf32, #tpu.memory_space<vmem>>
      %dma_start3A_1510 = tpu.memref_squeeze %dma_start3A_1509 : memref<1x128x16xf32, #tpu.memory_space<vmem>> -> memref<128x16xf32, #tpu.memory_space<vmem>>
      tpu.enqueue_dma source(%dma_start3A_1510 : memref<128x16xf32, #tpu.memory_space<vmem>>) target(%dma_start3A_1506 : memref<128x16xf32, #tpu.memory_space<vmem_shared>>) target_semaphore(%run_scoped3A_1499 : memref<!tpu.dma_semaphore, #tpu.memory_space<semaphore_mem>>)
      %dma_wait3A = arith.constant 0 : i32
      %dma_wait3A_1511 = arith.constant 0 : i32
      %dma_wait3A_1512 = tpu.memref_slice %arg8[%run_scoped3A_1485, %dma_wait3A, %dma_wait3A_1511] : memref<6x128x16xf32, #tpu.memory_space<vmem>> -> memref<1x128x16xf32, #tpu.memory_space<vmem>>
      %dma_wait3A_1513 = tpu.memref_squeeze %dma_wait3A_1512 : memref<1x128x16xf32, #tpu.memory_space<vmem>> -> memref<128x16xf32, #tpu.memory_space<vmem>>
      %dma_wait3A_1514 = arith.constant 0 : i32
      %dma_wait3A_1515 = tpu.memref_slice %arg9[%add3A_1484, %dma_wait3A_1514] : memref<53248x16xf32, #tpu.memory_space<vmem_shared>> -> memref<128x16xf32, #tpu.memory_space<vmem_shared>>
      %dma_wait3A_1516 = arith.constant 0 : i32
      %dma_wait3A_1517 = tpu.memref_slice %arg9[%add3A_1484, %dma_wait3A_1516] : memref<53248x16xf32, #tpu.memory_space<vmem_shared>> -> memref<128x16xf32, #tpu.memory_space<vmem_shared>>
      %dma_wait3A_1518 = arith.constant 0 : i32
      %dma_wait3A_1519 = arith.constant 0 : i32
      %dma_wait3A_1520 = tpu.memref_slice %arg8[%run_scoped3A_1485, %dma_wait3A_1518, %dma_wait3A_1519] : memref<6x128x16xf32, #tpu.memory_space<vmem>> -> memref<1x128x16xf32, #tpu.memory_space<vmem>>
      %dma_wait3A_1521 = tpu.memref_squeeze %dma_wait3A_1520 : memref<1x128x16xf32, #tpu.memory_space<vmem>> -> memref<128x16xf32, #tpu.memory_space<vmem>>
      tpu.wait_dma2 semaphore(%run_scoped3A_1499 : memref<!tpu.dma_semaphore, #tpu.memory_space<semaphore_mem>>) src(%dma_wait3A_1521 : memref<128x16xf32, #tpu.memory_space<vmem>>) dst(%dma_wait3A_1517 : memref<128x16xf32, #tpu.memory_space<vmem_shared>>)
      tpu.yield
    }) : () -> ()
    %add3A_1486 = arith.constant 3200 : i32
    %add3A_1487 = arith.addi %mul3A_1412, %add3A_1486 : i32
    %run_scoped3A_1488 = arith.constant 0 : i32
    "tpu.region"() ({
      %run_scoped3A_1499 = tpu.sem_alloc : memref<!tpu.dma_semaphore, #tpu.memory_space<semaphore_mem>>
      %dma_start3A = arith.constant 0 : i32
      %dma_start3A_1500 = arith.constant 0 : i32
      %dma_start3A_1501 = tpu.memref_slice %arg8[%run_scoped3A_1488, %dma_start3A, %dma_start3A_1500] : memref<6x128x16xf32, #tpu.memory_space<vmem>> -> memref<1x128x16xf32, #tpu.memory_space<vmem>>
      %dma_start3A_1502 = tpu.memref_squeeze %dma_start3A_1501 : memref<1x128x16xf32, #tpu.memory_space<vmem>> -> memref<128x16xf32, #tpu.memory_space<vmem>>
      %dma_start3A_1503 = arith.constant 0 : i32
      %dma_start3A_1504 = tpu.memref_slice %arg9[%add3A_1487, %dma_start3A_1503] : memref<53248x16xf32, #tpu.memory_space<vmem_shared>> -> memref<128x16xf32, #tpu.memory_space<vmem_shared>>
      %dma_start3A_1505 = arith.constant 0 : i32
      %dma_start3A_1506 = tpu.memref_slice %arg9[%add3A_1487, %dma_start3A_1505] : memref<53248x16xf32, #tpu.memory_space<vmem_shared>> -> memref<128x16xf32, #tpu.memory_space<vmem_shared>>
      %dma_start3A_1507 = arith.constant 0 : i32
      %dma_start3A_1508 = arith.constant 0 : i32
      %dma_start3A_1509 = tpu.memref_slice %arg8[%run_scoped3A_1488, %dma_start3A_1507, %dma_start3A_1508] : memref<6x128x16xf32, #tpu.memory_space<vmem>> -> memref<1x128x16xf32, #tpu.memory_space<vmem>>
      %dma_start3A_1510 = tpu.memref_squeeze %dma_start3A_1509 : memref<1x128x16xf32, #tpu.memory_space<vmem>> -> memref<128x16xf32, #tpu.memory_space<vmem>>
      tpu.enqueue_dma source(%dma_start3A_1510 : memref<128x16xf32, #tpu.memory_space<vmem>>) target(%dma_start3A_1506 : memref<128x16xf32, #tpu.memory_space<vmem_shared>>) target_semaphore(%run_scoped3A_1499 : memref<!tpu.dma_semaphore, #tpu.memory_space<semaphore_mem>>)
      %dma_wait3A = arith.constant 0 : i32
      %dma_wait3A_1511 = arith.constant 0 : i32
      %dma_wait3A_1512 = tpu.memref_slice %arg8[%run_scoped3A_1488, %dma_wait3A, %dma_wait3A_1511] : memref<6x128x16xf32, #tpu.memory_space<vmem>> -> memref<1x128x16xf32, #tpu.memory_space<vmem>>
      %dma_wait3A_1513 = tpu.memref_squeeze %dma_wait3A_1512 : memref<1x128x16xf32, #tpu.memory_space<vmem>> -> memref<128x16xf32, #tpu.memory_space<vmem>>
      %dma_wait3A_1514 = arith.constant 0 : i32
      %dma_wait3A_1515 = tpu.memref_slice %arg9[%add3A_1487, %dma_wait3A_1514] : memref<53248x16xf32, #tpu.memory_space<vmem_shared>> -> memref<128x16xf32, #tpu.memory_space<vmem_shared>>
      %dma_wait3A_1516 = arith.constant 0 : i32
      %dma_wait3A_1517 = tpu.memref_slice %arg9[%add3A_1487, %dma_wait3A_1516] : memref<53248x16xf32, #tpu.memory_space<vmem_shared>> -> memref<128x16xf32, #tpu.memory_space<vmem_shared>>
      %dma_wait3A_1518 = arith.constant 0 : i32
      %dma_wait3A_1519 = arith.constant 0 : i32
      %dma_wait3A_1520 = tpu.memref_slice %arg8[%run_scoped3A_1488, %dma_wait3A_1518, %dma_wait3A_1519] : memref<6x128x16xf32, #tpu.memory_space<vmem>> -> memref<1x128x16xf32, #tpu.memory_space<vmem>>
      %dma_wait3A_1521 = tpu.memref_squeeze %dma_wait3A_1520 : memref<1x128x16xf32, #tpu.memory_space<vmem>> -> memref<128x16xf32, #tpu.memory_space<vmem>>
      tpu.wait_dma2 semaphore(%run_scoped3A_1499 : memref<!tpu.dma_semaphore, #tpu.memory_space<semaphore_mem>>) src(%dma_wait3A_1521 : memref<128x16xf32, #tpu.memory_space<vmem>>) dst(%dma_wait3A_1517 : memref<128x16xf32, #tpu.memory_space<vmem_shared>>)
      tpu.yield
    }) : () -> ()
    %barrier3A = arith.constant 0 : index
    tpu.barrier barrier_id(%barrier3A)
    %scan3A = arith.constant 0 : i32
    %scan3A_1489 = arith.constant 0 : i32
    %scan3A_1490 = arith.constant 33 : i32
    %scan3A_1491 = arith.addi %scan3A_1489, %scan3A_1490 : i32
    %scan3A_1492 = arith.constant 1 : i32
    scf.for %scan3A_1499 = %scan3A_1489 to %scan3A_1491 step %scan3A_1492  : i32 {
      %mul3A_1500 = arith.constant 24 : i32
      %mul3A_1501 = arith.muli %scan3A_1499, %mul3A_1500 : i32
      "tpu.region"() ({
        %run_scoped3A_1510 = tpu.sem_alloc : memref<!tpu.dma_semaphore, #tpu.memory_space<semaphore_mem>>
        %dma_start3A = arith.constant 0 : i32
        %dma_start3A_1511 = tpu.memref_slice %arg2[%arg1, %mul3A_1501, %dma_start3A] : memref<16x792x128xi32, #tpu.memory_space<hbm>> -> memref<1x24x128xi32, #tpu.memory_space<hbm>>
        %dma_start3A_1512 = tpu.memref_squeeze %dma_start3A_1511 : memref<1x24x128xi32, #tpu.memory_space<hbm>> -> memref<24x128xi32, #tpu.memory_space<hbm>>
        %dma_start3A_1513 = arith.constant 0 : i32
        %dma_start3A_1514 = tpu.memref_slice %arg2[%arg1, %mul3A_1501, %dma_start3A_1513] : memref<16x792x128xi32, #tpu.memory_space<hbm>> -> memref<1x24x128xi32, #tpu.memory_space<hbm>>
        %dma_start3A_1515 = tpu.memref_squeeze %dma_start3A_1514 : memref<1x24x128xi32, #tpu.memory_space<hbm>> -> memref<24x128xi32, #tpu.memory_space<hbm>>
        tpu.enqueue_dma source(%dma_start3A_1515 : memref<24x128xi32, #tpu.memory_space<hbm>>) target(%arg6 : memref<24x128xi32, #tpu.memory_space<vmem>>) target_semaphore(%run_scoped3A_1510 : memref<!tpu.dma_semaphore, #tpu.memory_space<semaphore_mem>>)
        %dma_wait3A = arith.constant 0 : i32
        %dma_wait3A_1516 = tpu.memref_slice %arg2[%arg1, %mul3A_1501, %dma_wait3A] : memref<16x792x128xi32, #tpu.memory_space<hbm>> -> memref<1x24x128xi32, #tpu.memory_space<hbm>>
        %dma_wait3A_1517 = tpu.memref_squeeze %dma_wait3A_1516 : memref<1x24x128xi32, #tpu.memory_space<hbm>> -> memref<24x128xi32, #tpu.memory_space<hbm>>
        %dma_wait3A_1518 = arith.constant 0 : i32
        %dma_wait3A_1519 = tpu.memref_slice %arg2[%arg1, %mul3A_1501, %dma_wait3A_1518] : memref<16x792x128xi32, #tpu.memory_space<hbm>> -> memref<1x24x128xi32, #tpu.memory_space<hbm>>
        %dma_wait3A_1520 = tpu.memref_squeeze %dma_wait3A_1519 : memref<1x24x128xi32, #tpu.memory_space<hbm>> -> memref<24x128xi32, #tpu.memory_space<hbm>>
        tpu.wait_dma2 semaphore(%run_scoped3A_1510 : memref<!tpu.dma_semaphore, #tpu.memory_space<semaphore_mem>>) src(%dma_wait3A_1520 : memref<24x128xi32, #tpu.memory_space<hbm>>) dst(%arg6 : memref<24x128xi32, #tpu.memory_space<vmem>>)
        tpu.yield
      }) : () -> ()
      %mul3A_1502 = arith.constant 24 : i32
      %mul3A_1503 = arith.muli %scan3A_1499, %mul3A_1502 : i32
      "tpu.region"() ({
        %run_scoped3A_1510 = tpu.sem_alloc : memref<!tpu.dma_semaphore, #tpu.memory_space<semaphore_mem>>
        %dma_start3A = arith.constant 0 : i32
        %dma_start3A_1511 = tpu.memref_slice %arg3[%arg1, %mul3A_1503, %dma_start3A] : memref<16x792x128xi32, #tpu.memory_space<hbm>> -> memref<1x24x128xi32, #tpu.memory_space<hbm>>
        %dma_start3A_1512 = tpu.memref_squeeze %dma_start3A_1511 : memref<1x24x128xi32, #tpu.memory_space<hbm>> -> memref<24x128xi32, #tpu.memory_space<hbm>>
        %dma_start3A_1513 = arith.constant 0 : i32
        %dma_start3A_1514 = tpu.memref_slice %arg3[%arg1, %mul3A_1503, %dma_start3A_1513] : memref<16x792x128xi32, #tpu.memory_space<hbm>> -> memref<1x24x128xi32, #tpu.memory_space<hbm>>
        %dma_start3A_1515 = tpu.memref_squeeze %dma_start3A_1514 : memref<1x24x128xi32, #tpu.memory_space<hbm>> -> memref<24x128xi32, #tpu.memory_space<hbm>>
        tpu.enqueue_dma source(%dma_start3A_1515 : memref<24x128xi32, #tpu.memory_space<hbm>>) target(%arg7 : memref<24x128xi32, #tpu.memory_space<vmem>>) target_semaphore(%run_scoped3A_1510 : memref<!tpu.dma_semaphore, #tpu.memory_space<semaphore_mem>>)
        %dma_wait3A = arith.constant 0 : i32
        %dma_wait3A_1516 = tpu.memref_slice %arg3[%arg1, %mul3A_1503, %dma_wait3A] : memref<16x792x128xi32, #tpu.memory_space<hbm>> -> memref<1x24x128xi32, #tpu.memory_space<hbm>>
        %dma_wait3A_1517 = tpu.memref_squeeze %dma_wait3A_1516 : memref<1x24x128xi32, #tpu.memory_space<hbm>> -> memref<24x128xi32, #tpu.memory_space<hbm>>
        %dma_wait3A_1518 = arith.constant 0 : i32
        %dma_wait3A_1519 = tpu.memref_slice %arg3[%arg1, %mul3A_1503, %dma_wait3A_1518] : memref<16x792x128xi32, #tpu.memory_space<hbm>> -> memref<1x24x128xi32, #tpu.memory_space<hbm>>
        %dma_wait3A_1520 = tpu.memref_squeeze %dma_wait3A_1519 : memref<1x24x128xi32, #tpu.memory_space<hbm>> -> memref<24x128xi32, #tpu.memory_space<hbm>>
        tpu.wait_dma2 semaphore(%run_scoped3A_1510 : memref<!tpu.dma_semaphore, #tpu.memory_space<semaphore_mem>>) src(%dma_wait3A_1520 : memref<24x128xi32, #tpu.memory_space<hbm>>) dst(%arg7 : memref<24x128xi32, #tpu.memory_space<vmem>>)
        tpu.yield
      }) : () -> ()
      %scan3A_1504 = arith.constant 0 : i32
      %scan3A_1505 = arith.constant 0 : i32
      %scan3A_1506 = arith.constant 4 : i32
      %scan3A_1507 = arith.addi %scan3A_1505, %scan3A_1506 : i32
      %scan3A_1508 = arith.constant 1 : i32
      scf.for %scan3A_1510 = %scan3A_1505 to %scan3A_1507 step %scan3A_1508  : i32 {
        %mul3A_1511 = arith.constant 6 : i32
        %mul3A_1512 = arith.muli %scan3A_1510, %mul3A_1511 : i32
        %add3A_1513 = arith.constant 0 : i32
        %add3A_1514 = arith.addi %mul3A_1512, %add3A_1513 : i32
        %dma_start3A = arith.constant 0 : i32
        %dma_start3A_1515 = arith.constant 0 : i32
        %dma_start3A_1516 = arith.constant 0 : i32
        %dma_start3A_1517 = tpu.memref_slice %arg8[%dma_start3A, %dma_start3A_1515, %dma_start3A_1516] : memref<6x128x16xf32, #tpu.memory_space<vmem>> -> memref<1x128x16xf32, #tpu.memory_space<vmem>>
        %dma_start3A_1518 = tpu.memref_squeeze %dma_start3A_1517 : memref<1x128x16xf32, #tpu.memory_space<vmem>> -> memref<128x16xf32, #tpu.memory_space<vmem>>
        %dma_start3A_1519 = arith.constant 0 : i32
        %dma_start3A_1520 = tpu.memref_slice %arg6[%add3A_1514, %dma_start3A_1519] : memref<24x128xi32, #tpu.memory_space<vmem>> -> memref<1x128xi32, #tpu.memory_space<vmem>>
        %dma_start3A_1521 = tpu.memref_squeeze %dma_start3A_1520 : memref<1x128xi32, #tpu.memory_space<vmem>> -> memref<128xi32, #tpu.memory_space<vmem>>
        %dma_start3A_1522 = arith.constant 0 : i32
        %dma_start3A_1523 = arith.constant 0 : i32
        %dma_start3A_1524 = tpu.memref_slice %arg10[%dma_start3A_1522, %dma_start3A_1523] : memref<53248x16xf32, #tpu.memory_space<vmem_shared>> -> memref<53248x16xf32, #tpu.memory_space<vmem_shared>>
        tpu.enqueue_indirect_dma source(%dma_start3A_1524 : memref<53248x16xf32, #tpu.memory_space<vmem_shared>>) target(%dma_start3A_1518 : memref<128x16xf32, #tpu.memory_space<vmem>>) offsets(%dma_start3A_1521 : memref<128xi32, #tpu.memory_space<vmem>>) semaphore(%arg11 : memref<!tpu.dma_semaphore, #tpu.memory_space<semaphore_mem>>)
        %add3A_1525 = arith.constant 1 : i32
        %add3A_1526 = arith.addi %mul3A_1512, %add3A_1525 : i32
        %dma_start3A_1527 = arith.constant 1 : i32
        %dma_start3A_1528 = arith.constant 0 : i32
        %dma_start3A_1529 = arith.constant 0 : i32
        %dma_start3A_1530 = tpu.memref_slice %arg8[%dma_start3A_1527, %dma_start3A_1528, %dma_start3A_1529] : memref<6x128x16xf32, #tpu.memory_space<vmem>> -> memref<1x128x16xf32, #tpu.memory_space<vmem>>
        %dma_start3A_1531 = tpu.memref_squeeze %dma_start3A_1530 : memref<1x128x16xf32, #tpu.memory_space<vmem>> -> memref<128x16xf32, #tpu.memory_space<vmem>>
        %dma_start3A_1532 = arith.constant 0 : i32
        %dma_start3A_1533 = tpu.memref_slice %arg6[%add3A_1526, %dma_start3A_1532] : memref<24x128xi32, #tpu.memory_space<vmem>> -> memref<1x128xi32, #tpu.memory_space<vmem>>
        %dma_start3A_1534 = tpu.memref_squeeze %dma_start3A_1533 : memref<1x128xi32, #tpu.memory_space<vmem>> -> memref<128xi32, #tpu.memory_space<vmem>>
        %dma_start3A_1535 = arith.constant 0 : i32
        %dma_start3A_1536 = arith.constant 0 : i32
        %dma_start3A_1537 = tpu.memref_slice %arg10[%dma_start3A_1535, %dma_start3A_1536] : memref<53248x16xf32, #tpu.memory_space<vmem_shared>> -> memref<53248x16xf32, #tpu.memory_space<vmem_shared>>
        tpu.enqueue_indirect_dma source(%dma_start3A_1537 : memref<53248x16xf32, #tpu.memory_space<vmem_shared>>) target(%dma_start3A_1531 : memref<128x16xf32, #tpu.memory_space<vmem>>) offsets(%dma_start3A_1534 : memref<128xi32, #tpu.memory_space<vmem>>) semaphore(%arg11 : memref<!tpu.dma_semaphore, #tpu.memory_space<semaphore_mem>>)
        %add3A_1538 = arith.constant 2 : i32
        %add3A_1539 = arith.addi %mul3A_1512, %add3A_1538 : i32
        %dma_start3A_1540 = arith.constant 2 : i32
        %dma_start3A_1541 = arith.constant 0 : i32
        %dma_start3A_1542 = arith.constant 0 : i32
        %dma_start3A_1543 = tpu.memref_slice %arg8[%dma_start3A_1540, %dma_start3A_1541, %dma_start3A_1542] : memref<6x128x16xf32, #tpu.memory_space<vmem>> -> memref<1x128x16xf32, #tpu.memory_space<vmem>>
        %dma_start3A_1544 = tpu.memref_squeeze %dma_start3A_1543 : memref<1x128x16xf32, #tpu.memory_space<vmem>> -> memref<128x16xf32, #tpu.memory_space<vmem>>
        %dma_start3A_1545 = arith.constant 0 : i32
        %dma_start3A_1546 = tpu.memref_slice %arg6[%add3A_1539, %dma_start3A_1545] : memref<24x128xi32, #tpu.memory_space<vmem>> -> memref<1x128xi32, #tpu.memory_space<vmem>>
        %dma_start3A_1547 = tpu.memref_squeeze %dma_start3A_1546 : memref<1x128xi32, #tpu.memory_space<vmem>> -> memref<128xi32, #tpu.memory_space<vmem>>
        %dma_start3A_1548 = arith.constant 0 : i32
        %dma_start3A_1549 = arith.constant 0 : i32
        %dma_start3A_1550 = tpu.memref_slice %arg10[%dma_start3A_1548, %dma_start3A_1549] : memref<53248x16xf32, #tpu.memory_space<vmem_shared>> -> memref<53248x16xf32, #tpu.memory_space<vmem_shared>>
        tpu.enqueue_indirect_dma source(%dma_start3A_1550 : memref<53248x16xf32, #tpu.memory_space<vmem_shared>>) target(%dma_start3A_1544 : memref<128x16xf32, #tpu.memory_space<vmem>>) offsets(%dma_start3A_1547 : memref<128xi32, #tpu.memory_space<vmem>>) semaphore(%arg11 : memref<!tpu.dma_semaphore, #tpu.memory_space<semaphore_mem>>)
        %add3A_1551 = arith.constant 3 : i32
        %add3A_1552 = arith.addi %mul3A_1512, %add3A_1551 : i32
        %dma_start3A_1553 = arith.constant 3 : i32
        %dma_start3A_1554 = arith.constant 0 : i32
        %dma_start3A_1555 = arith.constant 0 : i32
        %dma_start3A_1556 = tpu.memref_slice %arg8[%dma_start3A_1553, %dma_start3A_1554, %dma_start3A_1555] : memref<6x128x16xf32, #tpu.memory_space<vmem>> -> memref<1x128x16xf32, #tpu.memory_space<vmem>>
        %dma_start3A_1557 = tpu.memref_squeeze %dma_start3A_1556 : memref<1x128x16xf32, #tpu.memory_space<vmem>> -> memref<128x16xf32, #tpu.memory_space<vmem>>
        %dma_start3A_1558 = arith.constant 0 : i32
        %dma_start3A_1559 = tpu.memref_slice %arg6[%add3A_1552, %dma_start3A_1558] : memref<24x128xi32, #tpu.memory_space<vmem>> -> memref<1x128xi32, #tpu.memory_space<vmem>>
        %dma_start3A_1560 = tpu.memref_squeeze %dma_start3A_1559 : memref<1x128xi32, #tpu.memory_space<vmem>> -> memref<128xi32, #tpu.memory_space<vmem>>
        %dma_start3A_1561 = arith.constant 0 : i32
        %dma_start3A_1562 = arith.constant 0 : i32
        %dma_start3A_1563 = tpu.memref_slice %arg10[%dma_start3A_1561, %dma_start3A_1562] : memref<53248x16xf32, #tpu.memory_space<vmem_shared>> -> memref<53248x16xf32, #tpu.memory_space<vmem_shared>>
        tpu.enqueue_indirect_dma source(%dma_start3A_1563 : memref<53248x16xf32, #tpu.memory_space<vmem_shared>>) target(%dma_start3A_1557 : memref<128x16xf32, #tpu.memory_space<vmem>>) offsets(%dma_start3A_1560 : memref<128xi32, #tpu.memory_space<vmem>>) semaphore(%arg11 : memref<!tpu.dma_semaphore, #tpu.memory_space<semaphore_mem>>)
        %add3A_1564 = arith.constant 4 : i32
        %add3A_1565 = arith.addi %mul3A_1512, %add3A_1564 : i32
        %dma_start3A_1566 = arith.constant 4 : i32
        %dma_start3A_1567 = arith.constant 0 : i32
        %dma_start3A_1568 = arith.constant 0 : i32
        %dma_start3A_1569 = tpu.memref_slice %arg8[%dma_start3A_1566, %dma_start3A_1567, %dma_start3A_1568] : memref<6x128x16xf32, #tpu.memory_space<vmem>> -> memref<1x128x16xf32, #tpu.memory_space<vmem>>
        %dma_start3A_1570 = tpu.memref_squeeze %dma_start3A_1569 : memref<1x128x16xf32, #tpu.memory_space<vmem>> -> memref<128x16xf32, #tpu.memory_space<vmem>>
        %dma_start3A_1571 = arith.constant 0 : i32
        %dma_start3A_1572 = tpu.memref_slice %arg6[%add3A_1565, %dma_start3A_1571] : memref<24x128xi32, #tpu.memory_space<vmem>> -> memref<1x128xi32, #tpu.memory_space<vmem>>
        %dma_start3A_1573 = tpu.memref_squeeze %dma_start3A_1572 : memref<1x128xi32, #tpu.memory_space<vmem>> -> memref<128xi32, #tpu.memory_space<vmem>>
        %dma_start3A_1574 = arith.constant 0 : i32
        %dma_start3A_1575 = arith.constant 0 : i32
        %dma_start3A_1576 = tpu.memref_slice %arg10[%dma_start3A_1574, %dma_start3A_1575] : memref<53248x16xf32, #tpu.memory_space<vmem_shared>> -> memref<53248x16xf32, #tpu.memory_space<vmem_shared>>
        tpu.enqueue_indirect_dma source(%dma_start3A_1576 : memref<53248x16xf32, #tpu.memory_space<vmem_shared>>) target(%dma_start3A_1570 : memref<128x16xf32, #tpu.memory_space<vmem>>) offsets(%dma_start3A_1573 : memref<128xi32, #tpu.memory_space<vmem>>) semaphore(%arg11 : memref<!tpu.dma_semaphore, #tpu.memory_space<semaphore_mem>>)
        %add3A_1577 = arith.constant 5 : i32
        %add3A_1578 = arith.addi %mul3A_1512, %add3A_1577 : i32
        %dma_start3A_1579 = arith.constant 5 : i32
        %dma_start3A_1580 = arith.constant 0 : i32
        %dma_start3A_1581 = arith.constant 0 : i32
        %dma_start3A_1582 = tpu.memref_slice %arg8[%dma_start3A_1579, %dma_start3A_1580, %dma_start3A_1581] : memref<6x128x16xf32, #tpu.memory_space<vmem>> -> memref<1x128x16xf32, #tpu.memory_space<vmem>>
        %dma_start3A_1583 = tpu.memref_squeeze %dma_start3A_1582 : memref<1x128x16xf32, #tpu.memory_space<vmem>> -> memref<128x16xf32, #tpu.memory_space<vmem>>
        %dma_start3A_1584 = arith.constant 0 : i32
        %dma_start3A_1585 = tpu.memref_slice %arg6[%add3A_1578, %dma_start3A_1584] : memref<24x128xi32, #tpu.memory_space<vmem>> -> memref<1x128xi32, #tpu.memory_space<vmem>>
        %dma_start3A_1586 = tpu.memref_squeeze %dma_start3A_1585 : memref<1x128xi32, #tpu.memory_space<vmem>> -> memref<128xi32, #tpu.memory_space<vmem>>
        %dma_start3A_1587 = arith.constant 0 : i32
        %dma_start3A_1588 = arith.constant 0 : i32
        %dma_start3A_1589 = tpu.memref_slice %arg10[%dma_start3A_1587, %dma_start3A_1588] : memref<53248x16xf32, #tpu.memory_space<vmem_shared>> -> memref<53248x16xf32, #tpu.memory_space<vmem_shared>>
        tpu.enqueue_indirect_dma source(%dma_start3A_1589 : memref<53248x16xf32, #tpu.memory_space<vmem_shared>>) target(%dma_start3A_1583 : memref<128x16xf32, #tpu.memory_space<vmem>>) offsets(%dma_start3A_1586 : memref<128xi32, #tpu.memory_space<vmem>>) semaphore(%arg11 : memref<!tpu.dma_semaphore, #tpu.memory_space<semaphore_mem>>)
        %dma_wait3A = arith.constant 0 : i32
        %dma_wait3A_1590 = arith.constant 0 : i32
        %dma_wait3A_1591 = arith.constant 0 : i32
        %dma_wait3A_1592 = tpu.memref_slice %arg8[%dma_wait3A, %dma_wait3A_1590, %dma_wait3A_1591] : memref<6x128x16xf32, #tpu.memory_space<vmem>> -> memref<1x128x16xf32, #tpu.memory_space<vmem>>
        %dma_wait3A_1593 = tpu.memref_squeeze %dma_wait3A_1592 : memref<1x128x16xf32, #tpu.memory_space<vmem>> -> memref<128x16xf32, #tpu.memory_space<vmem>>
        %dma_wait3A_1594 = arith.constant 0 : i32
        %dma_wait3A_1595 = tpu.memref_slice %arg6[%add3A_1514, %dma_wait3A_1594] : memref<24x128xi32, #tpu.memory_space<vmem>> -> memref<1x128xi32, #tpu.memory_space<vmem>>
        %dma_wait3A_1596 = tpu.memref_squeeze %dma_wait3A_1595 : memref<1x128xi32, #tpu.memory_space<vmem>> -> memref<128xi32, #tpu.memory_space<vmem>>
        %dma_wait3A_1597 = arith.constant 0 : i32
        %dma_wait3A_1598 = arith.constant 0 : i32
        %dma_wait3A_1599 = tpu.memref_slice %arg10[%dma_wait3A_1597, %dma_wait3A_1598] : memref<53248x16xf32, #tpu.memory_space<vmem_shared>> -> memref<53248x16xf32, #tpu.memory_space<vmem_shared>>
        tpu.wait_indirect_dma semaphore(%arg11 : memref<!tpu.dma_semaphore, #tpu.memory_space<semaphore_mem>>) src(%dma_wait3A_1599 : memref<53248x16xf32, #tpu.memory_space<vmem_shared>>) dst(%dma_wait3A_1593 : memref<128x16xf32, #tpu.memory_space<vmem>>)
        %dma_wait3A_1600 = arith.constant 1 : i32
        %dma_wait3A_1601 = arith.constant 0 : i32
        %dma_wait3A_1602 = arith.constant 0 : i32
        %dma_wait3A_1603 = tpu.memref_slice %arg8[%dma_wait3A_1600, %dma_wait3A_1601, %dma_wait3A_1602] : memref<6x128x16xf32, #tpu.memory_space<vmem>> -> memref<1x128x16xf32, #tpu.memory_space<vmem>>
        %dma_wait3A_1604 = tpu.memref_squeeze %dma_wait3A_1603 : memref<1x128x16xf32, #tpu.memory_space<vmem>> -> memref<128x16xf32, #tpu.memory_space<vmem>>
        %dma_wait3A_1605 = arith.constant 0 : i32
        %dma_wait3A_1606 = tpu.memref_slice %arg6[%add3A_1526, %dma_wait3A_1605] : memref<24x128xi32, #tpu.memory_space<vmem>> -> memref<1x128xi32, #tpu.memory_space<vmem>>
        %dma_wait3A_1607 = tpu.memref_squeeze %dma_wait3A_1606 : memref<1x128xi32, #tpu.memory_space<vmem>> -> memref<128xi32, #tpu.memory_space<vmem>>
        %dma_wait3A_1608 = arith.constant 0 : i32
        %dma_wait3A_1609 = arith.constant 0 : i32
        %dma_wait3A_1610 = tpu.memref_slice %arg10[%dma_wait3A_1608, %dma_wait3A_1609] : memref<53248x16xf32, #tpu.memory_space<vmem_shared>> -> memref<53248x16xf32, #tpu.memory_space<vmem_shared>>
        tpu.wait_indirect_dma semaphore(%arg11 : memref<!tpu.dma_semaphore, #tpu.memory_space<semaphore_mem>>) src(%dma_wait3A_1610 : memref<53248x16xf32, #tpu.memory_space<vmem_shared>>) dst(%dma_wait3A_1604 : memref<128x16xf32, #tpu.memory_space<vmem>>)
        %dma_wait3A_1611 = arith.constant 2 : i32
        %dma_wait3A_1612 = arith.constant 0 : i32
        %dma_wait3A_1613 = arith.constant 0 : i32
        %dma_wait3A_1614 = tpu.memref_slice %arg8[%dma_wait3A_1611, %dma_wait3A_1612, %dma_wait3A_1613] : memref<6x128x16xf32, #tpu.memory_space<vmem>> -> memref<1x128x16xf32, #tpu.memory_space<vmem>>
        %dma_wait3A_1615 = tpu.memref_squeeze %dma_wait3A_1614 : memref<1x128x16xf32, #tpu.memory_space<vmem>> -> memref<128x16xf32, #tpu.memory_space<vmem>>
        %dma_wait3A_1616 = arith.constant 0 : i32
        %dma_wait3A_1617 = tpu.memref_slice %arg6[%add3A_1539, %dma_wait3A_1616] : memref<24x128xi32, #tpu.memory_space<vmem>> -> memref<1x128xi32, #tpu.memory_space<vmem>>
        %dma_wait3A_1618 = tpu.memref_squeeze %dma_wait3A_1617 : memref<1x128xi32, #tpu.memory_space<vmem>> -> memref<128xi32, #tpu.memory_space<vmem>>
        %dma_wait3A_1619 = arith.constant 0 : i32
        %dma_wait3A_1620 = arith.constant 0 : i32
        %dma_wait3A_1621 = tpu.memref_slice %arg10[%dma_wait3A_1619, %dma_wait3A_1620] : memref<53248x16xf32, #tpu.memory_space<vmem_shared>> -> memref<53248x16xf32, #tpu.memory_space<vmem_shared>>
        tpu.wait_indirect_dma semaphore(%arg11 : memref<!tpu.dma_semaphore, #tpu.memory_space<semaphore_mem>>) src(%dma_wait3A_1621 : memref<53248x16xf32, #tpu.memory_space<vmem_shared>>) dst(%dma_wait3A_1615 : memref<128x16xf32, #tpu.memory_space<vmem>>)
        %dma_wait3A_1622 = arith.constant 3 : i32
        %dma_wait3A_1623 = arith.constant 0 : i32
        %dma_wait3A_1624 = arith.constant 0 : i32
        %dma_wait3A_1625 = tpu.memref_slice %arg8[%dma_wait3A_1622, %dma_wait3A_1623, %dma_wait3A_1624] : memref<6x128x16xf32, #tpu.memory_space<vmem>> -> memref<1x128x16xf32, #tpu.memory_space<vmem>>
        %dma_wait3A_1626 = tpu.memref_squeeze %dma_wait3A_1625 : memref<1x128x16xf32, #tpu.memory_space<vmem>> -> memref<128x16xf32, #tpu.memory_space<vmem>>
        %dma_wait3A_1627 = arith.constant 0 : i32
        %dma_wait3A_1628 = tpu.memref_slice %arg6[%add3A_1552, %dma_wait3A_1627] : memref<24x128xi32, #tpu.memory_space<vmem>> -> memref<1x128xi32, #tpu.memory_space<vmem>>
        %dma_wait3A_1629 = tpu.memref_squeeze %dma_wait3A_1628 : memref<1x128xi32, #tpu.memory_space<vmem>> -> memref<128xi32, #tpu.memory_space<vmem>>
        %dma_wait3A_1630 = arith.constant 0 : i32
        %dma_wait3A_1631 = arith.constant 0 : i32
        %dma_wait3A_1632 = tpu.memref_slice %arg10[%dma_wait3A_1630, %dma_wait3A_1631] : memref<53248x16xf32, #tpu.memory_space<vmem_shared>> -> memref<53248x16xf32, #tpu.memory_space<vmem_shared>>
        tpu.wait_indirect_dma semaphore(%arg11 : memref<!tpu.dma_semaphore, #tpu.memory_space<semaphore_mem>>) src(%dma_wait3A_1632 : memref<53248x16xf32, #tpu.memory_space<vmem_shared>>) dst(%dma_wait3A_1626 : memref<128x16xf32, #tpu.memory_space<vmem>>)
        %dma_wait3A_1633 = arith.constant 4 : i32
        %dma_wait3A_1634 = arith.constant 0 : i32
        %dma_wait3A_1635 = arith.constant 0 : i32
        %dma_wait3A_1636 = tpu.memref_slice %arg8[%dma_wait3A_1633, %dma_wait3A_1634, %dma_wait3A_1635] : memref<6x128x16xf32, #tpu.memory_space<vmem>> -> memref<1x128x16xf32, #tpu.memory_space<vmem>>
        %dma_wait3A_1637 = tpu.memref_squeeze %dma_wait3A_1636 : memref<1x128x16xf32, #tpu.memory_space<vmem>> -> memref<128x16xf32, #tpu.memory_space<vmem>>
        %dma_wait3A_1638 = arith.constant 0 : i32
        %dma_wait3A_1639 = tpu.memref_slice %arg6[%add3A_1565, %dma_wait3A_1638] : memref<24x128xi32, #tpu.memory_space<vmem>> -> memref<1x128xi32, #tpu.memory_space<vmem>>
        %dma_wait3A_1640 = tpu.memref_squeeze %dma_wait3A_1639 : memref<1x128xi32, #tpu.memory_space<vmem>> -> memref<128xi32, #tpu.memory_space<vmem>>
        %dma_wait3A_1641 = arith.constant 0 : i32
        %dma_wait3A_1642 = arith.constant 0 : i32
        %dma_wait3A_1643 = tpu.memref_slice %arg10[%dma_wait3A_1641, %dma_wait3A_1642] : memref<53248x16xf32, #tpu.memory_space<vmem_shared>> -> memref<53248x16xf32, #tpu.memory_space<vmem_shared>>
        tpu.wait_indirect_dma semaphore(%arg11 : memref<!tpu.dma_semaphore, #tpu.memory_space<semaphore_mem>>) src(%dma_wait3A_1643 : memref<53248x16xf32, #tpu.memory_space<vmem_shared>>) dst(%dma_wait3A_1637 : memref<128x16xf32, #tpu.memory_space<vmem>>)
        %dma_wait3A_1644 = arith.constant 5 : i32
        %dma_wait3A_1645 = arith.constant 0 : i32
        %dma_wait3A_1646 = arith.constant 0 : i32
        %dma_wait3A_1647 = tpu.memref_slice %arg8[%dma_wait3A_1644, %dma_wait3A_1645, %dma_wait3A_1646] : memref<6x128x16xf32, #tpu.memory_space<vmem>> -> memref<1x128x16xf32, #tpu.memory_space<vmem>>
        %dma_wait3A_1648 = tpu.memref_squeeze %dma_wait3A_1647 : memref<1x128x16xf32, #tpu.memory_space<vmem>> -> memref<128x16xf32, #tpu.memory_space<vmem>>
        %dma_wait3A_1649 = arith.constant 0 : i32
        %dma_wait3A_1650 = tpu.memref_slice %arg6[%add3A_1578, %dma_wait3A_1649] : memref<24x128xi32, #tpu.memory_space<vmem>> -> memref<1x128xi32, #tpu.memory_space<vmem>>
        %dma_wait3A_1651 = tpu.memref_squeeze %dma_wait3A_1650 : memref<1x128xi32, #tpu.memory_space<vmem>> -> memref<128xi32, #tpu.memory_space<vmem>>
        %dma_wait3A_1652 = arith.constant 0 : i32
        %dma_wait3A_1653 = arith.constant 0 : i32
        %dma_wait3A_1654 = tpu.memref_slice %arg10[%dma_wait3A_1652, %dma_wait3A_1653] : memref<53248x16xf32, #tpu.memory_space<vmem_shared>> -> memref<53248x16xf32, #tpu.memory_space<vmem_shared>>
        tpu.wait_indirect_dma semaphore(%arg11 : memref<!tpu.dma_semaphore, #tpu.memory_space<semaphore_mem>>) src(%dma_wait3A_1654 : memref<53248x16xf32, #tpu.memory_space<vmem_shared>>) dst(%dma_wait3A_1648 : memref<128x16xf32, #tpu.memory_space<vmem>>)
        %add3A_1655 = arith.constant 0 : i32
        %add3A_1656 = arith.addi %mul3A_1512, %add3A_1655 : i32
        %dma_start3A_1657 = arith.constant 0 : i32
        %dma_start3A_1658 = arith.constant 0 : i32
        %dma_start3A_1659 = arith.constant 0 : i32
        %dma_start3A_1660 = tpu.memref_slice %arg8[%dma_start3A_1657, %dma_start3A_1658, %dma_start3A_1659] : memref<6x128x16xf32, #tpu.memory_space<vmem>> -> memref<1x128x16xf32, #tpu.memory_space<vmem>>
        %dma_start3A_1661 = tpu.memref_squeeze %dma_start3A_1660 : memref<1x128x16xf32, #tpu.memory_space<vmem>> -> memref<128x16xf32, #tpu.memory_space<vmem>>
        %dma_start3A_1662 = arith.constant 0 : i32
        %dma_start3A_1663 = tpu.memref_slice %arg7[%add3A_1656, %dma_start3A_1662] : memref<24x128xi32, #tpu.memory_space<vmem>> -> memref<1x128xi32, #tpu.memory_space<vmem>>
        %dma_start3A_1664 = tpu.memref_squeeze %dma_start3A_1663 : memref<1x128xi32, #tpu.memory_space<vmem>> -> memref<128xi32, #tpu.memory_space<vmem>>
        %dma_start3A_1665 = arith.constant 0 : i32
        %dma_start3A_1666 = arith.constant 0 : i32
        %dma_start3A_1667 = tpu.memref_slice %arg9[%dma_start3A_1665, %dma_start3A_1666] : memref<53248x16xf32, #tpu.memory_space<vmem_shared>> -> memref<53248x16xf32, #tpu.memory_space<vmem_shared>>
        tpu.enqueue_indirect_dma source(%dma_start3A_1661 : memref<128x16xf32, #tpu.memory_space<vmem>>) target(%dma_start3A_1667 : memref<53248x16xf32, #tpu.memory_space<vmem_shared>>) offsets(%dma_start3A_1664 : memref<128xi32, #tpu.memory_space<vmem>>) semaphore(%arg12 : memref<!tpu.dma_semaphore, #tpu.memory_space<semaphore_mem>>) {add = true}
        %add3A_1668 = arith.constant 1 : i32
        %add3A_1669 = arith.addi %mul3A_1512, %add3A_1668 : i32
        %dma_start3A_1670 = arith.constant 1 : i32
        %dma_start3A_1671 = arith.constant 0 : i32
        %dma_start3A_1672 = arith.constant 0 : i32
        %dma_start3A_1673 = tpu.memref_slice %arg8[%dma_start3A_1670, %dma_start3A_1671, %dma_start3A_1672] : memref<6x128x16xf32, #tpu.memory_space<vmem>> -> memref<1x128x16xf32, #tpu.memory_space<vmem>>
        %dma_start3A_1674 = tpu.memref_squeeze %dma_start3A_1673 : memref<1x128x16xf32, #tpu.memory_space<vmem>> -> memref<128x16xf32, #tpu.memory_space<vmem>>
        %dma_start3A_1675 = arith.constant 0 : i32
        %dma_start3A_1676 = tpu.memref_slice %arg7[%add3A_1669, %dma_start3A_1675] : memref<24x128xi32, #tpu.memory_space<vmem>> -> memref<1x128xi32, #tpu.memory_space<vmem>>
        %dma_start3A_1677 = tpu.memref_squeeze %dma_start3A_1676 : memref<1x128xi32, #tpu.memory_space<vmem>> -> memref<128xi32, #tpu.memory_space<vmem>>
        %dma_start3A_1678 = arith.constant 0 : i32
        %dma_start3A_1679 = arith.constant 0 : i32
        %dma_start3A_1680 = tpu.memref_slice %arg9[%dma_start3A_1678, %dma_start3A_1679] : memref<53248x16xf32, #tpu.memory_space<vmem_shared>> -> memref<53248x16xf32, #tpu.memory_space<vmem_shared>>
        tpu.enqueue_indirect_dma source(%dma_start3A_1674 : memref<128x16xf32, #tpu.memory_space<vmem>>) target(%dma_start3A_1680 : memref<53248x16xf32, #tpu.memory_space<vmem_shared>>) offsets(%dma_start3A_1677 : memref<128xi32, #tpu.memory_space<vmem>>) semaphore(%arg12 : memref<!tpu.dma_semaphore, #tpu.memory_space<semaphore_mem>>) {add = true}
        %add3A_1681 = arith.constant 2 : i32
        %add3A_1682 = arith.addi %mul3A_1512, %add3A_1681 : i32
        %dma_start3A_1683 = arith.constant 2 : i32
        %dma_start3A_1684 = arith.constant 0 : i32
        %dma_start3A_1685 = arith.constant 0 : i32
        %dma_start3A_1686 = tpu.memref_slice %arg8[%dma_start3A_1683, %dma_start3A_1684, %dma_start3A_1685] : memref<6x128x16xf32, #tpu.memory_space<vmem>> -> memref<1x128x16xf32, #tpu.memory_space<vmem>>
        %dma_start3A_1687 = tpu.memref_squeeze %dma_start3A_1686 : memref<1x128x16xf32, #tpu.memory_space<vmem>> -> memref<128x16xf32, #tpu.memory_space<vmem>>
        %dma_start3A_1688 = arith.constant 0 : i32
        %dma_start3A_1689 = tpu.memref_slice %arg7[%add3A_1682, %dma_start3A_1688] : memref<24x128xi32, #tpu.memory_space<vmem>> -> memref<1x128xi32, #tpu.memory_space<vmem>>
        %dma_start3A_1690 = tpu.memref_squeeze %dma_start3A_1689 : memref<1x128xi32, #tpu.memory_space<vmem>> -> memref<128xi32, #tpu.memory_space<vmem>>
        %dma_start3A_1691 = arith.constant 0 : i32
        %dma_start3A_1692 = arith.constant 0 : i32
        %dma_start3A_1693 = tpu.memref_slice %arg9[%dma_start3A_1691, %dma_start3A_1692] : memref<53248x16xf32, #tpu.memory_space<vmem_shared>> -> memref<53248x16xf32, #tpu.memory_space<vmem_shared>>
        tpu.enqueue_indirect_dma source(%dma_start3A_1687 : memref<128x16xf32, #tpu.memory_space<vmem>>) target(%dma_start3A_1693 : memref<53248x16xf32, #tpu.memory_space<vmem_shared>>) offsets(%dma_start3A_1690 : memref<128xi32, #tpu.memory_space<vmem>>) semaphore(%arg12 : memref<!tpu.dma_semaphore, #tpu.memory_space<semaphore_mem>>) {add = true}
        %add3A_1694 = arith.constant 3 : i32
        %add3A_1695 = arith.addi %mul3A_1512, %add3A_1694 : i32
        %dma_start3A_1696 = arith.constant 3 : i32
        %dma_start3A_1697 = arith.constant 0 : i32
        %dma_start3A_1698 = arith.constant 0 : i32
        %dma_start3A_1699 = tpu.memref_slice %arg8[%dma_start3A_1696, %dma_start3A_1697, %dma_start3A_1698] : memref<6x128x16xf32, #tpu.memory_space<vmem>> -> memref<1x128x16xf32, #tpu.memory_space<vmem>>
        %dma_start3A_1700 = tpu.memref_squeeze %dma_start3A_1699 : memref<1x128x16xf32, #tpu.memory_space<vmem>> -> memref<128x16xf32, #tpu.memory_space<vmem>>
        %dma_start3A_1701 = arith.constant 0 : i32
        %dma_start3A_1702 = tpu.memref_slice %arg7[%add3A_1695, %dma_start3A_1701] : memref<24x128xi32, #tpu.memory_space<vmem>> -> memref<1x128xi32, #tpu.memory_space<vmem>>
        %dma_start3A_1703 = tpu.memref_squeeze %dma_start3A_1702 : memref<1x128xi32, #tpu.memory_space<vmem>> -> memref<128xi32, #tpu.memory_space<vmem>>
        %dma_start3A_1704 = arith.constant 0 : i32
        %dma_start3A_1705 = arith.constant 0 : i32
        %dma_start3A_1706 = tpu.memref_slice %arg9[%dma_start3A_1704, %dma_start3A_1705] : memref<53248x16xf32, #tpu.memory_space<vmem_shared>> -> memref<53248x16xf32, #tpu.memory_space<vmem_shared>>
        tpu.enqueue_indirect_dma source(%dma_start3A_1700 : memref<128x16xf32, #tpu.memory_space<vmem>>) target(%dma_start3A_1706 : memref<53248x16xf32, #tpu.memory_space<vmem_shared>>) offsets(%dma_start3A_1703 : memref<128xi32, #tpu.memory_space<vmem>>) semaphore(%arg12 : memref<!tpu.dma_semaphore, #tpu.memory_space<semaphore_mem>>) {add = true}
        %add3A_1707 = arith.constant 4 : i32
        %add3A_1708 = arith.addi %mul3A_1512, %add3A_1707 : i32
        %dma_start3A_1709 = arith.constant 4 : i32
        %dma_start3A_1710 = arith.constant 0 : i32
        %dma_start3A_1711 = arith.constant 0 : i32
        %dma_start3A_1712 = tpu.memref_slice %arg8[%dma_start3A_1709, %dma_start3A_1710, %dma_start3A_1711] : memref<6x128x16xf32, #tpu.memory_space<vmem>> -> memref<1x128x16xf32, #tpu.memory_space<vmem>>
        %dma_start3A_1713 = tpu.memref_squeeze %dma_start3A_1712 : memref<1x128x16xf32, #tpu.memory_space<vmem>> -> memref<128x16xf32, #tpu.memory_space<vmem>>
        %dma_start3A_1714 = arith.constant 0 : i32
        %dma_start3A_1715 = tpu.memref_slice %arg7[%add3A_1708, %dma_start3A_1714] : memref<24x128xi32, #tpu.memory_space<vmem>> -> memref<1x128xi32, #tpu.memory_space<vmem>>
        %dma_start3A_1716 = tpu.memref_squeeze %dma_start3A_1715 : memref<1x128xi32, #tpu.memory_space<vmem>> -> memref<128xi32, #tpu.memory_space<vmem>>
        %dma_start3A_1717 = arith.constant 0 : i32
        %dma_start3A_1718 = arith.constant 0 : i32
        %dma_start3A_1719 = tpu.memref_slice %arg9[%dma_start3A_1717, %dma_start3A_1718] : memref<53248x16xf32, #tpu.memory_space<vmem_shared>> -> memref<53248x16xf32, #tpu.memory_space<vmem_shared>>
        tpu.enqueue_indirect_dma source(%dma_start3A_1713 : memref<128x16xf32, #tpu.memory_space<vmem>>) target(%dma_start3A_1719 : memref<53248x16xf32, #tpu.memory_space<vmem_shared>>) offsets(%dma_start3A_1716 : memref<128xi32, #tpu.memory_space<vmem>>) semaphore(%arg12 : memref<!tpu.dma_semaphore, #tpu.memory_space<semaphore_mem>>) {add = true}
        %add3A_1720 = arith.constant 5 : i32
        %add3A_1721 = arith.addi %mul3A_1512, %add3A_1720 : i32
        %dma_start3A_1722 = arith.constant 5 : i32
        %dma_start3A_1723 = arith.constant 0 : i32
        %dma_start3A_1724 = arith.constant 0 : i32
        %dma_start3A_1725 = tpu.memref_slice %arg8[%dma_start3A_1722, %dma_start3A_1723, %dma_start3A_1724] : memref<6x128x16xf32, #tpu.memory_space<vmem>> -> memref<1x128x16xf32, #tpu.memory_space<vmem>>
        %dma_start3A_1726 = tpu.memref_squeeze %dma_start3A_1725 : memref<1x128x16xf32, #tpu.memory_space<vmem>> -> memref<128x16xf32, #tpu.memory_space<vmem>>
        %dma_start3A_1727 = arith.constant 0 : i32
        %dma_start3A_1728 = tpu.memref_slice %arg7[%add3A_1721, %dma_start3A_1727] : memref<24x128xi32, #tpu.memory_space<vmem>> -> memref<1x128xi32, #tpu.memory_space<vmem>>
        %dma_start3A_1729 = tpu.memref_squeeze %dma_start3A_1728 : memref<1x128xi32, #tpu.memory_space<vmem>> -> memref<128xi32, #tpu.memory_space<vmem>>
        %dma_start3A_1730 = arith.constant 0 : i32
        %dma_start3A_1731 = arith.constant 0 : i32
        %dma_start3A_1732 = tpu.memref_slice %arg9[%dma_start3A_1730, %dma_start3A_1731] : memref<53248x16xf32, #tpu.memory_space<vmem_shared>> -> memref<53248x16xf32, #tpu.memory_space<vmem_shared>>
        tpu.enqueue_indirect_dma source(%dma_start3A_1726 : memref<128x16xf32, #tpu.memory_space<vmem>>) target(%dma_start3A_1732 : memref<53248x16xf32, #tpu.memory_space<vmem_shared>>) offsets(%dma_start3A_1729 : memref<128xi32, #tpu.memory_space<vmem>>) semaphore(%arg12 : memref<!tpu.dma_semaphore, #tpu.memory_space<semaphore_mem>>) {add = true}
        %dma_wait3A_1733 = arith.constant 0 : i32
        %dma_wait3A_1734 = arith.constant 0 : i32
        %dma_wait3A_1735 = arith.constant 0 : i32
        %dma_wait3A_1736 = tpu.memref_slice %arg8[%dma_wait3A_1733, %dma_wait3A_1734, %dma_wait3A_1735] : memref<6x128x16xf32, #tpu.memory_space<vmem>> -> memref<1x128x16xf32, #tpu.memory_space<vmem>>
        %dma_wait3A_1737 = tpu.memref_squeeze %dma_wait3A_1736 : memref<1x128x16xf32, #tpu.memory_space<vmem>> -> memref<128x16xf32, #tpu.memory_space<vmem>>
        %dma_wait3A_1738 = arith.constant 0 : i32
        %dma_wait3A_1739 = tpu.memref_slice %arg7[%add3A_1656, %dma_wait3A_1738] : memref<24x128xi32, #tpu.memory_space<vmem>> -> memref<1x128xi32, #tpu.memory_space<vmem>>
        %dma_wait3A_1740 = tpu.memref_squeeze %dma_wait3A_1739 : memref<1x128xi32, #tpu.memory_space<vmem>> -> memref<128xi32, #tpu.memory_space<vmem>>
        %dma_wait3A_1741 = arith.constant 0 : i32
        %dma_wait3A_1742 = arith.constant 0 : i32
        %dma_wait3A_1743 = tpu.memref_slice %arg9[%dma_wait3A_1741, %dma_wait3A_1742] : memref<53248x16xf32, #tpu.memory_space<vmem_shared>> -> memref<53248x16xf32, #tpu.memory_space<vmem_shared>>
        tpu.wait_indirect_dma semaphore(%arg12 : memref<!tpu.dma_semaphore, #tpu.memory_space<semaphore_mem>>) src(%dma_wait3A_1737 : memref<128x16xf32, #tpu.memory_space<vmem>>) dst(%dma_wait3A_1743 : memref<53248x16xf32, #tpu.memory_space<vmem_shared>>)
        %dma_wait3A_1744 = arith.constant 1 : i32
        %dma_wait3A_1745 = arith.constant 0 : i32
        %dma_wait3A_1746 = arith.constant 0 : i32
        %dma_wait3A_1747 = tpu.memref_slice %arg8[%dma_wait3A_1744, %dma_wait3A_1745, %dma_wait3A_1746] : memref<6x128x16xf32, #tpu.memory_space<vmem>> -> memref<1x128x16xf32, #tpu.memory_space<vmem>>
        %dma_wait3A_1748 = tpu.memref_squeeze %dma_wait3A_1747 : memref<1x128x16xf32, #tpu.memory_space<vmem>> -> memref<128x16xf32, #tpu.memory_space<vmem>>
        %dma_wait3A_1749 = arith.constant 0 : i32
        %dma_wait3A_1750 = tpu.memref_slice %arg7[%add3A_1669, %dma_wait3A_1749] : memref<24x128xi32, #tpu.memory_space<vmem>> -> memref<1x128xi32, #tpu.memory_space<vmem>>
        %dma_wait3A_1751 = tpu.memref_squeeze %dma_wait3A_1750 : memref<1x128xi32, #tpu.memory_space<vmem>> -> memref<128xi32, #tpu.memory_space<vmem>>
        %dma_wait3A_1752 = arith.constant 0 : i32
        %dma_wait3A_1753 = arith.constant 0 : i32
        %dma_wait3A_1754 = tpu.memref_slice %arg9[%dma_wait3A_1752, %dma_wait3A_1753] : memref<53248x16xf32, #tpu.memory_space<vmem_shared>> -> memref<53248x16xf32, #tpu.memory_space<vmem_shared>>
        tpu.wait_indirect_dma semaphore(%arg12 : memref<!tpu.dma_semaphore, #tpu.memory_space<semaphore_mem>>) src(%dma_wait3A_1748 : memref<128x16xf32, #tpu.memory_space<vmem>>) dst(%dma_wait3A_1754 : memref<53248x16xf32, #tpu.memory_space<vmem_shared>>)
        %dma_wait3A_1755 = arith.constant 2 : i32
        %dma_wait3A_1756 = arith.constant 0 : i32
        %dma_wait3A_1757 = arith.constant 0 : i32
        %dma_wait3A_1758 = tpu.memref_slice %arg8[%dma_wait3A_1755, %dma_wait3A_1756, %dma_wait3A_1757] : memref<6x128x16xf32, #tpu.memory_space<vmem>> -> memref<1x128x16xf32, #tpu.memory_space<vmem>>
        %dma_wait3A_1759 = tpu.memref_squeeze %dma_wait3A_1758 : memref<1x128x16xf32, #tpu.memory_space<vmem>> -> memref<128x16xf32, #tpu.memory_space<vmem>>
        %dma_wait3A_1760 = arith.constant 0 : i32
        %dma_wait3A_1761 = tpu.memref_slice %arg7[%add3A_1682, %dma_wait3A_1760] : memref<24x128xi32, #tpu.memory_space<vmem>> -> memref<1x128xi32, #tpu.memory_space<vmem>>
        %dma_wait3A_1762 = tpu.memref_squeeze %dma_wait3A_1761 : memref<1x128xi32, #tpu.memory_space<vmem>> -> memref<128xi32, #tpu.memory_space<vmem>>
        %dma_wait3A_1763 = arith.constant 0 : i32
        %dma_wait3A_1764 = arith.constant 0 : i32
        %dma_wait3A_1765 = tpu.memref_slice %arg9[%dma_wait3A_1763, %dma_wait3A_1764] : memref<53248x16xf32, #tpu.memory_space<vmem_shared>> -> memref<53248x16xf32, #tpu.memory_space<vmem_shared>>
        tpu.wait_indirect_dma semaphore(%arg12 : memref<!tpu.dma_semaphore, #tpu.memory_space<semaphore_mem>>) src(%dma_wait3A_1759 : memref<128x16xf32, #tpu.memory_space<vmem>>) dst(%dma_wait3A_1765 : memref<53248x16xf32, #tpu.memory_space<vmem_shared>>)
        %dma_wait3A_1766 = arith.constant 3 : i32
        %dma_wait3A_1767 = arith.constant 0 : i32
        %dma_wait3A_1768 = arith.constant 0 : i32
        %dma_wait3A_1769 = tpu.memref_slice %arg8[%dma_wait3A_1766, %dma_wait3A_1767, %dma_wait3A_1768] : memref<6x128x16xf32, #tpu.memory_space<vmem>> -> memref<1x128x16xf32, #tpu.memory_space<vmem>>
        %dma_wait3A_1770 = tpu.memref_squeeze %dma_wait3A_1769 : memref<1x128x16xf32, #tpu.memory_space<vmem>> -> memref<128x16xf32, #tpu.memory_space<vmem>>
        %dma_wait3A_1771 = arith.constant 0 : i32
        %dma_wait3A_1772 = tpu.memref_slice %arg7[%add3A_1695, %dma_wait3A_1771] : memref<24x128xi32, #tpu.memory_space<vmem>> -> memref<1x128xi32, #tpu.memory_space<vmem>>
        %dma_wait3A_1773 = tpu.memref_squeeze %dma_wait3A_1772 : memref<1x128xi32, #tpu.memory_space<vmem>> -> memref<128xi32, #tpu.memory_space<vmem>>
        %dma_wait3A_1774 = arith.constant 0 : i32
        %dma_wait3A_1775 = arith.constant 0 : i32
        %dma_wait3A_1776 = tpu.memref_slice %arg9[%dma_wait3A_1774, %dma_wait3A_1775] : memref<53248x16xf32, #tpu.memory_space<vmem_shared>> -> memref<53248x16xf32, #tpu.memory_space<vmem_shared>>
        tpu.wait_indirect_dma semaphore(%arg12 : memref<!tpu.dma_semaphore, #tpu.memory_space<semaphore_mem>>) src(%dma_wait3A_1770 : memref<128x16xf32, #tpu.memory_space<vmem>>) dst(%dma_wait3A_1776 : memref<53248x16xf32, #tpu.memory_space<vmem_shared>>)
        %dma_wait3A_1777 = arith.constant 4 : i32
        %dma_wait3A_1778 = arith.constant 0 : i32
        %dma_wait3A_1779 = arith.constant 0 : i32
        %dma_wait3A_1780 = tpu.memref_slice %arg8[%dma_wait3A_1777, %dma_wait3A_1778, %dma_wait3A_1779] : memref<6x128x16xf32, #tpu.memory_space<vmem>> -> memref<1x128x16xf32, #tpu.memory_space<vmem>>
        %dma_wait3A_1781 = tpu.memref_squeeze %dma_wait3A_1780 : memref<1x128x16xf32, #tpu.memory_space<vmem>> -> memref<128x16xf32, #tpu.memory_space<vmem>>
        %dma_wait3A_1782 = arith.constant 0 : i32
        %dma_wait3A_1783 = tpu.memref_slice %arg7[%add3A_1708, %dma_wait3A_1782] : memref<24x128xi32, #tpu.memory_space<vmem>> -> memref<1x128xi32, #tpu.memory_space<vmem>>
        %dma_wait3A_1784 = tpu.memref_squeeze %dma_wait3A_1783 : memref<1x128xi32, #tpu.memory_space<vmem>> -> memref<128xi32, #tpu.memory_space<vmem>>
        %dma_wait3A_1785 = arith.constant 0 : i32
        %dma_wait3A_1786 = arith.constant 0 : i32
        %dma_wait3A_1787 = tpu.memref_slice %arg9[%dma_wait3A_1785, %dma_wait3A_1786] : memref<53248x16xf32, #tpu.memory_space<vmem_shared>> -> memref<53248x16xf32, #tpu.memory_space<vmem_shared>>
        tpu.wait_indirect_dma semaphore(%arg12 : memref<!tpu.dma_semaphore, #tpu.memory_space<semaphore_mem>>) src(%dma_wait3A_1781 : memref<128x16xf32, #tpu.memory_space<vmem>>) dst(%dma_wait3A_1787 : memref<53248x16xf32, #tpu.memory_space<vmem_shared>>)
        %dma_wait3A_1788 = arith.constant 5 : i32
        %dma_wait3A_1789 = arith.constant 0 : i32
        %dma_wait3A_1790 = arith.constant 0 : i32
        %dma_wait3A_1791 = tpu.memref_slice %arg8[%dma_wait3A_1788, %dma_wait3A_1789, %dma_wait3A_1790] : memref<6x128x16xf32, #tpu.memory_space<vmem>> -> memref<1x128x16xf32, #tpu.memory_space<vmem>>
        %dma_wait3A_1792 = tpu.memref_squeeze %dma_wait3A_1791 : memref<1x128x16xf32, #tpu.memory_space<vmem>> -> memref<128x16xf32, #tpu.memory_space<vmem>>
        %dma_wait3A_1793 = arith.constant 0 : i32
        %dma_wait3A_1794 = tpu.memref_slice %arg7[%add3A_1721, %dma_wait3A_1793] : memref<24x128xi32, #tpu.memory_space<vmem>> -> memref<1x128xi32, #tpu.memory_space<vmem>>
        %dma_wait3A_1795 = tpu.memref_squeeze %dma_wait3A_1794 : memref<1x128xi32, #tpu.memory_space<vmem>> -> memref<128xi32, #tpu.memory_space<vmem>>
        %dma_wait3A_1796 = arith.constant 0 : i32
        %dma_wait3A_1797 = arith.constant 0 : i32
        %dma_wait3A_1798 = tpu.memref_slice %arg9[%dma_wait3A_1796, %dma_wait3A_1797] : memref<53248x16xf32, #tpu.memory_space<vmem_shared>> -> memref<53248x16xf32, #tpu.memory_space<vmem_shared>>
        tpu.wait_indirect_dma semaphore(%arg12 : memref<!tpu.dma_semaphore, #tpu.memory_space<semaphore_mem>>) src(%dma_wait3A_1792 : memref<128x16xf32, #tpu.memory_space<vmem>>) dst(%dma_wait3A_1798 : memref<53248x16xf32, #tpu.memory_space<vmem_shared>>)
      }
      %scan3A_1509 = arith.constant 4 : i32
    }
    %scan3A_1493 = arith.constant 33 : i32
    %barrier3A_1494 = arith.constant 0 : index
    tpu.barrier barrier_id(%barrier3A_1494)
    %mul3A_1495 = arith.constant 3328 : i32
    %mul3A_1496 = arith.muli %arg1, %mul3A_1495 : i32
    %mul3A_1497 = arith.constant 3328 : i32
    %mul3A_1498 = arith.muli %arg1, %mul3A_1497 : i32
    "tpu.region"() ({
      %run_scoped3A_1499 = tpu.sem_alloc : memref<!tpu.dma_semaphore, #tpu.memory_space<semaphore_mem>>
      %dma_start3A = arith.constant 0 : i32
      %dma_start3A_1500 = tpu.memref_slice %arg5[%arg0, %mul3A_1498, %dma_start3A] : memref<2x53248x16xf32, #tpu.memory_space<hbm>> -> memref<1x3328x16xf32, #tpu.memory_space<hbm>>
      %dma_start3A_1501 = tpu.memref_squeeze %dma_start3A_1500 : memref<1x3328x16xf32, #tpu.memory_space<hbm>> -> memref<3328x16xf32, #tpu.memory_space<hbm>>
      %dma_start3A_1502 = arith.constant 0 : i32
      %dma_start3A_1503 = tpu.memref_slice %arg9[%mul3A_1496, %dma_start3A_1502] : memref<53248x16xf32, #tpu.memory_space<vmem_shared>> -> memref<3328x16xf32, #tpu.memory_space<vmem_shared>>
      tpu.enqueue_dma source(%dma_start3A_1503 : memref<3328x16xf32, #tpu.memory_space<vmem_shared>>) target(%dma_start3A_1501 : memref<3328x16xf32, #tpu.memory_space<hbm>>) target_semaphore(%run_scoped3A_1499 : memref<!tpu.dma_semaphore, #tpu.memory_space<semaphore_mem>>)
      %dma_wait3A = arith.constant 0 : i32
      %dma_wait3A_1504 = tpu.memref_slice %arg5[%arg0, %mul3A_1498, %dma_wait3A] : memref<2x53248x16xf32, #tpu.memory_space<hbm>> -> memref<1x3328x16xf32, #tpu.memory_space<hbm>>
      %dma_wait3A_1505 = tpu.memref_squeeze %dma_wait3A_1504 : memref<1x3328x16xf32, #tpu.memory_space<hbm>> -> memref<3328x16xf32, #tpu.memory_space<hbm>>
      %dma_wait3A_1506 = arith.constant 0 : i32
      %dma_wait3A_1507 = tpu.memref_slice %arg9[%mul3A_1496, %dma_wait3A_1506] : memref<53248x16xf32, #tpu.memory_space<vmem_shared>> -> memref<3328x16xf32, #tpu.memory_space<vmem_shared>>
      tpu.wait_dma2 semaphore(%run_scoped3A_1499 : memref<!tpu.dma_semaphore, #tpu.memory_space<semaphore_mem>>) src(%dma_wait3A_1507 : memref<3328x16xf32, #tpu.memory_space<vmem_shared>>) dst(%dma_wait3A_1505 : memref<3328x16xf32, #tpu.memory_space<hbm>>)
      tpu.yield
    }) : () -> ()
    return
  }
}

#map = affine_map<(d0, d1) -> (0, 0, 0)>
#map1 = affine_map<(d0, d1) -> (0)>
module attributes {stable_mosaic.version = 14 : i64} {
  func.func @_sc_deg_body(%arg0: i32, %arg1: i32, %arg2: memref<32x396x128xi32, #tpu.memory_space<hbm>>, %arg3: memref<106496xf32, #tpu.memory_space<hbm>>, %arg4: memref<396x128xi32, #tpu.memory_space<vmem>>, %arg5: memref<128xf32, #tpu.memory_space<vmem>>, %arg6: memref<3328xf32, #tpu.memory_space<vmem>>, %arg7: memref<53248xf32, #tpu.memory_space<vmem_shared>>, %arg8: memref<!tpu.dma_semaphore, #tpu.memory_space<semaphore_mem>>) attributes {dimension_semantics = [#tpu.dimension_semantics<core_parallel>, #tpu.dimension_semantics<subcore_parallel>], iteration_bounds = array<i64: 2, 16>, scalar_prefetch = 0 : i64, scratch_operands = 5 : i64, tpu.core_type = #tpu.core_type<sc_vector_subcore>, window_params = [{transform_indices = #map}, {transform_indices = #map1}]} {
    %mul3A = arith.constant 16 : i32
    %mul3A_0 = arith.muli %arg0, %mul3A : i32
    %add3A = arith.addi %mul3A_0, %arg1 : i32
    "tpu.region"() ({
      %run_scoped3A = tpu.sem_alloc : memref<!tpu.dma_semaphore, #tpu.memory_space<semaphore_mem>>
      %dma_start3A_114 = arith.constant 0 : i32
      %dma_start3A_115 = arith.constant 0 : i32
      %dma_start3A_116 = tpu.memref_slice %arg2[%add3A, %dma_start3A_114, %dma_start3A_115] : memref<32x396x128xi32, #tpu.memory_space<hbm>> -> memref<1x396x128xi32, #tpu.memory_space<hbm>>
      %dma_start3A_117 = tpu.memref_squeeze %dma_start3A_116 : memref<1x396x128xi32, #tpu.memory_space<hbm>> -> memref<396x128xi32, #tpu.memory_space<hbm>>
      %dma_start3A_118 = arith.constant 0 : i32
      %dma_start3A_119 = arith.constant 0 : i32
      %dma_start3A_120 = tpu.memref_slice %arg2[%add3A, %dma_start3A_118, %dma_start3A_119] : memref<32x396x128xi32, #tpu.memory_space<hbm>> -> memref<1x396x128xi32, #tpu.memory_space<hbm>>
      %dma_start3A_121 = tpu.memref_squeeze %dma_start3A_120 : memref<1x396x128xi32, #tpu.memory_space<hbm>> -> memref<396x128xi32, #tpu.memory_space<hbm>>
      tpu.enqueue_dma source(%dma_start3A_121 : memref<396x128xi32, #tpu.memory_space<hbm>>) target(%arg4 : memref<396x128xi32, #tpu.memory_space<vmem>>) target_semaphore(%run_scoped3A : memref<!tpu.dma_semaphore, #tpu.memory_space<semaphore_mem>>)
      %dma_wait3A_122 = arith.constant 0 : i32
      %dma_wait3A_123 = arith.constant 0 : i32
      %dma_wait3A_124 = tpu.memref_slice %arg2[%add3A, %dma_wait3A_122, %dma_wait3A_123] : memref<32x396x128xi32, #tpu.memory_space<hbm>> -> memref<1x396x128xi32, #tpu.memory_space<hbm>>
      %dma_wait3A_125 = tpu.memref_squeeze %dma_wait3A_124 : memref<1x396x128xi32, #tpu.memory_space<hbm>> -> memref<396x128xi32, #tpu.memory_space<hbm>>
      %dma_wait3A_126 = arith.constant 0 : i32
      %dma_wait3A_127 = arith.constant 0 : i32
      %dma_wait3A_128 = tpu.memref_slice %arg2[%add3A, %dma_wait3A_126, %dma_wait3A_127] : memref<32x396x128xi32, #tpu.memory_space<hbm>> -> memref<1x396x128xi32, #tpu.memory_space<hbm>>
      %dma_wait3A_129 = tpu.memref_squeeze %dma_wait3A_128 : memref<1x396x128xi32, #tpu.memory_space<hbm>> -> memref<396x128xi32, #tpu.memory_space<hbm>>
      tpu.wait_dma2 semaphore(%run_scoped3A : memref<!tpu.dma_semaphore, #tpu.memory_space<semaphore_mem>>) src(%dma_wait3A_129 : memref<396x128xi32, #tpu.memory_space<hbm>>) dst(%arg4 : memref<396x128xi32, #tpu.memory_space<vmem>>)
      tpu.yield
    }) : () -> ()
    %broadcast_in_dim3A = arith.constant 1.000000e+00 : f32
    %broadcast_in_dim3A_1 = vector.broadcast %broadcast_in_dim3A : f32 to vector<16xf32>
    %swap3A = arith.constant 0 : index
    %swap3A_2 = tpu.vector_load %arg5[%swap3A] {strides = array<i32>} : memref<128xf32, #tpu.memory_space<vmem>>, vector<16xf32>,
    %swap3A_3 = vector.shape_cast %swap3A_2 : vector<16xf32> to vector<16xf32>
    %swap3A_4 = vector.shape_cast %broadcast_in_dim3A_1 : vector<16xf32> to vector<16xf32>
    tpu.vector_store %arg5[%swap3A], %swap3A_4 {strides = array<i32>} : memref<128xf32, #tpu.memory_space<vmem>>, vector<16xf32>,
    %broadcast_in_dim3A_5 = arith.constant 1.000000e+00 : f32
    %broadcast_in_dim3A_6 = vector.broadcast %broadcast_in_dim3A_5 : f32 to vector<16xf32>
    %swap3A_7 = arith.constant 16 : index
    %swap3A_8 = tpu.vector_load %arg5[%swap3A_7] {strides = array<i32>} : memref<128xf32, #tpu.memory_space<vmem>>, vector<16xf32>,
    %swap3A_9 = vector.shape_cast %swap3A_8 : vector<16xf32> to vector<16xf32>
    %swap3A_10 = vector.shape_cast %broadcast_in_dim3A_6 : vector<16xf32> to vector<16xf32>
    tpu.vector_store %arg5[%swap3A_7], %swap3A_10 {strides = array<i32>} : memref<128xf32, #tpu.memory_space<vmem>>, vector<16xf32>,
    %broadcast_in_dim3A_11 = arith.constant 1.000000e+00 : f32
    %broadcast_in_dim3A_12 = vector.broadcast %broadcast_in_dim3A_11 : f32 to vector<16xf32>
    %swap3A_13 = arith.constant 32 : index
    %swap3A_14 = tpu.vector_load %arg5[%swap3A_13] {strides = array<i32>} : memref<128xf32, #tpu.memory_space<vmem>>, vector<16xf32>,
    %swap3A_15 = vector.shape_cast %swap3A_14 : vector<16xf32> to vector<16xf32>
    %swap3A_16 = vector.shape_cast %broadcast_in_dim3A_12 : vector<16xf32> to vector<16xf32>
    tpu.vector_store %arg5[%swap3A_13], %swap3A_16 {strides = array<i32>} : memref<128xf32, #tpu.memory_space<vmem>>, vector<16xf32>,
    %broadcast_in_dim3A_17 = arith.constant 1.000000e+00 : f32
    %broadcast_in_dim3A_18 = vector.broadcast %broadcast_in_dim3A_17 : f32 to vector<16xf32>
    %swap3A_19 = arith.constant 48 : index
    %swap3A_20 = tpu.vector_load %arg5[%swap3A_19] {strides = array<i32>} : memref<128xf32, #tpu.memory_space<vmem>>, vector<16xf32>,
    %swap3A_21 = vector.shape_cast %swap3A_20 : vector<16xf32> to vector<16xf32>
    %swap3A_22 = vector.shape_cast %broadcast_in_dim3A_18 : vector<16xf32> to vector<16xf32>
    tpu.vector_store %arg5[%swap3A_19], %swap3A_22 {strides = array<i32>} : memref<128xf32, #tpu.memory_space<vmem>>, vector<16xf32>,
    %broadcast_in_dim3A_23 = arith.constant 1.000000e+00 : f32
    %broadcast_in_dim3A_24 = vector.broadcast %broadcast_in_dim3A_23 : f32 to vector<16xf32>
    %swap3A_25 = arith.constant 64 : index
    %swap3A_26 = tpu.vector_load %arg5[%swap3A_25] {strides = array<i32>} : memref<128xf32, #tpu.memory_space<vmem>>, vector<16xf32>,
    %swap3A_27 = vector.shape_cast %swap3A_26 : vector<16xf32> to vector<16xf32>
    %swap3A_28 = vector.shape_cast %broadcast_in_dim3A_24 : vector<16xf32> to vector<16xf32>
    tpu.vector_store %arg5[%swap3A_25], %swap3A_28 {strides = array<i32>} : memref<128xf32, #tpu.memory_space<vmem>>, vector<16xf32>,
    %broadcast_in_dim3A_29 = arith.constant 1.000000e+00 : f32
    %broadcast_in_dim3A_30 = vector.broadcast %broadcast_in_dim3A_29 : f32 to vector<16xf32>
    %swap3A_31 = arith.constant 80 : index
    %swap3A_32 = tpu.vector_load %arg5[%swap3A_31] {strides = array<i32>} : memref<128xf32, #tpu.memory_space<vmem>>, vector<16xf32>,
    %swap3A_33 = vector.shape_cast %swap3A_32 : vector<16xf32> to vector<16xf32>
    %swap3A_34 = vector.shape_cast %broadcast_in_dim3A_30 : vector<16xf32> to vector<16xf32>
    tpu.vector_store %arg5[%swap3A_31], %swap3A_34 {strides = array<i32>} : memref<128xf32, #tpu.memory_space<vmem>>, vector<16xf32>,
    %broadcast_in_dim3A_35 = arith.constant 1.000000e+00 : f32
    %broadcast_in_dim3A_36 = vector.broadcast %broadcast_in_dim3A_35 : f32 to vector<16xf32>
    %swap3A_37 = arith.constant 96 : index
    %swap3A_38 = tpu.vector_load %arg5[%swap3A_37] {strides = array<i32>} : memref<128xf32, #tpu.memory_space<vmem>>, vector<16xf32>,
    %swap3A_39 = vector.shape_cast %swap3A_38 : vector<16xf32> to vector<16xf32>
    %swap3A_40 = vector.shape_cast %broadcast_in_dim3A_36 : vector<16xf32> to vector<16xf32>
    tpu.vector_store %arg5[%swap3A_37], %swap3A_40 {strides = array<i32>} : memref<128xf32, #tpu.memory_space<vmem>>, vector<16xf32>,
    %broadcast_in_dim3A_41 = arith.constant 1.000000e+00 : f32
    %broadcast_in_dim3A_42 = vector.broadcast %broadcast_in_dim3A_41 : f32 to vector<16xf32>
    %swap3A_43 = arith.constant 112 : index
    %swap3A_44 = tpu.vector_load %arg5[%swap3A_43] {strides = array<i32>} : memref<128xf32, #tpu.memory_space<vmem>>, vector<16xf32>,
    %swap3A_45 = vector.shape_cast %swap3A_44 : vector<16xf32> to vector<16xf32>
    %swap3A_46 = vector.shape_cast %broadcast_in_dim3A_42 : vector<16xf32> to vector<16xf32>
    tpu.vector_store %arg5[%swap3A_43], %swap3A_46 {strides = array<i32>} : memref<128xf32, #tpu.memory_space<vmem>>, vector<16xf32>,
    %scan3A = arith.constant 0 : i32
    %scan3A_47 = arith.constant 0 : i32
    %scan3A_48 = arith.constant 208 : i32
    %scan3A_49 = arith.addi %scan3A_47, %scan3A_48 : i32
    %scan3A_50 = arith.constant 1 : i32
    scf.for %scan3A_114 = %scan3A_47 to %scan3A_49 step %scan3A_50  : i32 {
      %broadcast_in_dim3A_115 = arith.constant 0.000000e+00 : f32
      %broadcast_in_dim3A_116 = vector.broadcast %broadcast_in_dim3A_115 : f32 to vector<16xf32>
      %mul3A_117 = arith.constant 16 : i32
      %mul3A_118 = arith.muli %scan3A_114, %mul3A_117 : i32
      %swap3A_119 = arith.index_cast %mul3A_118 : i32 to index
      %swap3A_120 = tpu.vector_load %arg6[%swap3A_119] {strides = array<i32>} : memref<3328xf32, #tpu.memory_space<vmem>>, vector<16xf32>,
      %swap3A_121 = vector.shape_cast %swap3A_120 : vector<16xf32> to vector<16xf32>
      %swap3A_122 = vector.shape_cast %broadcast_in_dim3A_116 : vector<16xf32> to vector<16xf32>
      tpu.vector_store %arg6[%swap3A_119], %swap3A_122 {strides = array<i32>} : memref<3328xf32, #tpu.memory_space<vmem>>, vector<16xf32>,
    }
    %scan3A_51 = arith.constant 208 : i32
    %mul3A_52 = arith.constant 3328 : i32
    %mul3A_53 = arith.muli %arg1, %mul3A_52 : i32
    "tpu.region"() ({
      %run_scoped3A = tpu.sem_alloc : memref<!tpu.dma_semaphore, #tpu.memory_space<semaphore_mem>>
      %dma_start3A_114 = tpu.memref_slice %arg7[%mul3A_53] : memref<53248xf32, #tpu.memory_space<vmem_shared>> -> memref<3328xf32, #tpu.memory_space<vmem_shared>>
      %dma_start3A_115 = tpu.memref_slice %arg7[%mul3A_53] : memref<53248xf32, #tpu.memory_space<vmem_shared>> -> memref<3328xf32, #tpu.memory_space<vmem_shared>>
      tpu.enqueue_dma source(%arg6 : memref<3328xf32, #tpu.memory_space<vmem>>) target(%dma_start3A_115 : memref<3328xf32, #tpu.memory_space<vmem_shared>>) target_semaphore(%run_scoped3A : memref<!tpu.dma_semaphore, #tpu.memory_space<semaphore_mem>>)
      %dma_wait3A_116 = tpu.memref_slice %arg7[%mul3A_53] : memref<53248xf32, #tpu.memory_space<vmem_shared>> -> memref<3328xf32, #tpu.memory_space<vmem_shared>>
      %dma_wait3A_117 = tpu.memref_slice %arg7[%mul3A_53] : memref<53248xf32, #tpu.memory_space<vmem_shared>> -> memref<3328xf32, #tpu.memory_space<vmem_shared>>
      tpu.wait_dma2 semaphore(%run_scoped3A : memref<!tpu.dma_semaphore, #tpu.memory_space<semaphore_mem>>) src(%arg6 : memref<3328xf32, #tpu.memory_space<vmem>>) dst(%dma_wait3A_117 : memref<3328xf32, #tpu.memory_space<vmem_shared>>)
      tpu.yield
    }) : () -> ()
    %barrier3A = arith.constant 0 : index
    tpu.barrier barrier_id(%barrier3A)
    %scan3A_54 = arith.constant 0 : i32
    %scan3A_55 = arith.constant 0 : i32
    %scan3A_56 = arith.constant 49 : i32
    %scan3A_57 = arith.addi %scan3A_55, %scan3A_56 : i32
    %scan3A_58 = arith.constant 1 : i32
    scf.for %scan3A_114 = %scan3A_55 to %scan3A_57 step %scan3A_58  : i32 {
      %mul3A_115 = arith.constant 8 : i32
      %mul3A_116 = arith.muli %scan3A_114, %mul3A_115 : i32
      %add3A_117 = arith.constant 0 : i32
      %add3A_118 = arith.addi %mul3A_116, %add3A_117 : i32
      %dma_start3A_119 = arith.constant 0 : i32
      %dma_start3A_120 = tpu.memref_slice %arg4[%add3A_118, %dma_start3A_119] : memref<396x128xi32, #tpu.memory_space<vmem>> -> memref<1x128xi32, #tpu.memory_space<vmem>>
      %dma_start3A_121 = tpu.memref_squeeze %dma_start3A_120 : memref<1x128xi32, #tpu.memory_space<vmem>> -> memref<128xi32, #tpu.memory_space<vmem>>
      %dma_start3A_122 = arith.constant 0 : i32
      %dma_start3A_123 = tpu.memref_slice %arg7[%dma_start3A_122] : memref<53248xf32, #tpu.memory_space<vmem_shared>> -> memref<53248xf32, #tpu.memory_space<vmem_shared>>
      tpu.enqueue_indirect_dma source(%arg5 : memref<128xf32, #tpu.memory_space<vmem>>) target(%dma_start3A_123 : memref<53248xf32, #tpu.memory_space<vmem_shared>>) offsets(%dma_start3A_121 : memref<128xi32, #tpu.memory_space<vmem>>) semaphore(%arg8 : memref<!tpu.dma_semaphore, #tpu.memory_space<semaphore_mem>>) {add = true}
      %mul3A_124 = arith.constant 8 : i32
      %mul3A_125 = arith.muli %scan3A_114, %mul3A_124 : i32
      %add3A_126 = arith.constant 1 : i32
      %add3A_127 = arith.addi %mul3A_125, %add3A_126 : i32
      %dma_start3A_128 = arith.constant 0 : i32
      %dma_start3A_129 = tpu.memref_slice %arg4[%add3A_127, %dma_start3A_128] : memref<396x128xi32, #tpu.memory_space<vmem>> -> memref<1x128xi32, #tpu.memory_space<vmem>>
      %dma_start3A_130 = tpu.memref_squeeze %dma_start3A_129 : memref<1x128xi32, #tpu.memory_space<vmem>> -> memref<128xi32, #tpu.memory_space<vmem>>
      %dma_start3A_131 = arith.constant 0 : i32
      %dma_start3A_132 = tpu.memref_slice %arg7[%dma_start3A_131] : memref<53248xf32, #tpu.memory_space<vmem_shared>> -> memref<53248xf32, #tpu.memory_space<vmem_shared>>
      tpu.enqueue_indirect_dma source(%arg5 : memref<128xf32, #tpu.memory_space<vmem>>) target(%dma_start3A_132 : memref<53248xf32, #tpu.memory_space<vmem_shared>>) offsets(%dma_start3A_130 : memref<128xi32, #tpu.memory_space<vmem>>) semaphore(%arg8 : memref<!tpu.dma_semaphore, #tpu.memory_space<semaphore_mem>>) {add = true}
      %mul3A_133 = arith.constant 8 : i32
      %mul3A_134 = arith.muli %scan3A_114, %mul3A_133 : i32
      %add3A_135 = arith.constant 2 : i32
      %add3A_136 = arith.addi %mul3A_134, %add3A_135 : i32
      %dma_start3A_137 = arith.constant 0 : i32
      %dma_start3A_138 = tpu.memref_slice %arg4[%add3A_136, %dma_start3A_137] : memref<396x128xi32, #tpu.memory_space<vmem>> -> memref<1x128xi32, #tpu.memory_space<vmem>>
      %dma_start3A_139 = tpu.memref_squeeze %dma_start3A_138 : memref<1x128xi32, #tpu.memory_space<vmem>> -> memref<128xi32, #tpu.memory_space<vmem>>
      %dma_start3A_140 = arith.constant 0 : i32
      %dma_start3A_141 = tpu.memref_slice %arg7[%dma_start3A_140] : memref<53248xf32, #tpu.memory_space<vmem_shared>> -> memref<53248xf32, #tpu.memory_space<vmem_shared>>
      tpu.enqueue_indirect_dma source(%arg5 : memref<128xf32, #tpu.memory_space<vmem>>) target(%dma_start3A_141 : memref<53248xf32, #tpu.memory_space<vmem_shared>>) offsets(%dma_start3A_139 : memref<128xi32, #tpu.memory_space<vmem>>) semaphore(%arg8 : memref<!tpu.dma_semaphore, #tpu.memory_space<semaphore_mem>>) {add = true}
      %mul3A_142 = arith.constant 8 : i32
      %mul3A_143 = arith.muli %scan3A_114, %mul3A_142 : i32
      %add3A_144 = arith.constant 3 : i32
      %add3A_145 = arith.addi %mul3A_143, %add3A_144 : i32
      %dma_start3A_146 = arith.constant 0 : i32
      %dma_start3A_147 = tpu.memref_slice %arg4[%add3A_145, %dma_start3A_146] : memref<396x128xi32, #tpu.memory_space<vmem>> -> memref<1x128xi32, #tpu.memory_space<vmem>>
      %dma_start3A_148 = tpu.memref_squeeze %dma_start3A_147 : memref<1x128xi32, #tpu.memory_space<vmem>> -> memref<128xi32, #tpu.memory_space<vmem>>
      %dma_start3A_149 = arith.constant 0 : i32
      %dma_start3A_150 = tpu.memref_slice %arg7[%dma_start3A_149] : memref<53248xf32, #tpu.memory_space<vmem_shared>> -> memref<53248xf32, #tpu.memory_space<vmem_shared>>
      tpu.enqueue_indirect_dma source(%arg5 : memref<128xf32, #tpu.memory_space<vmem>>) target(%dma_start3A_150 : memref<53248xf32, #tpu.memory_space<vmem_shared>>) offsets(%dma_start3A_148 : memref<128xi32, #tpu.memory_space<vmem>>) semaphore(%arg8 : memref<!tpu.dma_semaphore, #tpu.memory_space<semaphore_mem>>) {add = true}
      %mul3A_151 = arith.constant 8 : i32
      %mul3A_152 = arith.muli %scan3A_114, %mul3A_151 : i32
      %add3A_153 = arith.constant 4 : i32
      %add3A_154 = arith.addi %mul3A_152, %add3A_153 : i32
      %dma_start3A_155 = arith.constant 0 : i32
      %dma_start3A_156 = tpu.memref_slice %arg4[%add3A_154, %dma_start3A_155] : memref<396x128xi32, #tpu.memory_space<vmem>> -> memref<1x128xi32, #tpu.memory_space<vmem>>
      %dma_start3A_157 = tpu.memref_squeeze %dma_start3A_156 : memref<1x128xi32, #tpu.memory_space<vmem>> -> memref<128xi32, #tpu.memory_space<vmem>>
      %dma_start3A_158 = arith.constant 0 : i32
      %dma_start3A_159 = tpu.memref_slice %arg7[%dma_start3A_158] : memref<53248xf32, #tpu.memory_space<vmem_shared>> -> memref<53248xf32, #tpu.memory_space<vmem_shared>>
      tpu.enqueue_indirect_dma source(%arg5 : memref<128xf32, #tpu.memory_space<vmem>>) target(%dma_start3A_159 : memref<53248xf32, #tpu.memory_space<vmem_shared>>) offsets(%dma_start3A_157 : memref<128xi32, #tpu.memory_space<vmem>>) semaphore(%arg8 : memref<!tpu.dma_semaphore, #tpu.memory_space<semaphore_mem>>) {add = true}
      %mul3A_160 = arith.constant 8 : i32
      %mul3A_161 = arith.muli %scan3A_114, %mul3A_160 : i32
      %add3A_162 = arith.constant 5 : i32
      %add3A_163 = arith.addi %mul3A_161, %add3A_162 : i32
      %dma_start3A_164 = arith.constant 0 : i32
      %dma_start3A_165 = tpu.memref_slice %arg4[%add3A_163, %dma_start3A_164] : memref<396x128xi32, #tpu.memory_space<vmem>> -> memref<1x128xi32, #tpu.memory_space<vmem>>
      %dma_start3A_166 = tpu.memref_squeeze %dma_start3A_165 : memref<1x128xi32, #tpu.memory_space<vmem>> -> memref<128xi32, #tpu.memory_space<vmem>>
      %dma_start3A_167 = arith.constant 0 : i32
      %dma_start3A_168 = tpu.memref_slice %arg7[%dma_start3A_167] : memref<53248xf32, #tpu.memory_space<vmem_shared>> -> memref<53248xf32, #tpu.memory_space<vmem_shared>>
      tpu.enqueue_indirect_dma source(%arg5 : memref<128xf32, #tpu.memory_space<vmem>>) target(%dma_start3A_168 : memref<53248xf32, #tpu.memory_space<vmem_shared>>) offsets(%dma_start3A_166 : memref<128xi32, #tpu.memory_space<vmem>>) semaphore(%arg8 : memref<!tpu.dma_semaphore, #tpu.memory_space<semaphore_mem>>) {add = true}
      %mul3A_169 = arith.constant 8 : i32
      %mul3A_170 = arith.muli %scan3A_114, %mul3A_169 : i32
      %add3A_171 = arith.constant 6 : i32
      %add3A_172 = arith.addi %mul3A_170, %add3A_171 : i32
      %dma_start3A_173 = arith.constant 0 : i32
      %dma_start3A_174 = tpu.memref_slice %arg4[%add3A_172, %dma_start3A_173] : memref<396x128xi32, #tpu.memory_space<vmem>> -> memref<1x128xi32, #tpu.memory_space<vmem>>
      %dma_start3A_175 = tpu.memref_squeeze %dma_start3A_174 : memref<1x128xi32, #tpu.memory_space<vmem>> -> memref<128xi32, #tpu.memory_space<vmem>>
      %dma_start3A_176 = arith.constant 0 : i32
      %dma_start3A_177 = tpu.memref_slice %arg7[%dma_start3A_176] : memref<53248xf32, #tpu.memory_space<vmem_shared>> -> memref<53248xf32, #tpu.memory_space<vmem_shared>>
      tpu.enqueue_indirect_dma source(%arg5 : memref<128xf32, #tpu.memory_space<vmem>>) target(%dma_start3A_177 : memref<53248xf32, #tpu.memory_space<vmem_shared>>) offsets(%dma_start3A_175 : memref<128xi32, #tpu.memory_space<vmem>>) semaphore(%arg8 : memref<!tpu.dma_semaphore, #tpu.memory_space<semaphore_mem>>) {add = true}
      %mul3A_178 = arith.constant 8 : i32
      %mul3A_179 = arith.muli %scan3A_114, %mul3A_178 : i32
      %add3A_180 = arith.constant 7 : i32
      %add3A_181 = arith.addi %mul3A_179, %add3A_180 : i32
      %dma_start3A_182 = arith.constant 0 : i32
      %dma_start3A_183 = tpu.memref_slice %arg4[%add3A_181, %dma_start3A_182] : memref<396x128xi32, #tpu.memory_space<vmem>> -> memref<1x128xi32, #tpu.memory_space<vmem>>
      %dma_start3A_184 = tpu.memref_squeeze %dma_start3A_183 : memref<1x128xi32, #tpu.memory_space<vmem>> -> memref<128xi32, #tpu.memory_space<vmem>>
      %dma_start3A_185 = arith.constant 0 : i32
      %dma_start3A_186 = tpu.memref_slice %arg7[%dma_start3A_185] : memref<53248xf32, #tpu.memory_space<vmem_shared>> -> memref<53248xf32, #tpu.memory_space<vmem_shared>>
      tpu.enqueue_indirect_dma source(%arg5 : memref<128xf32, #tpu.memory_space<vmem>>) target(%dma_start3A_186 : memref<53248xf32, #tpu.memory_space<vmem_shared>>) offsets(%dma_start3A_184 : memref<128xi32, #tpu.memory_space<vmem>>) semaphore(%arg8 : memref<!tpu.dma_semaphore, #tpu.memory_space<semaphore_mem>>) {add = true}
      %dma_wait3A_187 = arith.constant 0 : i32
      %dma_wait3A_188 = tpu.memref_slice %arg4[%add3A_118, %dma_wait3A_187] : memref<396x128xi32, #tpu.memory_space<vmem>> -> memref<1x128xi32, #tpu.memory_space<vmem>>
      %dma_wait3A_189 = tpu.memref_squeeze %dma_wait3A_188 : memref<1x128xi32, #tpu.memory_space<vmem>> -> memref<128xi32, #tpu.memory_space<vmem>>
      %dma_wait3A_190 = arith.constant 0 : i32
      %dma_wait3A_191 = tpu.memref_slice %arg7[%dma_wait3A_190] : memref<53248xf32, #tpu.memory_space<vmem_shared>> -> memref<53248xf32, #tpu.memory_space<vmem_shared>>
      tpu.wait_indirect_dma semaphore(%arg8 : memref<!tpu.dma_semaphore, #tpu.memory_space<semaphore_mem>>) src(%arg5 : memref<128xf32, #tpu.memory_space<vmem>>) dst(%dma_wait3A_191 : memref<53248xf32, #tpu.memory_space<vmem_shared>>)
      %dma_wait3A_192 = arith.constant 0 : i32
      %dma_wait3A_193 = tpu.memref_slice %arg4[%add3A_127, %dma_wait3A_192] : memref<396x128xi32, #tpu.memory_space<vmem>> -> memref<1x128xi32, #tpu.memory_space<vmem>>
      %dma_wait3A_194 = tpu.memref_squeeze %dma_wait3A_193 : memref<1x128xi32, #tpu.memory_space<vmem>> -> memref<128xi32, #tpu.memory_space<vmem>>
      %dma_wait3A_195 = arith.constant 0 : i32
      %dma_wait3A_196 = tpu.memref_slice %arg7[%dma_wait3A_195] : memref<53248xf32, #tpu.memory_space<vmem_shared>> -> memref<53248xf32, #tpu.memory_space<vmem_shared>>
      tpu.wait_indirect_dma semaphore(%arg8 : memref<!tpu.dma_semaphore, #tpu.memory_space<semaphore_mem>>) src(%arg5 : memref<128xf32, #tpu.memory_space<vmem>>) dst(%dma_wait3A_196 : memref<53248xf32, #tpu.memory_space<vmem_shared>>)
      %dma_wait3A_197 = arith.constant 0 : i32
      %dma_wait3A_198 = tpu.memref_slice %arg4[%add3A_136, %dma_wait3A_197] : memref<396x128xi32, #tpu.memory_space<vmem>> -> memref<1x128xi32, #tpu.memory_space<vmem>>
      %dma_wait3A_199 = tpu.memref_squeeze %dma_wait3A_198 : memref<1x128xi32, #tpu.memory_space<vmem>> -> memref<128xi32, #tpu.memory_space<vmem>>
      %dma_wait3A_200 = arith.constant 0 : i32
      %dma_wait3A_201 = tpu.memref_slice %arg7[%dma_wait3A_200] : memref<53248xf32, #tpu.memory_space<vmem_shared>> -> memref<53248xf32, #tpu.memory_space<vmem_shared>>
      tpu.wait_indirect_dma semaphore(%arg8 : memref<!tpu.dma_semaphore, #tpu.memory_space<semaphore_mem>>) src(%arg5 : memref<128xf32, #tpu.memory_space<vmem>>) dst(%dma_wait3A_201 : memref<53248xf32, #tpu.memory_space<vmem_shared>>)
      %dma_wait3A_202 = arith.constant 0 : i32
      %dma_wait3A_203 = tpu.memref_slice %arg4[%add3A_145, %dma_wait3A_202] : memref<396x128xi32, #tpu.memory_space<vmem>> -> memref<1x128xi32, #tpu.memory_space<vmem>>
      %dma_wait3A_204 = tpu.memref_squeeze %dma_wait3A_203 : memref<1x128xi32, #tpu.memory_space<vmem>> -> memref<128xi32, #tpu.memory_space<vmem>>
      %dma_wait3A_205 = arith.constant 0 : i32
      %dma_wait3A_206 = tpu.memref_slice %arg7[%dma_wait3A_205] : memref<53248xf32, #tpu.memory_space<vmem_shared>> -> memref<53248xf32, #tpu.memory_space<vmem_shared>>
      tpu.wait_indirect_dma semaphore(%arg8 : memref<!tpu.dma_semaphore, #tpu.memory_space<semaphore_mem>>) src(%arg5 : memref<128xf32, #tpu.memory_space<vmem>>) dst(%dma_wait3A_206 : memref<53248xf32, #tpu.memory_space<vmem_shared>>)
      %dma_wait3A_207 = arith.constant 0 : i32
      %dma_wait3A_208 = tpu.memref_slice %arg4[%add3A_154, %dma_wait3A_207] : memref<396x128xi32, #tpu.memory_space<vmem>> -> memref<1x128xi32, #tpu.memory_space<vmem>>
      %dma_wait3A_209 = tpu.memref_squeeze %dma_wait3A_208 : memref<1x128xi32, #tpu.memory_space<vmem>> -> memref<128xi32, #tpu.memory_space<vmem>>
      %dma_wait3A_210 = arith.constant 0 : i32
      %dma_wait3A_211 = tpu.memref_slice %arg7[%dma_wait3A_210] : memref<53248xf32, #tpu.memory_space<vmem_shared>> -> memref<53248xf32, #tpu.memory_space<vmem_shared>>
      tpu.wait_indirect_dma semaphore(%arg8 : memref<!tpu.dma_semaphore, #tpu.memory_space<semaphore_mem>>) src(%arg5 : memref<128xf32, #tpu.memory_space<vmem>>) dst(%dma_wait3A_211 : memref<53248xf32, #tpu.memory_space<vmem_shared>>)
      %dma_wait3A_212 = arith.constant 0 : i32
      %dma_wait3A_213 = tpu.memref_slice %arg4[%add3A_163, %dma_wait3A_212] : memref<396x128xi32, #tpu.memory_space<vmem>> -> memref<1x128xi32, #tpu.memory_space<vmem>>
      %dma_wait3A_214 = tpu.memref_squeeze %dma_wait3A_213 : memref<1x128xi32, #tpu.memory_space<vmem>> -> memref<128xi32, #tpu.memory_space<vmem>>
      %dma_wait3A_215 = arith.constant 0 : i32
      %dma_wait3A_216 = tpu.memref_slice %arg7[%dma_wait3A_215] : memref<53248xf32, #tpu.memory_space<vmem_shared>> -> memref<53248xf32, #tpu.memory_space<vmem_shared>>
      tpu.wait_indirect_dma semaphore(%arg8 : memref<!tpu.dma_semaphore, #tpu.memory_space<semaphore_mem>>) src(%arg5 : memref<128xf32, #tpu.memory_space<vmem>>) dst(%dma_wait3A_216 : memref<53248xf32, #tpu.memory_space<vmem_shared>>)
      %dma_wait3A_217 = arith.constant 0 : i32
      %dma_wait3A_218 = tpu.memref_slice %arg4[%add3A_172, %dma_wait3A_217] : memref<396x128xi32, #tpu.memory_space<vmem>> -> memref<1x128xi32, #tpu.memory_space<vmem>>
      %dma_wait3A_219 = tpu.memref_squeeze %dma_wait3A_218 : memref<1x128xi32, #tpu.memory_space<vmem>> -> memref<128xi32, #tpu.memory_space<vmem>>
      %dma_wait3A_220 = arith.constant 0 : i32
      %dma_wait3A_221 = tpu.memref_slice %arg7[%dma_wait3A_220] : memref<53248xf32, #tpu.memory_space<vmem_shared>> -> memref<53248xf32, #tpu.memory_space<vmem_shared>>
      tpu.wait_indirect_dma semaphore(%arg8 : memref<!tpu.dma_semaphore, #tpu.memory_space<semaphore_mem>>) src(%arg5 : memref<128xf32, #tpu.memory_space<vmem>>) dst(%dma_wait3A_221 : memref<53248xf32, #tpu.memory_space<vmem_shared>>)
      %dma_wait3A_222 = arith.constant 0 : i32
      %dma_wait3A_223 = tpu.memref_slice %arg4[%add3A_181, %dma_wait3A_222] : memref<396x128xi32, #tpu.memory_space<vmem>> -> memref<1x128xi32, #tpu.memory_space<vmem>>
      %dma_wait3A_224 = tpu.memref_squeeze %dma_wait3A_223 : memref<1x128xi32, #tpu.memory_space<vmem>> -> memref<128xi32, #tpu.memory_space<vmem>>
      %dma_wait3A_225 = arith.constant 0 : i32
      %dma_wait3A_226 = tpu.memref_slice %arg7[%dma_wait3A_225] : memref<53248xf32, #tpu.memory_space<vmem_shared>> -> memref<53248xf32, #tpu.memory_space<vmem_shared>>
      tpu.wait_indirect_dma semaphore(%arg8 : memref<!tpu.dma_semaphore, #tpu.memory_space<semaphore_mem>>) src(%arg5 : memref<128xf32, #tpu.memory_space<vmem>>) dst(%dma_wait3A_226 : memref<53248xf32, #tpu.memory_space<vmem_shared>>)
    }
    %scan3A_59 = arith.constant 49 : i32
    %dma_start3A = arith.constant 392 : i32
    %dma_start3A_60 = arith.constant 0 : i32
    %dma_start3A_61 = tpu.memref_slice %arg4[%dma_start3A, %dma_start3A_60] : memref<396x128xi32, #tpu.memory_space<vmem>> -> memref<1x128xi32, #tpu.memory_space<vmem>>
    %dma_start3A_62 = tpu.memref_squeeze %dma_start3A_61 : memref<1x128xi32, #tpu.memory_space<vmem>> -> memref<128xi32, #tpu.memory_space<vmem>>
    %dma_start3A_63 = arith.constant 0 : i32
    %dma_start3A_64 = tpu.memref_slice %arg7[%dma_start3A_63] : memref<53248xf32, #tpu.memory_space<vmem_shared>> -> memref<53248xf32, #tpu.memory_space<vmem_shared>>
    tpu.enqueue_indirect_dma source(%arg5 : memref<128xf32, #tpu.memory_space<vmem>>) target(%dma_start3A_64 : memref<53248xf32, #tpu.memory_space<vmem_shared>>) offsets(%dma_start3A_62 : memref<128xi32, #tpu.memory_space<vmem>>) semaphore(%arg8 : memref<!tpu.dma_semaphore, #tpu.memory_space<semaphore_mem>>) {add = true}
    %dma_start3A_65 = arith.constant 393 : i32
    %dma_start3A_66 = arith.constant 0 : i32
    %dma_start3A_67 = tpu.memref_slice %arg4[%dma_start3A_65, %dma_start3A_66] : memref<396x128xi32, #tpu.memory_space<vmem>> -> memref<1x128xi32, #tpu.memory_space<vmem>>
    %dma_start3A_68 = tpu.memref_squeeze %dma_start3A_67 : memref<1x128xi32, #tpu.memory_space<vmem>> -> memref<128xi32, #tpu.memory_space<vmem>>
    %dma_start3A_69 = arith.constant 0 : i32
    %dma_start3A_70 = tpu.memref_slice %arg7[%dma_start3A_69] : memref<53248xf32, #tpu.memory_space<vmem_shared>> -> memref<53248xf32, #tpu.memory_space<vmem_shared>>
    tpu.enqueue_indirect_dma source(%arg5 : memref<128xf32, #tpu.memory_space<vmem>>) target(%dma_start3A_70 : memref<53248xf32, #tpu.memory_space<vmem_shared>>) offsets(%dma_start3A_68 : memref<128xi32, #tpu.memory_space<vmem>>) semaphore(%arg8 : memref<!tpu.dma_semaphore, #tpu.memory_space<semaphore_mem>>) {add = true}
    %dma_start3A_71 = arith.constant 394 : i32
    %dma_start3A_72 = arith.constant 0 : i32
    %dma_start3A_73 = tpu.memref_slice %arg4[%dma_start3A_71, %dma_start3A_72] : memref<396x128xi32, #tpu.memory_space<vmem>> -> memref<1x128xi32, #tpu.memory_space<vmem>>
    %dma_start3A_74 = tpu.memref_squeeze %dma_start3A_73 : memref<1x128xi32, #tpu.memory_space<vmem>> -> memref<128xi32, #tpu.memory_space<vmem>>
    %dma_start3A_75 = arith.constant 0 : i32
    %dma_start3A_76 = tpu.memref_slice %arg7[%dma_start3A_75] : memref<53248xf32, #tpu.memory_space<vmem_shared>> -> memref<53248xf32, #tpu.memory_space<vmem_shared>>
    tpu.enqueue_indirect_dma source(%arg5 : memref<128xf32, #tpu.memory_space<vmem>>) target(%dma_start3A_76 : memref<53248xf32, #tpu.memory_space<vmem_shared>>) offsets(%dma_start3A_74 : memref<128xi32, #tpu.memory_space<vmem>>) semaphore(%arg8 : memref<!tpu.dma_semaphore, #tpu.memory_space<semaphore_mem>>) {add = true}
    %dma_start3A_77 = arith.constant 395 : i32
    %dma_start3A_78 = arith.constant 0 : i32
    %dma_start3A_79 = tpu.memref_slice %arg4[%dma_start3A_77, %dma_start3A_78] : memref<396x128xi32, #tpu.memory_space<vmem>> -> memref<1x128xi32, #tpu.memory_space<vmem>>
    %dma_start3A_80 = tpu.memref_squeeze %dma_start3A_79 : memref<1x128xi32, #tpu.memory_space<vmem>> -> memref<128xi32, #tpu.memory_space<vmem>>
    %dma_start3A_81 = arith.constant 0 : i32
    %dma_start3A_82 = tpu.memref_slice %arg7[%dma_start3A_81] : memref<53248xf32, #tpu.memory_space<vmem_shared>> -> memref<53248xf32, #tpu.memory_space<vmem_shared>>
    tpu.enqueue_indirect_dma source(%arg5 : memref<128xf32, #tpu.memory_space<vmem>>) target(%dma_start3A_82 : memref<53248xf32, #tpu.memory_space<vmem_shared>>) offsets(%dma_start3A_80 : memref<128xi32, #tpu.memory_space<vmem>>) semaphore(%arg8 : memref<!tpu.dma_semaphore, #tpu.memory_space<semaphore_mem>>) {add = true}
    %dma_wait3A = arith.constant 392 : i32
    %dma_wait3A_83 = arith.constant 0 : i32
    %dma_wait3A_84 = tpu.memref_slice %arg4[%dma_wait3A, %dma_wait3A_83] : memref<396x128xi32, #tpu.memory_space<vmem>> -> memref<1x128xi32, #tpu.memory_space<vmem>>
    %dma_wait3A_85 = tpu.memref_squeeze %dma_wait3A_84 : memref<1x128xi32, #tpu.memory_space<vmem>> -> memref<128xi32, #tpu.memory_space<vmem>>
    %dma_wait3A_86 = arith.constant 0 : i32
    %dma_wait3A_87 = tpu.memref_slice %arg7[%dma_wait3A_86] : memref<53248xf32, #tpu.memory_space<vmem_shared>> -> memref<53248xf32, #tpu.memory_space<vmem_shared>>
    tpu.wait_indirect_dma semaphore(%arg8 : memref<!tpu.dma_semaphore, #tpu.memory_space<semaphore_mem>>) src(%arg5 : memref<128xf32, #tpu.memory_space<vmem>>) dst(%dma_wait3A_87 : memref<53248xf32, #tpu.memory_space<vmem_shared>>)
    %dma_wait3A_88 = arith.constant 393 : i32
    %dma_wait3A_89 = arith.constant 0 : i32
    %dma_wait3A_90 = tpu.memref_slice %arg4[%dma_wait3A_88, %dma_wait3A_89] : memref<396x128xi32, #tpu.memory_space<vmem>> -> memref<1x128xi32, #tpu.memory_space<vmem>>
    %dma_wait3A_91 = tpu.memref_squeeze %dma_wait3A_90 : memref<1x128xi32, #tpu.memory_space<vmem>> -> memref<128xi32, #tpu.memory_space<vmem>>
    %dma_wait3A_92 = arith.constant 0 : i32
    %dma_wait3A_93 = tpu.memref_slice %arg7[%dma_wait3A_92] : memref<53248xf32, #tpu.memory_space<vmem_shared>> -> memref<53248xf32, #tpu.memory_space<vmem_shared>>
    tpu.wait_indirect_dma semaphore(%arg8 : memref<!tpu.dma_semaphore, #tpu.memory_space<semaphore_mem>>) src(%arg5 : memref<128xf32, #tpu.memory_space<vmem>>) dst(%dma_wait3A_93 : memref<53248xf32, #tpu.memory_space<vmem_shared>>)
    %dma_wait3A_94 = arith.constant 394 : i32
    %dma_wait3A_95 = arith.constant 0 : i32
    %dma_wait3A_96 = tpu.memref_slice %arg4[%dma_wait3A_94, %dma_wait3A_95] : memref<396x128xi32, #tpu.memory_space<vmem>> -> memref<1x128xi32, #tpu.memory_space<vmem>>
    %dma_wait3A_97 = tpu.memref_squeeze %dma_wait3A_96 : memref<1x128xi32, #tpu.memory_space<vmem>> -> memref<128xi32, #tpu.memory_space<vmem>>
    %dma_wait3A_98 = arith.constant 0 : i32
    %dma_wait3A_99 = tpu.memref_slice %arg7[%dma_wait3A_98] : memref<53248xf32, #tpu.memory_space<vmem_shared>> -> memref<53248xf32, #tpu.memory_space<vmem_shared>>
    tpu.wait_indirect_dma semaphore(%arg8 : memref<!tpu.dma_semaphore, #tpu.memory_space<semaphore_mem>>) src(%arg5 : memref<128xf32, #tpu.memory_space<vmem>>) dst(%dma_wait3A_99 : memref<53248xf32, #tpu.memory_space<vmem_shared>>)
    %dma_wait3A_100 = arith.constant 395 : i32
    %dma_wait3A_101 = arith.constant 0 : i32
    %dma_wait3A_102 = tpu.memref_slice %arg4[%dma_wait3A_100, %dma_wait3A_101] : memref<396x128xi32, #tpu.memory_space<vmem>> -> memref<1x128xi32, #tpu.memory_space<vmem>>
    %dma_wait3A_103 = tpu.memref_squeeze %dma_wait3A_102 : memref<1x128xi32, #tpu.memory_space<vmem>> -> memref<128xi32, #tpu.memory_space<vmem>>
    %dma_wait3A_104 = arith.constant 0 : i32
    %dma_wait3A_105 = tpu.memref_slice %arg7[%dma_wait3A_104] : memref<53248xf32, #tpu.memory_space<vmem_shared>> -> memref<53248xf32, #tpu.memory_space<vmem_shared>>
    tpu.wait_indirect_dma semaphore(%arg8 : memref<!tpu.dma_semaphore, #tpu.memory_space<semaphore_mem>>) src(%arg5 : memref<128xf32, #tpu.memory_space<vmem>>) dst(%dma_wait3A_105 : memref<53248xf32, #tpu.memory_space<vmem_shared>>)
    %barrier3A_106 = arith.constant 0 : index
    tpu.barrier barrier_id(%barrier3A_106)
    %mul3A_107 = arith.constant 3328 : i32
    %mul3A_108 = arith.muli %arg1, %mul3A_107 : i32
    %mul3A_109 = arith.constant 53248 : i32
    %mul3A_110 = arith.muli %arg0, %mul3A_109 : i32
    %mul3A_111 = arith.constant 3328 : i32
    %mul3A_112 = arith.muli %arg1, %mul3A_111 : i32
    %add3A_113 = arith.addi %mul3A_110, %mul3A_112 : i32
    "tpu.region"() ({
      %run_scoped3A = tpu.sem_alloc : memref<!tpu.dma_semaphore, #tpu.memory_space<semaphore_mem>>
      %dma_start3A_114 = tpu.memref_slice %arg3[%add3A_113] : memref<106496xf32, #tpu.memory_space<hbm>> -> memref<3328xf32, #tpu.memory_space<hbm>>
      %dma_start3A_115 = tpu.memref_slice %arg7[%mul3A_108] : memref<53248xf32, #tpu.memory_space<vmem_shared>> -> memref<3328xf32, #tpu.memory_space<vmem_shared>>
      tpu.enqueue_dma source(%dma_start3A_115 : memref<3328xf32, #tpu.memory_space<vmem_shared>>) target(%dma_start3A_114 : memref<3328xf32, #tpu.memory_space<hbm>>) target_semaphore(%run_scoped3A : memref<!tpu.dma_semaphore, #tpu.memory_space<semaphore_mem>>)
      %dma_wait3A_116 = tpu.memref_slice %arg3[%add3A_113] : memref<106496xf32, #tpu.memory_space<hbm>> -> memref<3328xf32, #tpu.memory_space<hbm>>
      %dma_wait3A_117 = tpu.memref_slice %arg7[%mul3A_108] : memref<53248xf32, #tpu.memory_space<vmem_shared>> -> memref<3328xf32, #tpu.memory_space<vmem_shared>>
      tpu.wait_dma2 semaphore(%run_scoped3A : memref<!tpu.dma_semaphore, #tpu.memory_space<semaphore_mem>>) src(%dma_wait3A_117 : memref<3328xf32, #tpu.memory_space<vmem_shared>>) dst(%dma_wait3A_116 : memref<3328xf32, #tpu.memory_space<hbm>>)
      tpu.yield
    }) : () -> ()
    return
  }
}

module attributes {stable_mosaic.version = 14 : i64} {
  func.func @_tc_edge_body(%arg0: i32, %arg1: memref<2x792x128xi32, #tpu.memory_space<vmem>>, %arg2: memref<1x792x128xi32, #tpu.memory_space<vmem>>, %arg3: memref<1x792x128xi32, #tpu.memory_space<vmem>>) attributes {dimension_semantics = [#tpu.dimension_semantics<arbitrary>], iteration_bounds = array<i64: 16>, scalar_prefetch = 0 : i64, scratch_operands = 0 : i64, tpu.core_type = #tpu.core_type<tc>, window_params = [{transform_indices = @transform_0, window_bounds = array<i64: 2, 792, 128>}, {transform_indices = @transform_1, window_bounds = array<i64: 1, 792, 128>}, {transform_indices = @transform_2, window_bounds = array<i64: 1, 792, 128>}]} {
    %iota3A = tpu.iota {dimensions = array<i32: 0>} : vector<792x128xi32>
    %mul3A = arith.constant 792 : i32
    %mul3A_0 = arith.muli %arg0, %mul3A : i32
    %add3A = vector.broadcast %mul3A_0 : i32 to vector<792x128xi32>
    %add3A_1 = arith.addi %iota3A, %add3A : vector<792x128xi32>
    %lt3A = arith.constant 12500 : i32
    %lt3A_2 = vector.broadcast %lt3A : i32 to vector<792x128xi32>
    %lt3A_3 = arith.cmpi slt, %add3A_1, %lt3A_2 : vector<792x128xi32>
    %get3A = arith.constant 0 : index
    %get3A_4 = arith.constant 0 : index
    %get3A_5 = arith.constant 0 : index
    %get3A_6 = vector.load %arg1[%get3A, %get3A_4, %get3A_5] : memref<2x792x128xi32, #tpu.memory_space<vmem>>, vector<1x792x128xi32>
    %get3A_7 = vector.shape_cast %get3A_6 : vector<1x792x128xi32> to vector<792x128xi32>
    %jit3A = arith.constant 50000 : i32
    %broadcast_in_dim3A = vector.broadcast %jit3A : i32 to vector<792x128xi32>
    %select_n3A = arith.select %lt3A_3, %get3A_7, %broadcast_in_dim3A : vector<792x128xi1>, vector<792x128xi32>
    %swap3A = arith.constant 0 : index
    %swap3A_8 = arith.constant 0 : index
    %swap3A_9 = arith.constant 0 : index
    %swap3A_10 = vector.load %arg2[%swap3A, %swap3A_8, %swap3A_9] : memref<1x792x128xi32, #tpu.memory_space<vmem>>, vector<1x792x128xi32>
    %swap3A_11 = vector.shape_cast %swap3A_10 : vector<1x792x128xi32> to vector<792x128xi32>
    %swap3A_12 = vector.shape_cast %select_n3A : vector<792x128xi32> to vector<1x792x128xi32>
    tpu.vector_store %arg2[%swap3A, %swap3A_8, %swap3A_9], %swap3A_12 {strides = array<i32>} : memref<1x792x128xi32, #tpu.memory_space<vmem>>, vector<1x792x128xi32>,
    %get3A_13 = arith.constant 1 : index
    %get3A_14 = arith.constant 0 : index
    %get3A_15 = arith.constant 0 : index
    %get3A_16 = vector.load %arg1[%get3A_13, %get3A_14, %get3A_15] : memref<2x792x128xi32, #tpu.memory_space<vmem>>, vector<1x792x128xi32>
    %get3A_17 = vector.shape_cast %get3A_16 : vector<1x792x128xi32> to vector<792x128xi32>
    %jit3A_18 = arith.constant 50000 : i32
    %broadcast_in_dim3A_19 = vector.broadcast %jit3A_18 : i32 to vector<792x128xi32>
    %select_n3A_20 = arith.select %lt3A_3, %get3A_17, %broadcast_in_dim3A_19 : vector<792x128xi1>, vector<792x128xi32>
    %swap3A_21 = arith.constant 0 : index
    %swap3A_22 = arith.constant 0 : index
    %swap3A_23 = arith.constant 0 : index
    %swap3A_24 = vector.load %arg3[%swap3A_21, %swap3A_22, %swap3A_23] : memref<1x792x128xi32, #tpu.memory_space<vmem>>, vector<1x792x128xi32>
    %swap3A_25 = vector.shape_cast %swap3A_24 : vector<1x792x128xi32> to vector<792x128xi32>
    %swap3A_26 = vector.shape_cast %select_n3A_20 : vector<792x128xi32> to vector<1x792x128xi32>
    tpu.vector_store %arg3[%swap3A_21, %swap3A_22, %swap3A_23], %swap3A_26 {strides = array<i32>} : memref<1x792x128xi32, #tpu.memory_space<vmem>>, vector<1x792x128xi32>,
    return
  }
  func.func @transform_0(%arg0: i32) -> (i32, i32, i32) {
    %c0_i32 = arith.constant 0 : i32
    %c0_i32_0 = arith.constant 0 : i32
    %c0_i32_1 = arith.constant 0 : i32
    return %c0_i32, %arg0, %c0_i32_0 : i32, i32, i32
  }
  func.func @transform_1(%arg0: i32) -> (i32, i32, i32) {
    %c0_i32 = arith.constant 0 : i32
    %c0_i32_0 = arith.constant 0 : i32
    %c0_i32_1 = arith.constant 0 : i32
    return %arg0, %c0_i32, %c0_i32_0 : i32, i32, i32
  }
  func.func @transform_2(%arg0: i32) -> (i32, i32, i32) {
    %c0_i32 = arith.constant 0 : i32
    %c0_i32_0 = arith.constant 0 : i32
    %c0_i32_1 = arith.constant 0 : i32
    return %arg0, %c0_i32, %c0_i32_0 : i32, i32, i32
  }
}

module attributes {stable_mosaic.version = 14 : i64} {
  func.func @_tc_embed_body(%arg0: i32, %arg1: memref<1000x128xf32, #tpu.memory_space<vmem>>, %arg2: memref<128x32xf32, #tpu.memory_space<vmem>>, %arg3: memref<1x32xf32, #tpu.memory_space<vmem>>, %arg4: memref<32x32xf32, #tpu.memory_space<vmem>>, %arg5: memref<1x32xf32, #tpu.memory_space<vmem>>, %arg6: memref<32x32xf32, #tpu.memory_space<vmem>>, %arg7: memref<1x32xf32, #tpu.memory_space<vmem>>, %arg8: memref<2x1000x16xf32, #tpu.memory_space<vmem>>) attributes {dimension_semantics = [#tpu.dimension_semantics<arbitrary>], iteration_bounds = array<i64: 50>, scalar_prefetch = 0 : i64, scratch_operands = 0 : i64, tpu.core_type = #tpu.core_type<tc>, window_params = [{transform_indices = @transform_0, window_bounds = array<i64: 1000, 128>}, {pipeline_mode = #tpu.pipeline_mode<synchronous>, transform_indices = @transform_1, window_bounds = array<i64: 128, 32>}, {pipeline_mode = #tpu.pipeline_mode<synchronous>, transform_indices = @transform_2, window_bounds = array<i64: 1, 32>}, {pipeline_mode = #tpu.pipeline_mode<synchronous>, transform_indices = @transform_3, window_bounds = array<i64: 32, 32>}, {pipeline_mode = #tpu.pipeline_mode<synchronous>, transform_indices = @transform_4, window_bounds = array<i64: 1, 32>}, {pipeline_mode = #tpu.pipeline_mode<synchronous>, transform_indices = @transform_5, window_bounds = array<i64: 32, 32>}, {pipeline_mode = #tpu.pipeline_mode<synchronous>, transform_indices = @transform_6, window_bounds = array<i64: 1, 32>}, {transform_indices = @transform_7, window_bounds = array<i64: 2, 1000, 16>}]} {
    %get3A = arith.constant 0 : index
    %get3A_0 = arith.constant 0 : index
    %get3A_1 = vector.load %arg1[%get3A, %get3A_0] : memref<1000x128xf32, #tpu.memory_space<vmem>>, vector<1000x128xf32>
    %get3A_2 = arith.constant 0 : index
    %get3A_3 = arith.constant 0 : index
    %get3A_4 = vector.load %arg2[%get3A_2, %get3A_3] : memref<128x32xf32, #tpu.memory_space<vmem>>, vector<128x32xf32>
    %dot_general3A = arith.constant dense<0.000000e+00> : vector<1000x32xf32>
    %dot_general3A_5 = tpu.matmul %get3A_1, %get3A_4, %dot_general3A {dimension_numbers = #tpu.dot_dimension_numbers<[1], [0], [0], [1], [0, 0, 1, 1], [], []>, transpose_lhs_hint = false} : vector<1000x128xf32>, vector<128x32xf32>, vector<1000x32xf32> -> vector<1000x32xf32>
    %get3A_6 = arith.constant 0 : index
    %get3A_7 = arith.constant 0 : index
    %get3A_8 = vector.load %arg3[%get3A_6, %get3A_7] : memref<1x32xf32, #tpu.memory_space<vmem>>, vector<1x32xf32>
    %add3A = vector.broadcast %get3A_8 : vector<1x32xf32> to vector<1000x32xf32>
    %add3A_9 = arith.addf %dot_general3A_5, %add3A : vector<1000x32xf32>
    %max3A = arith.constant 0.000000e+00 : f32
    %max3A_10 = vector.broadcast %max3A : f32 to vector<1000x32xf32>
    %max3A_11 = arith.maximumf %add3A_9, %max3A_10 : vector<1000x32xf32>
    %get3A_12 = arith.constant 0 : index
    %get3A_13 = arith.constant 0 : index
    %get3A_14 = vector.load %arg4[%get3A_12, %get3A_13] : memref<32x32xf32, #tpu.memory_space<vmem>>, vector<32x32xf32>
    %dot_general3A_15 = arith.constant dense<0.000000e+00> : vector<1000x32xf32>
    %dot_general3A_16 = tpu.matmul %max3A_11, %get3A_14, %dot_general3A_15 {dimension_numbers = #tpu.dot_dimension_numbers<[1], [0], [0], [1], [0, 0, 1, 1], [], []>, transpose_lhs_hint = false} : vector<1000x32xf32>, vector<32x32xf32>, vector<1000x32xf32> -> vector<1000x32xf32>
    %get3A_17 = arith.constant 0 : index
    %get3A_18 = arith.constant 0 : index
    %get3A_19 = vector.load %arg5[%get3A_17, %get3A_18] : memref<1x32xf32, #tpu.memory_space<vmem>>, vector<1x32xf32>
    %add3A_20 = vector.broadcast %get3A_19 : vector<1x32xf32> to vector<1000x32xf32>
    %add3A_21 = arith.addf %dot_general3A_16, %add3A_20 : vector<1000x32xf32>
    %max3A_22 = arith.constant 0.000000e+00 : f32
    %max3A_23 = vector.broadcast %max3A_22 : f32 to vector<1000x32xf32>
    %max3A_24 = arith.maximumf %add3A_21, %max3A_23 : vector<1000x32xf32>
    %get3A_25 = arith.constant 0 : index
    %get3A_26 = arith.constant 0 : index
    %get3A_27 = vector.load %arg6[%get3A_25, %get3A_26] : memref<32x32xf32, #tpu.memory_space<vmem>>, vector<32x32xf32>
    %dot_general3A_28 = arith.constant dense<0.000000e+00> : vector<1000x32xf32>
    %dot_general3A_29 = tpu.matmul %max3A_24, %get3A_27, %dot_general3A_28 {dimension_numbers = #tpu.dot_dimension_numbers<[1], [0], [0], [1], [0, 0, 1, 1], [], []>, transpose_lhs_hint = false} : vector<1000x32xf32>, vector<32x32xf32>, vector<1000x32xf32> -> vector<1000x32xf32>
    %get3A_30 = arith.constant 0 : index
    %get3A_31 = arith.constant 0 : index
    %get3A_32 = vector.load %arg7[%get3A_30, %get3A_31] : memref<1x32xf32, #tpu.memory_space<vmem>>, vector<1x32xf32>
    %add3A_33 = vector.broadcast %get3A_32 : vector<1x32xf32> to vector<1000x32xf32>
    %add3A_34 = arith.addf %dot_general3A_29, %add3A_33 : vector<1000x32xf32>
    %slice3A = vector.extract_strided_slice %add3A_34 {offsets = [0, 0], sizes = [1000, 16], strides = [1, 1]} : vector<1000x32xf32> to vector<1000x16xf32>
    %swap3A = arith.constant 0 : index
    %swap3A_35 = arith.constant 0 : index
    %swap3A_36 = arith.constant 0 : index
    %swap3A_37 = vector.load %arg8[%swap3A, %swap3A_35, %swap3A_36] : memref<2x1000x16xf32, #tpu.memory_space<vmem>>, vector<1x1000x16xf32>
    %swap3A_38 = vector.shape_cast %swap3A_37 : vector<1x1000x16xf32> to vector<1000x16xf32>
    %swap3A_39 = vector.shape_cast %slice3A : vector<1000x16xf32> to vector<1x1000x16xf32>
    tpu.vector_store %arg8[%swap3A, %swap3A_35, %swap3A_36], %swap3A_39 {strides = array<i32>} : memref<2x1000x16xf32, #tpu.memory_space<vmem>>, vector<1x1000x16xf32>,
    %slice3A_40 = vector.extract_strided_slice %add3A_34 {offsets = [0, 16], sizes = [1000, 16], strides = [1, 1]} : vector<1000x32xf32> to vector<1000x16xf32>
    %swap3A_41 = arith.constant 1 : index
    %swap3A_42 = arith.constant 0 : index
    %swap3A_43 = arith.constant 0 : index
    %swap3A_44 = vector.load %arg8[%swap3A_41, %swap3A_42, %swap3A_43] : memref<2x1000x16xf32, #tpu.memory_space<vmem>>, vector<1x1000x16xf32>
    %swap3A_45 = vector.shape_cast %swap3A_44 : vector<1x1000x16xf32> to vector<1000x16xf32>
    %swap3A_46 = vector.shape_cast %slice3A_40 : vector<1000x16xf32> to vector<1x1000x16xf32>
    tpu.vector_store %arg8[%swap3A_41, %swap3A_42, %swap3A_43], %swap3A_46 {strides = array<i32>} : memref<2x1000x16xf32, #tpu.memory_space<vmem>>, vector<1x1000x16xf32>,
    return
  }
  func.func @transform_0(%arg0: i32) -> (i32, i32) {
    %c0_i32 = arith.constant 0 : i32
    %c0_i32_0 = arith.constant 0 : i32
    return %arg0, %c0_i32 : i32, i32
  }
  func.func @transform_1(%arg0: i32) -> (i32, i32) {
    %c0_i32 = arith.constant 0 : i32
    %c0_i32_0 = arith.constant 0 : i32
    %c0_i32_1 = arith.constant 0 : i32
    return %c0_i32, %c0_i32_0 : i32, i32
  }
  func.func @transform_2(%arg0: i32) -> (i32, i32) {
    %c0_i32 = arith.constant 0 : i32
    %c0_i32_0 = arith.constant 0 : i32
    %c0_i32_1 = arith.constant 0 : i32
    return %c0_i32, %c0_i32_0 : i32, i32
  }
  func.func @transform_3(%arg0: i32) -> (i32, i32) {
    %c0_i32 = arith.constant 0 : i32
    %c0_i32_0 = arith.constant 0 : i32
    %c0_i32_1 = arith.constant 0 : i32
    return %c0_i32, %c0_i32_0 : i32, i32
  }
  func.func @transform_4(%arg0: i32) -> (i32, i32) {
    %c0_i32 = arith.constant 0 : i32
    %c0_i32_0 = arith.constant 0 : i32
    %c0_i32_1 = arith.constant 0 : i32
    return %c0_i32, %c0_i32_0 : i32, i32
  }
  func.func @transform_5(%arg0: i32) -> (i32, i32) {
    %c0_i32 = arith.constant 0 : i32
    %c0_i32_0 = arith.constant 0 : i32
    %c0_i32_1 = arith.constant 0 : i32
    return %c0_i32, %c0_i32_0 : i32, i32
  }
  func.func @transform_6(%arg0: i32) -> (i32, i32) {
    %c0_i32 = arith.constant 0 : i32
    %c0_i32_0 = arith.constant 0 : i32
    %c0_i32_1 = arith.constant 0 : i32
    return %c0_i32, %c0_i32_0 : i32, i32
  }
  func.func @transform_7(%arg0: i32) -> (i32, i32, i32) {
    %c0_i32 = arith.constant 0 : i32
    %c0_i32_0 = arith.constant 0 : i32
    %c0_i32_1 = arith.constant 0 : i32
    return %c0_i32, %arg0, %c0_i32_0 : i32, i32, i32
  }
}

module attributes {stable_mosaic.version = 14 : i64} {
  func.func @_tc_scale_body(%arg0: i32, %arg1: memref<2x1664x16xf32, #tpu.memory_space<vmem>>, %arg2: memref<2x1664xf32, #tpu.memory_space<vmem>>, %arg3: memref<2x1664x16xf32, #tpu.memory_space<vmem>>) attributes {dimension_semantics = [#tpu.dimension_semantics<arbitrary>], iteration_bounds = array<i64: 32>, scalar_prefetch = 0 : i64, scratch_operands = 0 : i64, tpu.core_type = #tpu.core_type<tc>, window_params = [{transform_indices = @transform_0, window_bounds = array<i64: 2, 1664, 16>}, {transform_indices = @transform_1, window_bounds = array<i64: 2, 1664>}, {transform_indices = @transform_2, window_bounds = array<i64: 2, 1664, 16>}]} {
    %get3A = arith.constant 0 : index
    %get3A_0 = arith.constant 0 : index
    %get3A_1 = vector.load %arg2[%get3A, %get3A_0] : memref<2x1664xf32, #tpu.memory_space<vmem>>, vector<1x1664xf32>
    %get3A_2 = vector.shape_cast %get3A_1 : vector<1x1664xf32> to vector<1664xf32>
    %get3A_3 = arith.constant 1 : index
    %get3A_4 = arith.constant 0 : index
    %get3A_5 = vector.load %arg2[%get3A_3, %get3A_4] : memref<2x1664xf32, #tpu.memory_space<vmem>>, vector<1x1664xf32>
    %get3A_6 = vector.shape_cast %get3A_5 : vector<1x1664xf32> to vector<1664xf32>
    %add3A = arith.addf %get3A_2, %get3A_6 : vector<1664xf32>
    %max3A = arith.constant 1.000000e+00 : f32
    %max3A_7 = vector.broadcast %max3A : f32 to vector<1664xf32>
    %max3A_8 = arith.maximumf %add3A, %max3A_7 : vector<1664xf32>
    %rsqrt3A = math.rsqrt %max3A_8 : vector<1664xf32>
    %broadcast_in_dim3A = vector.shape_cast %rsqrt3A : vector<1664xf32> to vector<1664x1xf32>
    %get3A_9 = arith.constant 0 : index
    %get3A_10 = arith.constant 0 : index
    %get3A_11 = arith.constant 0 : index
    %get3A_12 = vector.load %arg1[%get3A_9, %get3A_10, %get3A_11] : memref<2x1664x16xf32, #tpu.memory_space<vmem>>, vector<1x1664x16xf32>
    %get3A_13 = vector.shape_cast %get3A_12 : vector<1x1664x16xf32> to vector<1664x16xf32>
    %mul3A = vector.broadcast %broadcast_in_dim3A : vector<1664x1xf32> to vector<1664x16xf32>
    %mul3A_14 = arith.mulf %get3A_13, %mul3A : vector<1664x16xf32>
    %swap3A = arith.constant 0 : index
    %swap3A_15 = arith.constant 0 : index
    %swap3A_16 = arith.constant 0 : index
    %swap3A_17 = vector.load %arg3[%swap3A, %swap3A_15, %swap3A_16] : memref<2x1664x16xf32, #tpu.memory_space<vmem>>, vector<1x1664x16xf32>
    %swap3A_18 = vector.shape_cast %swap3A_17 : vector<1x1664x16xf32> to vector<1664x16xf32>
    %swap3A_19 = vector.shape_cast %mul3A_14 : vector<1664x16xf32> to vector<1x1664x16xf32>
    tpu.vector_store %arg3[%swap3A, %swap3A_15, %swap3A_16], %swap3A_19 {strides = array<i32>} : memref<2x1664x16xf32, #tpu.memory_space<vmem>>, vector<1x1664x16xf32>,
    %get3A_20 = arith.constant 1 : index
    %get3A_21 = arith.constant 0 : index
    %get3A_22 = arith.constant 0 : index
    %get3A_23 = vector.load %arg1[%get3A_20, %get3A_21, %get3A_22] : memref<2x1664x16xf32, #tpu.memory_space<vmem>>, vector<1x1664x16xf32>
    %get3A_24 = vector.shape_cast %get3A_23 : vector<1x1664x16xf32> to vector<1664x16xf32>
    %mul3A_25 = vector.broadcast %broadcast_in_dim3A : vector<1664x1xf32> to vector<1664x16xf32>
    %mul3A_26 = arith.mulf %get3A_24, %mul3A_25 : vector<1664x16xf32>
    %swap3A_27 = arith.constant 1 : index
    %swap3A_28 = arith.constant 0 : index
    %swap3A_29 = arith.constant 0 : index
    %swap3A_30 = vector.load %arg3[%swap3A_27, %swap3A_28, %swap3A_29] : memref<2x1664x16xf32, #tpu.memory_space<vmem>>, vector<1x1664x16xf32>
    %swap3A_31 = vector.shape_cast %swap3A_30 : vector<1x1664x16xf32> to vector<1664x16xf32>
    %swap3A_32 = vector.shape_cast %mul3A_26 : vector<1664x16xf32> to vector<1x1664x16xf32>
    tpu.vector_store %arg3[%swap3A_27, %swap3A_28, %swap3A_29], %swap3A_32 {strides = array<i32>} : memref<2x1664x16xf32, #tpu.memory_space<vmem>>, vector<1x1664x16xf32>,
    return
  }
  func.func @transform_0(%arg0: i32) -> (i32, i32, i32) {
    %c0_i32 = arith.constant 0 : i32
    %c0_i32_0 = arith.constant 0 : i32
    %c0_i32_1 = arith.constant 0 : i32
    return %c0_i32, %arg0, %c0_i32_0 : i32, i32, i32
  }
  func.func @transform_1(%arg0: i32) -> (i32, i32) {
    %c0_i32 = arith.constant 0 : i32
    %c0_i32_0 = arith.constant 0 : i32
    return %c0_i32, %arg0 : i32, i32
  }
  func.func @transform_2(%arg0: i32) -> (i32, i32, i32) {
    %c0_i32 = arith.constant 0 : i32
    %c0_i32_0 = arith.constant 0 : i32
    %c0_i32_1 = arith.constant 0 : i32
    return %c0_i32, %arg0, %c0_i32_0 : i32, i32, i32
  }
}

module attributes {stable_mosaic.version = 14 : i64} {
  func.func @_tc_gcn_body(%arg0: i32, %arg1: memref<2x1664x16xf32, #tpu.memory_space<vmem>>, %arg2: memref<2x1664xf32, #tpu.memory_space<vmem>>, %arg3: memref<32x32xf32, #tpu.memory_space<vmem>>, %arg4: memref<1x32xf32, #tpu.memory_space<vmem>>, %arg5: memref<32x32xf32, #tpu.memory_space<vmem>>, %arg6: memref<1x32xf32, #tpu.memory_space<vmem>>, %arg7: memref<1664x32xf32, #tpu.memory_space<vmem>>) attributes {dimension_semantics = [#tpu.dimension_semantics<arbitrary>], iteration_bounds = array<i64: 32>, scalar_prefetch = 0 : i64, scratch_operands = 0 : i64, tpu.core_type = #tpu.core_type<tc>, window_params = [{transform_indices = @transform_0, window_bounds = array<i64: 2, 1664, 16>}, {transform_indices = @transform_1, window_bounds = array<i64: 2, 1664>}, {pipeline_mode = #tpu.pipeline_mode<synchronous>, transform_indices = @transform_2, window_bounds = array<i64: 32, 32>}, {pipeline_mode = #tpu.pipeline_mode<synchronous>, transform_indices = @transform_3, window_bounds = array<i64: 1, 32>}, {pipeline_mode = #tpu.pipeline_mode<synchronous>, transform_indices = @transform_4, window_bounds = array<i64: 32, 32>}, {pipeline_mode = #tpu.pipeline_mode<synchronous>, transform_indices = @transform_5, window_bounds = array<i64: 1, 32>}, {transform_indices = @transform_6, window_bounds = array<i64: 1664, 32>}]} {
    %get3A = arith.constant 0 : index
    %get3A_0 = arith.constant 0 : index
    %get3A_1 = vector.load %arg2[%get3A, %get3A_0] : memref<2x1664xf32, #tpu.memory_space<vmem>>, vector<1x1664xf32>
    %get3A_2 = vector.shape_cast %get3A_1 : vector<1x1664xf32> to vector<1664xf32>
    %get3A_3 = arith.constant 1 : index
    %get3A_4 = arith.constant 0 : index
    %get3A_5 = vector.load %arg2[%get3A_3, %get3A_4] : memref<2x1664xf32, #tpu.memory_space<vmem>>, vector<1x1664xf32>
    %get3A_6 = vector.shape_cast %get3A_5 : vector<1x1664xf32> to vector<1664xf32>
    %add3A = arith.addf %get3A_2, %get3A_6 : vector<1664xf32>
    %max3A = arith.constant 1.000000e+00 : f32
    %max3A_7 = vector.broadcast %max3A : f32 to vector<1664xf32>
    %max3A_8 = arith.maximumf %add3A, %max3A_7 : vector<1664xf32>
    %rsqrt3A = math.rsqrt %max3A_8 : vector<1664xf32>
    %broadcast_in_dim3A = vector.shape_cast %rsqrt3A : vector<1664xf32> to vector<1664x1xf32>
    %get3A_9 = arith.constant 0 : index
    %get3A_10 = arith.constant 0 : index
    %get3A_11 = arith.constant 0 : index
    %get3A_12 = vector.load %arg1[%get3A_9, %get3A_10, %get3A_11] : memref<2x1664x16xf32, #tpu.memory_space<vmem>>, vector<1x1664x16xf32>
    %get3A_13 = vector.shape_cast %get3A_12 : vector<1x1664x16xf32> to vector<1664x16xf32>
    %get3A_14 = arith.constant 1 : index
    %get3A_15 = arith.constant 0 : index
    %get3A_16 = arith.constant 0 : index
    %get3A_17 = vector.load %arg1[%get3A_14, %get3A_15, %get3A_16] : memref<2x1664x16xf32, #tpu.memory_space<vmem>>, vector<1x1664x16xf32>
    %get3A_18 = vector.shape_cast %get3A_17 : vector<1x1664x16xf32> to vector<1664x16xf32>
    %concatenate3A = tpu.concatenate %get3A_13, %get3A_18 in 1 : vector<1664x16xf32>, vector<1664x16xf32> -> vector<1664x32xf32>
    %mul3A = vector.broadcast %broadcast_in_dim3A : vector<1664x1xf32> to vector<1664x32xf32>
    %mul3A_19 = arith.mulf %concatenate3A, %mul3A : vector<1664x32xf32>
    %get3A_20 = arith.constant 0 : index
    %get3A_21 = arith.constant 0 : index
    %get3A_22 = vector.load %arg3[%get3A_20, %get3A_21] : memref<32x32xf32, #tpu.memory_space<vmem>>, vector<32x32xf32>
    %dot_general3A = arith.constant dense<0.000000e+00> : vector<1664x32xf32>
    %dot_general3A_23 = tpu.matmul %mul3A_19, %get3A_22, %dot_general3A {dimension_numbers = #tpu.dot_dimension_numbers<[1], [0], [0], [1], [0, 0, 1, 1], [], []>, transpose_lhs_hint = false} : vector<1664x32xf32>, vector<32x32xf32>, vector<1664x32xf32> -> vector<1664x32xf32>
    %get3A_24 = arith.constant 0 : index
    %get3A_25 = arith.constant 0 : index
    %get3A_26 = vector.load %arg4[%get3A_24, %get3A_25] : memref<1x32xf32, #tpu.memory_space<vmem>>, vector<1x32xf32>
    %add3A_27 = vector.broadcast %get3A_26 : vector<1x32xf32> to vector<1664x32xf32>
    %add3A_28 = arith.addf %dot_general3A_23, %add3A_27 : vector<1664x32xf32>
    %ge3A = arith.constant 0.000000e+00 : f32
    %ge3A_29 = vector.broadcast %ge3A : f32 to vector<1664x32xf32>
    %ge3A_30 = arith.cmpf oge, %add3A_28, %ge3A_29 : vector<1664x32xf32>
    %mul3A_31 = arith.constant 0.00999999977 : f32
    %mul3A_32 = vector.broadcast %mul3A_31 : f32 to vector<1664x32xf32>
    %mul3A_33 = arith.mulf %mul3A_32, %add3A_28 : vector<1664x32xf32>
    %select_n3A = arith.select %ge3A_30, %add3A_28, %mul3A_33 : vector<1664x32xi1>, vector<1664x32xf32>
    %get3A_34 = arith.constant 0 : index
    %get3A_35 = arith.constant 0 : index
    %get3A_36 = vector.load %arg5[%get3A_34, %get3A_35] : memref<32x32xf32, #tpu.memory_space<vmem>>, vector<32x32xf32>
    %dot_general3A_37 = arith.constant dense<0.000000e+00> : vector<1664x32xf32>
    %dot_general3A_38 = tpu.matmul %select_n3A, %get3A_36, %dot_general3A_37 {dimension_numbers = #tpu.dot_dimension_numbers<[1], [0], [0], [1], [0, 0, 1, 1], [], []>, transpose_lhs_hint = false} : vector<1664x32xf32>, vector<32x32xf32>, vector<1664x32xf32> -> vector<1664x32xf32>
    %get3A_39 = arith.constant 0 : index
    %get3A_40 = arith.constant 0 : index
    %get3A_41 = vector.load %arg6[%get3A_39, %get3A_40] : memref<1x32xf32, #tpu.memory_space<vmem>>, vector<1x32xf32>
    %add3A_42 = vector.broadcast %get3A_41 : vector<1x32xf32> to vector<1664x32xf32>
    %add3A_43 = arith.addf %dot_general3A_38, %add3A_42 : vector<1664x32xf32>
    %ge3A_44 = arith.constant 0.000000e+00 : f32
    %ge3A_45 = vector.broadcast %ge3A_44 : f32 to vector<1664x32xf32>
    %ge3A_46 = arith.cmpf oge, %add3A_43, %ge3A_45 : vector<1664x32xf32>
    %mul3A_47 = arith.constant 0.00999999977 : f32
    %mul3A_48 = vector.broadcast %mul3A_47 : f32 to vector<1664x32xf32>
    %mul3A_49 = arith.mulf %mul3A_48, %add3A_43 : vector<1664x32xf32>
    %select_n3A_50 = arith.select %ge3A_46, %add3A_43, %mul3A_49 : vector<1664x32xi1>, vector<1664x32xf32>
    %swap3A = arith.constant 0 : index
    %swap3A_51 = arith.constant 0 : index
    %swap3A_52 = vector.load %arg7[%swap3A, %swap3A_51] : memref<1664x32xf32, #tpu.memory_space<vmem>>, vector<1664x32xf32>
    tpu.vector_store %arg7[%swap3A, %swap3A_51], %select_n3A_50 {strides = array<i32>} : memref<1664x32xf32, #tpu.memory_space<vmem>>, vector<1664x32xf32>,
    return
  }
  func.func @transform_0(%arg0: i32) -> (i32, i32, i32) {
    %c0_i32 = arith.constant 0 : i32
    %c0_i32_0 = arith.constant 0 : i32
    %c0_i32_1 = arith.constant 0 : i32
    return %c0_i32, %arg0, %c0_i32_0 : i32, i32, i32
  }
  func.func @transform_1(%arg0: i32) -> (i32, i32) {
    %c0_i32 = arith.constant 0 : i32
    %c0_i32_0 = arith.constant 0 : i32
    return %c0_i32, %arg0 : i32, i32
  }
  func.func @transform_2(%arg0: i32) -> (i32, i32) {
    %c0_i32 = arith.constant 0 : i32
    %c0_i32_0 = arith.constant 0 : i32
    %c0_i32_1 = arith.constant 0 : i32
    return %c0_i32, %c0_i32_0 : i32, i32
  }
  func.func @transform_3(%arg0: i32) -> (i32, i32) {
    %c0_i32 = arith.constant 0 : i32
    %c0_i32_0 = arith.constant 0 : i32
    %c0_i32_1 = arith.constant 0 : i32
    return %c0_i32, %c0_i32_0 : i32, i32
  }
  func.func @transform_4(%arg0: i32) -> (i32, i32) {
    %c0_i32 = arith.constant 0 : i32
    %c0_i32_0 = arith.constant 0 : i32
    %c0_i32_1 = arith.constant 0 : i32
    return %c0_i32, %c0_i32_0 : i32, i32
  }
  func.func @transform_5(%arg0: i32) -> (i32, i32) {
    %c0_i32 = arith.constant 0 : i32
    %c0_i32_0 = arith.constant 0 : i32
    %c0_i32_1 = arith.constant 0 : i32
    return %c0_i32, %c0_i32_0 : i32, i32
  }
  func.func @transform_6(%arg0: i32) -> (i32, i32) {
    %c0_i32 = arith.constant 0 : i32
    %c0_i32_0 = arith.constant 0 : i32
    return %arg0, %c0_i32 : i32, i32
  }
}

module attributes {stable_mosaic.version = 14 : i64} {
  func.func @_tc_head_body(%arg0: memref<32x520x32xf32, #tpu.memory_space<vmem>>, %arg1: memref<32x32xf32, #tpu.memory_space<vmem>>, %arg2: memref<1x32xf32, #tpu.memory_space<vmem>>, %arg3: memref<1x32xf32, #tpu.memory_space<vmem>>, %arg4: memref<1x32xf32, #tpu.memory_space<vmem>>, %arg5: memref<32x1xf32, #tpu.memory_space<vmem>>, %arg6: memref<1x1xf32, #tpu.memory_space<vmem>>, %arg7: memref<512x1xf32, #tpu.memory_space<vmem>>, %arg8: memref<512x1xf32, #tpu.memory_space<vmem>>) attributes {dimension_semantics = [], scalar_prefetch = 0 : i64, scratch_operands = 0 : i64, tpu.core_type = #tpu.core_type<tc>} {
    %get3A = arith.constant 0 : index
    %get3A_0 = arith.constant 0 : index
    %get3A_1 = arith.constant 0 : index
    %get3A_2 = vector.load %arg0[%get3A, %get3A_0, %get3A_1] : memref<32x520x32xf32, #tpu.memory_space<vmem>>, vector<32x520x32xf32>
    %reduce_max3A = arith.constant dense<0xFF800000> : vector<520x32xf32>
    %reduce_max3A_3 = vector.multi_reduction <maximumf>, %get3A_2, %reduce_max3A [0] : vector<32x520x32xf32> to vector<520x32xf32>
    %slice3A = vector.extract_strided_slice %reduce_max3A_3 {offsets = [0, 0], sizes = [512, 32], strides = [1, 1]} : vector<520x32xf32> to vector<512x32xf32>
    %is_finite3A = tpu.weird %slice3A : vector<512x32xf32> -> vector<512x32xi1>
    %is_finite3A_4 = arith.constant dense<true> : vector<512x32xi1>
    %is_finite3A_5 = arith.xori %is_finite3A, %is_finite3A_4 : vector<512x32xi1>
    %jit3A = arith.constant 0.000000e+00 : f32
    %broadcast_in_dim3A = vector.broadcast %jit3A : f32 to vector<512x32xf32>
    %select_n3A = arith.select %is_finite3A_5, %slice3A, %broadcast_in_dim3A : vector<512x32xi1>, vector<512x32xf32>
    %get3A_6 = arith.constant 0 : index
    %get3A_7 = arith.constant 0 : index
    %get3A_8 = vector.load %arg1[%get3A_6, %get3A_7] : memref<32x32xf32, #tpu.memory_space<vmem>>, vector<32x32xf32>
    %dot_general3A = arith.constant dense<0.000000e+00> : vector<512x32xf32>
    %dot_general3A_9 = tpu.matmul %select_n3A, %get3A_8, %dot_general3A {dimension_numbers = #tpu.dot_dimension_numbers<[1], [0], [0], [1], [0, 0, 1, 1], [], []>, transpose_lhs_hint = false} : vector<512x32xf32>, vector<32x32xf32>, vector<512x32xf32> -> vector<512x32xf32>
    %get3A_10 = arith.constant 0 : index
    %get3A_11 = arith.constant 0 : index
    %get3A_12 = vector.load %arg2[%get3A_10, %get3A_11] : memref<1x32xf32, #tpu.memory_space<vmem>>, vector<1x32xf32>
    %add3A = vector.broadcast %get3A_12 : vector<1x32xf32> to vector<512x32xf32>
    %add3A_13 = arith.addf %dot_general3A_9, %add3A : vector<512x32xf32>
    %sqrt3A = arith.constant 1.000010e+00 : f32
    %sqrt3A_14 = math.sqrt %sqrt3A : f32
    %div3A = vector.broadcast %sqrt3A_14 : f32 to vector<512x32xf32>
    %div3A_15 = arith.divf %add3A_13, %div3A : vector<512x32xf32>
    %get3A_16 = arith.constant 0 : index
    %get3A_17 = arith.constant 0 : index
    %get3A_18 = vector.load %arg3[%get3A_16, %get3A_17] : memref<1x32xf32, #tpu.memory_space<vmem>>, vector<1x32xf32>
    %mul3A = vector.broadcast %get3A_18 : vector<1x32xf32> to vector<512x32xf32>
    %mul3A_19 = arith.mulf %div3A_15, %mul3A : vector<512x32xf32>
    %get3A_20 = arith.constant 0 : index
    %get3A_21 = arith.constant 0 : index
    %get3A_22 = vector.load %arg4[%get3A_20, %get3A_21] : memref<1x32xf32, #tpu.memory_space<vmem>>, vector<1x32xf32>
    %add3A_23 = vector.broadcast %get3A_22 : vector<1x32xf32> to vector<512x32xf32>
    %add3A_24 = arith.addf %mul3A_19, %add3A_23 : vector<512x32xf32>
    %ge3A = arith.constant 0.000000e+00 : f32
    %ge3A_25 = vector.broadcast %ge3A : f32 to vector<512x32xf32>
    %ge3A_26 = arith.cmpf oge, %add3A_24, %ge3A_25 : vector<512x32xf32>
    %mul3A_27 = arith.constant 0.00999999977 : f32
    %mul3A_28 = vector.broadcast %mul3A_27 : f32 to vector<512x32xf32>
    %mul3A_29 = arith.mulf %mul3A_28, %add3A_24 : vector<512x32xf32>
    %select_n3A_30 = arith.select %ge3A_26, %add3A_24, %mul3A_29 : vector<512x32xi1>, vector<512x32xf32>
    %get3A_31 = arith.constant 0 : index
    %get3A_32 = arith.constant 0 : index
    %get3A_33 = vector.load %arg5[%get3A_31, %get3A_32] : memref<32x1xf32, #tpu.memory_space<vmem>>, vector<32x1xf32>
    %dot_general3A_34 = arith.constant dense<0.000000e+00> : vector<512x1xf32>
    %dot_general3A_35 = tpu.matmul %select_n3A_30, %get3A_33, %dot_general3A_34 {dimension_numbers = #tpu.dot_dimension_numbers<[1], [0], [0], [1], [0, 0, 1, 1], [], []>, transpose_lhs_hint = false} : vector<512x32xf32>, vector<32x1xf32>, vector<512x1xf32> -> vector<512x1xf32>
    %get3A_36 = arith.constant 0 : index
    %get3A_37 = arith.constant 0 : index
    %get3A_38 = vector.load %arg6[%get3A_36, %get3A_37] : memref<1x1xf32, #tpu.memory_space<vmem>>, vector<1x1xf32>
    %add3A_39 = vector.broadcast %get3A_38 : vector<1x1xf32> to vector<512x1xf32>
    %add3A_40 = arith.addf %dot_general3A_35, %add3A_39 : vector<512x1xf32>
    %swap3A = arith.constant 0 : index
    %swap3A_41 = arith.constant 0 : index
    %swap3A_42 = vector.load %arg7[%swap3A, %swap3A_41] : memref<512x1xf32, #tpu.memory_space<vmem>>, vector<512x1xf32>
    tpu.vector_store %arg7[%swap3A, %swap3A_41], %add3A_40 {strides = array<i32>} : memref<512x1xf32, #tpu.memory_space<vmem>>, vector<512x1xf32>,
    %logistic3A = arith.negf %add3A_40 : vector<512x1xf32>
    %logistic3A_43 = math.exp %logistic3A : vector<512x1xf32>
    %logistic3A_44 = arith.constant 1.000000e+00 : f32
    %logistic3A_45 = vector.broadcast %logistic3A_44 : f32 to vector<512x1xf32>
    %logistic3A_46 = arith.addf %logistic3A_45, %logistic3A_43 : vector<512x1xf32>
    %logistic3A_47 = arith.divf %logistic3A_45, %logistic3A_46 : vector<512x1xf32>
    %swap3A_48 = arith.constant 0 : index
    %swap3A_49 = arith.constant 0 : index
    %swap3A_50 = vector.load %arg8[%swap3A_48, %swap3A_49] : memref<512x1xf32, #tpu.memory_space<vmem>>, vector<512x1xf32>
    tpu.vector_store %arg8[%swap3A_48, %swap3A_49], %logistic3A_47 {strides = array<i32>} : memref<512x1xf32, #tpu.memory_space<vmem>>, vector<512x1xf32>,
    return
  }
}

</mosaic_0001>

<sc_bundles>
// kernel: kernel.10.cloned.1.call-start
scs
__scs_entry_jumppad:
0x0: {  	(pc) =	sbr.rel $0x88, $3  }
0x1: {  	(tag) =	ssettag $0x0;
	lr =	simm.s32 $0x1  }
0x2: {  	[smem:$0x3F8E] =	sst lr;
	_ =	strace $0xD0000000  }
0x3: {  	_ = 	snop  }
0x4: {  	_ = 	snop  }
0x5: {  	_ = 	snop  }
0x6: {  	_ = 	snop  }
0x7: {  	_ = 	snop  }
__scs_overlays_trampoline_lowered:
0x8: {  	[smem:$0x3F9D] =	sst s0  }
0x9: {  	[smem:$0x3F9E] =	sst s1  }
0xa: {  	[smem:$0x3F9F] =	sst s2  }
0xb: {  	[smem:$0x3FA0] =	sst s3  }
0xc: {  	[smem:$0x3FA1] =	sst s4  }
0xd: {  	[smem:$0x3FA2] =	sst s5  }
0xe: {  	[smem:$0x3FA3] =	sst s6  }
0xf: {  	[smem:$0x3FA4] =	sst s7  }
0x10: {  	[smem:$0x3FA5] =	sst s8  }
0x11: {  	[smem:$0x3FA6] =	sst s9;
	s0 =	simm.s32 @!p0 $0x0  }
0x12: {  	s1 =	sld [smem:$0x3F8C];
	s0 =	simm.s32 @p0 $0x1  }
0x13: {  	[smem:$0x3FA7] =	sst s0;
	s0 =	simm.s32 @!p1 $0x0  }
0x14: {  	s2 =	sld [smem:$0x3F8B];
	s0 =	simm.s32 @p1 $0x1  }
0x15: {  	[smem:$0x3FA8] =	sst s0;
	s0 =	simm.s32 @!p2 $0x0  }
0x16: {  	s3 =	sld [smem:$0x3FDB];
	s0 =	simm.s32 @p2 $0x1  }
0x17: {  	s4 =	simm.s32 $0x1BF5;
	[smem:$0x3FAA] =	sst s0  }
0x18: {  	s0 =	sld [smem:$0x3F8D];
	_ =	swait.ge [sflag:s4], $0x0  }
0x19: {  	s7 =	sld [smem:$0x3F8E]  }
0x1a: {  	s8 =	sadd.s32 $0xFFFFE003, lr  }
0x1b: {  	s9 =	sadd.s32 $0xFFFFFEF7, lr;
	s5 =	simm.s32 $0xFFFFFFFF;
	p2 =	slt.u32 s8, $0xFFFFF086  }
0x1c: {  	p1 =	slt.u32 s9, $0xF7A;
	s5 =	simm.s32 @!p2 $0x0  }
0x1d: {  	s5 =	simm.s32 @p1 $0x1;
	p0 =	seq.s32 s7, s2  }
0x1e: {  	s7 =	smul.u32 @!p0 $0xF7A, s2;
	p2 =	seq.s32 @!p0 s5, $0x0  }
0x1f: {  	s9 =	smul.u32 $0xF7A, s1;
	s8 =	simm.s32 @!p0 $0x1BF5;
	p2 =	por !p2, p0  }
0x20: {  	[sflag:s8] =	ssyncset.s32 @!p0 $0xFFFFF086;
	s6 =	sadd.s32 @!p0 s3, s7;
	s7 =	simm.s32 @!p0 $0x108  }
0x21: {  	s3 =	sadd.s32 s3, s9;
	s6 =	sadd.s32 @!p0 $0x88, s6;
	s7 =	simm.s32 @p2 $0x1082  }
0x22: {  	[simem:s7], [sflag:s8] =	dma.local @!p0 [hbm:s6], $0xF7A  }
0x23: {  	s9 =	sor.u32 $0xD0000000, s2;
	s6 =	simm.s32 $0x108;
	_ =	swait.ge @!p0 [sflag:s8], $0x0  }
0x24: {  	s3 =	sadd.s32 $0x88, s3;
	s6 =	simm.s32 @!p1 $0x1082;
	[sflag:s4] =	ssyncset.s32 $0xFFFFF086  }
0x25: {  	[simem:s6], [sflag:s4] =	dma.local [hbm:s3], $0xF7A  }
0x26: {  	[smem:$0x3F8E] =	sst s1;
	(tag) =	ssettag s2;
	_ =	strace s9  }
0x27: {  	s1 =	sld [smem:$0x3F9E]  }
0x28: {  	s2 =	sld [smem:$0x3F9F]  }
0x29: {  	s4 =	sld [smem:$0x3FA1]  }
0x2a: {  	p0 =	seq.s32 s5, $0x0;
	s5 =	sld [smem:$0x3FA2]  }
0x2b: {  	s6 =	sld [smem:$0x3FA3]  }
0x2c: {  	s7 =	sld [smem:$0x3FA4]  }
0x2d: {  	s3 =	simm.s32 $0x108;
	s8 =	sld [smem:$0x3FA5]  }
0x2e: {  	s3 =	simm.s32 @!p0 $0x1082;
	s9 =	sld [smem:$0x3FA6]  }
0x2f: {  	lr =	sadd.s32 s0, s3;
	s0 =	sld [smem:$0x3F9D]  }
0x30: {  	s3 =	sld [smem:$0x3FA0]  }
0x31: {  	[smem:$0x3FA9] =	sst s10  }
0x32: {  	s10 =	sld [smem:$0x3FA7];
	_ =	sdelay $0x3  }
0x33: {  	p0 =	seq.s32 s10, $0x1;
	s10 =	sld [smem:$0x3FA9];
	_ =	sdelay $0x3  }
0x34: {  	[smem:$0x3FA9] =	sst s10  }
0x35: {  	s10 =	sld [smem:$0x3FA8];
	_ =	sdelay $0x3  }
0x36: {  	p1 =	seq.s32 s10, $0x1;
	s10 =	sld [smem:$0x3FA9];
	_ =	sdelay $0x3  }
0x37: {  	[smem:$0x3FA9] =	sst s10  }
0x38: {  	s10 =	sld [smem:$0x3FAA]  }
0x39: {  	_ = 	snop;
	(pc) =	sbr.ind lr, $3  }
0x3a: {  	_ = 	snop  }
0x3b: {  	_ = 	snop  }
0x3c: {  	p2 =	seq.s32 s10, $0x1;
	s10 =	sld [smem:$0x3FA9]  }
0x3d: {  	_ =	shalt  }
0x3e: {  	_ =	shalt  }
0x3f: {  	_ =	shalt  }
0x40: {  	_ =	shalt  }
0x41: {  	_ =	shalt  }
0x42: {  	_ =	shalt  }
0x43: {  	_ =	shalt  }
0x44: {  	_ =	shalt  }
0x45: {  	_ =	shalt  }
0x46: {  	_ =	shalt  }
0x47: {  	_ =	shalt  }
0x48: {  	_ =	shalt  }
0x49: {  	_ =	shalt  }
0x4a: {  	_ =	shalt  }
0x4b: {  	_ =	shalt  }
0x4c: {  	_ =	shalt  }
0x4d: {  	_ =	shalt  }
0x4e: {  	_ =	shalt  }
0x4f: {  	_ =	shalt  }
0x50: {  	_ =	shalt  }
0x51: {  	_ =	shalt  }
0x52: {  	_ =	shalt  }
0x53: {  	_ =	shalt  }
0x54: {  	_ =	shalt  }
0x55: {  	_ =	shalt  }
0x56: {  	_ =	shalt  }
0x57: {  	_ =	shalt  }
0x58: {  	_ =	shalt  }
0x59: {  	_ =	shalt  }
0x5a: {  	_ =	shalt  }
0x5b: {  	_ =	shalt  }
0x5c: {  	_ =	shalt  }
0x5d: {  	_ =	shalt  }
0x5e: {  	_ =	shalt  }
0x5f: {  	_ =	shalt  }
0x60: {  	_ =	shalt  }
0x61: {  	_ =	shalt  }
0x62: {  	_ =	shalt  }
0x63: {  	_ =	shalt  }
0x64: {  	_ =	shalt  }
0x65: {  	_ =	shalt  }
0x66: {  	_ =	shalt  }
0x67: {  	_ =	shalt  }
0x68: {  	_ =	shalt  }
0x69: {  	_ =	shalt  }
0x6a: {  	_ =	shalt  }
0x6b: {  	_ =	shalt  }
0x6c: {  	_ =	shalt  }
0x6d: {  	_ =	shalt  }
0x6e: {  	_ =	shalt  }
0x6f: {  	_ =	shalt  }
0x70: {  	_ =	shalt  }
0x71: {  	_ =	shalt  }
0x72: {  	_ =	shalt  }
0x73: {  	_ =	shalt  }
0x74: {  	_ =	shalt  }
0x75: {  	_ =	shalt  }
0x76: {  	_ =	shalt  }
0x77: {  	_ =	shalt  }
0x78: {  	_ =	shalt  }
0x79: {  	_ =	shalt  }
0x7a: {  	_ =	shalt  }
0x7b: {  	_ =	shalt  }
0x7c: {  	_ =	shalt  }
0x7d: {  	_ =	shalt  }
0x7e: {  	_ =	shalt  }
0x7f: {  	_ =	shalt  }
0x80: {  	_ =	shalt  }
0x81: {  	_ =	shalt  }
0x82: {  	_ =	shalt  }
0x83: {  	_ =	shalt  }
0x84: {  	_ =	shalt  }
0x85: {  	_ =	shalt  }
0x86: {  	_ =	shalt  }
0x87: {  	_ =	shalt  }
.Lfunc_end0:
.L_simem_size_0:
called_computation_lowered:
.L_overlay_start_0:
0x88: {  	s2 =	sld [smem:$0x3FD9]  }
0x89: {  	s3 =	sld [smem:$0x3FFE];
	_ =	sdelay $0x1  }
0x8a: {  	s1 =	srdreg.scid  }
0x8b: {  	s0 =	sand.u32 $0x1, s1  }
0x8c: {  	s16 =	sshll.u32 s0, $0xA;
	s2 =	sadd.s32 s3, s2  }
0x8d: {  	s2 =	sadd.s32 s2, s16  }
0x8e: {  	[smem:$0x3FB5] =	sst s2  }
0x8f: {  	_ = 	snop  }
0x90: {  	(tm) =	ssettm $0x1  }
0x91: {  	s17 =	sld [smem:$0x3FFB];
	_ =	sdelay $0x3  }
0x92: {  	_ =	strace s17  }
0x93: {  	s2 =	sld [smem:$0x3FFC];
	_ =	sdelay $0x3  }
0x94: {  	_ =	strace s2  }
0x95: {  	s2 =	sld [smem:$0x3FFD];
	_ =	sdelay $0x3  }
0x96: {  	_ =	strace s2  }
0x97: {  	_ =	strace $0x8FFFFFFF  }
0x98: {  	s18 =	sld [smem:$0x3FDB];
	_ =	sdelay $0x1  }
0x99: {  	s19 =	simm.s32 $_scs_section_size  }
0x9a: {  	s4 =	simm.s32 $_size__tile_overlayer_lowered;
	s5 =	simm.s32 $_tile_overlayer_lowered  }
0x9b: {  	s22 =	simm.s32 $0x1BFF;
	s21 =	sshll.u32 s5, $0x1;
	s2 =	sadd.s32 s19, s18  }
0x9c: {  	s6 =	simm.s32 $0x0;
	s20 =	sshll.u32 s4, $0x1;
	s4 =	sadd.s32 s21, s2  }
0x9d: {  	[timem:s6], [sflag:s22] =	dma.local [hbm:s4], s20  }
0x9e: {  	_ =	swait.ge [sflag:s22], s20  }
0x9f: {  	s3 =	ssub.s32 $0x0, s20;
	[sflag:s22] =	ssyncset.done $0x0  }
0xa0: {  	[sflag:s22] =	ssyncadd.s32 s3;
	_ =	sdelay $0x1  }
0xa1: {  	s23 =	simm.s32 $0x1B8B  }
0xa2: {  	_ =	swait.ge [sflag:s23], $0x1  }
0xa3: {  	[sflag:s23] =	ssyncset.done $0x0  }
0xa4: {  	s25 =	simm.s32 $0x1B8E;
	s24 =	sld [smem:$0x3FFE];
	[sflag:s23] =	ssyncadd.s32 $0xFFFFFFFF  }
0xa5: {  	s26 =	simm.s32 $execute0_lowered;
	[smem:$0x3FD2] =	sst s25  }
0xa6: {  	s4 =	sshll.u32 s26, $0x1;
	_ =	strace $0x80000046;
	[dreg:$0x1] =	wrdreg $0xFFFFFFFF  }
0xa7: {  	s28 =	simm.s32 $_size_execute0_lowered;
	s2 =	sadd.s32 s2, s4;
	[dreg:$0x0] =	wrdreg $0x0  }
0xa8: {  	s4 =	sshll.u32 s28, $0x1;
	[dreg:$0x2] =	wrdreg s2  }
0xa9: {  	[dreg:$0x3] =	wrdreg s4  }
0xaa: {  	[dreg:$0x4] =	wrdreg $0xC0  }
0xab: {  	_ =	task [dreg:s6], $0x5FFFF  }
0xac: {  	[dreg:$0x1] =	wrdreg $0xFFFFFFFF  }
0xad: {  	[dreg:$0x0] =	wrdreg $0x60  }
0xae: {  	[dreg:$0x2] =	wrdreg s24  }
0xaf: {  	[dreg:$0x3] =	wrdreg $0xD3800  }
0xb0: {  	[dreg:$0x4] =	wrdreg $0x9  }
0xb1: {  	_ =	task.clear_ibuf [dreg:s6], $0x5FFFF;
	_ =	strace $0x90000046  }
0xb2: {  	s29 =	simm.s32 $0x9;
	_ =	strace $0x80000048  }
0xb3: {  	_ =	swait.ge [sflag:s29], $0x1  }
0xb4: {  	[sflag:s29] =	ssyncadd.s32 $0xFFFFFFFF  }
0xb5: {  	_ =	strace $0x90000048  }
0xb6: {  	_ =	sfence  }
0xb7: {  	s30 =	sld [smem:$0x0];
	_ =	sdelay $0x2  }
0xb8: {  	s31 =	sshll.u32 s1, $0xD;
	s1 =	sshrl.u32 s1, $0x2  }
0xb9: {  	s3 =	sand.u32 $0x4000, s31;
	s1 =	sadd.s32 s1, s30  }
0xba: {  	s0 =	sor.u32 s3, s0;
	s1 =	sshll.u32 s1, $0x11  }
0xbb: {  	s0 =	sor.u32 s1, s0  }
0xbc: {  	s0 =	sadd.s32 $0x8F2B, s0  }
0xbd: {  	[sflag:s0] =	ssyncadd.remote.s32 $0x1  }
0xbe: {  	_ =	sfence.sel $0xFFFF  }
0xbf: {  	[dreg:$0x0] =	wrdreg $0xFFFFFFFF;
	(pc) =	sbr.abs _section_cstart, $3  }
0xc0: {  	[dreg:$0x1] =	wrdreg $0xFFFFFFFF  }
0xc1: {  	_ =	task.clear_ibuf [dreg:s6], $0x2FFFF;
	_ =	strace $0x9FFFFFFF  }
0xc2: {  	(tm) =	ssettm $0x7FFFFFFF  }
0xc3: {  	_ =	shalt  }
tec
execute0_lowered:
.L_overlay_start_1:
0x0: {  	(tag) =	ssettag $0x1  }
0x1: {  	s1 =	srdreg.scid;
	s4 =	rddreg [dreg:$0x0]  }
0x2: {  	s0 =	stileid.u32;
	s2 =	rddreg [dreg:$0x1];
	s3 =	simm.s32 $0x0  }
0x3: {  	s10 =	simm.s32 $0x80;
	s11 =	simm.s32 $0xC600;
	s12 =	simm.s32 $0x1  }
0x4: {  	s13 =	simm.s32 $0xC400;
	s14 =	simm.s32 $0xC480;
	s15 =	simm.s32 $0xC500  }
0x5: {  	s16 =	simm.s32 $0xC580;
	s5 =	sand.u32 $0x1, s1;
	s1 =	rddreg [dreg:$0x2]  }
0x6: {  	s19 =	simm.s32 $0x0;
	s6 =	smul.u32 $0xD00, s0;
	[smem:$0x7FF] =	sst s3  }
0x7: {  	s17 =	sshll.u32 s0, $0x6;
	s7 =	sshll.u32 s5, $0x4;
	s8 =	smul.u32 $0xD000, s5  }
0x8: {  	_ =	strace $0x80000047;
	s5 =	ssub.s32 $0x2, s5;
	s7 =	sor.u32 s0, s7  }
0x9: {  	s31 =	sshrl.u32 s5, $0x1;
	s7 =	smul.u32 $0x18C0, s7;
	s8 =	sadd.s32 s6, s8  }
0xa: {  	s17 =	sor.u32 $0x1C02, s17;
	s9 =	ssub.s32 s5, s31;
	s8 =	sshrl.u32 s8, $0x3  }
0xb: {  	s5 =	sadd.s32 s6, s2;
	s7 =	sadd.s32 s7, s4;
	s8 =	sadd.s32 s8, s4  }
0xc: {  	s18 =	sshrl.u32 s5, $0x3;
	s4 =	sadd.s32 $0x3400, s7;
	s6 =	sadd.s32 $0x66400, s8  }
0xd: {  	v0 =	vimm.f32 $1.000000000e+00;
	v1 =	vimm.f32 $0.0e+00;
	s7 =	smax.u32 s9, $0x1;
	s8 =	simm.s32 $0x2;
	s9 =	simm.s32 $0xC680  }
.LBB2_1:
0xe: {  	[tilespmem:s3], [sflag:$0x2] =	stream.linear.gather [hbm4b:s4+s3], $0xC600, $0x38;
	[tilespmem:$0xE080] =	vst v63  }
0xf: {  	_ =	swait.ge [sflag:s8], $0xC600  }
0x10: {  	[sflag:s8] =	ssyncset.done $0x0  }
0x11: {  	[sflag:s8] =	ssyncadd.s32 $0xFFFF3A00  }
0x12: {  	[tilespmem:$0xC600] =	vst v0  }
0x13: {  	[tilespmem:$0xC610] =	vst v0  }
0x14: {  	[tilespmem:$0xC620] =	vst v0  }
0x15: {  	[tilespmem:$0xC630] =	vst v0  }
0x16: {  	[tilespmem:$0xC640] =	vst v0  }
0x17: {  	[tilespmem:$0xC650] =	vst v0  }
0x18: {  	[tilespmem:$0xC660] =	vst v0  }
0x19: {  	s20 =	simm.s32 $0x40;
	s21 =	simm.s32 $0x0;
	[tilespmem:$0xC670] =	vst v0  }
.LBB2_2:
0x1a: {  	p0 =	sne.s32 s20, $0x33C0;
	[tilespmem:s21+$0xC680] =	vst v1;
	s21 =	smov.u32 s20;
	s20 =	sadd.s32 $0x40, s20  }
.Ltmp0:
0x1b: {  	(pc) =	sbr.rel @p0 .LBB2_2-.Ltmp0, $2  }
0x1c: {  	_ =	sdelay $0x2  }
0x1d: {  	s21 =	sshra.s32 s21, $0x2  }
0x1e: {  	[tilespmem:s21+$0xC680] =	vst v1  }
0x1f: {  	[spmem:s5] =	stream.linear.scatter [tilespmem:s9], [sflag:$0x2], $0xD00, $0x38;
	[tilespmem:$0xE080] =	vst v63  }
0x20: {  	_ =	swait.ge [sflag:s8], $0xD00  }
0x21: {  	[sflag:s8] =	ssyncset.done $0x0  }
0x22: {  	[sflag:s8] =	ssyncadd.s32 $0xFFFFF300  }
0x23: {  	s20 =	simm.s32 $0x0;
	[bflag:$0x0] =	sbarrier.arrive $0xFFFF  }
0x24: {  	[spmem:s2] =	stream.indirect.scatter.add.f32 [tilespmem:s11], [sflag:$0x1], $0x1, s20, s10, $0xb8;
	[tilespmem:$0xE080] =	vst v63  }
0x25: {  	s24 =	simm.s32 $0x80  }
0x26: {  	[spmem:s2] =	stream.indirect.scatter.add.f32 [tilespmem:s11], [sflag:$0x1], $0x1, s24, s10, $0xb8;
	[tilespmem:$0xE080] =	vst v63  }
0x27: {  	s25 =	simm.s32 $0x100  }
0x28: {  	[spmem:s2] =	stream.indirect.scatter.add.f32 [tilespmem:s11], [sflag:$0x1], $0x1, s25, s10, $0xb8;
	[tilespmem:$0xE080] =	vst v63  }
0x29: {  	s26 =	simm.s32 $0x180  }
0x2a: {  	[spmem:s2] =	stream.indirect.scatter.add.f32 [tilespmem:s11], [sflag:$0x1], $0x1, s26, s10, $0xb8;
	[tilespmem:$0xE080] =	vst v63  }
0x2b: {  	s28 =	simm.s32 $0x200  }
0x2c: {  	[spmem:s2] =	stream.indirect.scatter.add.f32 [tilespmem:s11], [sflag:$0x1], $0x1, s28, s10, $0xb8;
	[tilespmem:$0xE080] =	vst v63  }
0x2d: {  	s29 =	simm.s32 $0x280  }
0x2e: {  	[spmem:s2] =	stream.indirect.scatter.add.f32 [tilespmem:s11], [sflag:$0x1], $0x1, s29, s10, $0xb8;
	[tilespmem:$0xE080] =	vst v63  }
0x2f: {  	s30 =	simm.s32 $0x300  }
0x30: {  	[spmem:s2] =	stream.indirect.scatter.add.f32 [tilespmem:s11], [sflag:$0x1], $0x1, s30, s10, $0xb8;
	[tilespmem:$0xE080] =	vst v63  }
0x31: {  	s31 =	simm.s32 $0x380  }
0x32: {  	[spmem:s2] =	stream.indirect.scatter.add.f32 [tilespmem:s11], [sflag:$0x1], $0x1, s31, s10, $0xb8;
	[tilespmem:$0xE080] =	vst v63  }
0x33: {  	_ =	swait.ge [sflag:s12], $0x80  }
0x34: {  	[sflag:s12] =	ssyncset.done $0x0  }
0x35: {  	[sflag:s12] =	ssyncadd.s32 $0xFFFFFF80  }
0x36: {  	_ =	swait.ge [sflag:s12], $0x80  }
0x37: {  	[sflag:s12] =	ssyncset.done $0x0  }
0x38: {  	[sflag:s12] =	ssyncadd.s32 $0xFFFFFF80  }
0x39: {  	_ =	swait.ge [sflag:s12], $0x80  }
0x3a: {  	[sflag:s12] =	ssyncset.done $0x0  }
0x3b: {  	[sflag:s12] =	ssyncadd.s32 $0xFFFFFF80  }
0x3c: {  	_ =	swait.ge [sflag:s12], $0x80  }
0x3d: {  	[sflag:s12] =	ssyncset.done $0x0  }
0x3e: {  	[sflag:s12] =	ssyncadd.s32 $0xFFFFFF80  }
0x3f: {  	_ =	swait.ge [sflag:s12], $0x80  }
0x40: {  	[sflag:s12] =	ssyncset.done $0x0  }
0x41: {  	[sflag:s12] =	ssyncadd.s32 $0xFFFFFF80  }
0x42: {  	_ =	swait.ge [sflag:s12], $0x80  }
0x43: {  	[sflag:s12] =	ssyncset.done $0x0  }
0x44: {  	[sflag:s12] =	ssyncadd.s32 $0xFFFFFF80  }
0x45: {  	_ =	swait.ge [sflag:s12], $0x80  }
0x46: {  	[sflag:s12] =	ssyncset.done $0x0  }
0x47: {  	[sflag:s12] =	ssyncadd.s32 $0xFFFFFF80  }
0x48: {  	_ =	swait.ge [sflag:s12], $0x80  }
0x49: {  	s22 =	simm.s32 $0x2000;
	s20 =	simm.s32 $0x1000;
	[sflag:s12] =	ssyncset.done $0x0  }
.LBB2_4:
0x4a: {  	s23 =	sshra.s32 s20, $0x2  }
0x4b: {  	[sflag:s12] =	ssyncadd.s32 $0xFFFFFF80;
	s20 =	smov.u32 s22;
	s21 =	sadd.s32 $0x1000, s22  }
0x4c: {  	[spmem:s2] =	stream.indirect.scatter.add.f32 [tilespmem:s11], [sflag:$0x1], $0x1, s23, s10, $0xb8;
	[tilespmem:$0xE080] =	vst v63  }
0x4d: {  	p0 =	sne.s32 s22, $0x30000;
	s22 =	sadd.s32 $0x80, s23  }
0x4e: {  	[spmem:s2] =	stream.indirect.scatter.add.f32 [tilespmem:s11], [sflag:$0x1], $0x1, s22, s10, $0xb8;
	[tilespmem:$0xE080] =	vst v63  }
0x4f: {  	s22 =	sadd.s32 $0x100, s23  }
0x50: {  	[spmem:s2] =	stream.indirect.scatter.add.f32 [tilespmem:s11], [sflag:$0x1], $0x1, s22, s10, $0xb8;
	[tilespmem:$0xE080] =	vst v63  }
0x51: {  	s22 =	sadd.s32 $0x180, s23  }
0x52: {  	[spmem:s2] =	stream.indirect.scatter.add.f32 [tilespmem:s11], [sflag:$0x1], $0x1, s22, s10, $0xb8;
	[tilespmem:$0xE080] =	vst v63  }
0x53: {  	s22 =	sadd.s32 $0x200, s23  }
0x54: {  	[spmem:s2] =	stream.indirect.scatter.add.f32 [tilespmem:s11], [sflag:$0x1], $0x1, s22, s10, $0xb8;
	[tilespmem:$0xE080] =	vst v63  }
0x55: {  	s22 =	sadd.s32 $0x280, s23  }
0x56: {  	[spmem:s2] =	stream.indirect.scatter.add.f32 [tilespmem:s11], [sflag:$0x1], $0x1, s22, s10, $0xb8;
	[tilespmem:$0xE080] =	vst v63  }
0x57: {  	s22 =	sadd.s32 $0x300, s23  }
0x58: {  	[spmem:s2] =	stream.indirect.scatter.add.f32 [tilespmem:s11], [sflag:$0x1], $0x1, s22, s10, $0xb8;
	[tilespmem:$0xE080] =	vst v63  }
0x59: {  	s22 =	sadd.s32 $0x380, s23  }
0x5a: {  	[spmem:s2] =	stream.indirect.scatter.add.f32 [tilespmem:s11], [sflag:$0x1], $0x1, s22, s10, $0xb8;
	[tilespmem:$0xE080] =	vst v63  }
0x5b: {  	_ =	swait.ge [sflag:s12], $0x80  }
0x5c: {  	[sflag:s12] =	ssyncset.done $0x0  }
0x5d: {  	[sflag:s12] =	ssyncadd.s32 $0xFFFFFF80  }
0x5e: {  	_ =	swait.ge [sflag:s12], $0x80  }
0x5f: {  	[sflag:s12] =	ssyncset.done $0x0  }
0x60: {  	[sflag:s12] =	ssyncadd.s32 $0xFFFFFF80  }
0x61: {  	_ =	swait.ge [sflag:s12], $0x80  }
0x62: {  	[sflag:s12] =	ssyncset.done $0x0  }
0x63: {  	[sflag:s12] =	ssyncadd.s32 $0xFFFFFF80  }
0x64: {  	_ =	swait.ge [sflag:s12], $0x80  }
0x65: {  	[sflag:s12] =	ssyncset.done $0x0  }
0x66: {  	[sflag:s12] =	ssyncadd.s32 $0xFFFFFF80  }
0x67: {  	_ =	swait.ge [sflag:s12], $0x80  }
0x68: {  	[sflag:s12] =	ssyncset.done $0x0  }
0x69: {  	[sflag:s12] =	ssyncadd.s32 $0xFFFFFF80  }
0x6a: {  	_ =	swait.ge [sflag:s12], $0x80  }
0x6b: {  	[sflag:s12] =	ssyncset.done $0x0  }
0x6c: {  	[sflag:s12] =	ssyncadd.s32 $0xFFFFFF80  }
.Ltmp1:
0x6d: {  	_ =	swait.ge [sflag:s12], $0x80;
	(pc) =	sbr.rel @p0 .LBB2_4-.Ltmp1, $4  }
0x6e: {  	[sflag:s12] =	ssyncset.done $0x0  }
0x6f: {  	[sflag:s12] =	ssyncadd.s32 $0xFFFFFF80  }
0x70: {  	_ =	swait.ge [sflag:s12], $0x80  }
0x71: {  	s22 =	smov.u32 s21;
	[sflag:s12] =	ssyncset.done $0x0  }
0x72: {  	s20 =	sshra.s32 s20, $0x2;
	[sflag:s12] =	ssyncadd.s32 $0xFFFFFF80  }
0x73: {  	[spmem:s2] =	stream.indirect.scatter.add.f32 [tilespmem:s11], [sflag:$0x1], $0x1, s20, s10, $0xb8;
	[tilespmem:$0xE080] =	vst v63  }
0x74: {  	s21 =	sadd.s32 $0x80, s20  }
0x75: {  	[spmem:s2] =	stream.indirect.scatter.add.f32 [tilespmem:s11], [sflag:$0x1], $0x1, s21, s10, $0xb8;
	[tilespmem:$0xE080] =	vst v63  }
0x76: {  	s26 =	sadd.s32 $0x100, s20  }
0x77: {  	[spmem:s2] =	stream.indirect.scatter.add.f32 [tilespmem:s11], [sflag:$0x1], $0x1, s26, s10, $0xb8;
	[tilespmem:$0xE080] =	vst v63  }
0x78: {  	s28 =	sadd.s32 $0x180, s20  }
0x79: {  	[spmem:s2] =	stream.indirect.scatter.add.f32 [tilespmem:s11], [sflag:$0x1], $0x1, s28, s10, $0xb8;
	[tilespmem:$0xE080] =	vst v63  }
0x7a: {  	s29 =	sadd.s32 $0x200, s20  }
0x7b: {  	[spmem:s2] =	stream.indirect.scatter.add.f32 [tilespmem:s11], [sflag:$0x1], $0x1, s29, s10, $0xb8;
	[tilespmem:$0xE080] =	vst v63  }
0x7c: {  	s30 =	sadd.s32 $0x280, s20  }
0x7d: {  	[spmem:s2] =	stream.indirect.scatter.add.f32 [tilespmem:s11], [sflag:$0x1], $0x1, s30, s10, $0xb8;
	[tilespmem:$0xE080] =	vst v63  }
0x7e: {  	s31 =	sadd.s32 $0x300, s20  }
0x7f: {  	[spmem:s2] =	stream.indirect.scatter.add.f32 [tilespmem:s11], [sflag:$0x1], $0x1, s31, s10, $0xb8;
	[tilespmem:$0xE080] =	vst v63  }
0x80: {  	s20 =	sadd.s32 $0x380, s20  }
0x81: {  	[spmem:s2] =	stream.indirect.scatter.add.f32 [tilespmem:s11], [sflag:$0x1], $0x1, s20, s10, $0xb8;
	[tilespmem:$0xE080] =	vst v63  }
0x82: {  	_ =	swait.ge [sflag:s12], $0x80  }
0x83: {  	[sflag:s12] =	ssyncset.done $0x0  }
0x84: {  	[sflag:s12] =	ssyncadd.s32 $0xFFFFFF80  }
0x85: {  	_ =	swait.ge [sflag:s12], $0x80  }
0x86: {  	[sflag:s12] =	ssyncset.done $0x0  }
0x87: {  	[sflag:s12] =	ssyncadd.s32 $0xFFFFFF80  }
0x88: {  	_ =	swait.ge [sflag:s12], $0x80  }
0x89: {  	[sflag:s12] =	ssyncset.done $0x0  }
0x8a: {  	[sflag:s12] =	ssyncadd.s32 $0xFFFFFF80  }
0x8b: {  	_ =	swait.ge [sflag:s12], $0x80  }
0x8c: {  	[sflag:s12] =	ssyncset.done $0x0  }
0x8d: {  	[sflag:s12] =	ssyncadd.s32 $0xFFFFFF80  }
0x8e: {  	_ =	swait.ge [sflag:s12], $0x80  }
0x8f: {  	[sflag:s12] =	ssyncset.done $0x0  }
0x90: {  	[sflag:s12] =	ssyncadd.s32 $0xFFFFFF80  }
0x91: {  	_ =	swait.ge [sflag:s12], $0x80  }
0x92: {  	[sflag:s12] =	ssyncset.done $0x0  }
0x93: {  	[sflag:s12] =	ssyncadd.s32 $0xFFFFFF80  }
0x94: {  	_ =	swait.ge [sflag:s12], $0x80  }
0x95: {  	[sflag:s12] =	ssyncset.done $0x0  }
0x96: {  	[sflag:s12] =	ssyncadd.s32 $0xFFFFFF80  }
0x97: {  	_ =	swait.ge [sflag:s12], $0x80  }
0x98: {  	[sflag:s12] =	ssyncset.done $0x0  }
0x99: {  	[sflag:s12] =	ssyncadd.s32 $0xFFFFFF80  }
0x9a: {  	[spmem:s2] =	stream.indirect.scatter.add.f32 [tilespmem:s11], [sflag:$0x1], $0x1, s13, s10, $0xb8;
	[tilespmem:$0xE080] =	vst v63  }
0x9b: {  	_ = 	snop  }
0x9c: {  	[spmem:s2] =	stream.indirect.scatter.add.f32 [tilespmem:s11], [sflag:$0x1], $0x1, s14, s10, $0xb8;
	[tilespmem:$0xE080] =	vst v63  }
0x9d: {  	_ = 	snop  }
0x9e: {  	[spmem:s2] =	stream.indirect.scatter.add.f32 [tilespmem:s11], [sflag:$0x1], $0x1, s15, s10, $0xb8;
	[tilespmem:$0xE080] =	vst v63  }
0x9f: {  	_ = 	snop  }
0xa0: {  	[spmem:s2] =	stream.indirect.scatter.add.f32 [tilespmem:s11], [sflag:$0x1], $0x1, s16, s10, $0xb8;
	[tilespmem:$0xE080] =	vst v63  }
0xa1: {  	_ =	swait.ge [sflag:s12], $0x80  }
0xa2: {  	[sflag:s12] =	ssyncset.done $0x0  }
0xa3: {  	[sflag:s12] =	ssyncadd.s32 $0xFFFFFF80  }
0xa4: {  	_ =	swait.ge [sflag:s12], $0x80  }
0xa5: {  	[sflag:s12] =	ssyncset.done $0x0  }
0xa6: {  	[sflag:s12] =	ssyncadd.s32 $0xFFFFFF80  }
0xa7: {  	_ =	swait.ge [sflag:s12], $0x80  }
0xa8: {  	[sflag:s12] =	ssyncset.done $0x0  }
0xa9: {  	[sflag:s12] =	ssyncadd.s32 $0xFFFFFF80  }
0xaa: {  	_ =	swait.ge [sflag:s12], $0x80  }
0xab: {  	s19 =	sadd.s32 $0x1, s19;
	[sflag:s12] =	ssyncset.done $0x0  }
0xac: {  	p0 =	sne.s32 s19, s7;
	[sflag:s12] =	ssyncadd.s32 $0xFFFFFF80  }
.Ltmp2:
0xad: {  	[bflag:$0x0] =	sbarrier.arrive $0xFFFF;
	(pc) =	sbr.rel @p0 .LBB2_1-.Ltmp2, $4  }
0xae: {  	[hbm:s6], [sflag:s17] =	dma.local [spmem:s18], $0x1A0  }
0xaf: {  	_ =	swait.ge [sflag:s8], $0x1A0  }
0xb0: {  	[sflag:s8] =	ssyncset.done $0x0  }
0xb1: {  	[sflag:s8] =	ssyncadd.s32 $0xFFFFFE60  }
0xb2: {  	_ =	sfence.sel $0x180000  }
0xb3: {  	[bflag:$0x0] =	sbarrier.arrive $0xFFFF  }
0xb4: {  	p0 =	sne.s32 s0, $0x0;
	_ =	strace $0x90000047  }
0xb5: {  	s0 =	sadd.s32 @!p0 $0x100000, s1;
	[bflag:$0x2] =	sbarrier.arrive $0xFFFF  }
0xb6: {  	[sflag:s0] =	ssyncadd.tile.s32 @!p0 $0x1;
	_ =	shalt  }
.Lfunc_end2:
_tile_overlayer_lowered:
.L_overlay_start_2:
0xb7: {  	(tag) =	ssettag $0x2  }
0xb8: {  	s0 =	rddreg [dreg:$0x0];
	s2 =	stileid.u32  }
0xb9: {  	s1 =	rddreg [dreg:$0x1];
	p0 =	sne.s32 s2, $0x0  }
0xba: {  	s3 =	rddreg [dreg:$0x2];
	[bflag:$0x3] =	sbarrier.arrive $0xFFFF;
	s2 =	simm.s32 @!p0 $0x1C02  }
0xbb: {  	[timem:s3], [sflag:s2] =	dma.local @!p0 [hbm:s0], s1  }
0xbc: {  	s0 =	simm.s32 @!p0 $0x2  }
0xbd: {  	_ =	swait.ge @!p0 [sflag:s0], s1  }
0xbe: {  	s1 =	ssub.s32 @!p0 $0x0, s1;
	[sflag:s0] =	ssyncset.done @!p0 $0x0  }
0xbf: {  	[sflag:s0] =	ssyncadd.s32 @!p0 s1  }
0xc0: {  	[bflag:$0x3] =	sbarrier.arrive $0xFFFF  }
0xc1: {  	_ =	shalt  }

// kernel: kernel.13.cloned.1.call-start
scs
__scs_entry_jumppad:
0x0: {  	(pc) =	sbr.rel $0x88, $3  }
0x1: {  	(tag) =	ssettag $0x0;
	lr =	simm.s32 $0x1  }
0x2: {  	[smem:$0x3F8E] =	sst lr;
	_ =	strace $0xD0000000  }
0x3: {  	_ = 	snop  }
0x4: {  	_ = 	snop  }
0x5: {  	_ = 	snop  }
0x6: {  	_ = 	snop  }
0x7: {  	_ = 	snop  }
__scs_overlays_trampoline_lowered:
0x8: {  	[smem:$0x3F9D] =	sst s0  }
0x9: {  	[smem:$0x3F9E] =	sst s1  }
0xa: {  	[smem:$0x3F9F] =	sst s2  }
0xb: {  	[smem:$0x3FA0] =	sst s3  }
0xc: {  	[smem:$0x3FA1] =	sst s4  }
0xd: {  	[smem:$0x3FA2] =	sst s5  }
0xe: {  	[smem:$0x3FA3] =	sst s6  }
0xf: {  	[smem:$0x3FA4] =	sst s7  }
0x10: {  	[smem:$0x3FA5] =	sst s8  }
0x11: {  	[smem:$0x3FA6] =	sst s9;
	s0 =	simm.s32 @!p0 $0x0  }
0x12: {  	s1 =	sld [smem:$0x3F8C];
	s0 =	simm.s32 @p0 $0x1  }
0x13: {  	[smem:$0x3FA7] =	sst s0;
	s0 =	simm.s32 @!p1 $0x0  }
0x14: {  	s2 =	sld [smem:$0x3F8B];
	s0 =	simm.s32 @p1 $0x1  }
0x15: {  	[smem:$0x3FA8] =	sst s0;
	s0 =	simm.s32 @!p2 $0x0  }
0x16: {  	s3 =	sld [smem:$0x3FDB];
	s0 =	simm.s32 @p2 $0x1  }
0x17: {  	s4 =	simm.s32 $0x1BF5;
	[smem:$0x3FAA] =	sst s0  }
0x18: {  	s0 =	sld [smem:$0x3F8D];
	_ =	swait.ge [sflag:s4], $0x0  }
0x19: {  	s7 =	sld [smem:$0x3F8E]  }
0x1a: {  	s8 =	sadd.s32 $0xFFFFE003, lr  }
0x1b: {  	s9 =	sadd.s32 $0xFFFFFEF7, lr;
	s5 =	simm.s32 $0xFFFFFFFF;
	p2 =	slt.u32 s8, $0xFFFFF086  }
0x1c: {  	p1 =	slt.u32 s9, $0xF7A;
	s5 =	simm.s32 @!p2 $0x0  }
0x1d: {  	s5 =	simm.s32 @p1 $0x1;
	p0 =	seq.s32 s7, s2  }
0x1e: {  	s7 =	smul.u32 @!p0 $0xF7A, s2;
	p2 =	seq.s32 @!p0 s5, $0x0  }
0x1f: {  	s9 =	smul.u32 $0xF7A, s1;
	s8 =	simm.s32 @!p0 $0x1BF5;
	p2 =	por !p2, p0  }
0x20: {  	[sflag:s8] =	ssyncset.s32 @!p0 $0xFFFFF086;
	s6 =	sadd.s32 @!p0 s3, s7;
	s7 =	simm.s32 @!p0 $0x108  }
0x21: {  	s3 =	sadd.s32 s3, s9;
	s6 =	sadd.s32 @!p0 $0x88, s6;
	s7 =	simm.s32 @p2 $0x1082  }
0x22: {  	[simem:s7], [sflag:s8] =	dma.local @!p0 [hbm:s6], $0xF7A  }
0x23: {  	s9 =	sor.u32 $0xD0000000, s2;
	s6 =	simm.s32 $0x108;
	_ =	swait.ge @!p0 [sflag:s8], $0x0  }
0x24: {  	s3 =	sadd.s32 $0x88, s3;
	s6 =	simm.s32 @!p1 $0x1082;
	[sflag:s4] =	ssyncset.s32 $0xFFFFF086  }
0x25: {  	[simem:s6], [sflag:s4] =	dma.local [hbm:s3], $0xF7A  }
0x26: {  	[smem:$0x3F8E] =	sst s1;
	(tag) =	ssettag s2;
	_ =	strace s9  }
0x27: {  	s1 =	sld [smem:$0x3F9E]  }
0x28: {  	s2 =	sld [smem:$0x3F9F]  }
0x29: {  	s4 =	sld [smem:$0x3FA1]  }
0x2a: {  	p0 =	seq.s32 s5, $0x0;
	s5 =	sld [smem:$0x3FA2]  }
0x2b: {  	s6 =	sld [smem:$0x3FA3]  }
0x2c: {  	s7 =	sld [smem:$0x3FA4]  }
0x2d: {  	s3 =	simm.s32 $0x108;
	s8 =	sld [smem:$0x3FA5]  }
0x2e: {  	s3 =	simm.s32 @!p0 $0x1082;
	s9 =	sld [smem:$0x3FA6]  }
0x2f: {  	lr =	sadd.s32 s0, s3;
	s0 =	sld [smem:$0x3F9D]  }
0x30: {  	s3 =	sld [smem:$0x3FA0]  }
0x31: {  	[smem:$0x3FA9] =	sst s10  }
0x32: {  	s10 =	sld [smem:$0x3FA7];
	_ =	sdelay $0x3  }
0x33: {  	p0 =	seq.s32 s10, $0x1;
	s10 =	sld [smem:$0x3FA9];
	_ =	sdelay $0x3  }
0x34: {  	[smem:$0x3FA9] =	sst s10  }
0x35: {  	s10 =	sld [smem:$0x3FA8];
	_ =	sdelay $0x3  }
0x36: {  	p1 =	seq.s32 s10, $0x1;
	s10 =	sld [smem:$0x3FA9];
	_ =	sdelay $0x3  }
0x37: {  	[smem:$0x3FA9] =	sst s10  }
0x38: {  	s10 =	sld [smem:$0x3FAA]  }
0x39: {  	_ = 	snop;
	(pc) =	sbr.ind lr, $3  }
0x3a: {  	_ = 	snop  }
0x3b: {  	_ = 	snop  }
0x3c: {  	p2 =	seq.s32 s10, $0x1;
	s10 =	sld [smem:$0x3FA9]  }
0x3d: {  	_ =	shalt  }
0x3e: {  	_ =	shalt  }
0x3f: {  	_ =	shalt  }
0x40: {  	_ =	shalt  }
0x41: {  	_ =	shalt  }
0x42: {  	_ =	shalt  }
0x43: {  	_ =	shalt  }
0x44: {  	_ =	shalt  }
0x45: {  	_ =	shalt  }
0x46: {  	_ =	shalt  }
0x47: {  	_ =	shalt  }
0x48: {  	_ =	shalt  }
0x49: {  	_ =	shalt  }
0x4a: {  	_ =	shalt  }
0x4b: {  	_ =	shalt  }
0x4c: {  	_ =	shalt  }
0x4d: {  	_ =	shalt  }
0x4e: {  	_ =	shalt  }
0x4f: {  	_ =	shalt  }
0x50: {  	_ =	shalt  }
0x51: {  	_ =	shalt  }
0x52: {  	_ =	shalt  }
0x53: {  	_ =	shalt  }
0x54: {  	_ =	shalt  }
0x55: {  	_ =	shalt  }
0x56: {  	_ =	shalt  }
0x57: {  	_ =	shalt  }
0x58: {  	_ =	shalt  }
0x59: {  	_ =	shalt  }
0x5a: {  	_ =	shalt  }
0x5b: {  	_ =	shalt  }
0x5c: {  	_ =	shalt  }
0x5d: {  	_ =	shalt  }
0x5e: {  	_ =	shalt  }
0x5f: {  	_ =	shalt  }
0x60: {  	_ =	shalt  }
0x61: {  	_ =	shalt  }
0x62: {  	_ =	shalt  }
0x63: {  	_ =	shalt  }
0x64: {  	_ =	shalt  }
0x65: {  	_ =	shalt  }
0x66: {  	_ =	shalt  }
0x67: {  	_ =	shalt  }
0x68: {  	_ =	shalt  }
0x69: {  	_ =	shalt  }
0x6a: {  	_ =	shalt  }
0x6b: {  	_ =	shalt  }
0x6c: {  	_ =	shalt  }
0x6d: {  	_ =	shalt  }
0x6e: {  	_ =	shalt  }
0x6f: {  	_ =	shalt  }
0x70: {  	_ =	shalt  }
0x71: {  	_ =	shalt  }
0x72: {  	_ =	shalt  }
0x73: {  	_ =	shalt  }
0x74: {  	_ =	shalt  }
0x75: {  	_ =	shalt  }
0x76: {  	_ =	shalt  }
0x77: {  	_ =	shalt  }
0x78: {  	_ =	shalt  }
0x79: {  	_ =	shalt  }
0x7a: {  	_ =	shalt  }
0x7b: {  	_ =	shalt  }
0x7c: {  	_ =	shalt  }
0x7d: {  	_ =	shalt  }
0x7e: {  	_ =	shalt  }
0x7f: {  	_ =	shalt  }
0x80: {  	_ =	shalt  }
0x81: {  	_ =	shalt  }
0x82: {  	_ =	shalt  }
0x83: {  	_ =	shalt  }
0x84: {  	_ =	shalt  }
0x85: {  	_ =	shalt  }
0x86: {  	_ =	shalt  }
0x87: {  	_ =	shalt  }
.Lfunc_end0:
.L_simem_size_0:
called_computation.1_lowered:
.L_overlay_start_0:
0x88: {  	s2 =	sld [smem:$0x3FD9]  }
0x89: {  	s3 =	sld [smem:$0x3FFE];
	_ =	sdelay $0x1  }
0x8a: {  	s1 =	srdreg.scid  }
0x8b: {  	s0 =	sand.u32 $0x1, s1  }
0x8c: {  	s16 =	sshll.u32 s0, $0xA;
	s2 =	sadd.s32 s3, s2  }
0x8d: {  	s2 =	sadd.s32 s2, s16  }
0x8e: {  	[smem:$0x3FB5] =	sst s2  }
0x8f: {  	_ = 	snop  }
0x90: {  	(tm) =	ssettm $0x1  }
0x91: {  	s17 =	sld [smem:$0x3FFB];
	_ =	sdelay $0x3  }
0x92: {  	_ =	strace s17  }
0x93: {  	s2 =	sld [smem:$0x3FFC];
	_ =	sdelay $0x3  }
0x94: {  	_ =	strace s2  }
0x95: {  	s2 =	sld [smem:$0x3FFD];
	_ =	sdelay $0x3  }
0x96: {  	_ =	strace s2  }
0x97: {  	_ =	strace $0x8FFFFFFF  }
0x98: {  	s18 =	sld [smem:$0x3FDB];
	_ =	sdelay $0x1  }
0x99: {  	s19 =	simm.s32 $_scs_section_size  }
0x9a: {  	s4 =	simm.s32 $_size__tile_overlayer_lowered;
	s5 =	simm.s32 $_tile_overlayer_lowered  }
0x9b: {  	s22 =	simm.s32 $0x1BFF;
	s21 =	sshll.u32 s5, $0x1;
	s2 =	sadd.s32 s19, s18  }
0x9c: {  	s6 =	simm.s32 $0x0;
	s20 =	sshll.u32 s4, $0x1;
	s4 =	sadd.s32 s21, s2  }
0x9d: {  	[timem:s6], [sflag:s22] =	dma.local [hbm:s4], s20  }
0x9e: {  	_ =	swait.ge [sflag:s22], s20  }
0x9f: {  	s3 =	ssub.s32 $0x0, s20;
	[sflag:s22] =	ssyncset.done $0x0  }
0xa0: {  	[sflag:s22] =	ssyncadd.s32 s3;
	_ =	sdelay $0x1  }
0xa1: {  	s23 =	simm.s32 $0x1B8B  }
0xa2: {  	_ =	swait.ge [sflag:s23], $0x1  }
0xa3: {  	[sflag:s23] =	ssyncset.done $0x0  }
0xa4: {  	s25 =	simm.s32 $0x1B8E;
	s24 =	sld [smem:$0x3FFE];
	[sflag:s23] =	ssyncadd.s32 $0xFFFFFFFF  }
0xa5: {  	s26 =	simm.s32 $execute0_lowered;
	[smem:$0x3FD2] =	sst s25  }
0xa6: {  	s4 =	sshll.u32 s26, $0x1;
	_ =	strace $0x80000049;
	[dreg:$0x1] =	wrdreg $0xFFFFFFFF  }
0xa7: {  	s28 =	simm.s32 $_size_execute0_lowered;
	s2 =	sadd.s32 s2, s4;
	[dreg:$0x0] =	wrdreg $0x0  }
0xa8: {  	s4 =	sshll.u32 s28, $0x1;
	[dreg:$0x2] =	wrdreg s2  }
0xa9: {  	[dreg:$0x3] =	wrdreg s4  }
0xaa: {  	[dreg:$0x4] =	wrdreg $0xC0  }
0xab: {  	_ =	task [dreg:s6], $0x5FFFF  }
0xac: {  	[dreg:$0x1] =	wrdreg $0xFFFFFFFF  }
0xad: {  	[dreg:$0x0] =	wrdreg $0x60  }
0xae: {  	[dreg:$0x2] =	wrdreg s24  }
0xaf: {  	[dreg:$0x3] =	wrdreg $0x118000  }
0xb0: {  	[dreg:$0x4] =	wrdreg $0x48000  }
0xb1: {  	[dreg:$0x5] =	wrdreg $0x9  }
0xb2: {  	_ =	task.clear_ibuf [dreg:s6], $0x6FFFF;
	_ =	strace $0x90000049  }
0xb3: {  	s29 =	simm.s32 $0x9;
	_ =	strace $0x8000004B  }
0xb4: {  	_ =	swait.ge [sflag:s29], $0x1  }
0xb5: {  	[sflag:s29] =	ssyncadd.s32 $0xFFFFFFFF  }
0xb6: {  	_ =	strace $0x9000004B  }
0xb7: {  	_ =	sfence  }
0xb8: {  	s30 =	sld [smem:$0x0];
	_ =	sdelay $0x2  }
0xb9: {  	s31 =	sshll.u32 s1, $0xD;
	s1 =	sshrl.u32 s1, $0x2  }
0xba: {  	s3 =	sand.u32 $0x4000, s31;
	s1 =	sadd.s32 s1, s30  }
0xbb: {  	s0 =	sor.u32 s3, s0;
	s1 =	sshll.u32 s1, $0x11  }
0xbc: {  	s0 =	sor.u32 s1, s0  }
0xbd: {  	s0 =	sadd.s32 $0x8F2B, s0  }
0xbe: {  	[sflag:s0] =	ssyncadd.remote.s32 $0x1  }
0xbf: {  	_ =	sfence.sel $0xFFFF  }
0xc0: {  	[dreg:$0x0] =	wrdreg $0xFFFFFFFF;
	(pc) =	sbr.abs _section_cstart, $3  }
0xc1: {  	[dreg:$0x1] =	wrdreg $0xFFFFFFFF  }
0xc2: {  	_ =	task.clear_ibuf [dreg:s6], $0x2FFFF;
	_ =	strace $0x9FFFFFFF  }
0xc3: {  	(tm) =	ssettm $0x7FFFFFFF  }
tec
execute0_lowered:
.L_overlay_start_1:
0x0: {  	(tag) =	ssettag $0x1  }
0x1: {  	s0 =	rddreg [dreg:$0x0]  }
0x2: {  	s2 =	rddreg [dreg:$0x1]  }
0x3: {  	s3 =	rddreg [dreg:$0x2];
	s4 =	simm.s32 $0x0  }
0x4: {  	s11 =	simm.s32 $0x100;
	[smem:$0x7FF] =	sst s4  }
0x5: {  	s13 =	simm.s32 $0x180;
	_ =	strace $0x8000004A;
	[dreg:$0x6] =	wrdreg s11  }
0x6: {  	s14 =	simm.s32 $0x200;
	[dreg:$0x7] =	wrdreg s13  }
0x7: {  	s15 =	simm.s32 $0x280;
	[dreg:$0x8] =	wrdreg s14  }
0x8: {  	s16 =	simm.s32 $0xC80;
	[dreg:$0x9] =	wrdreg s15  }
0x9: {  	s17 =	simm.s32 $0xD00;
	[dreg:$0xa] =	wrdreg s16  }
0xa: {  	s18 =	simm.s32 $0xD80;
	[dreg:$0xb] =	wrdreg s17  }
0xb: {  	s19 =	simm.s32 $0xE00;
	[dreg:$0xc] =	wrdreg s18  }
0xc: {  	s20 =	simm.s32 $0xE80;
	[dreg:$0xd] =	wrdreg s19  }
0xd: {  	s21 =	simm.s32 $0x300;
	[dreg:$0xe] =	wrdreg s20  }
0xe: {  	s8 =	simm.s32 $0x380;
	[dreg:$0xf] =	wrdreg s21  }
0xf: {  	s23 =	simm.s32 $0x400;
	[dreg:$0x10] =	wrdreg s8  }
0x10: {  	s24 =	simm.s32 $0x480;
	[dreg:$0x11] =	wrdreg s23  }
0x11: {  	s26 =	simm.s32 $0x500;
	[dreg:$0x12] =	wrdreg s24  }
0x12: {  	[dreg:$0x13] =	wrdreg s26;
	s11 =	simm.s32 $0x580  }
0x13: {  	s13 =	simm.s32 $0xF00;
	[dreg:$0x14] =	wrdreg s11  }
0x14: {  	s14 =	simm.s32 $0xF80;
	[dreg:$0x15] =	wrdreg s13  }
0x15: {  	s16 =	simm.s32 $0x1000;
	[dreg:$0x16] =	wrdreg s14  }
0x16: {  	s17 =	simm.s32 $0x1080;
	[dreg:$0x17] =	wrdreg s16  }
0x17: {  	s19 =	simm.s32 $0x1100;
	[dreg:$0x18] =	wrdreg s17  }
0x18: {  	s9 =	stileid.u32;
	s21 =	simm.s32 $0x1180;
	[dreg:$0x19] =	wrdreg s19  }
0x19: {  	s25 =	sshll.u32 s9, $0x6;
	s23 =	simm.s32 $0x600;
	[dreg:$0x1a] =	wrdreg s21  }
0x1a: {  	s10 =	sor.u32 $0x1C03, s25;
	s25 =	simm.s32 $0x680;
	[dreg:$0x1b] =	wrdreg s23  }
0x1b: {  	[dreg:$0x1c] =	wrdreg s25;
	s11 =	simm.s32 $0x700  }
0x1c: {  	s13 =	simm.s32 $0x780;
	[dreg:$0x1d] =	wrdreg s11  }
0x1d: {  	s17 =	simm.s32 $0x880;
	[dreg:$0x1e] =	wrdreg s13  }
0x1e: {  	s19 =	simm.s32 $0x1200;
	[smem:$0x7E2] =	sst s17  }
0x1f: {  	s1 =	smul.u32 $0x3180, s9;
	s21 =	simm.s32 $0x1280;
	[smem:$0x7E4] =	sst s19  }
0x20: {  	s23 =	simm.s32 $0x1300;
	[smem:$0x7E6] =	sst s21  }
0x21: {  	s1 =	sadd.s32 s1, s0;
	s25 =	simm.s32 $0x1380;
	[smem:$0x7E8] =	sst s23  }
0x22: {  	s5 =	sadd.s32 $0x3400, s1;
	[smem:$0x7EA] =	sst s25  }
0x23: {  	s7 =	smul.u32 $0xD000, s9;
	s1 =	sadd.s32 $0x34C00, s1;
	[dreg:$0x4] =	wrdreg s5  }
0x24: {  	s12 =	srdreg.scid;
	s11 =	simm.s32 $0x1400;
	[dreg:$0x5] =	wrdreg s1  }
0x25: {  	s5 =	sand.u32 $0x1, s12;
	s12 =	smul.u32 $0x34000, s9;
	s9 =	sadd.s32 s7, s3  }
0x26: {  	[smem:$0x7EC] =	sst s11;
	s6 =	smul.u32 $0xD0000, s5;
	s5 =	ssub.s32 $0x2, s5  }
0x27: {  	[smem:$0x7FD] =	sst s9;
	s22 =	sshrl.u32 s5, $0x1  }
0x28: {  	s15 =	sshrl.u32 s12, $0x2;
	s6 =	sadd.s32 s7, s6;
	s1 =	ssub.s32 s5, s22  }
0x29: {  	s5 =	sadd.s32 s7, s2;
	s7 =	sadd.s32 s15, s3;
	s15 =	simm.s32 $0x800  }
0x2a: {  	s18 =	sadd.s32 $0x800, s7;
	[dreg:$0x1f] =	wrdreg s15  }
0x2b: {  	s20 =	sadd.s32 $0x1000, s7;
	[smem:$0x7D9] =	sst s18  }
0x2c: {  	s22 =	sadd.s32 $0x1800, s7;
	[smem:$0x7DA] =	sst s20  }
0x2d: {  	s24 =	sadd.s32 $0x2000, s7;
	[smem:$0x7DB] =	sst s22  }
0x2e: {  	s26 =	sadd.s32 $0x2800, s7;
	[smem:$0x7DC] =	sst s24  }
0x2f: {  	s12 =	sadd.s32 $0x3000, s7;
	[smem:$0x7DD] =	sst s26  }
0x30: {  	s14 =	sadd.s32 $0x3800, s7;
	[smem:$0x7DE] =	sst s12  }
0x31: {  	s16 =	sadd.s32 $0x4000, s7;
	[smem:$0x7DF] =	sst s14  }
0x32: {  	s28 =	simm.s32 $0xB80;
	s13 =	sadd.s32 $0x7800, s7;
	[smem:$0x7E0] =	sst s16  }
0x33: {  	s29 =	simm.s32 $0x1500;
	s15 =	sadd.s32 $0x8800, s7;
	[smem:$0x7ED] =	sst s13  }
0x34: {  	s30 =	simm.s32 $0x1580;
	s17 =	sadd.s32 $0x9800, s7;
	[smem:$0x7EF] =	sst s15  }
0x35: {  	s31 =	simm.s32 $0x1600;
	s19 =	sadd.s32 $0xA800, s7;
	[smem:$0x7F1] =	sst s17  }
0x36: {  	s8 =	simm.s32 $0x0;
	s21 =	sadd.s32 $0xB800, s7;
	[smem:$0x7F3] =	sst s19  }
0x37: {  	s11 =	simm.s32 $0x1800;
	s23 =	sadd.s32 $0xC800, s7;
	[smem:$0x7F5] =	sst s21  }
0x38: {  	s6 =	sshrl.u32 s6, $0x3;
	s25 =	smax.u32 s1, $0x1;
	[smem:$0x7F7] =	sst s23  }
0x39: {  	s1 =	simm.s32 $0x1680;
	s18 =	sadd.s32 $0x4800, s7;
	[smem:$0x7FA] =	sst s25  }
0x3a: {  	s0 =	sadd.s32 s6, s0;
	s20 =	sadd.s32 $0x5000, s7;
	[smem:$0x7E1] =	sst s18  }
0x3b: {  	s22 =	sadd.s32 $0x5800, s7;
	s24 =	sadd.s32 $0x6000, s7;
	[smem:$0x7E3] =	sst s20  }
0x3c: {  	s26 =	sadd.s32 $0x6800, s7;
	s12 =	sadd.s32 $0x7000, s7;
	[smem:$0x7E5] =	sst s22  }
0x3d: {  	s14 =	sadd.s32 $0x8000, s7;
	s16 =	sadd.s32 $0x9000, s7;
	[smem:$0x7E7] =	sst s24  }
0x3e: {  	s13 =	simm.s32 $0x80;
	s15 =	simm.s32 $0x2800;
	[smem:$0x7E9] =	sst s26  }
0x3f: {  	s17 =	simm.s32 $0x3800;
	s19 =	simm.s32 $0x1;
	[smem:$0x7EB] =	sst s12  }
0x40: {  	s21 =	simm.s32 $0x1480;
	s23 =	simm.s32 $0x980;
	[smem:$0x7EE] =	sst s14  }
0x41: {  	s25 =	simm.s32 $0xA80;
	[smem:$0x7F0] =	sst s16;
	s18 =	sadd.s32 $0xA000, s7  }
0x42: {  	s20 =	sadd.s32 $0xB000, s7;
	s22 =	sadd.s32 $0xC000, s7;
	[smem:$0x7F2] =	sst s18  }
0x43: {  	s24 =	sadd.s32 $0x66400, s0;
	s0 =	sadd.s32 $0x9A400, s0;
	[smem:$0x7F4] =	sst s20  }
0x44: {  	s26 =	sshrl.u32 s5, $0x3;
	s5 =	smov.u32 s10;
	[smem:$0x7F6] =	sst s22  }
0x45: {  	s10 =	simm.s32 $0x3;
	s12 =	simm.s32 $0xC00;
	[smem:$0x7F8] =	sst s24  }
0x46: {  	s14 =	simm.s32 $0x2000;
	s16 =	simm.s32 $0x3000;
	[smem:$0x7F9] =	sst s0  }
0x47: {  	s7 =	simm.s32 $0x1780;
	[smem:$0x7FB] =	sst s26;
	s18 =	simm.s32 $0x4000  }
0x48: {  	s20 =	simm.s32 $0x2;
	s22 =	simm.s32 $0x900;
	s24 =	simm.s32 $0xA00  }
0x49: {  	v0 =	vimm.f32 $0.0e+00;
	s26 =	simm.s32 $0xB00;
	s0 =	simm.s32 $0x1700;
	[smem:$0x7FC] =	sst s5  }
.LBB2_1:
0x4a: {  	[smem:$0x7D8] =	sst s8  }
0x4b: {  	s6 =	sld [smem:$0x7F8]  }
0x4c: {  	s8 =	sld [smem:$0x7FB];
	_ =	sdelay $0x2  }
0x4d: {  	[spmem:s8], [sflag:s5] =	dma.local [hbm:s6], $0x1A00  }
0x4e: {  	_ =	swait.ge [sflag:s10], $0x1A00  }
0x4f: {  	[sflag:s10] =	ssyncset.done $0x0  }
0x50: {  	[sflag:s10] =	ssyncadd.s32 $0xFFFFE600  }
0x51: {  	[tilespmem:$0x1800] =	vst v0  }
0x52: {  	[tilespmem:$0x1810] =	vst v0  }
0x53: {  	[tilespmem:$0x1820] =	vst v0  }
0x54: {  	[tilespmem:$0x1830] =	vst v0  }
0x55: {  	[tilespmem:$0x1840] =	vst v0  }
0x56: {  	[tilespmem:$0x1850] =	vst v0  }
0x57: {  	[tilespmem:$0x1860] =	vst v0  }
0x58: {  	[tilespmem:$0x1870] =	vst v0  }
0x59: {  	[tilespmem:$0x1880] =	vst v0  }
0x5a: {  	[tilespmem:$0x1890] =	vst v0  }
0x5b: {  	[tilespmem:$0x18A0] =	vst v0  }
0x5c: {  	[tilespmem:$0x18B0] =	vst v0  }
0x5d: {  	[tilespmem:$0x18C0] =	vst v0  }
0x5e: {  	[tilespmem:$0x18D0] =	vst v0  }
0x5f: {  	[tilespmem:$0x18E0] =	vst v0  }
0x60: {  	[tilespmem:$0x18F0] =	vst v0  }
0x61: {  	[tilespmem:$0x1900] =	vst v0  }
0x62: {  	[tilespmem:$0x1910] =	vst v0  }
0x63: {  	[tilespmem:$0x1920] =	vst v0  }
0x64: {  	[tilespmem:$0x1930] =	vst v0  }
0x65: {  	[tilespmem:$0x1940] =	vst v0  }
0x66: {  	[tilespmem:$0x1950] =	vst v0  }
0x67: {  	[tilespmem:$0x1960] =	vst v0  }
0x68: {  	[tilespmem:$0x1970] =	vst v0  }
0x69: {  	[tilespmem:$0x1980] =	vst v0  }
0x6a: {  	[tilespmem:$0x1990] =	vst v0  }
0x6b: {  	[tilespmem:$0x19A0] =	vst v0  }
0x6c: {  	[tilespmem:$0x19B0] =	vst v0  }
0x6d: {  	[tilespmem:$0x19C0] =	vst v0  }
0x6e: {  	[tilespmem:$0x19D0] =	vst v0  }
0x6f: {  	[tilespmem:$0x19E0] =	vst v0  }
0x70: {  	[tilespmem:$0x19F0] =	vst v0  }
0x71: {  	[tilespmem:$0x1A00] =	vst v0  }
0x72: {  	[tilespmem:$0x1A10] =	vst v0  }
0x73: {  	[tilespmem:$0x1A20] =	vst v0  }
0x74: {  	[tilespmem:$0x1A30] =	vst v0  }
0x75: {  	[tilespmem:$0x1A40] =	vst v0  }
0x76: {  	[tilespmem:$0x1A50] =	vst v0  }
0x77: {  	[tilespmem:$0x1A60] =	vst v0  }
0x78: {  	[tilespmem:$0x1A70] =	vst v0  }
0x79: {  	[tilespmem:$0x1A80] =	vst v0  }
0x7a: {  	[tilespmem:$0x1A90] =	vst v0  }
0x7b: {  	[tilespmem:$0x1AA0] =	vst v0  }
0x7c: {  	[tilespmem:$0x1AB0] =	vst v0  }
0x7d: {  	[tilespmem:$0x1AC0] =	vst v0  }
0x7e: {  	[tilespmem:$0x1AD0] =	vst v0  }
0x7f: {  	[tilespmem:$0x1AE0] =	vst v0  }
0x80: {  	[tilespmem:$0x1AF0] =	vst v0  }
0x81: {  	[tilespmem:$0x1B00] =	vst v0  }
0x82: {  	[tilespmem:$0x1B10] =	vst v0  }
0x83: {  	[tilespmem:$0x1B20] =	vst v0  }
0x84: {  	[tilespmem:$0x1B30] =	vst v0  }
0x85: {  	[tilespmem:$0x1B40] =	vst v0  }
0x86: {  	[tilespmem:$0x1B50] =	vst v0  }
0x87: {  	[tilespmem:$0x1B60] =	vst v0  }
0x88: {  	[tilespmem:$0x1B70] =	vst v0  }
0x89: {  	[tilespmem:$0x1B80] =	vst v0  }
0x8a: {  	[tilespmem:$0x1B90] =	vst v0  }
0x8b: {  	[tilespmem:$0x1BA0] =	vst v0  }
0x8c: {  	[tilespmem:$0x1BB0] =	vst v0  }
0x8d: {  	[tilespmem:$0x1BC0] =	vst v0  }
0x8e: {  	[tilespmem:$0x1BD0] =	vst v0  }
0x8f: {  	[tilespmem:$0x1BE0] =	vst v0  }
0x90: {  	[tilespmem:$0x1BF0] =	vst v0  }
0x91: {  	[tilespmem:$0x1C00] =	vst v0  }
0x92: {  	[tilespmem:$0x1C10] =	vst v0  }
0x93: {  	[tilespmem:$0x1C20] =	vst v0  }
0x94: {  	[tilespmem:$0x1C30] =	vst v0  }
0x95: {  	[tilespmem:$0x1C40] =	vst v0  }
0x96: {  	[tilespmem:$0x1C50] =	vst v0  }
0x97: {  	[tilespmem:$0x1C60] =	vst v0  }
0x98: {  	[tilespmem:$0x1C70] =	vst v0  }
0x99: {  	[tilespmem:$0x1C80] =	vst v0  }
0x9a: {  	[tilespmem:$0x1C90] =	vst v0  }
0x9b: {  	[tilespmem:$0x1CA0] =	vst v0  }
0x9c: {  	[tilespmem:$0x1CB0] =	vst v0  }
0x9d: {  	[tilespmem:$0x1CC0] =	vst v0  }
0x9e: {  	[tilespmem:$0x1CD0] =	vst v0  }
0x9f: {  	[tilespmem:$0x1CE0] =	vst v0  }
0xa0: {  	[tilespmem:$0x1CF0] =	vst v0  }
0xa1: {  	[tilespmem:$0x1D00] =	vst v0  }
0xa2: {  	[tilespmem:$0x1D10] =	vst v0  }
0xa3: {  	[tilespmem:$0x1D20] =	vst v0  }
0xa4: {  	[tilespmem:$0x1D30] =	vst v0  }
0xa5: {  	[tilespmem:$0x1D40] =	vst v0  }
0xa6: {  	[tilespmem:$0x1D50] =	vst v0  }
0xa7: {  	[tilespmem:$0x1D60] =	vst v0  }
0xa8: {  	[tilespmem:$0x1D70] =	vst v0  }
0xa9: {  	[tilespmem:$0x1D80] =	vst v0  }
0xaa: {  	[tilespmem:$0x1D90] =	vst v0  }
0xab: {  	[tilespmem:$0x1DA0] =	vst v0  }
0xac: {  	[tilespmem:$0x1DB0] =	vst v0  }
0xad: {  	[tilespmem:$0x1DC0] =	vst v0  }
0xae: {  	[tilespmem:$0x1DD0] =	vst v0  }
0xaf: {  	[tilespmem:$0x1DE0] =	vst v0  }
0xb0: {  	[tilespmem:$0x1DF0] =	vst v0  }
0xb1: {  	[tilespmem:$0x1E00] =	vst v0  }
0xb2: {  	[tilespmem:$0x1E10] =	vst v0  }
0xb3: {  	[tilespmem:$0x1E20] =	vst v0  }
0xb4: {  	[tilespmem:$0x1E30] =	vst v0  }
0xb5: {  	[tilespmem:$0x1E40] =	vst v0  }
0xb6: {  	[tilespmem:$0x1E50] =	vst v0  }
0xb7: {  	[tilespmem:$0x1E60] =	vst v0  }
0xb8: {  	[tilespmem:$0x1E70] =	vst v0  }
0xb9: {  	[tilespmem:$0x1E80] =	vst v0  }
0xba: {  	[tilespmem:$0x1E90] =	vst v0  }
0xbb: {  	[tilespmem:$0x1EA0] =	vst v0  }
0xbc: {  	[tilespmem:$0x1EB0] =	vst v0  }
0xbd: {  	[tilespmem:$0x1EC0] =	vst v0  }
0xbe: {  	[tilespmem:$0x1ED0] =	vst v0  }
0xbf: {  	[tilespmem:$0x1EE0] =	vst v0  }
0xc0: {  	[tilespmem:$0x1EF0] =	vst v0  }
0xc1: {  	[tilespmem:$0x1F00] =	vst v0  }
0xc2: {  	[tilespmem:$0x1F10] =	vst v0  }
0xc3: {  	[tilespmem:$0x1F20] =	vst v0  }
0xc4: {  	[tilespmem:$0x1F30] =	vst v0  }
0xc5: {  	[tilespmem:$0x1F40] =	vst v0  }
0xc6: {  	[tilespmem:$0x1F50] =	vst v0  }
0xc7: {  	[tilespmem:$0x1F60] =	vst v0  }
0xc8: {  	[tilespmem:$0x1F70] =	vst v0  }
0xc9: {  	[tilespmem:$0x1F80] =	vst v0  }
0xca: {  	[tilespmem:$0x1F90] =	vst v0  }
0xcb: {  	[tilespmem:$0x1FA0] =	vst v0  }
0xcc: {  	[tilespmem:$0x1FB0] =	vst v0  }
0xcd: {  	[tilespmem:$0x1FC0] =	vst v0  }
0xce: {  	[tilespmem:$0x1FD0] =	vst v0  }
0xcf: {  	[tilespmem:$0x1FE0] =	vst v0  }
0xd0: {  	[tilespmem:$0x1FF0] =	vst v0  }
0xd1: {  	[spmem:s9] =	stream.linear.scatter [tilespmem:s11], [sflag:$0x3], $0x800, $0x38;
	[tilespmem:$0x1E800] =	vst v63  }
0xd2: {  	_ =	swait.ge [sflag:s10], $0x800  }
0xd3: {  	s8 =	sld [smem:$0x7D9]  }
0xd4: {  	[sflag:s10] =	ssyncset.done $0x0  }
0xd5: {  	[sflag:s10] =	ssyncadd.s32 $0xFFFFF800  }
0xd6: {  	[spmem:s8] =	stream.linear.scatter [tilespmem:s11], [sflag:$0x3], $0x800, $0x38;
	[tilespmem:$0x1E800] =	vst v63  }
0xd7: {  	_ =	swait.ge [sflag:s10], $0x800  }
0xd8: {  	s9 =	sld [smem:$0x7DA]  }
0xd9: {  	[sflag:s10] =	ssyncset.done $0x0  }
0xda: {  	[sflag:s10] =	ssyncadd.s32 $0xFFFFF800  }
0xdb: {  	[spmem:s9] =	stream.linear.scatter [tilespmem:s11], [sflag:$0x3], $0x800, $0x38;
	[tilespmem:$0x1E800] =	vst v63  }
0xdc: {  	_ =	swait.ge [sflag:s10], $0x800  }
0xdd: {  	s6 =	sld [smem:$0x7DB]  }
0xde: {  	[sflag:s10] =	ssyncset.done $0x0  }
0xdf: {  	[sflag:s10] =	ssyncadd.s32 $0xFFFFF800  }
0xe0: {  	[spmem:s6] =	stream.linear.scatter [tilespmem:s11], [sflag:$0x3], $0x800, $0x38;
	[tilespmem:$0x1E800] =	vst v63  }
0xe1: {  	_ =	swait.ge [sflag:s10], $0x800  }
0xe2: {  	s8 =	sld [smem:$0x7DC]  }
0xe3: {  	[sflag:s10] =	ssyncset.done $0x0  }
0xe4: {  	[sflag:s10] =	ssyncadd.s32 $0xFFFFF800  }
0xe5: {  	[spmem:s8] =	stream.linear.scatter [tilespmem:s11], [sflag:$0x3], $0x800, $0x38;
	[tilespmem:$0x1E800] =	vst v63  }
0xe6: {  	_ =	swait.ge [sflag:s10], $0x800  }
0xe7: {  	s9 =	sld [smem:$0x7DD]  }
0xe8: {  	[sflag:s10] =	ssyncset.done $0x0  }
0xe9: {  	[sflag:s10] =	ssyncadd.s32 $0xFFFFF800  }
0xea: {  	[spmem:s9] =	stream.linear.scatter [tilespmem:s11], [sflag:$0x3], $0x800, $0x38;
	[tilespmem:$0x1E800] =	vst v63  }
0xeb: {  	_ =	swait.ge [sflag:s10], $0x800  }
0xec: {  	s6 =	sld [smem:$0x7DE]  }
0xed: {  	[sflag:s10] =	ssyncset.done $0x0  }
0xee: {  	[sflag:s10] =	ssyncadd.s32 $0xFFFFF800  }
0xef: {  	[spmem:s6] =	stream.linear.scatter [tilespmem:s11], [sflag:$0x3], $0x800, $0x38;
	[tilespmem:$0x1E800] =	vst v63  }
0xf0: {  	_ =	swait.ge [sflag:s10], $0x800  }
0xf1: {  	s8 =	sld [smem:$0x7DF]  }
0xf2: {  	[sflag:s10] =	ssyncset.done $0x0  }
0xf3: {  	[sflag:s10] =	ssyncadd.s32 $0xFFFFF800  }
0xf4: {  	[spmem:s8] =	stream.linear.scatter [tilespmem:s11], [sflag:$0x3], $0x800, $0x38;
	[tilespmem:$0x1E800] =	vst v63  }
0xf5: {  	_ =	swait.ge [sflag:s10], $0x800  }
0xf6: {  	s9 =	sld [smem:$0x7E0]  }
0xf7: {  	[sflag:s10] =	ssyncset.done $0x0  }
0xf8: {  	[sflag:s10] =	ssyncadd.s32 $0xFFFFF800  }
0xf9: {  	[spmem:s9] =	stream.linear.scatter [tilespmem:s11], [sflag:$0x3], $0x800, $0x38;
	[tilespmem:$0x1E800] =	vst v63  }
0xfa: {  	_ =	swait.ge [sflag:s10], $0x800  }
0xfb: {  	s6 =	sld [smem:$0x7E1]  }
0xfc: {  	[sflag:s10] =	ssyncset.done $0x0  }
0xfd: {  	[sflag:s10] =	ssyncadd.s32 $0xFFFFF800  }
0xfe: {  	[spmem:s6] =	stream.linear.scatter [tilespmem:s11], [sflag:$0x3], $0x800, $0x38;
	[tilespmem:$0x1E800] =	vst v63  }
0xff: {  	_ =	swait.ge [sflag:s10], $0x800  }
0x100: {  	s8 =	sld [smem:$0x7E3]  }
0x101: {  	[sflag:s10] =	ssyncset.done $0x0  }
0x102: {  	[sflag:s10] =	ssyncadd.s32 $0xFFFFF800  }
0x103: {  	[spmem:s8] =	stream.linear.scatter [tilespmem:s11], [sflag:$0x3], $0x800, $0x38;
	[tilespmem:$0x1E800] =	vst v63  }
0x104: {  	_ =	swait.ge [sflag:s10], $0x800  }
0x105: {  	s9 =	sld [smem:$0x7E5]  }
0x106: {  	[sflag:s10] =	ssyncset.done $0x0  }
0x107: {  	[sflag:s10] =	ssyncadd.s32 $0xFFFFF800  }
0x108: {  	[spmem:s9] =	stream.linear.scatter [tilespmem:s11], [sflag:$0x3], $0x800, $0x38;
	[tilespmem:$0x1E800] =	vst v63  }
0x109: {  	_ =	swait.ge [sflag:s10], $0x800  }
0x10a: {  	s6 =	sld [smem:$0x7E7]  }
0x10b: {  	[sflag:s10] =	ssyncset.done $0x0  }
0x10c: {  	[sflag:s10] =	ssyncadd.s32 $0xFFFFF800  }
0x10d: {  	[spmem:s6] =	stream.linear.scatter [tilespmem:s11], [sflag:$0x3], $0x800, $0x38;
	[tilespmem:$0x1E800] =	vst v63  }
0x10e: {  	_ =	swait.ge [sflag:s10], $0x800  }
0x10f: {  	s8 =	sld [smem:$0x7E9]  }
0x110: {  	[sflag:s10] =	ssyncset.done $0x0  }
0x111: {  	[sflag:s10] =	ssyncadd.s32 $0xFFFFF800  }
0x112: {  	[spmem:s8] =	stream.linear.scatter [tilespmem:s11], [sflag:$0x3], $0x800, $0x38;
	[tilespmem:$0x1E800] =	vst v63  }
0x113: {  	_ =	swait.ge [sflag:s10], $0x800  }
0x114: {  	s9 =	sld [smem:$0x7EB]  }
0x115: {  	[sflag:s10] =	ssyncset.done $0x0  }
0x116: {  	[sflag:s10] =	ssyncadd.s32 $0xFFFFF800  }
0x117: {  	[spmem:s9] =	stream.linear.scatter [tilespmem:s11], [sflag:$0x3], $0x800, $0x38;
	[tilespmem:$0x1E800] =	vst v63  }
0x118: {  	_ =	swait.ge [sflag:s10], $0x800  }
0x119: {  	s6 =	sld [smem:$0x7ED]  }
0x11a: {  	[sflag:s10] =	ssyncset.done $0x0  }
0x11b: {  	[sflag:s10] =	ssyncadd.s32 $0xFFFFF800  }
0x11c: {  	[spmem:s6] =	stream.linear.scatter [tilespmem:s11], [sflag:$0x3], $0x800, $0x38;
	[tilespmem:$0x1E800] =	vst v63  }
0x11d: {  	_ =	swait.ge [sflag:s10], $0x800  }
0x11e: {  	s8 =	sld [smem:$0x7EE]  }
0x11f: {  	[sflag:s10] =	ssyncset.done $0x0  }
0x120: {  	[sflag:s10] =	ssyncadd.s32 $0xFFFFF800  }
0x121: {  	[spmem:s8] =	stream.linear.scatter [tilespmem:s11], [sflag:$0x3], $0x800, $0x38;
	[tilespmem:$0x1E800] =	vst v63  }
0x122: {  	_ =	swait.ge [sflag:s10], $0x800  }
0x123: {  	s9 =	sld [smem:$0x7EF]  }
0x124: {  	[sflag:s10] =	ssyncset.done $0x0  }
0x125: {  	[sflag:s10] =	ssyncadd.s32 $0xFFFFF800  }
0x126: {  	[spmem:s9] =	stream.linear.scatter [tilespmem:s11], [sflag:$0x3], $0x800, $0x38;
	[tilespmem:$0x1E800] =	vst v63  }
0x127: {  	_ =	swait.ge [sflag:s10], $0x800  }
0x128: {  	s6 =	sld [smem:$0x7F0]  }
0x129: {  	[sflag:s10] =	ssyncset.done $0x0  }
0x12a: {  	[sflag:s10] =	ssyncadd.s32 $0xFFFFF800  }
0x12b: {  	[spmem:s6] =	stream.linear.scatter [tilespmem:s11], [sflag:$0x3], $0x800, $0x38;
	[tilespmem:$0x1E800] =	vst v63  }
0x12c: {  	_ =	swait.ge [sflag:s10], $0x800  }
0x12d: {  	s8 =	sld [smem:$0x7F1]  }
0x12e: {  	[sflag:s10] =	ssyncset.done $0x0  }
0x12f: {  	[sflag:s10] =	ssyncadd.s32 $0xFFFFF800  }
0x130: {  	[spmem:s8] =	stream.linear.scatter [tilespmem:s11], [sflag:$0x3], $0x800, $0x38;
	[tilespmem:$0x1E800] =	vst v63  }
0x131: {  	_ =	swait.ge [sflag:s10], $0x800  }
0x132: {  	s9 =	sld [smem:$0x7F2]  }
0x133: {  	[sflag:s10] =	ssyncset.done $0x0  }
0x134: {  	[sflag:s10] =	ssyncadd.s32 $0xFFFFF800  }
0x135: {  	[spmem:s9] =	stream.linear.scatter [tilespmem:s11], [sflag:$0x3], $0x800, $0x38;
	[tilespmem:$0x1E800] =	vst v63  }
0x136: {  	_ =	swait.ge [sflag:s10], $0x800  }
0x137: {  	s6 =	sld [smem:$0x7F3]  }
0x138: {  	[sflag:s10] =	ssyncset.done $0x0  }
0x139: {  	[sflag:s10] =	ssyncadd.s32 $0xFFFFF800  }
0x13a: {  	[spmem:s6] =	stream.linear.scatter [tilespmem:s11], [sflag:$0x3], $0x800, $0x38;
	[tilespmem:$0x1E800] =	vst v63  }
0x13b: {  	_ =	swait.ge [sflag:s10], $0x800  }
0x13c: {  	s8 =	sld [smem:$0x7F4]  }
0x13d: {  	[sflag:s10] =	ssyncset.done $0x0  }
0x13e: {  	[sflag:s10] =	ssyncadd.s32 $0xFFFFF800  }
0x13f: {  	[spmem:s8] =	stream.linear.scatter [tilespmem:s11], [sflag:$0x3], $0x800, $0x38;
	[tilespmem:$0x1E800] =	vst v63  }
0x140: {  	_ =	swait.ge [sflag:s10], $0x800  }
0x141: {  	s9 =	sld [smem:$0x7F5]  }
0x142: {  	[sflag:s10] =	ssyncset.done $0x0  }
0x143: {  	[sflag:s10] =	ssyncadd.s32 $0xFFFFF800  }
0x144: {  	[spmem:s9] =	stream.linear.scatter [tilespmem:s11], [sflag:$0x3], $0x800, $0x38;
	[tilespmem:$0x1E800] =	vst v63  }
0x145: {  	_ =	swait.ge [sflag:s10], $0x800  }
0x146: {  	s6 =	sld [smem:$0x7F6]  }
0x147: {  	[sflag:s10] =	ssyncset.done $0x0  }
0x148: {  	[sflag:s10] =	ssyncadd.s32 $0xFFFFF800  }
0x149: {  	[spmem:s6] =	stream.linear.scatter [tilespmem:s11], [sflag:$0x3], $0x800, $0x38;
	[tilespmem:$0x1E800] =	vst v63  }
0x14a: {  	_ =	swait.ge [sflag:s10], $0x800  }
0x14b: {  	s8 =	sld [smem:$0x7F7]  }
0x14c: {  	[sflag:s10] =	ssyncset.done $0x0  }
0x14d: {  	[sflag:s10] =	ssyncadd.s32 $0xFFFFF800  }
0x14e: {  	[spmem:s8] =	stream.linear.scatter [tilespmem:s11], [sflag:$0x3], $0x800, $0x38;
	[tilespmem:$0x1E800] =	vst v63  }
0x14f: {  	_ =	swait.ge [sflag:s10], $0x800  }
0x150: {  	[sflag:s10] =	ssyncset.done $0x0  }
0x151: {  	[sflag:s10] =	ssyncadd.s32 $0xFFFFF800  }
0x152: {  	[bflag:$0x0] =	sbarrier.arrive $0xFFFF  }
0x153: {  	s9 =	rddreg [dreg:$0x5]  }
0x154: {  	s5 =	sadd.s32 $0x0, s9  }
0x155: {  	[tilespmem:s4], [sflag:$0x3] =	stream.linear.gather [hbm4b:s5+s4], $0xC00, $0x38;
	[tilespmem:$0x1E800] =	vst v63  }
0x156: {  	_ =	swait.ge [sflag:s10], $0xC00  }
0x157: {  	s6 =	rddreg [dreg:$0x4];
	[sflag:s10] =	ssyncset.done $0x0  }
0x158: {  	[sflag:s10] =	ssyncadd.s32 $0xFFFFF400;
	s5 =	sadd.s32 $0x0, s6  }
0x159: {  	[tilespmem:s12], [sflag:$0x3] =	stream.linear.gather [hbm4b:s5+s4], $0xC00, $0x38;
	[tilespmem:$0x1E800] =	vst v63  }
0x15a: {  	_ =	swait.ge [sflag:s10], $0xC00  }
0x15b: {  	[sflag:s10] =	ssyncset.done $0x0  }
0x15c: {  	[sflag:s10] =	ssyncadd.s32 $0xFFFFF400  }
0x15d: {  	[tilespmem:s11], [sflag:$0x1] =	stream.indirect.gather [spmem:s2], $0x10, s4, s13, $0xb8;
	[tilespmem:$0x1E800] =	vst v63  }
0x15e: {  	_ = 	snop  }
0x15f: {  	[tilespmem:s14], [sflag:$0x1] =	stream.indirect.gather [spmem:s2], $0x10, s13, s13, $0xb8;
	[tilespmem:$0x1E800] =	vst v63  }
0x160: {  	s8 =	rddreg [dreg:$0x6]  }
0x161: {  	[tilespmem:s15], [sflag:$0x1] =	stream.indirect.gather [spmem:s2], $0x10, s8, s13, $0xb8;
	[tilespmem:$0x1E800] =	vst v63  }
0x162: {  	s9 =	rddreg [dreg:$0x7]  }
0x163: {  	[tilespmem:s16], [sflag:$0x1] =	stream.indirect.gather [spmem:s2], $0x10, s9, s13, $0xb8;
	[tilespmem:$0x1E800] =	vst v63  }
0x164: {  	s8 =	rddreg [dreg:$0x8]  }
0x165: {  	[tilespmem:s17], [sflag:$0x1] =	stream.indirect.gather [spmem:s2], $0x10, s8, s13, $0xb8;
	[tilespmem:$0x1E800] =	vst v63  }
0x166: {  	s9 =	rddreg [dreg:$0x9]  }
0x167: {  	[tilespmem:s18], [sflag:$0x1] =	stream.indirect.gather [spmem:s2], $0x10, s9, s13, $0xb8;
	[tilespmem:$0x1E800] =	vst v63  }
0x168: {  	_ =	swait.ge [sflag:s19], $0x800  }
0x169: {  	[sflag:s19] =	ssyncset.done $0x0  }
0x16a: {  	[sflag:s19] =	ssyncadd.s32 $0xFFFFF800  }
0x16b: {  	_ =	swait.ge [sflag:s19], $0x800  }
0x16c: {  	[sflag:s19] =	ssyncset.done $0x0  }
0x16d: {  	[sflag:s19] =	ssyncadd.s32 $0xFFFFF800  }
0x16e: {  	_ =	swait.ge [sflag:s19], $0x800  }
0x16f: {  	[sflag:s19] =	ssyncset.done $0x0  }
0x170: {  	[sflag:s19] =	ssyncadd.s32 $0xFFFFF800  }
0x171: {  	_ =	swait.ge [sflag:s19], $0x800  }
0x172: {  	[sflag:s19] =	ssyncset.done $0x0  }
0x173: {  	[sflag:s19] =	ssyncadd.s32 $0xFFFFF800  }
0x174: {  	_ =	swait.ge [sflag:s19], $0x800  }
0x175: {  	[sflag:s19] =	ssyncset.done $0x0  }
0x176: {  	[sflag:s19] =	ssyncadd.s32 $0xFFFFF800  }
0x177: {  	_ =	swait.ge [sflag:s19], $0x800  }
0x178: {  	[sflag:s19] =	ssyncset.done $0x0  }
0x179: {  	[sflag:s19] =	ssyncadd.s32 $0xFFFFF800  }
0x17a: {  	[spmem:s3] =	stream.indirect.scatter.add.f32 [tilespmem:s11], [sflag:$0x2], $0x10, s12, s13, $0xb8;
	[tilespmem:$0x1E800] =	vst v63  }
0x17b: {  	s6 =	rddreg [dreg:$0xa]  }
0x17c: {  	[spmem:s3] =	stream.indirect.scatter.add.f32 [tilespmem:s14], [sflag:$0x2], $0x10, s6, s13, $0xb8;
	[tilespmem:$0x1E800] =	vst v63  }
0x17d: {  	s8 =	rddreg [dreg:$0xb]  }
0x17e: {  	[spmem:s3] =	stream.indirect.scatter.add.f32 [tilespmem:s15], [sflag:$0x2], $0x10, s8, s13, $0xb8;
	[tilespmem:$0x1E800] =	vst v63  }
0x17f: {  	s9 =	rddreg [dreg:$0xc]  }
0x180: {  	[spmem:s3] =	stream.indirect.scatter.add.f32 [tilespmem:s16], [sflag:$0x2], $0x10, s9, s13, $0xb8;
	[tilespmem:$0x1E800] =	vst v63  }
0x181: {  	s8 =	rddreg [dreg:$0xd]  }
0x182: {  	[spmem:s3] =	stream.indirect.scatter.add.f32 [tilespmem:s17], [sflag:$0x2], $0x10, s8, s13, $0xb8;
	[tilespmem:$0x1E800] =	vst v63  }
0x183: {  	s9 =	rddreg [dreg:$0xe]  }
0x184: {  	[spmem:s3] =	stream.indirect.scatter.add.f32 [tilespmem:s18], [sflag:$0x2], $0x10, s9, s13, $0xb8;
	[tilespmem:$0x1E800] =	vst v63  }
0x185: {  	_ =	swait.ge [sflag:s20], $0x800  }
0x186: {  	[sflag:s20] =	ssyncset.done $0x0  }
0x187: {  	[sflag:s20] =	ssyncadd.s32 $0xFFFFF800  }
0x188: {  	_ =	swait.ge [sflag:s20], $0x800  }
0x189: {  	[sflag:s20] =	ssyncset.done $0x0  }
0x18a: {  	[sflag:s20] =	ssyncadd.s32 $0xFFFFF800  }
0x18b: {  	_ =	swait.ge [sflag:s20], $0x800  }
0x18c: {  	[sflag:s20] =	ssyncset.done $0x0  }
0x18d: {  	[sflag:s20] =	ssyncadd.s32 $0xFFFFF800  }
0x18e: {  	_ =	swait.ge [sflag:s20], $0x800  }
0x18f: {  	[sflag:s20] =	ssyncset.done $0x0  }
0x190: {  	[sflag:s20] =	ssyncadd.s32 $0xFFFFF800  }
0x191: {  	_ =	swait.ge [sflag:s20], $0x800  }
0x192: {  	[sflag:s20] =	ssyncset.done $0x0  }
0x193: {  	[sflag:s20] =	ssyncadd.s32 $0xFFFFF800  }
0x194: {  	_ =	swait.ge [sflag:s20], $0x800  }
0x195: {  	[sflag:s20] =	ssyncset.done $0x0  }
0x196: {  	s8 =	rddreg [dreg:$0xf];
	[sflag:s20] =	ssyncadd.s32 $0xFFFFF800  }
0x197: {  	[tilespmem:s11], [sflag:$0x1] =	stream.indirect.gather [spmem:s2], $0x10, s8, s13, $0xb8;
	[tilespmem:$0x1E800] =	vst v63  }
0x198: {  	s9 =	rddreg [dreg:$0x10]  }
0x199: {  	[tilespmem:s14], [sflag:$0x1] =	stream.indirect.gather [spmem:s2], $0x10, s9, s13, $0xb8;
	[tilespmem:$0x1E800] =	vst v63  }
0x19a: {  	s8 =	rddreg [dreg:$0x11]  }
0x19b: {  	[tilespmem:s15], [sflag:$0x1] =	stream.indirect.gather [spmem:s2], $0x10, s8, s13, $0xb8;
	[tilespmem:$0x1E800] =	vst v63  }
0x19c: {  	s9 =	rddreg [dreg:$0x12]  }
0x19d: {  	[tilespmem:s16], [sflag:$0x1] =	stream.indirect.gather [spmem:s2], $0x10, s9, s13, $0xb8;
	[tilespmem:$0x1E800] =	vst v63  }
0x19e: {  	s8 =	rddreg [dreg:$0x13]  }
0x19f: {  	[tilespmem:s17], [sflag:$0x1] =	stream.indirect.gather [spmem:s2], $0x10, s8, s13, $0xb8;
	[tilespmem:$0x1E800] =	vst v63  }
0x1a0: {  	s9 =	rddreg [dreg:$0x14]  }
0x1a1: {  	[tilespmem:s18], [sflag:$0x1] =	stream.indirect.gather [spmem:s2], $0x10, s9, s13, $0xb8;
	[tilespmem:$0x1E800] =	vst v63  }
0x1a2: {  	_ =	swait.ge [sflag:s19], $0x800  }
0x1a3: {  	[sflag:s19] =	ssyncset.done $0x0  }
0x1a4: {  	[sflag:s19] =	ssyncadd.s32 $0xFFFFF800  }
0x1a5: {  	_ =	swait.ge [sflag:s19], $0x800  }
0x1a6: {  	[sflag:s19] =	ssyncset.done $0x0  }
0x1a7: {  	[sflag:s19] =	ssyncadd.s32 $0xFFFFF800  }
0x1a8: {  	_ =	swait.ge [sflag:s19], $0x800  }
0x1a9: {  	[sflag:s19] =	ssyncset.done $0x0  }
0x1aa: {  	[sflag:s19] =	ssyncadd.s32 $0xFFFFF800  }
0x1ab: {  	_ =	swait.ge [sflag:s19], $0x800  }
0x1ac: {  	[sflag:s19] =	ssyncset.done $0x0  }
0x1ad: {  	[sflag:s19] =	ssyncadd.s32 $0xFFFFF800  }
0x1ae: {  	_ =	swait.ge [sflag:s19], $0x800  }
0x1af: {  	[sflag:s19] =	ssyncset.done $0x0  }
0x1b0: {  	[sflag:s19] =	ssyncadd.s32 $0xFFFFF800  }
0x1b1: {  	_ =	swait.ge [sflag:s19], $0x800  }
0x1b2: {  	[sflag:s19] =	ssyncset.done $0x0  }
0x1b3: {  	s8 =	rddreg [dreg:$0x15];
	[sflag:s19] =	ssyncadd.s32 $0xFFFFF800  }
0x1b4: {  	[spmem:s3] =	stream.indirect.scatter.add.f32 [tilespmem:s11], [sflag:$0x2], $0x10, s8, s13, $0xb8;
	[tilespmem:$0x1E800] =	vst v63  }
0x1b5: {  	s9 =	rddreg [dreg:$0x16]  }
0x1b6: {  	[spmem:s3] =	stream.indirect.scatter.add.f32 [tilespmem:s14], [sflag:$0x2], $0x10, s9, s13, $0xb8;
	[tilespmem:$0x1E800] =	vst v63  }
0x1b7: {  	s8 =	rddreg [dreg:$0x17]  }
0x1b8: {  	[spmem:s3] =	stream.indirect.scatter.add.f32 [tilespmem:s15], [sflag:$0x2], $0x10, s8, s13, $0xb8;
	[tilespmem:$0x1E800] =	vst v63  }
0x1b9: {  	s9 =	rddreg [dreg:$0x18]  }
0x1ba: {  	[spmem:s3] =	stream.indirect.scatter.add.f32 [tilespmem:s16], [sflag:$0x2], $0x10, s9, s13, $0xb8;
	[tilespmem:$0x1E800] =	vst v63  }
0x1bb: {  	s8 =	rddreg [dreg:$0x19]  }
0x1bc: {  	[spmem:s3] =	stream.indirect.scatter.add.f32 [tilespmem:s17], [sflag:$0x2], $0x10, s8, s13, $0xb8;
	[tilespmem:$0x1E800] =	vst v63  }
0x1bd: {  	s9 =	rddreg [dreg:$0x1a]  }
0x1be: {  	[spmem:s3] =	stream.indirect.scatter.add.f32 [tilespmem:s18], [sflag:$0x2], $0x10, s9, s13, $0xb8;
	[tilespmem:$0x1E800] =	vst v63  }
0x1bf: {  	_ =	swait.ge [sflag:s20], $0x800  }
0x1c0: {  	[sflag:s20] =	ssyncset.done $0x0  }
0x1c1: {  	[sflag:s20] =	ssyncadd.s32 $0xFFFFF800  }
0x1c2: {  	_ =	swait.ge [sflag:s20], $0x800  }
0x1c3: {  	[sflag:s20] =	ssyncset.done $0x0  }
0x1c4: {  	[sflag:s20] =	ssyncadd.s32 $0xFFFFF800  }
0x1c5: {  	_ =	swait.ge [sflag:s20], $0x800  }
0x1c6: {  	[sflag:s20] =	ssyncset.done $0x0  }
0x1c7: {  	[sflag:s20] =	ssyncadd.s32 $0xFFFFF800  }
0x1c8: {  	_ =	swait.ge [sflag:s20], $0x800  }
0x1c9: {  	[sflag:s20] =	ssyncset.done $0x0  }
0x1ca: {  	[sflag:s20] =	ssyncadd.s32 $0xFFFFF800  }
0x1cb: {  	_ =	swait.ge [sflag:s20], $0x800  }
0x1cc: {  	[sflag:s20] =	ssyncset.done $0x0  }
0x1cd: {  	[sflag:s20] =	ssyncadd.s32 $0xFFFFF800  }
0x1ce: {  	_ =	swait.ge [sflag:s20], $0x800  }
0x1cf: {  	s8 =	rddreg [dreg:$0x1b];
	[sflag:s20] =	ssyncset.done $0x0  }
0x1d0: {  	s9 =	rddreg [dreg:$0x1c];
	[sflag:s20] =	ssyncadd.s32 $0xFFFFF800  }
0x1d1: {  	[tilespmem:s11], [sflag:$0x1] =	stream.indirect.gather [spmem:s2], $0x10, s8, s13, $0xb8;
	[tilespmem:$0x1E800] =	vst v63  }
0x1d2: {  	s8 =	rddreg [dreg:$0x1d]  }
0x1d3: {  	[tilespmem:s14], [sflag:$0x1] =	stream.indirect.gather [spmem:s2], $0x10, s9, s13, $0xb8;
	[tilespmem:$0x1E800] =	vst v63  }
0x1d4: {  	s9 =	rddreg [dreg:$0x1e]  }
0x1d5: {  	[tilespmem:s15], [sflag:$0x1] =	stream.indirect.gather [spmem:s2], $0x10, s8, s13, $0xb8;
	[tilespmem:$0x1E800] =	vst v63  }
0x1d6: {  	s8 =	rddreg [dreg:$0x1f]  }
0x1d7: {  	[tilespmem:s16], [sflag:$0x1] =	stream.indirect.gather [spmem:s2], $0x10, s9, s13, $0xb8;
	[tilespmem:$0x1E800] =	vst v63  }
0x1d8: {  	s9 =	sld [smem:$0x7E2]  }
0x1d9: {  	[tilespmem:s17], [sflag:$0x1] =	stream.indirect.gather [spmem:s2], $0x10, s8, s13, $0xb8;
	[tilespmem:$0x1E800] =	vst v63  }
0x1da: {  	_ = 	snop  }
0x1db: {  	[tilespmem:s18], [sflag:$0x1] =	stream.indirect.gather [spmem:s2], $0x10, s9, s13, $0xb8;
	[tilespmem:$0x1E800] =	vst v63  }
0x1dc: {  	_ =	swait.ge [sflag:s19], $0x800  }
0x1dd: {  	[sflag:s19] =	ssyncset.done $0x0  }
0x1de: {  	[sflag:s19] =	ssyncadd.s32 $0xFFFFF800  }
0x1df: {  	_ =	swait.ge [sflag:s19], $0x800  }
0x1e0: {  	[sflag:s19] =	ssyncset.done $0x0  }
0x1e1: {  	[sflag:s19] =	ssyncadd.s32 $0xFFFFF800  }
0x1e2: {  	_ =	swait.ge [sflag:s19], $0x800  }
0x1e3: {  	[sflag:s19] =	ssyncset.done $0x0  }
0x1e4: {  	[sflag:s19] =	ssyncadd.s32 $0xFFFFF800  }
0x1e5: {  	_ =	swait.ge [sflag:s19], $0x800  }
0x1e6: {  	[sflag:s19] =	ssyncset.done $0x0  }
0x1e7: {  	[sflag:s19] =	ssyncadd.s32 $0xFFFFF800  }
0x1e8: {  	_ =	swait.ge [sflag:s19], $0x800  }
0x1e9: {  	[sflag:s19] =	ssyncset.done $0x0  }
0x1ea: {  	[sflag:s19] =	ssyncadd.s32 $0xFFFFF800  }
0x1eb: {  	_ =	swait.ge [sflag:s19], $0x800  }
0x1ec: {  	s6 =	sld [smem:$0x7E4]  }
0x1ed: {  	[sflag:s19] =	ssyncset.done $0x0  }
0x1ee: {  	s8 =	sld [smem:$0x7E6];
	[sflag:s19] =	ssyncadd.s32 $0xFFFFF800  }
0x1ef: {  	[spmem:s3] =	stream.indirect.scatter.add.f32 [tilespmem:s11], [sflag:$0x2], $0x10, s6, s13, $0xb8;
	[tilespmem:$0x1E800] =	vst v63  }
0x1f0: {  	s9 =	sld [smem:$0x7E8]  }
0x1f1: {  	[spmem:s3] =	stream.indirect.scatter.add.f32 [tilespmem:s14], [sflag:$0x2], $0x10, s8, s13, $0xb8;
	[tilespmem:$0x1E800] =	vst v63  }
0x1f2: {  	s8 =	sld [smem:$0x7EA]  }
0x1f3: {  	[spmem:s3] =	stream.indirect.scatter.add.f32 [tilespmem:s15], [sflag:$0x2], $0x10, s9, s13, $0xb8;
	[tilespmem:$0x1E800] =	vst v63  }
0x1f4: {  	s9 =	sld [smem:$0x7EC]  }
0x1f5: {  	[spmem:s3] =	stream.indirect.scatter.add.f32 [tilespmem:s16], [sflag:$0x2], $0x10, s8, s13, $0xb8;
	[tilespmem:$0x1E800] =	vst v63  }
0x1f6: {  	_ = 	snop  }
0x1f7: {  	[spmem:s3] =	stream.indirect.scatter.add.f32 [tilespmem:s17], [sflag:$0x2], $0x10, s9, s13, $0xb8;
	[tilespmem:$0x1E800] =	vst v63  }
0x1f8: {  	_ = 	snop  }
0x1f9: {  	[spmem:s3] =	stream.indirect.scatter.add.f32 [tilespmem:s18], [sflag:$0x2], $0x10, s21, s13, $0xb8;
	[tilespmem:$0x1E800] =	vst v63  }
0x1fa: {  	_ =	swait.ge [sflag:s20], $0x800  }
0x1fb: {  	[sflag:s20] =	ssyncset.done $0x0  }
0x1fc: {  	[sflag:s20] =	ssyncadd.s32 $0xFFFFF800  }
0x1fd: {  	_ =	swait.ge [sflag:s20], $0x800  }
0x1fe: {  	[sflag:s20] =	ssyncset.done $0x0  }
0x1ff: {  	[sflag:s20] =	ssyncadd.s32 $0xFFFFF800  }
0x200: {  	_ =	swait.ge [sflag:s20], $0x800  }
0x201: {  	[sflag:s20] =	ssyncset.done $0x0  }
0x202: {  	[sflag:s20] =	ssyncadd.s32 $0xFFFFF800  }
0x203: {  	_ =	swait.ge [sflag:s20], $0x800  }
0x204: {  	[sflag:s20] =	ssyncset.done $0x0  }
0x205: {  	[sflag:s20] =	ssyncadd.s32 $0xFFFFF800  }
0x206: {  	_ =	swait.ge [sflag:s20], $0x800  }
0x207: {  	[sflag:s20] =	ssyncset.done $0x0  }
0x208: {  	[sflag:s20] =	ssyncadd.s32 $0xFFFFF800  }
0x209: {  	_ =	swait.ge [sflag:s20], $0x800  }
0x20a: {  	[sflag:s20] =	ssyncset.done $0x0  }
0x20b: {  	[sflag:s20] =	ssyncadd.s32 $0xFFFFF800  }
0x20c: {  	[tilespmem:s11], [sflag:$0x1] =	stream.indirect.gather [spmem:s2], $0x10, s22, s13, $0xb8;
	[tilespmem:$0x1E800] =	vst v63  }
0x20d: {  	_ = 	snop  }
0x20e: {  	[tilespmem:s14], [sflag:$0x1] =	stream.indirect.gather [spmem:s2], $0x10, s23, s13, $0xb8;
	[tilespmem:$0x1E800] =	vst v63  }
0x20f: {  	_ = 	snop  }
0x210: {  	[tilespmem:s15], [sflag:$0x1] =	stream.indirect.gather [spmem:s2], $0x10, s24, s13, $0xb8;
	[tilespmem:$0x1E800] =	vst v63  }
0x211: {  	_ = 	snop  }
0x212: {  	[tilespmem:s16], [sflag:$0x1] =	stream.indirect.gather [spmem:s2], $0x10, s25, s13, $0xb8;
	[tilespmem:$0x1E800] =	vst v63  }
0x213: {  	_ = 	snop  }
0x214: {  	[tilespmem:s17], [sflag:$0x1] =	stream.indirect.gather [spmem:s2], $0x10, s26, s13, $0xb8;
	[tilespmem:$0x1E800] =	vst v63  }
0x215: {  	_ = 	snop  }
0x216: {  	[tilespmem:s18], [sflag:$0x1] =	stream.indirect.gather [spmem:s2], $0x10, s28, s13, $0xb8;
	[tilespmem:$0x1E800] =	vst v63  }
0x217: {  	_ =	swait.ge [sflag:s19], $0x800  }
0x218: {  	[sflag:s19] =	ssyncset.done $0x0  }
0x219: {  	[sflag:s19] =	ssyncadd.s32 $0xFFFFF800  }
0x21a: {  	_ =	swait.ge [sflag:s19], $0x800  }
0x21b: {  	[sflag:s19] =	ssyncset.done $0x0  }
0x21c: {  	[sflag:s19] =	ssyncadd.s32 $0xFFFFF800  }
0x21d: {  	_ =	swait.ge [sflag:s19], $0x800  }
0x21e: {  	[sflag:s19] =	ssyncset.done $0x0  }
0x21f: {  	[sflag:s19] =	ssyncadd.s32 $0xFFFFF800  }
0x220: {  	_ =	swait.ge [sflag:s19], $0x800  }
0x221: {  	[sflag:s19] =	ssyncset.done $0x0  }
0x222: {  	[sflag:s19] =	ssyncadd.s32 $0xFFFFF800  }
0x223: {  	_ =	swait.ge [sflag:s19], $0x800  }
0x224: {  	[sflag:s19] =	ssyncset.done $0x0  }
0x225: {  	[sflag:s19] =	ssyncadd.s32 $0xFFFFF800  }
0x226: {  	_ =	swait.ge [sflag:s19], $0x800  }
0x227: {  	[sflag:s19] =	ssyncset.done $0x0  }
0x228: {  	[sflag:s19] =	ssyncadd.s32 $0xFFFFF800  }
0x229: {  	[spmem:s3] =	stream.indirect.scatter.add.f32 [tilespmem:s11], [sflag:$0x2], $0x10, s29, s13, $0xb8;
	[tilespmem:$0x1E800] =	vst v63  }
0x22a: {  	_ = 	snop  }
0x22b: {  	[spmem:s3] =	stream.indirect.scatter.add.f32 [tilespmem:s14], [sflag:$0x2], $0x10, s30, s13, $0xb8;
	[tilespmem:$0x1E800] =	vst v63  }
0x22c: {  	_ = 	snop  }
0x22d: {  	[spmem:s3] =	stream.indirect.scatter.add.f32 [tilespmem:s15], [sflag:$0x2], $0x10, s31, s13, $0xb8;
	[tilespmem:$0x1E800] =	vst v63  }
0x22e: {  	_ = 	snop  }
0x22f: {  	[spmem:s3] =	stream.indirect.scatter.add.f32 [tilespmem:s16], [sflag:$0x2], $0x10, s1, s13, $0xb8;
	[tilespmem:$0x1E800] =	vst v63  }
0x230: {  	_ = 	snop  }
0x231: {  	[spmem:s3] =	stream.indirect.scatter.add.f32 [tilespmem:s17], [sflag:$0x2], $0x10, s0, s13, $0xb8;
	[tilespmem:$0x1E800] =	vst v63  }
0x232: {  	_ = 	snop  }
0x233: {  	[spmem:s3] =	stream.indirect.scatter.add.f32 [tilespmem:s18], [sflag:$0x2], $0x10, s7, s13, $0xb8;
	[tilespmem:$0x1E800] =	vst v63  }
0x234: {  	_ =	swait.ge [sflag:s20], $0x800  }
0x235: {  	[sflag:s20] =	ssyncset.done $0x0  }
0x236: {  	[sflag:s20] =	ssyncadd.s32 $0xFFFFF800  }
0x237: {  	_ =	swait.ge [sflag:s20], $0x800  }
0x238: {  	[sflag:s20] =	ssyncset.done $0x0  }
0x239: {  	[sflag:s20] =	ssyncadd.s32 $0xFFFFF800  }
0x23a: {  	_ =	swait.ge [sflag:s20], $0x800  }
0x23b: {  	[sflag:s20] =	ssyncset.done $0x0  }
0x23c: {  	[sflag:s20] =	ssyncadd.s32 $0xFFFFF800  }
0x23d: {  	_ =	swait.ge [sflag:s20], $0x800  }
0x23e: {  	[sflag:s20] =	ssyncset.done $0x0  }
0x23f: {  	[sflag:s20] =	ssyncadd.s32 $0xFFFFF800  }
0x240: {  	_ =	swait.ge [sflag:s20], $0x800  }
0x241: {  	[sflag:s20] =	ssyncset.done $0x0  }
0x242: {  	[sflag:s20] =	ssyncadd.s32 $0xFFFFF800  }
0x243: {  	s5 =	simm.s32 $0x300;
	_ =	swait.ge [sflag:s20], $0x800  }
0x244: {  	s9 =	simm.s32 $0x180;
	s6 =	rddreg [dreg:$0x5];
	[sflag:s20] =	ssyncset.done $0x0  }
.LBB2_2:
0x245: {  	[sflag:s20] =	ssyncadd.s32 $0xFFFFF800;
	s6 =	sadd.s32 s9, s6  }
0x246: {  	[tilespmem:s4], [sflag:$0x3] =	stream.linear.gather [hbm4b:s6+s4], $0xC00, $0x38;
	[tilespmem:$0x1E800] =	vst v63  }
0x247: {  	_ =	swait.ge [sflag:s10], $0xC00  }
0x248: {  	s6 =	rddreg [dreg:$0x4];
	[sflag:s10] =	ssyncset.done $0x0  }
0x249: {  	[sflag:s10] =	ssyncadd.s32 $0xFFFFF400;
	s6 =	sadd.s32 s9, s6  }
0x24a: {  	[tilespmem:s12], [sflag:$0x3] =	stream.linear.gather [hbm4b:s6+s4], $0xC00, $0x38;
	[tilespmem:$0x1E800] =	vst v63  }
0x24b: {  	_ =	swait.ge [sflag:s10], $0xC00  }
0x24c: {  	[sflag:s10] =	ssyncset.done $0x0  }
0x24d: {  	[sflag:s10] =	ssyncadd.s32 $0xFFFFF400  }
0x24e: {  	[tilespmem:s11], [sflag:$0x1] =	stream.indirect.gather [spmem:s2], $0x10, s4, s13, $0xb8;
	[tilespmem:$0x1E800] =	vst v63  }
0x24f: {  	_ = 	snop  }
0x250: {  	[tilespmem:s14], [sflag:$0x1] =	stream.indirect.gather [spmem:s2], $0x10, s13, s13, $0xb8;
	[tilespmem:$0x1E800] =	vst v63  }
0x251: {  	s8 =	smov.u32 s5;
	s6 =	rddreg [dreg:$0x6]  }
0x252: {  	[tilespmem:s15], [sflag:$0x1] =	stream.indirect.gather [spmem:s2], $0x10, s6, s13, $0xb8;
	[tilespmem:$0x1E800] =	vst v63  }
0x253: {  	s9 =	smov.u32 s8;
	s8 =	rddreg [dreg:$0x7]  }
0x254: {  	[tilespmem:s16], [sflag:$0x1] =	stream.indirect.gather [spmem:s2], $0x10, s8, s13, $0xb8;
	[tilespmem:$0x1E800] =	vst v63  }
0x255: {  	s6 =	rddreg [dreg:$0x8]  }
0x256: {  	[tilespmem:s17], [sflag:$0x1] =	stream.indirect.gather [spmem:s2], $0x10, s6, s13, $0xb8;
	[tilespmem:$0x1E800] =	vst v63  }
0x257: {  	s8 =	rddreg [dreg:$0x9]  }
0x258: {  	[tilespmem:s18], [sflag:$0x1] =	stream.indirect.gather [spmem:s2], $0x10, s8, s13, $0xb8;
	[tilespmem:$0x1E800] =	vst v63  }
0x259: {  	_ =	swait.ge [sflag:s19], $0x800  }
0x25a: {  	[sflag:s19] =	ssyncset.done $0x0  }
0x25b: {  	[sflag:s19] =	ssyncadd.s32 $0xFFFFF800  }
0x25c: {  	_ =	swait.ge [sflag:s19], $0x800  }
0x25d: {  	[sflag:s19] =	ssyncset.done $0x0  }
0x25e: {  	[sflag:s19] =	ssyncadd.s32 $0xFFFFF800  }
0x25f: {  	_ =	swait.ge [sflag:s19], $0x800  }
0x260: {  	[sflag:s19] =	ssyncset.done $0x0  }
0x261: {  	[sflag:s19] =	ssyncadd.s32 $0xFFFFF800  }
0x262: {  	_ =	swait.ge [sflag:s19], $0x800  }
0x263: {  	[sflag:s19] =	ssyncset.done $0x0  }
0x264: {  	[sflag:s19] =	ssyncadd.s32 $0xFFFFF800  }
0x265: {  	_ =	swait.ge [sflag:s19], $0x800  }
0x266: {  	[sflag:s19] =	ssyncset.done $0x0  }
0x267: {  	[sflag:s19] =	ssyncadd.s32 $0xFFFFF800  }
0x268: {  	_ =	swait.ge [sflag:s19], $0x800  }
0x269: {  	[sflag:s19] =	ssyncset.done $0x0  }
0x26a: {  	[sflag:s19] =	ssyncadd.s32 $0xFFFFF800  }
0x26b: {  	[spmem:s3] =	stream.indirect.scatter.add.f32 [tilespmem:s11], [sflag:$0x2], $0x10, s12, s13, $0xb8;
	[tilespmem:$0x1E800] =	vst v63  }
0x26c: {  	s6 =	rddreg [dreg:$0xa]  }
0x26d: {  	[spmem:s3] =	stream.indirect.scatter.add.f32 [tilespmem:s14], [sflag:$0x2], $0x10, s6, s13, $0xb8;
	[tilespmem:$0x1E800] =	vst v63  }
0x26e: {  	s8 =	rddreg [dreg:$0xb]  }
0x26f: {  	[spmem:s3] =	stream.indirect.scatter.add.f32 [tilespmem:s15], [sflag:$0x2], $0x10, s8, s13, $0xb8;
	[tilespmem:$0x1E800] =	vst v63  }
0x270: {  	s6 =	rddreg [dreg:$0xc]  }
0x271: {  	[spmem:s3] =	stream.indirect.scatter.add.f32 [tilespmem:s16], [sflag:$0x2], $0x10, s6, s13, $0xb8;
	[tilespmem:$0x1E800] =	vst v63  }
0x272: {  	s8 =	rddreg [dreg:$0xd]  }
0x273: {  	[spmem:s3] =	stream.indirect.scatter.add.f32 [tilespmem:s17], [sflag:$0x2], $0x10, s8, s13, $0xb8;
	[tilespmem:$0x1E800] =	vst v63  }
0x274: {  	s6 =	rddreg [dreg:$0xe]  }
0x275: {  	[spmem:s3] =	stream.indirect.scatter.add.f32 [tilespmem:s18], [sflag:$0x2], $0x10, s6, s13, $0xb8;
	[tilespmem:$0x1E800] =	vst v63  }
0x276: {  	_ =	swait.ge [sflag:s20], $0x800  }
0x277: {  	[sflag:s20] =	ssyncset.done $0x0  }
0x278: {  	[sflag:s20] =	ssyncadd.s32 $0xFFFFF800  }
0x279: {  	_ =	swait.ge [sflag:s20], $0x800  }
0x27a: {  	[sflag:s20] =	ssyncset.done $0x0  }
0x27b: {  	[sflag:s20] =	ssyncadd.s32 $0xFFFFF800  }
0x27c: {  	_ =	swait.ge [sflag:s20], $0x800  }
0x27d: {  	[sflag:s20] =	ssyncset.done $0x0  }
0x27e: {  	[sflag:s20] =	ssyncadd.s32 $0xFFFFF800  }
0x27f: {  	_ =	swait.ge [sflag:s20], $0x800  }
0x280: {  	[sflag:s20] =	ssyncset.done $0x0  }
0x281: {  	[sflag:s20] =	ssyncadd.s32 $0xFFFFF800  }
0x282: {  	_ =	swait.ge [sflag:s20], $0x800  }
0x283: {  	[sflag:s20] =	ssyncset.done $0x0  }
0x284: {  	[sflag:s20] =	ssyncadd.s32 $0xFFFFF800  }
0x285: {  	_ =	swait.ge [sflag:s20], $0x800  }
0x286: {  	[sflag:s20] =	ssyncset.done $0x0  }
0x287: {  	s6 =	rddreg [dreg:$0xf];
	[sflag:s20] =	ssyncadd.s32 $0xFFFFF800  }
0x288: {  	[tilespmem:s11], [sflag:$0x1] =	stream.indirect.gather [spmem:s2], $0x10, s6, s13, $0xb8;
	[tilespmem:$0x1E800] =	vst v63  }
0x289: {  	s8 =	rddreg [dreg:$0x10]  }
0x28a: {  	[tilespmem:s14], [sflag:$0x1] =	stream.indirect.gather [spmem:s2], $0x10, s8, s13, $0xb8;
	[tilespmem:$0x1E800] =	vst v63  }
0x28b: {  	s6 =	rddreg [dreg:$0x11]  }
0x28c: {  	[tilespmem:s15], [sflag:$0x1] =	stream.indirect.gather [spmem:s2], $0x10, s6, s13, $0xb8;
	[tilespmem:$0x1E800] =	vst v63  }
0x28d: {  	s8 =	rddreg [dreg:$0x12]  }
0x28e: {  	[tilespmem:s16], [sflag:$0x1] =	stream.indirect.gather [spmem:s2], $0x10, s8, s13, $0xb8;
	[tilespmem:$0x1E800] =	vst v63  }
0x28f: {  	s6 =	rddreg [dreg:$0x13]  }
0x290: {  	[tilespmem:s17], [sflag:$0x1] =	stream.indirect.gather [spmem:s2], $0x10, s6, s13, $0xb8;
	[tilespmem:$0x1E800] =	vst v63  }
0x291: {  	s8 =	rddreg [dreg:$0x14]  }
0x292: {  	[tilespmem:s18], [sflag:$0x1] =	stream.indirect.gather [spmem:s2], $0x10, s8, s13, $0xb8;
	[tilespmem:$0x1E800] =	vst v63  }
0x293: {  	_ =	swait.ge [sflag:s19], $0x800  }
0x294: {  	[sflag:s19] =	ssyncset.done $0x0  }
0x295: {  	[sflag:s19] =	ssyncadd.s32 $0xFFFFF800  }
0x296: {  	_ =	swait.ge [sflag:s19], $0x800  }
0x297: {  	[sflag:s19] =	ssyncset.done $0x0  }
0x298: {  	[sflag:s19] =	ssyncadd.s32 $0xFFFFF800  }
0x299: {  	_ =	swait.ge [sflag:s19], $0x800  }
0x29a: {  	[sflag:s19] =	ssyncset.done $0x0  }
0x29b: {  	[sflag:s19] =	ssyncadd.s32 $0xFFFFF800  }
0x29c: {  	_ =	swait.ge [sflag:s19], $0x800  }
0x29d: {  	[sflag:s19] =	ssyncset.done $0x0  }
0x29e: {  	[sflag:s19] =	ssyncadd.s32 $0xFFFFF800  }
0x29f: {  	_ =	swait.ge [sflag:s19], $0x800  }
0x2a0: {  	[sflag:s19] =	ssyncset.done $0x0  }
0x2a1: {  	[sflag:s19] =	ssyncadd.s32 $0xFFFFF800  }
0x2a2: {  	_ =	swait.ge [sflag:s19], $0x800  }
0x2a3: {  	[sflag:s19] =	ssyncset.done $0x0  }
0x2a4: {  	s6 =	rddreg [dreg:$0x15];
	[sflag:s19] =	ssyncadd.s32 $0xFFFFF800  }
0x2a5: {  	[spmem:s3] =	stream.indirect.scatter.add.f32 [tilespmem:s11], [sflag:$0x2], $0x10, s6, s13, $0xb8;
	[tilespmem:$0x1E800] =	vst v63  }
0x2a6: {  	s8 =	rddreg [dreg:$0x16]  }
0x2a7: {  	[spmem:s3] =	stream.indirect.scatter.add.f32 [tilespmem:s14], [sflag:$0x2], $0x10, s8, s13, $0xb8;
	[tilespmem:$0x1E800] =	vst v63  }
0x2a8: {  	s6 =	rddreg [dreg:$0x17]  }
0x2a9: {  	[spmem:s3] =	stream.indirect.scatter.add.f32 [tilespmem:s15], [sflag:$0x2], $0x10, s6, s13, $0xb8;
	[tilespmem:$0x1E800] =	vst v63  }
0x2aa: {  	s8 =	rddreg [dreg:$0x18]  }
0x2ab: {  	[spmem:s3] =	stream.indirect.scatter.add.f32 [tilespmem:s16], [sflag:$0x2], $0x10, s8, s13, $0xb8;
	[tilespmem:$0x1E800] =	vst v63  }
0x2ac: {  	s6 =	rddreg [dreg:$0x19]  }
0x2ad: {  	[spmem:s3] =	stream.indirect.scatter.add.f32 [tilespmem:s17], [sflag:$0x2], $0x10, s6, s13, $0xb8;
	[tilespmem:$0x1E800] =	vst v63  }
0x2ae: {  	s8 =	rddreg [dreg:$0x1a]  }
0x2af: {  	[spmem:s3] =	stream.indirect.scatter.add.f32 [tilespmem:s18], [sflag:$0x2], $0x10, s8, s13, $0xb8;
	[tilespmem:$0x1E800] =	vst v63  }
0x2b0: {  	_ =	swait.ge [sflag:s20], $0x800  }
0x2b1: {  	[sflag:s20] =	ssyncset.done $0x0  }
0x2b2: {  	[sflag:s20] =	ssyncadd.s32 $0xFFFFF800  }
0x2b3: {  	_ =	swait.ge [sflag:s20], $0x800  }
0x2b4: {  	[sflag:s20] =	ssyncset.done $0x0  }
0x2b5: {  	[sflag:s20] =	ssyncadd.s32 $0xFFFFF800  }
0x2b6: {  	_ =	swait.ge [sflag:s20], $0x800  }
0x2b7: {  	[sflag:s20] =	ssyncset.done $0x0  }
0x2b8: {  	[sflag:s20] =	ssyncadd.s32 $0xFFFFF800  }
0x2b9: {  	_ =	swait.ge [sflag:s20], $0x800  }
0x2ba: {  	[sflag:s20] =	ssyncset.done $0x0  }
0x2bb: {  	[sflag:s20] =	ssyncadd.s32 $0xFFFFF800  }
0x2bc: {  	_ =	swait.ge [sflag:s20], $0x800  }
0x2bd: {  	[sflag:s20] =	ssyncset.done $0x0  }
0x2be: {  	[sflag:s20] =	ssyncadd.s32 $0xFFFFF800  }
0x2bf: {  	_ =	swait.ge [sflag:s20], $0x800  }
0x2c0: {  	s6 =	rddreg [dreg:$0x1b];
	[sflag:s20] =	ssyncset.done $0x0  }
0x2c1: {  	s8 =	rddreg [dreg:$0x1c];
	[sflag:s20] =	ssyncadd.s32 $0xFFFFF800  }
0x2c2: {  	[tilespmem:s11], [sflag:$0x1] =	stream.indirect.gather [spmem:s2], $0x10, s6, s13, $0xb8;
	[tilespmem:$0x1E800] =	vst v63  }
0x2c3: {  	s6 =	rddreg [dreg:$0x1d]  }
0x2c4: {  	[tilespmem:s14], [sflag:$0x1] =	stream.indirect.gather [spmem:s2], $0x10, s8, s13, $0xb8;
	[tilespmem:$0x1E800] =	vst v63  }
0x2c5: {  	s8 =	rddreg [dreg:$0x1e]  }
0x2c6: {  	[tilespmem:s15], [sflag:$0x1] =	stream.indirect.gather [spmem:s2], $0x10, s6, s13, $0xb8;
	[tilespmem:$0x1E800] =	vst v63  }
0x2c7: {  	s6 =	rddreg [dreg:$0x1f]  }
0x2c8: {  	[tilespmem:s16], [sflag:$0x1] =	stream.indirect.gather [spmem:s2], $0x10, s8, s13, $0xb8;
	[tilespmem:$0x1E800] =	vst v63  }
0x2c9: {  	s8 =	sld [smem:$0x7E2]  }
0x2ca: {  	[tilespmem:s17], [sflag:$0x1] =	stream.indirect.gather [spmem:s2], $0x10, s6, s13, $0xb8;
	[tilespmem:$0x1E800] =	vst v63  }
0x2cb: {  	_ = 	snop  }
0x2cc: {  	[tilespmem:s18], [sflag:$0x1] =	stream.indirect.gather [spmem:s2], $0x10, s8, s13, $0xb8;
	[tilespmem:$0x1E800] =	vst v63  }
0x2cd: {  	_ =	swait.ge [sflag:s19], $0x800  }
0x2ce: {  	[sflag:s19] =	ssyncset.done $0x0  }
0x2cf: {  	[sflag:s19] =	ssyncadd.s32 $0xFFFFF800  }
0x2d0: {  	_ =	swait.ge [sflag:s19], $0x800  }
0x2d1: {  	[sflag:s19] =	ssyncset.done $0x0  }
0x2d2: {  	[sflag:s19] =	ssyncadd.s32 $0xFFFFF800  }
0x2d3: {  	_ =	swait.ge [sflag:s19], $0x800  }
0x2d4: {  	[sflag:s19] =	ssyncset.done $0x0  }
0x2d5: {  	[sflag:s19] =	ssyncadd.s32 $0xFFFFF800  }
0x2d6: {  	_ =	swait.ge [sflag:s19], $0x800  }
0x2d7: {  	[sflag:s19] =	ssyncset.done $0x0  }
0x2d8: {  	[sflag:s19] =	ssyncadd.s32 $0xFFFFF800  }
0x2d9: {  	_ =	swait.ge [sflag:s19], $0x800  }
0x2da: {  	[sflag:s19] =	ssyncset.done $0x0  }
0x2db: {  	[sflag:s19] =	ssyncadd.s32 $0xFFFFF800  }
0x2dc: {  	_ =	swait.ge [sflag:s19], $0x800  }
0x2dd: {  	s6 =	sld [smem:$0x7E4]  }
0x2de: {  	[sflag:s19] =	ssyncset.done $0x0  }
0x2df: {  	s8 =	sld [smem:$0x7E6];
	[sflag:s19] =	ssyncadd.s32 $0xFFFFF800  }
0x2e0: {  	[spmem:s3] =	stream.indirect.scatter.add.f32 [tilespmem:s11], [sflag:$0x2], $0x10, s6, s13, $0xb8;
	[tilespmem:$0x1E800] =	vst v63  }
0x2e1: {  	s6 =	sld [smem:$0x7E8]  }
0x2e2: {  	[spmem:s3] =	stream.indirect.scatter.add.f32 [tilespmem:s14], [sflag:$0x2], $0x10, s8, s13, $0xb8;
	[tilespmem:$0x1E800] =	vst v63  }
0x2e3: {  	s8 =	sld [smem:$0x7EA]  }
0x2e4: {  	[spmem:s3] =	stream.indirect.scatter.add.f32 [tilespmem:s15], [sflag:$0x2], $0x10, s6, s13, $0xb8;
	[tilespmem:$0x1E800] =	vst v63  }
0x2e5: {  	s6 =	sld [smem:$0x7EC]  }
0x2e6: {  	[spmem:s3] =	stream.indirect.scatter.add.f32 [tilespmem:s16], [sflag:$0x2], $0x10, s8, s13, $0xb8;
	[tilespmem:$0x1E800] =	vst v63  }
0x2e7: {  	_ = 	snop  }
0x2e8: {  	[spmem:s3] =	stream.indirect.scatter.add.f32 [tilespmem:s17], [sflag:$0x2], $0x10, s6, s13, $0xb8;
	[tilespmem:$0x1E800] =	vst v63  }
0x2e9: {  	_ = 	snop  }
0x2ea: {  	[spmem:s3] =	stream.indirect.scatter.add.f32 [tilespmem:s18], [sflag:$0x2], $0x10, s21, s13, $0xb8;
	[tilespmem:$0x1E800] =	vst v63  }
0x2eb: {  	_ =	swait.ge [sflag:s20], $0x800  }
0x2ec: {  	[sflag:s20] =	ssyncset.done $0x0  }
0x2ed: {  	[sflag:s20] =	ssyncadd.s32 $0xFFFFF800  }
0x2ee: {  	_ =	swait.ge [sflag:s20], $0x800  }
0x2ef: {  	[sflag:s20] =	ssyncset.done $0x0  }
0x2f0: {  	[sflag:s20] =	ssyncadd.s32 $0xFFFFF800  }
0x2f1: {  	_ =	swait.ge [sflag:s20], $0x800  }
0x2f2: {  	[sflag:s20] =	ssyncset.done $0x0  }
0x2f3: {  	[sflag:s20] =	ssyncadd.s32 $0xFFFFF800  }
0x2f4: {  	_ =	swait.ge [sflag:s20], $0x800  }
0x2f5: {  	[sflag:s20] =	ssyncset.done $0x0  }
0x2f6: {  	[sflag:s20] =	ssyncadd.s32 $0xFFFFF800  }
0x2f7: {  	_ =	swait.ge [sflag:s20], $0x800  }
0x2f8: {  	[sflag:s20] =	ssyncset.done $0x0  }
0x2f9: {  	[sflag:s20] =	ssyncadd.s32 $0xFFFFF800  }
0x2fa: {  	_ =	swait.ge [sflag:s20], $0x800  }
0x2fb: {  	[sflag:s20] =	ssyncset.done $0x0  }
0x2fc: {  	[sflag:s20] =	ssyncadd.s32 $0xFFFFF800  }
0x2fd: {  	[tilespmem:s11], [sflag:$0x1] =	stream.indirect.gather [spmem:s2], $0x10, s22, s13, $0xb8;
	[tilespmem:$0x1E800] =	vst v63  }
0x2fe: {  	_ = 	snop  }
0x2ff: {  	[tilespmem:s14], [sflag:$0x1] =	stream.indirect.gather [spmem:s2], $0x10, s23, s13, $0xb8;
	[tilespmem:$0x1E800] =	vst v63  }
0x300: {  	_ = 	snop  }
0x301: {  	[tilespmem:s15], [sflag:$0x1] =	stream.indirect.gather [spmem:s2], $0x10, s24, s13, $0xb8;
	[tilespmem:$0x1E800] =	vst v63  }
0x302: {  	_ = 	snop  }
0x303: {  	[tilespmem:s16], [sflag:$0x1] =	stream.indirect.gather [spmem:s2], $0x10, s25, s13, $0xb8;
	[tilespmem:$0x1E800] =	vst v63  }
0x304: {  	_ = 	snop  }
0x305: {  	[tilespmem:s17], [sflag:$0x1] =	stream.indirect.gather [spmem:s2], $0x10, s26, s13, $0xb8;
	[tilespmem:$0x1E800] =	vst v63  }
0x306: {  	_ = 	snop  }
0x307: {  	[tilespmem:s18], [sflag:$0x1] =	stream.indirect.gather [spmem:s2], $0x10, s28, s13, $0xb8;
	[tilespmem:$0x1E800] =	vst v63  }
0x308: {  	_ =	swait.ge [sflag:s19], $0x800  }
0x309: {  	[sflag:s19] =	ssyncset.done $0x0  }
0x30a: {  	[sflag:s19] =	ssyncadd.s32 $0xFFFFF800  }
0x30b: {  	_ =	swait.ge [sflag:s19], $0x800  }
0x30c: {  	[sflag:s19] =	ssyncset.done $0x0  }
0x30d: {  	[sflag:s19] =	ssyncadd.s32 $0xFFFFF800  }
0x30e: {  	_ =	swait.ge [sflag:s19], $0x800  }
0x30f: {  	[sflag:s19] =	ssyncset.done $0x0  }
0x310: {  	[sflag:s19] =	ssyncadd.s32 $0xFFFFF800  }
0x311: {  	_ =	swait.ge [sflag:s19], $0x800  }
0x312: {  	[sflag:s19] =	ssyncset.done $0x0  }
0x313: {  	[sflag:s19] =	ssyncadd.s32 $0xFFFFF800  }
0x314: {  	_ =	swait.ge [sflag:s19], $0x800  }
0x315: {  	[sflag:s19] =	ssyncset.done $0x0  }
0x316: {  	[sflag:s19] =	ssyncadd.s32 $0xFFFFF800  }
0x317: {  	_ =	swait.ge [sflag:s19], $0x800  }
0x318: {  	[sflag:s19] =	ssyncset.done $0x0  }
0x319: {  	[sflag:s19] =	ssyncadd.s32 $0xFFFFF800  }
0x31a: {  	[spmem:s3] =	stream.indirect.scatter.add.f32 [tilespmem:s11], [sflag:$0x2], $0x10, s29, s13, $0xb8;
	[tilespmem:$0x1E800] =	vst v63  }
0x31b: {  	_ = 	snop  }
0x31c: {  	[spmem:s3] =	stream.indirect.scatter.add.f32 [tilespmem:s14], [sflag:$0x2], $0x10, s30, s13, $0xb8;
	[tilespmem:$0x1E800] =	vst v63  }
0x31d: {  	_ = 	snop  }
0x31e: {  	[spmem:s3] =	stream.indirect.scatter.add.f32 [tilespmem:s15], [sflag:$0x2], $0x10, s31, s13, $0xb8;
	[tilespmem:$0x1E800] =	vst v63  }
0x31f: {  	_ = 	snop  }
0x320: {  	[spmem:s3] =	stream.indirect.scatter.add.f32 [tilespmem:s16], [sflag:$0x2], $0x10, s1, s13, $0xb8;
	[tilespmem:$0x1E800] =	vst v63  }
0x321: {  	_ = 	snop  }
0x322: {  	[spmem:s3] =	stream.indirect.scatter.add.f32 [tilespmem:s17], [sflag:$0x2], $0x10, s0, s13, $0xb8;
	[tilespmem:$0x1E800] =	vst v63  }
0x323: {  	_ = 	snop  }
0x324: {  	[spmem:s3] =	stream.indirect.scatter.add.f32 [tilespmem:s18], [sflag:$0x2], $0x10, s7, s13, $0xb8;
	[tilespmem:$0x1E800] =	vst v63  }
0x325: {  	_ =	swait.ge [sflag:s20], $0x800  }
0x326: {  	[sflag:s20] =	ssyncset.done $0x0  }
0x327: {  	[sflag:s20] =	ssyncadd.s32 $0xFFFFF800  }
0x328: {  	_ =	swait.ge [sflag:s20], $0x800  }
0x329: {  	[sflag:s20] =	ssyncset.done $0x0  }
0x32a: {  	[sflag:s20] =	ssyncadd.s32 $0xFFFFF800  }
0x32b: {  	_ =	swait.ge [sflag:s20], $0x800  }
0x32c: {  	[sflag:s20] =	ssyncset.done $0x0  }
0x32d: {  	[sflag:s20] =	ssyncadd.s32 $0xFFFFF800  }
0x32e: {  	_ =	swait.ge [sflag:s20], $0x800  }
0x32f: {  	[sflag:s20] =	ssyncset.done $0x0  }
0x330: {  	p0 =	sne.s32 s5, $0x3000;
	[sflag:s20] =	ssyncadd.s32 $0xFFFFF800  }
.Ltmp0:
0x331: {  	_ =	swait.ge [sflag:s20], $0x800;
	(pc) =	sbr.rel @p0 .LBB2_2-.Ltmp0, $4  }
0x332: {  	[sflag:s20] =	ssyncset.done $0x0  }
0x333: {  	[sflag:s20] =	ssyncadd.s32 $0xFFFFF800  }
0x334: {  	_ =	swait.ge [sflag:s20], $0x800  }
0x335: {  	s5 =	sadd.s32 $0x180, s5;
	s6 =	rddreg [dreg:$0x5];
	[sflag:s20] =	ssyncset.done $0x0  }
0x336: {  	[sflag:s20] =	ssyncadd.s32 $0xFFFFF800;
	s5 =	sadd.s32 s9, s6  }
0x337: {  	[tilespmem:s4], [sflag:$0x3] =	stream.linear.gather [hbm4b:s5+s4], $0xC00, $0x38;
	[tilespmem:$0x1E800] =	vst v63  }
0x338: {  	_ =	swait.ge [sflag:s10], $0xC00  }
0x339: {  	s6 =	rddreg [dreg:$0x4];
	[sflag:s10] =	ssyncset.done $0x0  }
0x33a: {  	[sflag:s10] =	ssyncadd.s32 $0xFFFFF400;
	s5 =	sadd.s32 s9, s6  }
0x33b: {  	[tilespmem:s12], [sflag:$0x3] =	stream.linear.gather [hbm4b:s5+s4], $0xC00, $0x38;
	[tilespmem:$0x1E800] =	vst v63  }
0x33c: {  	_ =	swait.ge [sflag:s10], $0xC00  }
0x33d: {  	[sflag:s10] =	ssyncset.done $0x0  }
0x33e: {  	[sflag:s10] =	ssyncadd.s32 $0xFFFFF400  }
0x33f: {  	[tilespmem:s11], [sflag:$0x1] =	stream.indirect.gather [spmem:s2], $0x10, s4, s13, $0xb8;
	[tilespmem:$0x1E800] =	vst v63  }
0x340: {  	_ = 	snop  }
0x341: {  	[tilespmem:s14], [sflag:$0x1] =	stream.indirect.gather [spmem:s2], $0x10, s13, s13, $0xb8;
	[tilespmem:$0x1E800] =	vst v63  }
0x342: {  	s8 =	rddreg [dreg:$0x6]  }
0x343: {  	[tilespmem:s15], [sflag:$0x1] =	stream.indirect.gather [spmem:s2], $0x10, s8, s13, $0xb8;
	[tilespmem:$0x1E800] =	vst v63  }
0x344: {  	s9 =	rddreg [dreg:$0x7]  }
0x345: {  	[tilespmem:s16], [sflag:$0x1] =	stream.indirect.gather [spmem:s2], $0x10, s9, s13, $0xb8;
	[tilespmem:$0x1E800] =	vst v63  }
0x346: {  	s8 =	rddreg [dreg:$0x8]  }
0x347: {  	[tilespmem:s17], [sflag:$0x1] =	stream.indirect.gather [spmem:s2], $0x10, s8, s13, $0xb8;
	[tilespmem:$0x1E800] =	vst v63  }
0x348: {  	s9 =	rddreg [dreg:$0x9]  }
0x349: {  	[tilespmem:s18], [sflag:$0x1] =	stream.indirect.gather [spmem:s2], $0x10, s9, s13, $0xb8;
	[tilespmem:$0x1E800] =	vst v63  }
0x34a: {  	_ =	swait.ge [sflag:s19], $0x800  }
0x34b: {  	[sflag:s19] =	ssyncset.done $0x0  }
0x34c: {  	[sflag:s19] =	ssyncadd.s32 $0xFFFFF800  }
0x34d: {  	_ =	swait.ge [sflag:s19], $0x800  }
0x34e: {  	[sflag:s19] =	ssyncset.done $0x0  }
0x34f: {  	[sflag:s19] =	ssyncadd.s32 $0xFFFFF800  }
0x350: {  	_ =	swait.ge [sflag:s19], $0x800  }
0x351: {  	[sflag:s19] =	ssyncset.done $0x0  }
0x352: {  	[sflag:s19] =	ssyncadd.s32 $0xFFFFF800  }
0x353: {  	_ =	swait.ge [sflag:s19], $0x800  }
0x354: {  	[sflag:s19] =	ssyncset.done $0x0  }
0x355: {  	[sflag:s19] =	ssyncadd.s32 $0xFFFFF800  }
0x356: {  	_ =	swait.ge [sflag:s19], $0x800  }
0x357: {  	[sflag:s19] =	ssyncset.done $0x0  }
0x358: {  	[sflag:s19] =	ssyncadd.s32 $0xFFFFF800  }
0x359: {  	_ =	swait.ge [sflag:s19], $0x800  }
0x35a: {  	[sflag:s19] =	ssyncset.done $0x0  }
0x35b: {  	[sflag:s19] =	ssyncadd.s32 $0xFFFFF800  }
0x35c: {  	[spmem:s3] =	stream.indirect.scatter.add.f32 [tilespmem:s11], [sflag:$0x2], $0x10, s12, s13, $0xb8;
	[tilespmem:$0x1E800] =	vst v63  }
0x35d: {  	s6 =	rddreg [dreg:$0xa]  }
0x35e: {  	[spmem:s3] =	stream.indirect.scatter.add.f32 [tilespmem:s14], [sflag:$0x2], $0x10, s6, s13, $0xb8;
	[tilespmem:$0x1E800] =	vst v63  }
0x35f: {  	s8 =	rddreg [dreg:$0xb]  }
0x360: {  	[spmem:s3] =	stream.indirect.scatter.add.f32 [tilespmem:s15], [sflag:$0x2], $0x10, s8, s13, $0xb8;
	[tilespmem:$0x1E800] =	vst v63  }
0x361: {  	s9 =	rddreg [dreg:$0xc]  }
0x362: {  	[spmem:s3] =	stream.indirect.scatter.add.f32 [tilespmem:s16], [sflag:$0x2], $0x10, s9, s13, $0xb8;
	[tilespmem:$0x1E800] =	vst v63  }
0x363: {  	s8 =	rddreg [dreg:$0xd]  }
0x364: {  	[spmem:s3] =	stream.indirect.scatter.add.f32 [tilespmem:s17], [sflag:$0x2], $0x10, s8, s13, $0xb8;
	[tilespmem:$0x1E800] =	vst v63  }
0x365: {  	s9 =	rddreg [dreg:$0xe]  }
0x366: {  	[spmem:s3] =	stream.indirect.scatter.add.f32 [tilespmem:s18], [sflag:$0x2], $0x10, s9, s13, $0xb8;
	[tilespmem:$0x1E800] =	vst v63  }
0x367: {  	_ =	swait.ge [sflag:s20], $0x800  }
0x368: {  	[sflag:s20] =	ssyncset.done $0x0  }
0x369: {  	[sflag:s20] =	ssyncadd.s32 $0xFFFFF800  }
0x36a: {  	_ =	swait.ge [sflag:s20], $0x800  }
0x36b: {  	[sflag:s20] =	ssyncset.done $0x0  }
0x36c: {  	[sflag:s20] =	ssyncadd.s32 $0xFFFFF800  }
0x36d: {  	_ =	swait.ge [sflag:s20], $0x800  }
0x36e: {  	[sflag:s20] =	ssyncset.done $0x0  }
0x36f: {  	[sflag:s20] =	ssyncadd.s32 $0xFFFFF800  }
0x370: {  	_ =	swait.ge [sflag:s20], $0x800  }
0x371: {  	[sflag:s20] =	ssyncset.done $0x0  }
0x372: {  	[sflag:s20] =	ssyncadd.s32 $0xFFFFF800  }
0x373: {  	_ =	swait.ge [sflag:s20], $0x800  }
0x374: {  	[sflag:s20] =	ssyncset.done $0x0  }
0x375: {  	[sflag:s20] =	ssyncadd.s32 $0xFFFFF800  }
0x376: {  	_ =	swait.ge [sflag:s20], $0x800  }
0x377: {  	[sflag:s20] =	ssyncset.done $0x0  }
0x378: {  	s8 =	rddreg [dreg:$0xf];
	[sflag:s20] =	ssyncadd.s32 $0xFFFFF800  }
0x379: {  	[tilespmem:s11], [sflag:$0x1] =	stream.indirect.gather [spmem:s2], $0x10, s8, s13, $0xb8;
	[tilespmem:$0x1E800] =	vst v63  }
0x37a: {  	s9 =	rddreg [dreg:$0x10]  }
0x37b: {  	[tilespmem:s14], [sflag:$0x1] =	stream.indirect.gather [spmem:s2], $0x10, s9, s13, $0xb8;
	[tilespmem:$0x1E800] =	vst v63  }
0x37c: {  	s8 =	rddreg [dreg:$0x11]  }
0x37d: {  	[tilespmem:s15], [sflag:$0x1] =	stream.indirect.gather [spmem:s2], $0x10, s8, s13, $0xb8;
	[tilespmem:$0x1E800] =	vst v63  }
0x37e: {  	s9 =	rddreg [dreg:$0x12]  }
0x37f: {  	[tilespmem:s16], [sflag:$0x1] =	stream.indirect.gather [spmem:s2], $0x10, s9, s13, $0xb8;
	[tilespmem:$0x1E800] =	vst v63  }
0x380: {  	s8 =	rddreg [dreg:$0x13]  }
0x381: {  	[tilespmem:s17], [sflag:$0x1] =	stream.indirect.gather [spmem:s2], $0x10, s8, s13, $0xb8;
	[tilespmem:$0x1E800] =	vst v63  }
0x382: {  	s9 =	rddreg [dreg:$0x14]  }
0x383: {  	[tilespmem:s18], [sflag:$0x1] =	stream.indirect.gather [spmem:s2], $0x10, s9, s13, $0xb8;
	[tilespmem:$0x1E800] =	vst v63  }
0x384: {  	_ =	swait.ge [sflag:s19], $0x800  }
0x385: {  	[sflag:s19] =	ssyncset.done $0x0  }
0x386: {  	[sflag:s19] =	ssyncadd.s32 $0xFFFFF800  }
0x387: {  	_ =	swait.ge [sflag:s19], $0x800  }
0x388: {  	[sflag:s19] =	ssyncset.done $0x0  }
0x389: {  	[sflag:s19] =	ssyncadd.s32 $0xFFFFF800  }
0x38a: {  	_ =	swait.ge [sflag:s19], $0x800  }
0x38b: {  	[sflag:s19] =	ssyncset.done $0x0  }
0x38c: {  	[sflag:s19] =	ssyncadd.s32 $0xFFFFF800  }
0x38d: {  	_ =	swait.ge [sflag:s19], $0x800  }
0x38e: {  	[sflag:s19] =	ssyncset.done $0x0  }
0x38f: {  	[sflag:s19] =	ssyncadd.s32 $0xFFFFF800  }
0x390: {  	_ =	swait.ge [sflag:s19], $0x800  }
0x391: {  	[sflag:s19] =	ssyncset.done $0x0  }
0x392: {  	[sflag:s19] =	ssyncadd.s32 $0xFFFFF800  }
0x393: {  	_ =	swait.ge [sflag:s19], $0x800  }
0x394: {  	[sflag:s19] =	ssyncset.done $0x0  }
0x395: {  	s8 =	rddreg [dreg:$0x15];
	[sflag:s19] =	ssyncadd.s32 $0xFFFFF800  }
0x396: {  	[spmem:s3] =	stream.indirect.scatter.add.f32 [tilespmem:s11], [sflag:$0x2], $0x10, s8, s13, $0xb8;
	[tilespmem:$0x1E800] =	vst v63  }
0x397: {  	s9 =	rddreg [dreg:$0x16]  }
0x398: {  	[spmem:s3] =	stream.indirect.scatter.add.f32 [tilespmem:s14], [sflag:$0x2], $0x10, s9, s13, $0xb8;
	[tilespmem:$0x1E800] =	vst v63  }
0x399: {  	s8 =	rddreg [dreg:$0x17]  }
0x39a: {  	[spmem:s3] =	stream.indirect.scatter.add.f32 [tilespmem:s15], [sflag:$0x2], $0x10, s8, s13, $0xb8;
	[tilespmem:$0x1E800] =	vst v63  }
0x39b: {  	s9 =	rddreg [dreg:$0x18]  }
0x39c: {  	[spmem:s3] =	stream.indirect.scatter.add.f32 [tilespmem:s16], [sflag:$0x2], $0x10, s9, s13, $0xb8;
	[tilespmem:$0x1E800] =	vst v63  }
0x39d: {  	s8 =	rddreg [dreg:$0x19]  }
0x39e: {  	[spmem:s3] =	stream.indirect.scatter.add.f32 [tilespmem:s17], [sflag:$0x2], $0x10, s8, s13, $0xb8;
	[tilespmem:$0x1E800] =	vst v63  }
0x39f: {  	s9 =	rddreg [dreg:$0x1a]  }
0x3a0: {  	[spmem:s3] =	stream.indirect.scatter.add.f32 [tilespmem:s18], [sflag:$0x2], $0x10, s9, s13, $0xb8;
	[tilespmem:$0x1E800] =	vst v63  }
0x3a1: {  	_ =	swait.ge [sflag:s20], $0x800  }
0x3a2: {  	[sflag:s20] =	ssyncset.done $0x0  }
0x3a3: {  	[sflag:s20] =	ssyncadd.s32 $0xFFFFF800  }
0x3a4: {  	_ =	swait.ge [sflag:s20], $0x800  }
0x3a5: {  	[sflag:s20] =	ssyncset.done $0x0  }
0x3a6: {  	[sflag:s20] =	ssyncadd.s32 $0xFFFFF800  }
0x3a7: {  	_ =	swait.ge [sflag:s20], $0x800  }
0x3a8: {  	[sflag:s20] =	ssyncset.done $0x0  }
0x3a9: {  	[sflag:s20] =	ssyncadd.s32 $0xFFFFF800  }
0x3aa: {  	_ =	swait.ge [sflag:s20], $0x800  }
0x3ab: {  	[sflag:s20] =	ssyncset.done $0x0  }
0x3ac: {  	[sflag:s20] =	ssyncadd.s32 $0xFFFFF800  }
0x3ad: {  	_ =	swait.ge [sflag:s20], $0x800  }
0x3ae: {  	[sflag:s20] =	ssyncset.done $0x0  }
0x3af: {  	[sflag:s20] =	ssyncadd.s32 $0xFFFFF800  }
0x3b0: {  	_ =	swait.ge [sflag:s20], $0x800  }
0x3b1: {  	s8 =	rddreg [dreg:$0x1b];
	[sflag:s20] =	ssyncset.done $0x0  }
0x3b2: {  	s9 =	rddreg [dreg:$0x1c];
	[sflag:s20] =	ssyncadd.s32 $0xFFFFF800  }
0x3b3: {  	[tilespmem:s11], [sflag:$0x1] =	stream.indirect.gather [spmem:s2], $0x10, s8, s13, $0xb8;
	[tilespmem:$0x1E800] =	vst v63  }
0x3b4: {  	s8 =	rddreg [dreg:$0x1d]  }
0x3b5: {  	[tilespmem:s14], [sflag:$0x1] =	stream.indirect.gather [spmem:s2], $0x10, s9, s13, $0xb8;
	[tilespmem:$0x1E800] =	vst v63  }
0x3b6: {  	s9 =	rddreg [dreg:$0x1e]  }
0x3b7: {  	[tilespmem:s15], [sflag:$0x1] =	stream.indirect.gather [spmem:s2], $0x10, s8, s13, $0xb8;
	[tilespmem:$0x1E800] =	vst v63  }
0x3b8: {  	s8 =	rddreg [dreg:$0x1f]  }
0x3b9: {  	[tilespmem:s16], [sflag:$0x1] =	stream.indirect.gather [spmem:s2], $0x10, s9, s13, $0xb8;
	[tilespmem:$0x1E800] =	vst v63  }
0x3ba: {  	s9 =	sld [smem:$0x7E2]  }
0x3bb: {  	[tilespmem:s17], [sflag:$0x1] =	stream.indirect.gather [spmem:s2], $0x10, s8, s13, $0xb8;
	[tilespmem:$0x1E800] =	vst v63  }
0x3bc: {  	_ = 	snop  }
0x3bd: {  	[tilespmem:s18], [sflag:$0x1] =	stream.indirect.gather [spmem:s2], $0x10, s9, s13, $0xb8;
	[tilespmem:$0x1E800] =	vst v63  }
0x3be: {  	_ =	swait.ge [sflag:s19], $0x800  }
0x3bf: {  	[sflag:s19] =	ssyncset.done $0x0  }
0x3c0: {  	[sflag:s19] =	ssyncadd.s32 $0xFFFFF800  }
0x3c1: {  	_ =	swait.ge [sflag:s19], $0x800  }
0x3c2: {  	[sflag:s19] =	ssyncset.done $0x0  }
0x3c3: {  	[sflag:s19] =	ssyncadd.s32 $0xFFFFF800  }
0x3c4: {  	_ =	swait.ge [sflag:s19], $0x800  }
0x3c5: {  	[sflag:s19] =	ssyncset.done $0x0  }
0x3c6: {  	[sflag:s19] =	ssyncadd.s32 $0xFFFFF800  }
0x3c7: {  	_ =	swait.ge [sflag:s19], $0x800  }
0x3c8: {  	[sflag:s19] =	ssyncset.done $0x0  }
0x3c9: {  	[sflag:s19] =	ssyncadd.s32 $0xFFFFF800  }
0x3ca: {  	_ =	swait.ge [sflag:s19], $0x800  }
0x3cb: {  	[sflag:s19] =	ssyncset.done $0x0  }
0x3cc: {  	[sflag:s19] =	ssyncadd.s32 $0xFFFFF800  }
0x3cd: {  	_ =	swait.ge [sflag:s19], $0x800  }
0x3ce: {  	s6 =	sld [smem:$0x7E4]  }
0x3cf: {  	[sflag:s19] =	ssyncset.done $0x0  }
0x3d0: {  	s8 =	sld [smem:$0x7E6];
	[sflag:s19] =	ssyncadd.s32 $0xFFFFF800  }
0x3d1: {  	[spmem:s3] =	stream.indirect.scatter.add.f32 [tilespmem:s11], [sflag:$0x2], $0x10, s6, s13, $0xb8;
	[tilespmem:$0x1E800] =	vst v63  }
0x3d2: {  	s9 =	sld [smem:$0x7E8]  }
0x3d3: {  	[spmem:s3] =	stream.indirect.scatter.add.f32 [tilespmem:s14], [sflag:$0x2], $0x10, s8, s13, $0xb8;
	[tilespmem:$0x1E800] =	vst v63  }
0x3d4: {  	s8 =	sld [smem:$0x7EA]  }
0x3d5: {  	[spmem:s3] =	stream.indirect.scatter.add.f32 [tilespmem:s15], [sflag:$0x2], $0x10, s9, s13, $0xb8;
	[tilespmem:$0x1E800] =	vst v63  }
0x3d6: {  	s9 =	sld [smem:$0x7EC]  }
0x3d7: {  	[spmem:s3] =	stream.indirect.scatter.add.f32 [tilespmem:s16], [sflag:$0x2], $0x10, s8, s13, $0xb8;
	[tilespmem:$0x1E800] =	vst v63  }
0x3d8: {  	_ = 	snop  }
0x3d9: {  	[spmem:s3] =	stream.indirect.scatter.add.f32 [tilespmem:s17], [sflag:$0x2], $0x10, s9, s13, $0xb8;
	[tilespmem:$0x1E800] =	vst v63  }
0x3da: {  	_ = 	snop  }
0x3db: {  	[spmem:s3] =	stream.indirect.scatter.add.f32 [tilespmem:s18], [sflag:$0x2], $0x10, s21, s13, $0xb8;
	[tilespmem:$0x1E800] =	vst v63  }
0x3dc: {  	_ =	swait.ge [sflag:s20], $0x800  }
0x3dd: {  	[sflag:s20] =	ssyncset.done $0x0  }
0x3de: {  	[sflag:s20] =	ssyncadd.s32 $0xFFFFF800  }
0x3df: {  	_ =	swait.ge [sflag:s20], $0x800  }
0x3e0: {  	[sflag:s20] =	ssyncset.done $0x0  }
0x3e1: {  	[sflag:s20] =	ssyncadd.s32 $0xFFFFF800  }
0x3e2: {  	_ =	swait.ge [sflag:s20], $0x800  }
0x3e3: {  	[sflag:s20] =	ssyncset.done $0x0  }
0x3e4: {  	[sflag:s20] =	ssyncadd.s32 $0xFFFFF800  }
0x3e5: {  	_ =	swait.ge [sflag:s20], $0x800  }
0x3e6: {  	[sflag:s20] =	ssyncset.done $0x0  }
0x3e7: {  	[sflag:s20] =	ssyncadd.s32 $0xFFFFF800  }
0x3e8: {  	_ =	swait.ge [sflag:s20], $0x800  }
0x3e9: {  	[sflag:s20] =	ssyncset.done $0x0  }
0x3ea: {  	[sflag:s20] =	ssyncadd.s32 $0xFFFFF800  }
0x3eb: {  	_ =	swait.ge [sflag:s20], $0x800  }
0x3ec: {  	[sflag:s20] =	ssyncset.done $0x0  }
0x3ed: {  	[sflag:s20] =	ssyncadd.s32 $0xFFFFF800  }
0x3ee: {  	[tilespmem:s11], [sflag:$0x1] =	stream.indirect.gather [spmem:s2], $0x10, s22, s13, $0xb8;
	[tilespmem:$0x1E800] =	vst v63  }
0x3ef: {  	_ = 	snop  }
0x3f0: {  	[tilespmem:s14], [sflag:$0x1] =	stream.indirect.gather [spmem:s2], $0x10, s23, s13, $0xb8;
	[tilespmem:$0x1E800] =	vst v63  }
0x3f1: {  	_ = 	snop  }
0x3f2: {  	[tilespmem:s15], [sflag:$0x1] =	stream.indirect.gather [spmem:s2], $0x10, s24, s13, $0xb8;
	[tilespmem:$0x1E800] =	vst v63  }
0x3f3: {  	_ = 	snop  }
0x3f4: {  	[tilespmem:s16], [sflag:$0x1] =	stream.indirect.gather [spmem:s2], $0x10, s25, s13, $0xb8;
	[tilespmem:$0x1E800] =	vst v63  }
0x3f5: {  	_ = 	snop  }
0x3f6: {  	[tilespmem:s17], [sflag:$0x1] =	stream.indirect.gather [spmem:s2], $0x10, s26, s13, $0xb8;
	[tilespmem:$0x1E800] =	vst v63  }
0x3f7: {  	_ = 	snop  }
0x3f8: {  	[tilespmem:s18], [sflag:$0x1] =	stream.indirect.gather [spmem:s2], $0x10, s28, s13, $0xb8;
	[tilespmem:$0x1E800] =	vst v63  }
0x3f9: {  	_ =	swait.ge [sflag:s19], $0x800  }
0x3fa: {  	[sflag:s19] =	ssyncset.done $0x0  }
0x3fb: {  	[sflag:s19] =	ssyncadd.s32 $0xFFFFF800  }
0x3fc: {  	_ =	swait.ge [sflag:s19], $0x800  }
0x3fd: {  	[sflag:s19] =	ssyncset.done $0x0  }
0x3fe: {  	[sflag:s19] =	ssyncadd.s32 $0xFFFFF800  }
0x3ff: {  	_ =	swait.ge [sflag:s19], $0x800  }
0x400: {  	[sflag:s19] =	ssyncset.done $0x0  }
0x401: {  	[sflag:s19] =	ssyncadd.s32 $0xFFFFF800  }
0x402: {  	_ =	swait.ge [sflag:s19], $0x800  }
0x403: {  	[sflag:s19] =	ssyncset.done $0x0  }
0x404: {  	[sflag:s19] =	ssyncadd.s32 $0xFFFFF800  }
0x405: {  	_ =	swait.ge [sflag:s19], $0x800  }
0x406: {  	[sflag:s19] =	ssyncset.done $0x0  }
0x407: {  	[sflag:s19] =	ssyncadd.s32 $0xFFFFF800  }
0x408: {  	_ =	swait.ge [sflag:s19], $0x800  }
0x409: {  	[sflag:s19] =	ssyncset.done $0x0  }
0x40a: {  	[sflag:s19] =	ssyncadd.s32 $0xFFFFF800  }
0x40b: {  	[spmem:s3] =	stream.indirect.scatter.add.f32 [tilespmem:s11], [sflag:$0x2], $0x10, s29, s13, $0xb8;
	[tilespmem:$0x1E800] =	vst v63  }
0x40c: {  	_ = 	snop  }
0x40d: {  	[spmem:s3] =	stream.indirect.scatter.add.f32 [tilespmem:s14], [sflag:$0x2], $0x10, s30, s13, $0xb8;
	[tilespmem:$0x1E800] =	vst v63  }
0x40e: {  	_ = 	snop  }
0x40f: {  	[spmem:s3] =	stream.indirect.scatter.add.f32 [tilespmem:s15], [sflag:$0x2], $0x10, s31, s13, $0xb8;
	[tilespmem:$0x1E800] =	vst v63  }
0x410: {  	_ = 	snop  }
0x411: {  	[spmem:s3] =	stream.indirect.scatter.add.f32 [tilespmem:s16], [sflag:$0x2], $0x10, s1, s13, $0xb8;
	[tilespmem:$0x1E800] =	vst v63  }
0x412: {  	_ = 	snop  }
0x413: {  	[spmem:s3] =	stream.indirect.scatter.add.f32 [tilespmem:s17], [sflag:$0x2], $0x10, s0, s13, $0xb8;
	[tilespmem:$0x1E800] =	vst v63  }
0x414: {  	_ = 	snop  }
0x415: {  	[spmem:s3] =	stream.indirect.scatter.add.f32 [tilespmem:s18], [sflag:$0x2], $0x10, s7, s13, $0xb8;
	[tilespmem:$0x1E800] =	vst v63  }
0x416: {  	_ =	swait.ge [sflag:s20], $0x800  }
0x417: {  	[sflag:s20] =	ssyncset.done $0x0  }
0x418: {  	[sflag:s20] =	ssyncadd.s32 $0xFFFFF800  }
0x419: {  	_ =	swait.ge [sflag:s20], $0x800  }
0x41a: {  	[sflag:s20] =	ssyncset.done $0x0  }
0x41b: {  	[sflag:s20] =	ssyncadd.s32 $0xFFFFF800  }
0x41c: {  	_ =	swait.ge [sflag:s20], $0x800  }
0x41d: {  	[sflag:s20] =	ssyncset.done $0x0  }
0x41e: {  	[sflag:s20] =	ssyncadd.s32 $0xFFFFF800  }
0x41f: {  	_ =	swait.ge [sflag:s20], $0x800  }
0x420: {  	[sflag:s20] =	ssyncset.done $0x0  }
0x421: {  	[sflag:s20] =	ssyncadd.s32 $0xFFFFF800  }
0x422: {  	_ =	swait.ge [sflag:s20], $0x800  }
0x423: {  	[sflag:s20] =	ssyncset.done $0x0  }
0x424: {  	[sflag:s20] =	ssyncadd.s32 $0xFFFFF800  }
0x425: {  	_ =	swait.ge [sflag:s20], $0x800  }
0x426: {  	[sflag:s20] =	ssyncset.done $0x0  }
0x427: {  	[sflag:s20] =	ssyncadd.s32 $0xFFFFF800  }
0x428: {  	[bflag:$0x0] =	sbarrier.arrive $0xFFFF  }
0x429: {  	s9 =	sld [smem:$0x7FD]  }
0x42a: {  	s6 =	sld [smem:$0x7FC]  }
0x42b: {  	s8 =	sld [smem:$0x7F9];
	_ =	sdelay $0x1  }
0x42c: {  	s5 =	sshrl.u32 s9, $0x3  }
0x42d: {  	[hbm:s8], [sflag:s6] =	dma.local [spmem:s5], $0x1A00  }
0x42e: {  	_ =	swait.ge [sflag:s10], $0x1A00  }
0x42f: {  	s5 =	smov.u32 s6;
	s6 =	sld [smem:$0x7D8];
	_ =	sdelay $0x2  }
0x430: {  	s8 =	sadd.s32 $0x1, s6;
	s6 =	sld [smem:$0x7FA];
	_ =	sdelay $0x2  }
0x431: {  	p0 =	sne.s32 s8, s6  }
.Ltmp1:
0x432: {  	_ = 	snop;
	(pc) =	sbr.rel @p0 .LBB2_1-.Ltmp1, $3  }
0x433: {  	_ =	sdelay $0x1  }
0x434: {  	[sflag:s10] =	ssyncset.done $0x0  }
0x435: {  	[sflag:s10] =	ssyncadd.s32 $0xFFFFE600  }
0x436: {  	_ =	sfence.sel $0x180000  }
0x437: {  	[bflag:$0x0] =	sbarrier.arrive $0xFFFF  }
0x438: {  	_ =	strace $0x9000004A  }
0x439: {  	s0 =	stileid.u32;
	[bflag:$0x2] =	sbarrier.arrive $0xFFFF  }
0x43a: {  	p0 =	sne.s32 s0, $0x0;
	s0 =	rddreg [dreg:$0x3]  }
0x43b: {  	s0 =	sadd.s32 @!p0 $0x100000, s0  }
0x43c: {  	[sflag:s0] =	ssyncadd.tile.s32 @!p0 $0x1;
	_ =	shalt  }
.Lfunc_end2:
_tile_overlayer_lowered:
.L_overlay_start_2:
0x43d: {  	(tag) =	ssettag $0x2  }
0x43e: {  	s0 =	rddreg [dreg:$0x0];
	s2 =	stileid.u32  }
0x43f: {  	s1 =	rddreg [dreg:$0x1];
	p0 =	sne.s32 s2, $0x0  }
0x440: {  	s3 =	rddreg [dreg:$0x2];
	[bflag:$0x3] =	sbarrier.arrive $0xFFFF;
	s2 =	simm.s32 @!p0 $0x1C03  }
0x441: {  	[timem:s3], [sflag:s2] =	dma.local @!p0 [hbm:s0], s1  }
0x442: {  	s0 =	simm.s32 @!p0 $0x3  }
0x443: {  	_ =	swait.ge @!p0 [sflag:s0], s1  }
0x444: {  	s1 =	ssub.s32 @!p0 $0x0, s1;
	[sflag:s0] =	ssyncset.done @!p0 $0x0  }
0x445: {  	[sflag:s0] =	ssyncadd.s32 @!p0 s1  }
0x446: {  	[bflag:$0x3] =	sbarrier.arrive $0xFFFF  }
0x447: {  	_ =	shalt  }

// kernel: kernel.16.cloned.1.call-start
scs
__scs_entry_jumppad:
0x0: {  	(pc) =	sbr.rel $0x88, $3  }
0x1: {  	(tag) =	ssettag $0x0;
	lr =	simm.s32 $0x1  }
0x2: {  	[smem:$0x3F8E] =	sst lr;
	_ =	strace $0xD0000000  }
0x3: {  	_ = 	snop  }
0x4: {  	_ = 	snop  }
0x5: {  	_ = 	snop  }
0x6: {  	_ = 	snop  }
0x7: {  	_ = 	snop  }
__scs_overlays_trampoline_lowered:
0x8: {  	[smem:$0x3F9D] =	sst s0  }
0x9: {  	[smem:$0x3F9E] =	sst s1  }
0xa: {  	[smem:$0x3F9F] =	sst s2  }
0xb: {  	[smem:$0x3FA0] =	sst s3  }
0xc: {  	[smem:$0x3FA1] =	sst s4  }
0xd: {  	[smem:$0x3FA2] =	sst s5  }
0xe: {  	[smem:$0x3FA3] =	sst s6  }
0xf: {  	[smem:$0x3FA4] =	sst s7  }
0x10: {  	[smem:$0x3FA5] =	sst s8  }
0x11: {  	[smem:$0x3FA6] =	sst s9;
	s0 =	simm.s32 @!p0 $0x0  }
0x12: {  	s1 =	sld [smem:$0x3F8C];
	s0 =	simm.s32 @p0 $0x1  }
0x13: {  	[smem:$0x3FA7] =	sst s0;
	s0 =	simm.s32 @!p1 $0x0  }
0x14: {  	s2 =	sld [smem:$0x3F8B];
	s0 =	simm.s32 @p1 $0x1  }
0x15: {  	[smem:$0x3FA8] =	sst s0;
	s0 =	simm.s32 @!p2 $0x0  }
0x16: {  	s3 =	sld [smem:$0x3FDB];
	s0 =	simm.s32 @p2 $0x1  }
0x17: {  	s4 =	simm.s32 $0x1BF5;
	[smem:$0x3FAA] =	sst s0  }
0x18: {  	s0 =	sld [smem:$0x3F8D];
	_ =	swait.ge [sflag:s4], $0x0  }
0x19: {  	s7 =	sld [smem:$0x3F8E]  }
0x1a: {  	s8 =	sadd.s32 $0xFFFFE003, lr  }
0x1b: {  	s9 =	sadd.s32 $0xFFFFFEF7, lr;
	s5 =	simm.s32 $0xFFFFFFFF;
	p2 =	slt.u32 s8, $0xFFFFF086  }
0x1c: {  	p1 =	slt.u32 s9, $0xF7A;
	s5 =	simm.s32 @!p2 $0x0  }
0x1d: {  	s5 =	simm.s32 @p1 $0x1;
	p0 =	seq.s32 s7, s2  }
0x1e: {  	s7 =	smul.u32 @!p0 $0xF7A, s2;
	p2 =	seq.s32 @!p0 s5, $0x0  }
0x1f: {  	s9 =	smul.u32 $0xF7A, s1;
	s8 =	simm.s32 @!p0 $0x1BF5;
	p2 =	por !p2, p0  }
0x20: {  	[sflag:s8] =	ssyncset.s32 @!p0 $0xFFFFF086;
	s6 =	sadd.s32 @!p0 s3, s7;
	s7 =	simm.s32 @!p0 $0x108  }
0x21: {  	s3 =	sadd.s32 s3, s9;
	s6 =	sadd.s32 @!p0 $0x88, s6;
	s7 =	simm.s32 @p2 $0x1082  }
0x22: {  	[simem:s7], [sflag:s8] =	dma.local @!p0 [hbm:s6], $0xF7A  }
0x23: {  	s9 =	sor.u32 $0xD0000000, s2;
	s6 =	simm.s32 $0x108;
	_ =	swait.ge @!p0 [sflag:s8], $0x0  }
0x24: {  	s3 =	sadd.s32 $0x88, s3;
	s6 =	simm.s32 @!p1 $0x1082;
	[sflag:s4] =	ssyncset.s32 $0xFFFFF086  }
0x25: {  	[simem:s6], [sflag:s4] =	dma.local [hbm:s3], $0xF7A  }
0x26: {  	[smem:$0x3F8E] =	sst s1;
	(tag) =	ssettag s2;
	_ =	strace s9  }
0x27: {  	s1 =	sld [smem:$0x3F9E]  }
0x28: {  	s2 =	sld [smem:$0x3F9F]  }
0x29: {  	s4 =	sld [smem:$0x3FA1]  }
0x2a: {  	p0 =	seq.s32 s5, $0x0;
	s5 =	sld [smem:$0x3FA2]  }
0x2b: {  	s6 =	sld [smem:$0x3FA3]  }
0x2c: {  	s7 =	sld [smem:$0x3FA4]  }
0x2d: {  	s3 =	simm.s32 $0x108;
	s8 =	sld [smem:$0x3FA5]  }
0x2e: {  	s3 =	simm.s32 @!p0 $0x1082;
	s9 =	sld [smem:$0x3FA6]  }
0x2f: {  	lr =	sadd.s32 s0, s3;
	s0 =	sld [smem:$0x3F9D]  }
0x30: {  	s3 =	sld [smem:$0x3FA0]  }
0x31: {  	[smem:$0x3FA9] =	sst s10  }
0x32: {  	s10 =	sld [smem:$0x3FA7];
	_ =	sdelay $0x3  }
0x33: {  	p0 =	seq.s32 s10, $0x1;
	s10 =	sld [smem:$0x3FA9];
	_ =	sdelay $0x3  }
0x34: {  	[smem:$0x3FA9] =	sst s10  }
0x35: {  	s10 =	sld [smem:$0x3FA8];
	_ =	sdelay $0x3  }
0x36: {  	p1 =	seq.s32 s10, $0x1;
	s10 =	sld [smem:$0x3FA9];
	_ =	sdelay $0x3  }
0x37: {  	[smem:$0x3FA9] =	sst s10  }
0x38: {  	s10 =	sld [smem:$0x3FAA]  }
0x39: {  	_ = 	snop;
	(pc) =	sbr.ind lr, $3  }
0x3a: {  	_ = 	snop  }
0x3b: {  	_ = 	snop  }
0x3c: {  	p2 =	seq.s32 s10, $0x1;
	s10 =	sld [smem:$0x3FA9]  }
0x3d: {  	_ =	shalt  }
0x3e: {  	_ =	shalt  }
0x3f: {  	_ =	shalt  }
0x40: {  	_ =	shalt  }
0x41: {  	_ =	shalt  }
0x42: {  	_ =	shalt  }
0x43: {  	_ =	shalt  }
0x44: {  	_ =	shalt  }
0x45: {  	_ =	shalt  }
0x46: {  	_ =	shalt  }
0x47: {  	_ =	shalt  }
0x48: {  	_ =	shalt  }
0x49: {  	_ =	shalt  }
0x4a: {  	_ =	shalt  }
0x4b: {  	_ =	shalt  }
0x4c: {  	_ =	shalt  }
0x4d: {  	_ =	shalt  }
0x4e: {  	_ =	shalt  }
0x4f: {  	_ =	shalt  }
0x50: {  	_ =	shalt  }
0x51: {  	_ =	shalt  }
0x52: {  	_ =	shalt  }
0x53: {  	_ =	shalt  }
0x54: {  	_ =	shalt  }
0x55: {  	_ =	shalt  }
0x56: {  	_ =	shalt  }
0x57: {  	_ =	shalt  }
0x58: {  	_ =	shalt  }
0x59: {  	_ =	shalt  }
0x5a: {  	_ =	shalt  }
0x5b: {  	_ =	shalt  }
0x5c: {  	_ =	shalt  }
0x5d: {  	_ =	shalt  }
0x5e: {  	_ =	shalt  }
0x5f: {  	_ =	shalt  }
0x60: {  	_ =	shalt  }
0x61: {  	_ =	shalt  }
0x62: {  	_ =	shalt  }
0x63: {  	_ =	shalt  }
0x64: {  	_ =	shalt  }
0x65: {  	_ =	shalt  }
0x66: {  	_ =	shalt  }
0x67: {  	_ =	shalt  }
0x68: {  	_ =	shalt  }
0x69: {  	_ =	shalt  }
0x6a: {  	_ =	shalt  }
0x6b: {  	_ =	shalt  }
0x6c: {  	_ =	shalt  }
0x6d: {  	_ =	shalt  }
0x6e: {  	_ =	shalt  }
0x6f: {  	_ =	shalt  }
0x70: {  	_ =	shalt  }
0x71: {  	_ =	shalt  }
0x72: {  	_ =	shalt  }
0x73: {  	_ =	shalt  }
0x74: {  	_ =	shalt  }
0x75: {  	_ =	shalt  }
0x76: {  	_ =	shalt  }
0x77: {  	_ =	shalt  }
0x78: {  	_ =	shalt  }
0x79: {  	_ =	shalt  }
0x7a: {  	_ =	shalt  }
0x7b: {  	_ =	shalt  }
0x7c: {  	_ =	shalt  }
0x7d: {  	_ =	shalt  }
0x7e: {  	_ =	shalt  }
0x7f: {  	_ =	shalt  }
0x80: {  	_ =	shalt  }
0x81: {  	_ =	shalt  }
0x82: {  	_ =	shalt  }
0x83: {  	_ =	shalt  }
0x84: {  	_ =	shalt  }
0x85: {  	_ =	shalt  }
0x86: {  	_ =	shalt  }
0x87: {  	_ =	shalt  }
.Lfunc_end0:
.L_simem_size_0:
called_computation.2_lowered:
.L_overlay_start_0:
0x88: {  	s2 =	sld [smem:$0x3FD9]  }
0x89: {  	s3 =	sld [smem:$0x3FFE];
	_ =	sdelay $0x1  }
0x8a: {  	s1 =	srdreg.scid  }
0x8b: {  	s0 =	sand.u32 $0x1, s1  }
0x8c: {  	s16 =	sshll.u32 s0, $0xA;
	s2 =	sadd.s32 s3, s2  }
0x8d: {  	s2 =	sadd.s32 s2, s16  }
0x8e: {  	[smem:$0x3FB5] =	sst s2  }
0x8f: {  	_ = 	snop  }
0x90: {  	(tm) =	ssettm $0x1  }
0x91: {  	s17 =	sld [smem:$0x3FFB];
	_ =	sdelay $0x3  }
0x92: {  	_ =	strace s17  }
0x93: {  	s2 =	sld [smem:$0x3FFC];
	_ =	sdelay $0x3  }
0x94: {  	_ =	strace s2  }
0x95: {  	s2 =	sld [smem:$0x3FFD];
	_ =	sdelay $0x3  }
0x96: {  	_ =	strace s2  }
0x97: {  	_ =	strace $0x8FFFFFFF  }
0x98: {  	s18 =	sld [smem:$0x3FDB];
	_ =	sdelay $0x1  }
0x99: {  	s19 =	simm.s32 $_scs_section_size  }
0x9a: {  	s4 =	simm.s32 $_size__tile_overlayer_lowered;
	s5 =	simm.s32 $_tile_overlayer_lowered  }
0x9b: {  	s22 =	simm.s32 $0x1BFF;
	s21 =	sshll.u32 s5, $0x1;
	s2 =	sadd.s32 s19, s18  }
0x9c: {  	s6 =	simm.s32 $0x0;
	s20 =	sshll.u32 s4, $0x1;
	s4 =	sadd.s32 s21, s2  }
0x9d: {  	[timem:s6], [sflag:s22] =	dma.local [hbm:s4], s20  }
0x9e: {  	_ =	swait.ge [sflag:s22], s20  }
0x9f: {  	s3 =	ssub.s32 $0x0, s20;
	[sflag:s22] =	ssyncset.done $0x0  }
0xa0: {  	[sflag:s22] =	ssyncadd.s32 s3;
	_ =	sdelay $0x1  }
0xa1: {  	s23 =	simm.s32 $0x1B8B  }
0xa2: {  	_ =	swait.ge [sflag:s23], $0x1  }
0xa3: {  	[sflag:s23] =	ssyncset.done $0x0  }
0xa4: {  	s25 =	simm.s32 $0x1B8E;
	s24 =	sld [smem:$0x3FFE];
	[sflag:s23] =	ssyncadd.s32 $0xFFFFFFFF  }
0xa5: {  	s26 =	simm.s32 $execute0_lowered;
	[smem:$0x3FD2] =	sst s25  }
0xa6: {  	s4 =	sshll.u32 s26, $0x1;
	_ =	strace $0x8000004C;
	[dreg:$0x1] =	wrdreg $0xFFFFFFFF  }
0xa7: {  	s28 =	simm.s32 $_size_execute0_lowered;
	s2 =	sadd.s32 s2, s4;
	[dreg:$0x0] =	wrdreg $0x0  }
0xa8: {  	s4 =	sshll.u32 s28, $0x1;
	[dreg:$0x2] =	wrdreg s2  }
0xa9: {  	[dreg:$0x3] =	wrdreg s4  }
0xaa: {  	[dreg:$0x4] =	wrdreg $0xC0  }
0xab: {  	_ =	task [dreg:s6], $0x5FFFF  }
0xac: {  	[dreg:$0x1] =	wrdreg $0xFFFFFFFF  }
0xad: {  	[dreg:$0x0] =	wrdreg $0x60  }
0xae: {  	[dreg:$0x2] =	wrdreg s24  }
0xaf: {  	[dreg:$0x3] =	wrdreg $0x9  }
0xb0: {  	_ =	task.clear_ibuf [dreg:s6], $0x4FFFF;
	_ =	strace $0x9000004C  }
0xb1: {  	s29 =	simm.s32 $0x9;
	_ =	strace $0x8000004E  }
0xb2: {  	_ =	swait.ge [sflag:s29], $0x1  }
0xb3: {  	[sflag:s29] =	ssyncadd.s32 $0xFFFFFFFF  }
0xb4: {  	_ =	strace $0x9000004E  }
0xb5: {  	_ =	sfence  }
0xb6: {  	s30 =	sld [smem:$0x0];
	_ =	sdelay $0x2  }
0xb7: {  	s31 =	sshll.u32 s1, $0xD;
	s1 =	sshrl.u32 s1, $0x2  }
0xb8: {  	s3 =	sand.u32 $0x4000, s31;
	s1 =	sadd.s32 s1, s30  }
0xb9: {  	s0 =	sor.u32 s3, s0;
	s1 =	sshll.u32 s1, $0x11  }
0xba: {  	s0 =	sor.u32 s1, s0  }
0xbb: {  	s0 =	sadd.s32 $0x8F2B, s0  }
0xbc: {  	[sflag:s0] =	ssyncadd.remote.s32 $0x1  }
0xbd: {  	_ =	sfence.sel $0xFFFF  }
0xbe: {  	[dreg:$0x0] =	wrdreg $0xFFFFFFFF;
	(pc) =	sbr.abs _section_cstart, $3  }
0xbf: {  	[dreg:$0x1] =	wrdreg $0xFFFFFFFF  }
0xc0: {  	_ =	task.clear_ibuf [dreg:s6], $0x2FFFF;
	_ =	strace $0x9FFFFFFF  }
0xc1: {  	(tm) =	ssettm $0x7FFFFFFF  }
tec
execute0_lowered:
.L_overlay_start_1:
0x0: {  	(tag) =	ssettag $0x1  }
0x1: {  	s0 =	srdreg.scid  }
0x2: {  	s3 =	sand.u32 $0x1, s0  }
0x3: {  	s0 =	stileid.u32;
	s1 =	sshll.u32 s3, $0x4  }
0x4: {  	s4 =	rddreg [dreg:$0x0];
	s2 =	simm.s32 $0x0;
	s5 =	sor.u32 s0, s1  }
0x5: {  	s10 =	simm.s32 $0xD680;
	s11 =	simm.s32 $0x0;
	s6 =	smul.u32 $0x1A00, s5  }
0x6: {  	[smem:$0x7FF] =	sst s2;
	s8 =	ssub.s32 $0x2, s3;
	s7 =	smul.u32 $0xD0, s5  }
0x7: {  	s3 =	sadd.s32 $0x37400, s4;
	s31 =	sshrl.u32 s8, $0x1;
	s5 =	smul.u32 $0x820, s5  }
0x8: {  	s1 =	rddreg [dreg:$0x1];
	_ =	strace $0x8000004D;
	s8 =	ssub.s32 s8, s31  }
0x9: {  	s6 =	sadd.s32 s6, s4;
	s7 =	sadd.s32 s7, s4;
	s9 =	sadd.s32 s5, s4  }
0xa: {  	v0 =	vlaneseq.u32;
	s4 =	sadd.s32 $0x3400, s6;
	s5 =	sadd.s32 $0xCE400, s7;
	s6 =	sadd.s32 $0x37E00, s9  }
0xb: {  	v1 =	vor.u32 $0x10, v0;
	s7 =	smax.u32 s8, $0x1;
	s8 =	simm.s32 $0x1;
	s9 =	simm.s32 $0xD000  }
.LBB2_1:
0xc: {  	[tilespmem:s2], [sflag:$0x1] =	stream.linear.gather [hbm4b:s4+s2], $0xD000, $0x38;
	[tilespmem:$0x11780] =	vst v63  }
0xd: {  	_ =	swait.ge [sflag:s8], $0xD000  }
0xe: {  	[sflag:s8] =	ssyncset.done $0x0  }
0xf: {  	[sflag:s8] =	ssyncadd.s32 $0xFFFF3000  }
0x10: {  	[tilespmem:s9], [sflag:$0x1] =	stream.linear.gather [hbm4b:s5+s2], $0x680, $0x38;
	[tilespmem:$0x11780] =	vst v63  }
0x11: {  	_ =	swait.ge [sflag:s8], $0x680  }
0x12: {  	[sflag:s8] =	ssyncset.done $0x0  }
0x13: {  	v2 =	vmov s2;
	[sflag:s8] =	ssyncadd.s32 $0xFFFFF980  }
0x14: {  	[tilespmem:s10], [sflag:$0x1] =	stream.linear.gather [hbm4b:s3+s2], $0x4100, $0x38;
	[tilespmem:$0x11780] =	vst v63  }
0x15: {  	_ =	swait.ge [sflag:s8], $0x4100  }
0x16: {  	[sflag:s8] =	ssyncset.done $0x0  }
0x17: {  	[sflag:s8] =	ssyncadd.s32 $0xFFFFBF00  }
0x18: {  	v3 =	vld.idx.msk [tilespmem:v2+s9+$0x0], $0xffff;
	_ =	sdelay $0x3  }
0x19: {  	v2 =	vshll.u32 v2, $0x5  }
0x1a: {  	v4 =	vor.u32 v0, v2;
	v3 =	vshll.u32 v3, $0x5  }
0x1b: {  	v5 =	vor.u32 v0, v3;
	_ =	sdelay $0x3  }
0x1c: {  	v4 =	vld.idx.msk [tilespmem:v4+s2+$0x0], $0xffff  }
0x1d: {  	v6 =	vld.idx.msk [tilespmem:v5+s10+$0x0], $0xffff;
	_ =	sdelay $0x1  }
0x1e: {  	v2 =	vor.u32 v1, v2  }
0x1f: {  	v3 =	vor.u32 v1, v3;
	_ =	sdelay $0x1  }
0x20: {  	v4 =	vmax.f32 v6, v4  }
0x21: {  	[tilespmem:v5+s10+$0x0] =	vst.idx.msk $0xffff, v4  }
0x22: {  	v6 =	vld.idx.msk [tilespmem:v2+s2+$0x0], $0xffff  }
0x23: {  	v7 =	vld.idx.msk [tilespmem:v3+s10+$0x0], $0xffff  }
0x24: {  	s12 =	simm.s32 $0x1  }
0x25: {  	v5 =	vmov s12  }
0x26: {  	v2 =	vshll.u32 v5, $0x5  }
0x27: {  	s12 =	simm.s32 $0x2;
	v4 =	vor.u32 v0, v2  }
.LBB2_2:
0x28: {  	p0 =	sne.s32 s12, $0x67F;
	v6 =	vmax.f32 v7, v6;
	s13 =	smov.u32 s12;
	s12 =	sadd.s32 $0x1, s12  }
0x29: {  	[tilespmem:v3+s10+$0x0] =	vst.idx.msk $0xffff, v6  }
0x2a: {  	v3 =	vld.idx.msk [tilespmem:v5+s9+$0x0], $0xffff;
	_ =	sdelay $0x5  }
0x2b: {  	v3 =	vshll.u32 v3, $0x5  }
0x2c: {  	v5 =	vor.u32 v0, v3;
	_ =	sdelay $0x3  }
0x2d: {  	v4 =	vld.idx.msk [tilespmem:v4+s2+$0x0], $0xffff  }
0x2e: {  	v6 =	vld.idx.msk [tilespmem:v5+s10+$0x0], $0xffff;
	_ =	sdelay $0x2  }
0x2f: {  	v2 =	vor.u32 v1, v2;
	v3 =	vor.u32 v1, v3;
	_ =	sdelay $0x2  }
0x30: {  	v4 =	vmax.f32 v6, v4  }
0x31: {  	[tilespmem:v5+s10+$0x0] =	vst.idx.msk $0xffff, v4  }
0x32: {  	v6 =	vld.idx.msk [tilespmem:v2+s2+$0x0], $0xffff  }
0x33: {  	v7 =	vld.idx.msk [tilespmem:v3+s10+$0x0], $0xffff  }
.Ltmp0:
0x34: {  	(pc) =	sbr.rel @p0 .LBB2_2-.Ltmp0, $4  }
0x35: {  	_ = 	snop  }
0x36: {  	v5 =	vmov s13  }
0x37: {  	v2 =	vshll.u32 v5, $0x5  }
0x38: {  	v4 =	vor.u32 v0, v2  }
0x39: {  	_ =	sdelay $0x2  }
0x3a: {  	v6 =	vmax.f32 v7, v6  }
0x3b: {  	[tilespmem:v3+s10+$0x0] =	vst.idx.msk $0xffff, v6  }
0x3c: {  	v3 =	vld.idx.msk [tilespmem:v5+s9+$0x0], $0xffff;
	_ =	sdelay $0x4  }
0x3d: {  	v3 =	vshll.u32 v3, $0x5  }
0x3e: {  	v63 =	vor.u32 v0, v3;
	_ =	sdelay $0x3  }
0x3f: {  	v4 =	vld.idx.msk [tilespmem:v4+s2+$0x0], $0xffff  }
0x40: {  	v6 =	vld.idx.msk [tilespmem:v63+s10+$0x0], $0xffff;
	_ =	sdelay $0x1  }
0x41: {  	v2 =	vor.u32 v1, v2  }
0x42: {  	v3 =	vor.u32 v1, v3;
	_ =	sdelay $0x1  }
0x43: {  	v4 =	vmax.f32 v6, v4  }
0x44: {  	[tilespmem:v63+s10+$0x0] =	vst.idx.msk $0xffff, v4  }
0x45: {  	v2 =	vld.idx.msk [tilespmem:v2+s2+$0x0], $0xffff  }
0x46: {  	v4 =	vld.idx.msk [tilespmem:v3+s10+$0x0], $0xffff;
	_ =	sdelay $0x3  }
0x47: {  	s11 =	sadd.s32 $0x1, s11  }
0x48: {  	p0 =	sne.s32 s11, s7;
	v2 =	vmax.f32 v4, v2  }
.Ltmp1:
0x49: {  	[tilespmem:v3+s10+$0x0] =	vst.idx.msk $0xffff, v2;
	(pc) =	sbr.rel @p0 .LBB2_1-.Ltmp1, $4  }
0x4a: {  	[hbm4b:s6+s2] =	stream.linear.scatter [tilespmem:s10], [sflag:$0x1], $0x4100, $0x38;
	[tilespmem:$0x11780] =	vst v63  }
0x4b: {  	_ =	swait.ge [sflag:s8], $0x4100  }
0x4c: {  	[sflag:s8] =	ssyncset.done $0x0  }
0x4d: {  	[sflag:s8] =	ssyncadd.s32 $0xFFFFBF00  }
0x4e: {  	_ =	sfence.sel $0x180000  }
0x4f: {  	[bflag:$0x0] =	sbarrier.arrive $0xFFFF  }
0x50: {  	p0 =	sne.s32 s0, $0x0;
	_ =	strace $0x9000004D  }
0x51: {  	s0 =	sadd.s32 @!p0 $0x100000, s1;
	[bflag:$0x2] =	sbarrier.arrive $0xFFFF  }
0x52: {  	[sflag:s0] =	ssyncadd.tile.s32 @!p0 $0x1;
	_ =	shalt  }
.Lfunc_end2:
_tile_overlayer_lowered:
.L_overlay_start_2:
0x53: {  	(tag) =	ssettag $0x2  }
0x54: {  	s0 =	rddreg [dreg:$0x0];
	s2 =	stileid.u32  }
0x55: {  	s1 =	rddreg [dreg:$0x1];
	p0 =	sne.s32 s2, $0x0  }
0x56: {  	s3 =	rddreg [dreg:$0x2];
	[bflag:$0x3] =	sbarrier.arrive $0xFFFF;
	s2 =	simm.s32 @!p0 $0x1C01  }
0x57: {  	[timem:s3], [sflag:s2] =	dma.local @!p0 [hbm:s0], s1  }
0x58: {  	s0 =	simm.s32 @!p0 $0x1  }
0x59: {  	_ =	swait.ge @!p0 [sflag:s0], s1  }
0x5a: {  	s1 =	ssub.s32 @!p0 $0x0, s1;
	[sflag:s0] =	ssyncset.done @!p0 $0x0  }
0x5b: {  	[sflag:s0] =	ssyncadd.s32 @!p0 s1  }
0x5c: {  	[bflag:$0x3] =	sbarrier.arrive $0xFFFF  }
0x5d: {  	_ =	shalt  }

</sc_bundles>
